<compile_context>
chip_gen: v7x
topology: tpu7x:2x2x1
jax: 0.10.2.dev20260603
libtpu: 0.0.44.dev20260713+nightly
codegen_flags: <defaults>
</compile_context>

<pallas_src>
import functools

import jax
import jax.numpy as jnp
from jax import lax
from jax.experimental import pallas as pl
from jax.experimental.pallas import tpu as pltpu
from jax.experimental.pallas import tpu_sc as plsc

N = 10000
E = 160000
D = 256
DH = 128
L = 3
G = 64
BN_EPS = 1e-5

NSUB = 16
BLK = 128
BLOCKS_PER_TILE = 80
EPT = BLOCKS_PER_TILE * BLK
EPAD = NSUB * EPT
NPAD = 10112
ZROWS = NPAD // NSUB

R = 2000



@functools.cache
def _make_agg_sc():
  mesh = plsc.VectorSubcoreMesh(core_axis_name="c", subcore_axis_name="s")

  @functools.partial(
      pl.kernel,
      mesh=mesh,
      out_type=[
          jax.ShapeDtypeStruct((NPAD, DH), jnp.float32),
          jax.ShapeDtypeStruct((NPAD, DH), jnp.float32),
      ],
      scratch_types=[
          pltpu.VMEM((BLOCKS_PER_TILE // 2, BLK), jnp.int32),
          pltpu.VMEM((BLOCKS_PER_TILE // 2, BLK), jnp.int32),
          pltpu.VMEM((BLK, DH), jnp.float32),
          pltpu.VMEM((BLK, DH), jnp.float32),
          pltpu.VMEM_SHARED((NPAD, DH), jnp.float32),
          pltpu.SemaphoreType.DMA,
          pltpu.SemaphoreType.DMA,
          pltpu.SemaphoreType.DMA,
          pltpu.SemaphoreType.DMA,
      ],
  )
  def _agg_sc(h0_hbm, h1_hbm, src3_hbm, dst3_hbm, zeros_hbm, out0_hbm, out1_hbm,
              src_v, dst_v, rows0, rows1, acc_sh, sem_g, sem_g2, sem_s, sem_s2):
    c = lax.axis_index("c")
    s = lax.axis_index("s")

    pltpu.sync_copy(zeros_hbm.at[pl.ds(s * ZROWS, ZROWS)],
                    acc_sh.at[pl.ds(s * ZROWS, ZROWS)])
    plsc.subcore_barrier()

    def body(h_hbm):
        half = BLOCKS_PER_TILE // 2
        for phase in range(2):
            off = s * BLOCKS_PER_TILE + phase * half
            pltpu.sync_copy(src3_hbm.at[pl.ds(off, half)], src_v)
            pltpu.sync_copy(dst3_hbm.at[pl.ds(off, half)], dst_v)

            bufs = (rows0, rows1)
            gsems = (sem_g, sem_g2)
            ssems = (sem_s, sem_s2)
            pltpu.async_copy(h_hbm.at[src_v.at[0]], rows0, sem_g)

            def pair(i, carry):
                for b in range(2):
                    j = 2 * i + b
                    buf, ob = bufs[b], bufs[1 - b]
                    pltpu.make_async_copy(
                        h_hbm.at[src_v.at[j]], buf, gsems[b]).wait()
                    pltpu.async_copy(buf, acc_sh.at[dst_v.at[j]],
                                     ssems[b], add=True)

                    @pl.when(j >= 1)
                    def _():
                        pltpu.make_async_copy(
                            ob, acc_sh.at[dst_v.at[j - 1]],
                            ssems[1 - b]).wait()

                    @pl.when(j + 1 < half)
                    def _():
                        pltpu.async_copy(
                            h_hbm.at[src_v.at[j + 1]], ob, gsems[1 - b])
                return carry

            lax.fori_loop(0, half // 2, pair, 0)
            pltpu.make_async_copy(
                rows1, acc_sh.at[dst_v.at[half - 1]], sem_s2).wait()

    @pl.when(c == 0)
    def _():
        body(h0_hbm)

    @pl.when(c == 1)
    def _():
        body(h1_hbm)

    plsc.subcore_barrier()

    @pl.when(c == 0)
    def _():
        pltpu.sync_copy(acc_sh.at[pl.ds(s * ZROWS, ZROWS)],
                        out0_hbm.at[pl.ds(s * ZROWS, ZROWS)])

    @pl.when(c == 1)
    def _():
        pltpu.sync_copy(acc_sh.at[pl.ds(s * ZROWS, ZROWS)],
                        out1_hbm.at[pl.ds(s * ZROWS, ZROWS)])

  return _agg_sc


def _agg_call(h0, h1, src2, dst2, zeros):
    return _make_agg_sc()(h0, h1, src2, dst2, zeros)



def _mlp_body(h0, h1, a0, a1, w1, b1, w2, b2, out, ssum, ssq):
    x = jnp.concatenate([h0[...] + a0[...], h1[...] + a1[...]], axis=1)
    t = jnp.dot(x, w1[...], preferred_element_type=jnp.float32) + b1[...]
    t = jnp.maximum(t, 0.0)
    m = jnp.dot(t, w2[...], preferred_element_type=jnp.float32) + b2[...]
    m = jnp.maximum(m, 0.0)
    out[...] = m

    @pl.when(pl.program_id(0) == 0)
    def _():
        ssum[...] = jnp.zeros_like(ssum)
        ssq[...] = jnp.zeros_like(ssq)

    ssum[...] += jnp.sum(m, axis=0, keepdims=True)
    ssq[...] += jnp.sum(m * m, axis=0, keepdims=True)


def _mlp_call(h0, h1, a0, a1, w1, b1, w2, b2):
    row = pl.BlockSpec((R, DH), lambda i: (i, 0))
    full = pl.BlockSpec((D, D), lambda i: (0, 0))
    vec = pl.BlockSpec((1, D), lambda i: (0, 0))
    return pl.pallas_call(
        _mlp_body,
        grid=(N // R,),
        in_specs=[row, row, row, row, full, vec, full, vec],
        out_specs=[pl.BlockSpec((R, D), lambda i: (i, 0)), vec, vec],
        out_shape=[
            jax.ShapeDtypeStruct((N, D), jnp.float32),
            jax.ShapeDtypeStruct((1, D), jnp.float32),
            jax.ShapeDtypeStruct((1, D), jnp.float32),
        ],
    )(h0, h1, a0, a1, w1, b1, w2, b2)



def _bn_body(mraw, ssum, ssq, gamma, beta, batch, m0, m1, pool):
    mean = ssum[...] * (1.0 / N)
    var = ssq[...] * (1.0 / N) - mean * mean
    scale = gamma[...] * lax.rsqrt(var + BN_EPS)
    shift = beta[...] - mean * scale
    m = mraw[...] * scale + shift
    m0[...] = m[:, :DH]
    m1[...] = m[:, DH:]
    oh = (batch[...] == lax.broadcasted_iota(jnp.int32, (R, G), 1))
    oh = oh.astype(jnp.float32)

    @pl.when(pl.program_id(0) == 0)
    def _():
        pool[...] = jnp.zeros_like(pool)

    pool[...] += lax.dot_general(oh, m, (((0,), (0,)), ((), ())),
                                 preferred_element_type=jnp.float32)


def _bn_call(mraw, ssum, ssq, gamma, beta, batch2):
    vec = pl.BlockSpec((1, D), lambda i: (0, 0))
    return pl.pallas_call(
        _bn_body,
        grid=(N // R,),
        in_specs=[
            pl.BlockSpec((R, D), lambda i: (i, 0)),
            vec, vec, vec, vec,
            pl.BlockSpec((R, 1), lambda i: (i, 0)),
        ],
        out_specs=[
            pl.BlockSpec((R, DH), lambda i: (i, 0)),
            pl.BlockSpec((R, DH), lambda i: (i, 0)),
            pl.BlockSpec((G, D), lambda i: (0, 0)),
        ],
        out_shape=[
            jax.ShapeDtypeStruct((N, DH), jnp.float32),
            jax.ShapeDtypeStruct((N, DH), jnp.float32),
            jax.ShapeDtypeStruct((G, D), jnp.float32),
        ],
    )(mraw, ssum, ssq, gamma, beta, batch2)



def kernel(x, edge_index, batch,
           W1_0, b1_0, W2_0, b2_0, gamma_0, beta_0,
           W1_1, b1_1, W2_1, b2_1, gamma_1, beta_1,
           W1_2, b1_2, W2_2, b2_2, gamma_2, beta_2):
    src = edge_index[0].astype(jnp.int32)
    dst = edge_index[1].astype(jnp.int32)
    pad = EPAD - E
    pad_dst = N + jnp.arange(pad, dtype=jnp.int32) % (NPAD - N)
    src2 = jnp.concatenate([src, jnp.zeros((pad,), jnp.int32)]).reshape(-1, BLK)
    dst2 = jnp.concatenate([dst, pad_dst]).reshape(-1, BLK)
    zeros = jnp.zeros((NPAD, DH), jnp.float32)
    batch2 = batch.reshape(N, 1).astype(jnp.int32)

    params = [
        (W1_0, b1_0.reshape(1, D), W2_0, b2_0.reshape(1, D),
         gamma_0.reshape(1, D), beta_0.reshape(1, D)),
        (W1_1, b1_1.reshape(1, D), W2_1, b2_1.reshape(1, D),
         gamma_1.reshape(1, D), beta_1.reshape(1, D)),
        (W1_2, b1_2.reshape(1, D), W2_2, b2_2.reshape(1, D),
         gamma_2.reshape(1, D), beta_2.reshape(1, D)),
    ]

    h0 = x[:, :DH]
    h1 = x[:, DH:]
    halves = []
    pools = []
    for i in range(L):
        w1, b1, w2, b2, gmm, bta = params[i]
        a0, a1 = _agg_call(h0, h1, src2, dst2, zeros)
        mraw, ssum, ssq = _mlp_call(h0, h1, a0, a1, w1, b1, w2, b2)
        m0, m1, pool = _bn_call(mraw, ssum, ssq, gmm, bta, batch2)
        h0, h1 = m0, m1
        halves.extend([m0, m1])
        pools.append(pool)

    return jnp.concatenate(pools, axis=1), jnp.concatenate(halves, axis=1)

# --- scband reference (transcript-rebuilt; emitter-appended) ---
"""Pipeline reference for scband-ginencoder-88613765251893 (READ-ONLY COPY).

The authoritative reference and input builder live on the scoring server;
editing this copy changes nothing except your own understanding.
"""

import jax, jax.numpy as jnp
import numpy as np

N = 10000
E = 160000
D = 256
L = 3
G = 64
BN_EPS = 1e-5


def setup_inputs(seed: int = 0) -> dict:
    key = jax.random.key(seed)
    keys = jax.random.split(key, 3 + 2 * L)
    inp = {}
    inp["x"] = jax.random.normal(keys[0], (N, D), dtype=jnp.float32)
    inp["edge_index"] = jax.random.randint(keys[1], (2, E), 0, N)
    inp["batch"] = jnp.sort(jax.random.randint(keys[2], (N,), 0, G))
    for i in range(L):
        s = 1.0 / np.sqrt(D)
        inp[f"W1_{i}"] = jax.random.uniform(keys[3 + 2 * i], (D, D), minval=-s, maxval=s, dtype=jnp.float32)
        inp[f"b1_{i}"] = jnp.zeros((D,), dtype=jnp.float32)
        inp[f"W2_{i}"] = jax.random.uniform(keys[4 + 2 * i], (D, D), minval=-s, maxval=s, dtype=jnp.float32)
        inp[f"b2_{i}"] = jnp.zeros((D,), dtype=jnp.float32)
        inp[f"gamma_{i}"] = jnp.ones((D,), dtype=jnp.float32)
        inp[f"beta_{i}"] = jnp.zeros((D,), dtype=jnp.float32)
    return inp


def _gin_forward(x, edge_index, batch, params):
    # GINConv with eps=0 (PyG default, train_eps=False):
    #   h' = MLP((1+eps)*h + sum_{j in N(i)} h_j)
    src = edge_index[0]
    dst = edge_index[1]
    xs = []
    h = x
    for i in range(L):
        W1, b1, W2, b2, g, b = params[i]
        agg = jax.ops.segment_sum(h[src], dst, num_segments=N)
        m = h + agg  # (1 + eps) * h + agg with eps = 0
        m = jnp.maximum(m @ W1 + b1, 0.0) @ W2 + b2  # Sequential(Linear, ReLU, Linear)
        m = jnp.maximum(m, 0.0)  # F.relu after conv
        # BatchNorm1d in training mode: batch statistics (biased variance)
        mean = jnp.mean(m, axis=0)
        var = jnp.var(m, axis=0)
        m = (m - mean) / jnp.sqrt(var + BN_EPS) * g + b
        xs.append(m)
        h = m
    xpool = [jax.ops.segment_sum(t, batch, num_segments=G) for t in xs]
    return jnp.concatenate(xpool, axis=1), jnp.concatenate(xs, axis=1)


def reference(
    x,
    edge_index,
    batch,
    W1_0,
    b1_0,
    W2_0,
    b2_0,
    gamma_0,
    beta_0,
    W1_1,
    b1_1,
    W2_1,
    b2_1,
    gamma_1,
    beta_1,
    W1_2,
    b1_2,
    W2_2,
    b2_2,
    gamma_2,
    beta_2,
):
    params = [
        (W1_0, b1_0, W2_0, b2_0, gamma_0, beta_0),
        (W1_1, b1_1, W2_1, b2_1, gamma_1, beta_1),
        (W1_2, b1_2, W2_2, b2_2, gamma_2, beta_2),
    ]
    return _gin_forward(x, edge_index, batch, params)

if __name__ == "__main__":
    import jax
    _d = setup_inputs()
    print(jax.jit(kernel)(*tuple(_d.values())))

</pallas_src>

<mosaic_0001>
#map = affine_map<(d0, d1) -> (0, 0)>
module attributes {stable_mosaic.version = 14 : i64} {
  func.func @_agg_sc(%arg0: i32, %arg1: i32, %arg2: memref<10000x128xf32, #tpu.memory_space<hbm>>, %arg3: memref<10000x128xf32, #tpu.memory_space<hbm>>, %arg4: memref<1280x128xi32, #tpu.memory_space<hbm>>, %arg5: memref<1280x128xi32, #tpu.memory_space<hbm>>, %arg6: memref<10112x128xf32, #tpu.memory_space<hbm>>, %arg7: memref<10112x128xf32, #tpu.memory_space<hbm>>, %arg8: memref<10112x128xf32, #tpu.memory_space<hbm>>, %arg9: memref<40x128xi32, #tpu.memory_space<vmem>>, %arg10: memref<40x128xi32, #tpu.memory_space<vmem>>, %arg11: memref<128x128xf32, #tpu.memory_space<vmem>>, %arg12: memref<128x128xf32, #tpu.memory_space<vmem>>, %arg13: memref<10112x128xf32, #tpu.memory_space<vmem_shared>>, %arg14: memref<!tpu.dma_semaphore, #tpu.memory_space<semaphore_mem>>, %arg15: memref<!tpu.dma_semaphore, #tpu.memory_space<semaphore_mem>>, %arg16: memref<!tpu.dma_semaphore, #tpu.memory_space<semaphore_mem>>, %arg17: memref<!tpu.dma_semaphore, #tpu.memory_space<semaphore_mem>>) attributes {dimension_semantics = [#tpu.dimension_semantics<core_parallel>, #tpu.dimension_semantics<subcore_parallel>], iteration_bounds = array<i64: 2, 16>, scalar_prefetch = 0 : i64, scratch_operands = 9 : i64, tpu.core_type = #tpu.core_type<sc_vector_subcore>, window_params = [{transform_indices = #map}, {transform_indices = #map}, {transform_indices = #map}, {transform_indices = #map}, {transform_indices = #map}, {transform_indices = #map}, {transform_indices = #map}]} {
    %mul3A = arith.constant 632 : i32
    %mul3A_0 = arith.muli %arg1, %mul3A : i32
    %mul3A_1 = arith.constant 632 : i32
    %mul3A_2 = arith.muli %arg1, %mul3A_1 : i32
    "tpu.region"() ({
      %run_scoped3A = tpu.sem_alloc : memref<!tpu.dma_semaphore, #tpu.memory_space<semaphore_mem>>
      %dma_start3A = arith.constant 0 : i32
      %dma_start3A_21 = tpu.memref_slice %arg13[%mul3A_2, %dma_start3A] : memref<10112x128xf32, #tpu.memory_space<vmem_shared>> -> memref<632x128xf32, #tpu.memory_space<vmem_shared>>
      %dma_start3A_22 = arith.constant 0 : i32
      %dma_start3A_23 = tpu.memref_slice %arg6[%mul3A_0, %dma_start3A_22] : memref<10112x128xf32, #tpu.memory_space<hbm>> -> memref<632x128xf32, #tpu.memory_space<hbm>>
      tpu.enqueue_dma source(%dma_start3A_23 : memref<632x128xf32, #tpu.memory_space<hbm>>) target(%dma_start3A_21 : memref<632x128xf32, #tpu.memory_space<vmem_shared>>) target_semaphore(%run_scoped3A : memref<!tpu.dma_semaphore, #tpu.memory_space<semaphore_mem>>)
      %dma_wait3A = arith.constant 0 : i32
      %dma_wait3A_24 = tpu.memref_slice %arg13[%mul3A_2, %dma_wait3A] : memref<10112x128xf32, #tpu.memory_space<vmem_shared>> -> memref<632x128xf32, #tpu.memory_space<vmem_shared>>
      %dma_wait3A_25 = arith.constant 0 : i32
      %dma_wait3A_26 = tpu.memref_slice %arg6[%mul3A_0, %dma_wait3A_25] : memref<10112x128xf32, #tpu.memory_space<hbm>> -> memref<632x128xf32, #tpu.memory_space<hbm>>
      tpu.wait_dma2 semaphore(%run_scoped3A : memref<!tpu.dma_semaphore, #tpu.memory_space<semaphore_mem>>) src(%dma_wait3A_26 : memref<632x128xf32, #tpu.memory_space<hbm>>) dst(%dma_wait3A_24 : memref<632x128xf32, #tpu.memory_space<vmem_shared>>)
      tpu.yield
    }) : () -> ()
    %barrier3A = arith.constant 0 : index
    tpu.barrier barrier_id(%barrier3A)
    %eq3A = arith.constant 0 : i32
    %eq3A_3 = arith.cmpi eq, %arg0, %eq3A : i32
    %convert_element_type3A = arith.extui %eq3A_3 : i1 to i32
    %cond3A = arith.constant 0 : i32
    %cond3A_4 = arith.cmpi ne, %convert_element_type3A, %cond3A : i32
    scf.if %cond3A_4 {
      %mul3A_21 = arith.constant 80 : i32
      %mul3A_22 = arith.muli %arg1, %mul3A_21 : i32
      %add3A = arith.constant 0 : i32
      %add3A_23 = arith.addi %mul3A_22, %add3A : i32
      "tpu.region"() ({
        %run_scoped3A = tpu.sem_alloc : memref<!tpu.dma_semaphore, #tpu.memory_space<semaphore_mem>>
        %dma_start3A_65 = arith.constant 0 : i32
        %dma_start3A_66 = tpu.memref_slice %arg4[%add3A_23, %dma_start3A_65] : memref<1280x128xi32, #tpu.memory_space<hbm>> -> memref<40x128xi32, #tpu.memory_space<hbm>>
        %dma_start3A_67 = arith.constant 0 : i32
        %dma_start3A_68 = tpu.memref_slice %arg4[%add3A_23, %dma_start3A_67] : memref<1280x128xi32, #tpu.memory_space<hbm>> -> memref<40x128xi32, #tpu.memory_space<hbm>>
        tpu.enqueue_dma source(%dma_start3A_68 : memref<40x128xi32, #tpu.memory_space<hbm>>) target(%arg9 : memref<40x128xi32, #tpu.memory_space<vmem>>) target_semaphore(%run_scoped3A : memref<!tpu.dma_semaphore, #tpu.memory_space<semaphore_mem>>)
        %dma_wait3A_69 = arith.constant 0 : i32
        %dma_wait3A_70 = tpu.memref_slice %arg4[%add3A_23, %dma_wait3A_69] : memref<1280x128xi32, #tpu.memory_space<hbm>> -> memref<40x128xi32, #tpu.memory_space<hbm>>
        %dma_wait3A_71 = arith.constant 0 : i32
        %dma_wait3A_72 = tpu.memref_slice %arg4[%add3A_23, %dma_wait3A_71] : memref<1280x128xi32, #tpu.memory_space<hbm>> -> memref<40x128xi32, #tpu.memory_space<hbm>>
        tpu.wait_dma2 semaphore(%run_scoped3A : memref<!tpu.dma_semaphore, #tpu.memory_space<semaphore_mem>>) src(%dma_wait3A_72 : memref<40x128xi32, #tpu.memory_space<hbm>>) dst(%arg9 : memref<40x128xi32, #tpu.memory_space<vmem>>)
        tpu.yield
      }) : () -> ()
      "tpu.region"() ({
        %run_scoped3A = tpu.sem_alloc : memref<!tpu.dma_semaphore, #tpu.memory_space<semaphore_mem>>
        %dma_start3A_65 = arith.constant 0 : i32
        %dma_start3A_66 = tpu.memref_slice %arg5[%add3A_23, %dma_start3A_65] : memref<1280x128xi32, #tpu.memory_space<hbm>> -> memref<40x128xi32, #tpu.memory_space<hbm>>
        %dma_start3A_67 = arith.constant 0 : i32
        %dma_start3A_68 = tpu.memref_slice %arg5[%add3A_23, %dma_start3A_67] : memref<1280x128xi32, #tpu.memory_space<hbm>> -> memref<40x128xi32, #tpu.memory_space<hbm>>
        tpu.enqueue_dma source(%dma_start3A_68 : memref<40x128xi32, #tpu.memory_space<hbm>>) target(%arg10 : memref<40x128xi32, #tpu.memory_space<vmem>>) target_semaphore(%run_scoped3A : memref<!tpu.dma_semaphore, #tpu.memory_space<semaphore_mem>>)
        %dma_wait3A_69 = arith.constant 0 : i32
        %dma_wait3A_70 = tpu.memref_slice %arg5[%add3A_23, %dma_wait3A_69] : memref<1280x128xi32, #tpu.memory_space<hbm>> -> memref<40x128xi32, #tpu.memory_space<hbm>>
        %dma_wait3A_71 = arith.constant 0 : i32
        %dma_wait3A_72 = tpu.memref_slice %arg5[%add3A_23, %dma_wait3A_71] : memref<1280x128xi32, #tpu.memory_space<hbm>> -> memref<40x128xi32, #tpu.memory_space<hbm>>
        tpu.wait_dma2 semaphore(%run_scoped3A : memref<!tpu.dma_semaphore, #tpu.memory_space<semaphore_mem>>) src(%dma_wait3A_72 : memref<40x128xi32, #tpu.memory_space<hbm>>) dst(%arg10 : memref<40x128xi32, #tpu.memory_space<vmem>>)
        tpu.yield
      }) : () -> ()
      %dma_start3A = arith.constant 0 : i32
      %dma_start3A_24 = arith.constant 0 : i32
      %dma_start3A_25 = tpu.memref_slice %arg9[%dma_start3A, %dma_start3A_24] : memref<40x128xi32, #tpu.memory_space<vmem>> -> memref<1x128xi32, #tpu.memory_space<vmem>>
      %dma_start3A_26 = tpu.memref_squeeze %dma_start3A_25 : memref<1x128xi32, #tpu.memory_space<vmem>> -> memref<128xi32, #tpu.memory_space<vmem>>
      %dma_start3A_27 = arith.constant 0 : i32
      %dma_start3A_28 = arith.constant 0 : i32
      %dma_start3A_29 = tpu.memref_slice %arg2[%dma_start3A_27, %dma_start3A_28] : memref<10000x128xf32, #tpu.memory_space<hbm>> -> memref<10000x128xf32, #tpu.memory_space<hbm>>
      tpu.enqueue_indirect_dma source(%dma_start3A_29 : memref<10000x128xf32, #tpu.memory_space<hbm>>) target(%arg11 : memref<128x128xf32, #tpu.memory_space<vmem>>) offsets(%dma_start3A_26 : memref<128xi32, #tpu.memory_space<vmem>>) semaphore(%arg14 : memref<!tpu.dma_semaphore, #tpu.memory_space<semaphore_mem>>)
      %scan3A = arith.constant 0 : i32
      %scan3A_30 = arith.constant 0 : i32
      %scan3A_31 = arith.constant 20 : i32
      %scan3A_32 = arith.addi %scan3A_30, %scan3A_31 : i32
      %scan3A_33 = arith.constant 1 : i32
      scf.for %scan3A_65 = %scan3A_30 to %scan3A_32 step %scan3A_33  : i32 {
        %mul3A_66 = arith.constant 2 : i32
        %mul3A_67 = arith.muli %mul3A_66, %scan3A_65 : i32
        %add3A_68 = arith.constant 0 : i32
        %add3A_69 = arith.addi %mul3A_67, %add3A_68 : i32
        %dma_wait3A_70 = arith.constant 0 : i32
        %dma_wait3A_71 = tpu.memref_slice %arg9[%add3A_69, %dma_wait3A_70] : memref<40x128xi32, #tpu.memory_space<vmem>> -> memref<1x128xi32, #tpu.memory_space<vmem>>
        %dma_wait3A_72 = tpu.memref_squeeze %dma_wait3A_71 : memref<1x128xi32, #tpu.memory_space<vmem>> -> memref<128xi32, #tpu.memory_space<vmem>>
        %dma_wait3A_73 = arith.constant 0 : i32
        %dma_wait3A_74 = arith.constant 0 : i32
        %dma_wait3A_75 = tpu.memref_slice %arg2[%dma_wait3A_73, %dma_wait3A_74] : memref<10000x128xf32, #tpu.memory_space<hbm>> -> memref<10000x128xf32, #tpu.memory_space<hbm>>
        tpu.wait_indirect_dma semaphore(%arg14 : memref<!tpu.dma_semaphore, #tpu.memory_space<semaphore_mem>>) src(%dma_wait3A_75 : memref<10000x128xf32, #tpu.memory_space<hbm>>) dst(%arg11 : memref<128x128xf32, #tpu.memory_space<vmem>>)
        %dma_start3A_76 = arith.constant 0 : i32
        %dma_start3A_77 = tpu.memref_slice %arg10[%add3A_69, %dma_start3A_76] : memref<40x128xi32, #tpu.memory_space<vmem>> -> memref<1x128xi32, #tpu.memory_space<vmem>>
        %dma_start3A_78 = tpu.memref_squeeze %dma_start3A_77 : memref<1x128xi32, #tpu.memory_space<vmem>> -> memref<128xi32, #tpu.memory_space<vmem>>
        %dma_start3A_79 = arith.constant 0 : i32
        %dma_start3A_80 = arith.constant 0 : i32
        %dma_start3A_81 = tpu.memref_slice %arg13[%dma_start3A_79, %dma_start3A_80] : memref<10112x128xf32, #tpu.memory_space<vmem_shared>> -> memref<10112x128xf32, #tpu.memory_space<vmem_shared>>
        tpu.enqueue_indirect_dma source(%arg11 : memref<128x128xf32, #tpu.memory_space<vmem>>) target(%dma_start3A_81 : memref<10112x128xf32, #tpu.memory_space<vmem_shared>>) offsets(%dma_start3A_78 : memref<128xi32, #tpu.memory_space<vmem>>) semaphore(%arg16 : memref<!tpu.dma_semaphore, #tpu.memory_space<semaphore_mem>>) {add = true}
        %ge3A = arith.constant 1 : i32
        %ge3A_82 = arith.cmpi sge, %add3A_69, %ge3A : i32
        %convert_element_type3A_83 = arith.extui %ge3A_82 : i1 to i32
        %cond3A_84 = arith.constant 0 : i32
        %cond3A_85 = arith.cmpi ne, %convert_element_type3A_83, %cond3A_84 : i32
        scf.if %cond3A_85 {
          %sub3A = arith.constant 1 : i32
          %sub3A_120 = arith.subi %add3A_69, %sub3A : i32
          %dma_wait3A_121 = arith.constant 0 : i32
          %dma_wait3A_122 = tpu.memref_slice %arg10[%sub3A_120, %dma_wait3A_121] : memref<40x128xi32, #tpu.memory_space<vmem>> -> memref<1x128xi32, #tpu.memory_space<vmem>>
          %dma_wait3A_123 = tpu.memref_squeeze %dma_wait3A_122 : memref<1x128xi32, #tpu.memory_space<vmem>> -> memref<128xi32, #tpu.memory_space<vmem>>
          %dma_wait3A_124 = arith.constant 0 : i32
          %dma_wait3A_125 = arith.constant 0 : i32
          %dma_wait3A_126 = tpu.memref_slice %arg13[%dma_wait3A_124, %dma_wait3A_125] : memref<10112x128xf32, #tpu.memory_space<vmem_shared>> -> memref<10112x128xf32, #tpu.memory_space<vmem_shared>>
          tpu.wait_indirect_dma semaphore(%arg17 : memref<!tpu.dma_semaphore, #tpu.memory_space<semaphore_mem>>) src(%arg12 : memref<128x128xf32, #tpu.memory_space<vmem>>) dst(%dma_wait3A_126 : memref<10112x128xf32, #tpu.memory_space<vmem_shared>>)
        } else {
        }
        %add3A_86 = arith.constant 1 : i32
        %add3A_87 = arith.addi %add3A_69, %add3A_86 : i32
        %lt3A = arith.constant 40 : i32
        %lt3A_88 = arith.cmpi slt, %add3A_87, %lt3A : i32
        %convert_element_type3A_89 = arith.extui %lt3A_88 : i1 to i32
        %cond3A_90 = arith.constant 0 : i32
        %cond3A_91 = arith.cmpi ne, %convert_element_type3A_89, %cond3A_90 : i32
        scf.if %cond3A_91 {
          %add3A_120 = arith.constant 1 : i32
          %add3A_121 = arith.addi %add3A_69, %add3A_120 : i32
          %dma_start3A_122 = arith.constant 0 : i32
          %dma_start3A_123 = tpu.memref_slice %arg9[%add3A_121, %dma_start3A_122] : memref<40x128xi32, #tpu.memory_space<vmem>> -> memref<1x128xi32, #tpu.memory_space<vmem>>
          %dma_start3A_124 = tpu.memref_squeeze %dma_start3A_123 : memref<1x128xi32, #tpu.memory_space<vmem>> -> memref<128xi32, #tpu.memory_space<vmem>>
          %dma_start3A_125 = arith.constant 0 : i32
          %dma_start3A_126 = arith.constant 0 : i32
          %dma_start3A_127 = tpu.memref_slice %arg2[%dma_start3A_125, %dma_start3A_126] : memref<10000x128xf32, #tpu.memory_space<hbm>> -> memref<10000x128xf32, #tpu.memory_space<hbm>>
          tpu.enqueue_indirect_dma source(%dma_start3A_127 : memref<10000x128xf32, #tpu.memory_space<hbm>>) target(%arg12 : memref<128x128xf32, #tpu.memory_space<vmem>>) offsets(%dma_start3A_124 : memref<128xi32, #tpu.memory_space<vmem>>) semaphore(%arg15 : memref<!tpu.dma_semaphore, #tpu.memory_space<semaphore_mem>>)
        } else {
        }
        %mul3A_92 = arith.constant 2 : i32
        %mul3A_93 = arith.muli %mul3A_92, %scan3A_65 : i32
        %add3A_94 = arith.constant 1 : i32
        %add3A_95 = arith.addi %mul3A_93, %add3A_94 : i32
        %dma_wait3A_96 = arith.constant 0 : i32
        %dma_wait3A_97 = tpu.memref_slice %arg9[%add3A_95, %dma_wait3A_96] : memref<40x128xi32, #tpu.memory_space<vmem>> -> memref<1x128xi32, #tpu.memory_space<vmem>>
        %dma_wait3A_98 = tpu.memref_squeeze %dma_wait3A_97 : memref<1x128xi32, #tpu.memory_space<vmem>> -> memref<128xi32, #tpu.memory_space<vmem>>
        %dma_wait3A_99 = arith.constant 0 : i32
        %dma_wait3A_100 = arith.constant 0 : i32
        %dma_wait3A_101 = tpu.memref_slice %arg2[%dma_wait3A_99, %dma_wait3A_100] : memref<10000x128xf32, #tpu.memory_space<hbm>> -> memref<10000x128xf32, #tpu.memory_space<hbm>>
        tpu.wait_indirect_dma semaphore(%arg15 : memref<!tpu.dma_semaphore, #tpu.memory_space<semaphore_mem>>) src(%dma_wait3A_101 : memref<10000x128xf32, #tpu.memory_space<hbm>>) dst(%arg12 : memref<128x128xf32, #tpu.memory_space<vmem>>)
        %dma_start3A_102 = arith.constant 0 : i32
        %dma_start3A_103 = tpu.memref_slice %arg10[%add3A_95, %dma_start3A_102] : memref<40x128xi32, #tpu.memory_space<vmem>> -> memref<1x128xi32, #tpu.memory_space<vmem>>
        %dma_start3A_104 = tpu.memref_squeeze %dma_start3A_103 : memref<1x128xi32, #tpu.memory_space<vmem>> -> memref<128xi32, #tpu.memory_space<vmem>>
        %dma_start3A_105 = arith.constant 0 : i32
        %dma_start3A_106 = arith.constant 0 : i32
        %dma_start3A_107 = tpu.memref_slice %arg13[%dma_start3A_105, %dma_start3A_106] : memref<10112x128xf32, #tpu.memory_space<vmem_shared>> -> memref<10112x128xf32, #tpu.memory_space<vmem_shared>>
        tpu.enqueue_indirect_dma source(%arg12 : memref<128x128xf32, #tpu.memory_space<vmem>>) target(%dma_start3A_107 : memref<10112x128xf32, #tpu.memory_space<vmem_shared>>) offsets(%dma_start3A_104 : memref<128xi32, #tpu.memory_space<vmem>>) semaphore(%arg17 : memref<!tpu.dma_semaphore, #tpu.memory_space<semaphore_mem>>) {add = true}
        %ge3A_108 = arith.constant 1 : i32
        %ge3A_109 = arith.cmpi sge, %add3A_95, %ge3A_108 : i32
        %convert_element_type3A_110 = arith.extui %ge3A_109 : i1 to i32
        %cond3A_111 = arith.constant 0 : i32
        %cond3A_112 = arith.cmpi ne, %convert_element_type3A_110, %cond3A_111 : i32
        scf.if %cond3A_112 {
          %sub3A = arith.constant 1 : i32
          %sub3A_120 = arith.subi %add3A_95, %sub3A : i32
          %dma_wait3A_121 = arith.constant 0 : i32
          %dma_wait3A_122 = tpu.memref_slice %arg10[%sub3A_120, %dma_wait3A_121] : memref<40x128xi32, #tpu.memory_space<vmem>> -> memref<1x128xi32, #tpu.memory_space<vmem>>
          %dma_wait3A_123 = tpu.memref_squeeze %dma_wait3A_122 : memref<1x128xi32, #tpu.memory_space<vmem>> -> memref<128xi32, #tpu.memory_space<vmem>>
          %dma_wait3A_124 = arith.constant 0 : i32
          %dma_wait3A_125 = arith.constant 0 : i32
          %dma_wait3A_126 = tpu.memref_slice %arg13[%dma_wait3A_124, %dma_wait3A_125] : memref<10112x128xf32, #tpu.memory_space<vmem_shared>> -> memref<10112x128xf32, #tpu.memory_space<vmem_shared>>
          tpu.wait_indirect_dma semaphore(%arg16 : memref<!tpu.dma_semaphore, #tpu.memory_space<semaphore_mem>>) src(%arg11 : memref<128x128xf32, #tpu.memory_space<vmem>>) dst(%dma_wait3A_126 : memref<10112x128xf32, #tpu.memory_space<vmem_shared>>)
        } else {
        }
        %add3A_113 = arith.constant 1 : i32
        %add3A_114 = arith.addi %add3A_95, %add3A_113 : i32
        %lt3A_115 = arith.constant 40 : i32
        %lt3A_116 = arith.cmpi slt, %add3A_114, %lt3A_115 : i32
        %convert_element_type3A_117 = arith.extui %lt3A_116 : i1 to i32
        %cond3A_118 = arith.constant 0 : i32
        %cond3A_119 = arith.cmpi ne, %convert_element_type3A_117, %cond3A_118 : i32
        scf.if %cond3A_119 {
          %add3A_120 = arith.constant 1 : i32
          %add3A_121 = arith.addi %add3A_95, %add3A_120 : i32
          %dma_start3A_122 = arith.constant 0 : i32
          %dma_start3A_123 = tpu.memref_slice %arg9[%add3A_121, %dma_start3A_122] : memref<40x128xi32, #tpu.memory_space<vmem>> -> memref<1x128xi32, #tpu.memory_space<vmem>>
          %dma_start3A_124 = tpu.memref_squeeze %dma_start3A_123 : memref<1x128xi32, #tpu.memory_space<vmem>> -> memref<128xi32, #tpu.memory_space<vmem>>
          %dma_start3A_125 = arith.constant 0 : i32
          %dma_start3A_126 = arith.constant 0 : i32
          %dma_start3A_127 = tpu.memref_slice %arg2[%dma_start3A_125, %dma_start3A_126] : memref<10000x128xf32, #tpu.memory_space<hbm>> -> memref<10000x128xf32, #tpu.memory_space<hbm>>
          tpu.enqueue_indirect_dma source(%dma_start3A_127 : memref<10000x128xf32, #tpu.memory_space<hbm>>) target(%arg11 : memref<128x128xf32, #tpu.memory_space<vmem>>) offsets(%dma_start3A_124 : memref<128xi32, #tpu.memory_space<vmem>>) semaphore(%arg14 : memref<!tpu.dma_semaphore, #tpu.memory_space<semaphore_mem>>)
        } else {
        }
      }
      %scan3A_34 = arith.constant 20 : i32
      %dma_wait3A = arith.constant 39 : i32
      %dma_wait3A_35 = arith.constant 0 : i32
      %dma_wait3A_36 = tpu.memref_slice %arg10[%dma_wait3A, %dma_wait3A_35] : memref<40x128xi32, #tpu.memory_space<vmem>> -> memref<1x128xi32, #tpu.memory_space<vmem>>
      %dma_wait3A_37 = tpu.memref_squeeze %dma_wait3A_36 : memref<1x128xi32, #tpu.memory_space<vmem>> -> memref<128xi32, #tpu.memory_space<vmem>>
      %dma_wait3A_38 = arith.constant 0 : i32
      %dma_wait3A_39 = arith.constant 0 : i32
      %dma_wait3A_40 = tpu.memref_slice %arg13[%dma_wait3A_38, %dma_wait3A_39] : memref<10112x128xf32, #tpu.memory_space<vmem_shared>> -> memref<10112x128xf32, #tpu.memory_space<vmem_shared>>
      tpu.wait_indirect_dma semaphore(%arg17 : memref<!tpu.dma_semaphore, #tpu.memory_space<semaphore_mem>>) src(%arg12 : memref<128x128xf32, #tpu.memory_space<vmem>>) dst(%dma_wait3A_40 : memref<10112x128xf32, #tpu.memory_space<vmem_shared>>)
      %mul3A_41 = arith.constant 80 : i32
      %mul3A_42 = arith.muli %arg1, %mul3A_41 : i32
      %add3A_43 = arith.constant 40 : i32
      %add3A_44 = arith.addi %mul3A_42, %add3A_43 : i32
      "tpu.region"() ({
        %run_scoped3A = tpu.sem_alloc : memref<!tpu.dma_semaphore, #tpu.memory_space<semaphore_mem>>
        %dma_start3A_65 = arith.constant 0 : i32
        %dma_start3A_66 = tpu.memref_slice %arg4[%add3A_44, %dma_start3A_65] : memref<1280x128xi32, #tpu.memory_space<hbm>> -> memref<40x128xi32, #tpu.memory_space<hbm>>
        %dma_start3A_67 = arith.constant 0 : i32
        %dma_start3A_68 = tpu.memref_slice %arg4[%add3A_44, %dma_start3A_67] : memref<1280x128xi32, #tpu.memory_space<hbm>> -> memref<40x128xi32, #tpu.memory_space<hbm>>
        tpu.enqueue_dma source(%dma_start3A_68 : memref<40x128xi32, #tpu.memory_space<hbm>>) target(%arg9 : memref<40x128xi32, #tpu.memory_space<vmem>>) target_semaphore(%run_scoped3A : memref<!tpu.dma_semaphore, #tpu.memory_space<semaphore_mem>>)
        %dma_wait3A_69 = arith.constant 0 : i32
        %dma_wait3A_70 = tpu.memref_slice %arg4[%add3A_44, %dma_wait3A_69] : memref<1280x128xi32, #tpu.memory_space<hbm>> -> memref<40x128xi32, #tpu.memory_space<hbm>>
        %dma_wait3A_71 = arith.constant 0 : i32
        %dma_wait3A_72 = tpu.memref_slice %arg4[%add3A_44, %dma_wait3A_71] : memref<1280x128xi32, #tpu.memory_space<hbm>> -> memref<40x128xi32, #tpu.memory_space<hbm>>
        tpu.wait_dma2 semaphore(%run_scoped3A : memref<!tpu.dma_semaphore, #tpu.memory_space<semaphore_mem>>) src(%dma_wait3A_72 : memref<40x128xi32, #tpu.memory_space<hbm>>) dst(%arg9 : memref<40x128xi32, #tpu.memory_space<vmem>>)
        tpu.yield
      }) : () -> ()
      "tpu.region"() ({
        %run_scoped3A = tpu.sem_alloc : memref<!tpu.dma_semaphore, #tpu.memory_space<semaphore_mem>>
        %dma_start3A_65 = arith.constant 0 : i32
        %dma_start3A_66 = tpu.memref_slice %arg5[%add3A_44, %dma_start3A_65] : memref<1280x128xi32, #tpu.memory_space<hbm>> -> memref<40x128xi32, #tpu.memory_space<hbm>>
        %dma_start3A_67 = arith.constant 0 : i32
        %dma_start3A_68 = tpu.memref_slice %arg5[%add3A_44, %dma_start3A_67] : memref<1280x128xi32, #tpu.memory_space<hbm>> -> memref<40x128xi32, #tpu.memory_space<hbm>>
        tpu.enqueue_dma source(%dma_start3A_68 : memref<40x128xi32, #tpu.memory_space<hbm>>) target(%arg10 : memref<40x128xi32, #tpu.memory_space<vmem>>) target_semaphore(%run_scoped3A : memref<!tpu.dma_semaphore, #tpu.memory_space<semaphore_mem>>)
        %dma_wait3A_69 = arith.constant 0 : i32
        %dma_wait3A_70 = tpu.memref_slice %arg5[%add3A_44, %dma_wait3A_69] : memref<1280x128xi32, #tpu.memory_space<hbm>> -> memref<40x128xi32, #tpu.memory_space<hbm>>
        %dma_wait3A_71 = arith.constant 0 : i32
        %dma_wait3A_72 = tpu.memref_slice %arg5[%add3A_44, %dma_wait3A_71] : memref<1280x128xi32, #tpu.memory_space<hbm>> -> memref<40x128xi32, #tpu.memory_space<hbm>>
        tpu.wait_dma2 semaphore(%run_scoped3A : memref<!tpu.dma_semaphore, #tpu.memory_space<semaphore_mem>>) src(%dma_wait3A_72 : memref<40x128xi32, #tpu.memory_space<hbm>>) dst(%arg10 : memref<40x128xi32, #tpu.memory_space<vmem>>)
        tpu.yield
      }) : () -> ()
      %dma_start3A_45 = arith.constant 0 : i32
      %dma_start3A_46 = arith.constant 0 : i32
      %dma_start3A_47 = tpu.memref_slice %arg9[%dma_start3A_45, %dma_start3A_46] : memref<40x128xi32, #tpu.memory_space<vmem>> -> memref<1x128xi32, #tpu.memory_space<vmem>>
      %dma_start3A_48 = tpu.memref_squeeze %dma_start3A_47 : memref<1x128xi32, #tpu.memory_space<vmem>> -> memref<128xi32, #tpu.memory_space<vmem>>
      %dma_start3A_49 = arith.constant 0 : i32
      %dma_start3A_50 = arith.constant 0 : i32
      %dma_start3A_51 = tpu.memref_slice %arg2[%dma_start3A_49, %dma_start3A_50] : memref<10000x128xf32, #tpu.memory_space<hbm>> -> memref<10000x128xf32, #tpu.memory_space<hbm>>
      tpu.enqueue_indirect_dma source(%dma_start3A_51 : memref<10000x128xf32, #tpu.memory_space<hbm>>) target(%arg11 : memref<128x128xf32, #tpu.memory_space<vmem>>) offsets(%dma_start3A_48 : memref<128xi32, #tpu.memory_space<vmem>>) semaphore(%arg14 : memref<!tpu.dma_semaphore, #tpu.memory_space<semaphore_mem>>)
      %scan3A_52 = arith.constant 0 : i32
      %scan3A_53 = arith.constant 0 : i32
      %scan3A_54 = arith.constant 20 : i32
      %scan3A_55 = arith.addi %scan3A_53, %scan3A_54 : i32
      %scan3A_56 = arith.constant 1 : i32
      scf.for %scan3A_65 = %scan3A_53 to %scan3A_55 step %scan3A_56  : i32 {
        %mul3A_66 = arith.constant 2 : i32
        %mul3A_67 = arith.muli %mul3A_66, %scan3A_65 : i32
        %add3A_68 = arith.constant 0 : i32
        %add3A_69 = arith.addi %mul3A_67, %add3A_68 : i32
        %dma_wait3A_70 = arith.constant 0 : i32
        %dma_wait3A_71 = tpu.memref_slice %arg9[%add3A_69, %dma_wait3A_70] : memref<40x128xi32, #tpu.memory_space<vmem>> -> memref<1x128xi32, #tpu.memory_space<vmem>>
        %dma_wait3A_72 = tpu.memref_squeeze %dma_wait3A_71 : memref<1x128xi32, #tpu.memory_space<vmem>> -> memref<128xi32, #tpu.memory_space<vmem>>
        %dma_wait3A_73 = arith.constant 0 : i32
        %dma_wait3A_74 = arith.constant 0 : i32
        %dma_wait3A_75 = tpu.memref_slice %arg2[%dma_wait3A_73, %dma_wait3A_74] : memref<10000x128xf32, #tpu.memory_space<hbm>> -> memref<10000x128xf32, #tpu.memory_space<hbm>>
        tpu.wait_indirect_dma semaphore(%arg14 : memref<!tpu.dma_semaphore, #tpu.memory_space<semaphore_mem>>) src(%dma_wait3A_75 : memref<10000x128xf32, #tpu.memory_space<hbm>>) dst(%arg11 : memref<128x128xf32, #tpu.memory_space<vmem>>)
        %dma_start3A_76 = arith.constant 0 : i32
        %dma_start3A_77 = tpu.memref_slice %arg10[%add3A_69, %dma_start3A_76] : memref<40x128xi32, #tpu.memory_space<vmem>> -> memref<1x128xi32, #tpu.memory_space<vmem>>
        %dma_start3A_78 = tpu.memref_squeeze %dma_start3A_77 : memref<1x128xi32, #tpu.memory_space<vmem>> -> memref<128xi32, #tpu.memory_space<vmem>>
        %dma_start3A_79 = arith.constant 0 : i32
        %dma_start3A_80 = arith.constant 0 : i32
        %dma_start3A_81 = tpu.memref_slice %arg13[%dma_start3A_79, %dma_start3A_80] : memref<10112x128xf32, #tpu.memory_space<vmem_shared>> -> memref<10112x128xf32, #tpu.memory_space<vmem_shared>>
        tpu.enqueue_indirect_dma source(%arg11 : memref<128x128xf32, #tpu.memory_space<vmem>>) target(%dma_start3A_81 : memref<10112x128xf32, #tpu.memory_space<vmem_shared>>) offsets(%dma_start3A_78 : memref<128xi32, #tpu.memory_space<vmem>>) semaphore(%arg16 : memref<!tpu.dma_semaphore, #tpu.memory_space<semaphore_mem>>) {add = true}
        %ge3A = arith.constant 1 : i32
        %ge3A_82 = arith.cmpi sge, %add3A_69, %ge3A : i32
        %convert_element_type3A_83 = arith.extui %ge3A_82 : i1 to i32
        %cond3A_84 = arith.constant 0 : i32
        %cond3A_85 = arith.cmpi ne, %convert_element_type3A_83, %cond3A_84 : i32
        scf.if %cond3A_85 {
          %sub3A = arith.constant 1 : i32
          %sub3A_120 = arith.subi %add3A_69, %sub3A : i32
          %dma_wait3A_121 = arith.constant 0 : i32
          %dma_wait3A_122 = tpu.memref_slice %arg10[%sub3A_120, %dma_wait3A_121] : memref<40x128xi32, #tpu.memory_space<vmem>> -> memref<1x128xi32, #tpu.memory_space<vmem>>
          %dma_wait3A_123 = tpu.memref_squeeze %dma_wait3A_122 : memref<1x128xi32, #tpu.memory_space<vmem>> -> memref<128xi32, #tpu.memory_space<vmem>>
          %dma_wait3A_124 = arith.constant 0 : i32
          %dma_wait3A_125 = arith.constant 0 : i32
          %dma_wait3A_126 = tpu.memref_slice %arg13[%dma_wait3A_124, %dma_wait3A_125] : memref<10112x128xf32, #tpu.memory_space<vmem_shared>> -> memref<10112x128xf32, #tpu.memory_space<vmem_shared>>
          tpu.wait_indirect_dma semaphore(%arg17 : memref<!tpu.dma_semaphore, #tpu.memory_space<semaphore_mem>>) src(%arg12 : memref<128x128xf32, #tpu.memory_space<vmem>>) dst(%dma_wait3A_126 : memref<10112x128xf32, #tpu.memory_space<vmem_shared>>)
        } else {
        }
        %add3A_86 = arith.constant 1 : i32
        %add3A_87 = arith.addi %add3A_69, %add3A_86 : i32
        %lt3A = arith.constant 40 : i32
        %lt3A_88 = arith.cmpi slt, %add3A_87, %lt3A : i32
        %convert_element_type3A_89 = arith.extui %lt3A_88 : i1 to i32
        %cond3A_90 = arith.constant 0 : i32
        %cond3A_91 = arith.cmpi ne, %convert_element_type3A_89, %cond3A_90 : i32
        scf.if %cond3A_91 {
          %add3A_120 = arith.constant 1 : i32
          %add3A_121 = arith.addi %add3A_69, %add3A_120 : i32
          %dma_start3A_122 = arith.constant 0 : i32
          %dma_start3A_123 = tpu.memref_slice %arg9[%add3A_121, %dma_start3A_122] : memref<40x128xi32, #tpu.memory_space<vmem>> -> memref<1x128xi32, #tpu.memory_space<vmem>>
          %dma_start3A_124 = tpu.memref_squeeze %dma_start3A_123 : memref<1x128xi32, #tpu.memory_space<vmem>> -> memref<128xi32, #tpu.memory_space<vmem>>
          %dma_start3A_125 = arith.constant 0 : i32
          %dma_start3A_126 = arith.constant 0 : i32
          %dma_start3A_127 = tpu.memref_slice %arg2[%dma_start3A_125, %dma_start3A_126] : memref<10000x128xf32, #tpu.memory_space<hbm>> -> memref<10000x128xf32, #tpu.memory_space<hbm>>
          tpu.enqueue_indirect_dma source(%dma_start3A_127 : memref<10000x128xf32, #tpu.memory_space<hbm>>) target(%arg12 : memref<128x128xf32, #tpu.memory_space<vmem>>) offsets(%dma_start3A_124 : memref<128xi32, #tpu.memory_space<vmem>>) semaphore(%arg15 : memref<!tpu.dma_semaphore, #tpu.memory_space<semaphore_mem>>)
        } else {
        }
        %mul3A_92 = arith.constant 2 : i32
        %mul3A_93 = arith.muli %mul3A_92, %scan3A_65 : i32
        %add3A_94 = arith.constant 1 : i32
        %add3A_95 = arith.addi %mul3A_93, %add3A_94 : i32
        %dma_wait3A_96 = arith.constant 0 : i32
        %dma_wait3A_97 = tpu.memref_slice %arg9[%add3A_95, %dma_wait3A_96] : memref<40x128xi32, #tpu.memory_space<vmem>> -> memref<1x128xi32, #tpu.memory_space<vmem>>
        %dma_wait3A_98 = tpu.memref_squeeze %dma_wait3A_97 : memref<1x128xi32, #tpu.memory_space<vmem>> -> memref<128xi32, #tpu.memory_space<vmem>>
        %dma_wait3A_99 = arith.constant 0 : i32
        %dma_wait3A_100 = arith.constant 0 : i32
        %dma_wait3A_101 = tpu.memref_slice %arg2[%dma_wait3A_99, %dma_wait3A_100] : memref<10000x128xf32, #tpu.memory_space<hbm>> -> memref<10000x128xf32, #tpu.memory_space<hbm>>
        tpu.wait_indirect_dma semaphore(%arg15 : memref<!tpu.dma_semaphore, #tpu.memory_space<semaphore_mem>>) src(%dma_wait3A_101 : memref<10000x128xf32, #tpu.memory_space<hbm>>) dst(%arg12 : memref<128x128xf32, #tpu.memory_space<vmem>>)
        %dma_start3A_102 = arith.constant 0 : i32
        %dma_start3A_103 = tpu.memref_slice %arg10[%add3A_95, %dma_start3A_102] : memref<40x128xi32, #tpu.memory_space<vmem>> -> memref<1x128xi32, #tpu.memory_space<vmem>>
        %dma_start3A_104 = tpu.memref_squeeze %dma_start3A_103 : memref<1x128xi32, #tpu.memory_space<vmem>> -> memref<128xi32, #tpu.memory_space<vmem>>
        %dma_start3A_105 = arith.constant 0 : i32
        %dma_start3A_106 = arith.constant 0 : i32
        %dma_start3A_107 = tpu.memref_slice %arg13[%dma_start3A_105, %dma_start3A_106] : memref<10112x128xf32, #tpu.memory_space<vmem_shared>> -> memref<10112x128xf32, #tpu.memory_space<vmem_shared>>
        tpu.enqueue_indirect_dma source(%arg12 : memref<128x128xf32, #tpu.memory_space<vmem>>) target(%dma_start3A_107 : memref<10112x128xf32, #tpu.memory_space<vmem_shared>>) offsets(%dma_start3A_104 : memref<128xi32, #tpu.memory_space<vmem>>) semaphore(%arg17 : memref<!tpu.dma_semaphore, #tpu.memory_space<semaphore_mem>>) {add = true}
        %ge3A_108 = arith.constant 1 : i32
        %ge3A_109 = arith.cmpi sge, %add3A_95, %ge3A_108 : i32
        %convert_element_type3A_110 = arith.extui %ge3A_109 : i1 to i32
        %cond3A_111 = arith.constant 0 : i32
        %cond3A_112 = arith.cmpi ne, %convert_element_type3A_110, %cond3A_111 : i32
        scf.if %cond3A_112 {
          %sub3A = arith.constant 1 : i32
          %sub3A_120 = arith.subi %add3A_95, %sub3A : i32
          %dma_wait3A_121 = arith.constant 0 : i32
          %dma_wait3A_122 = tpu.memref_slice %arg10[%sub3A_120, %dma_wait3A_121] : memref<40x128xi32, #tpu.memory_space<vmem>> -> memref<1x128xi32, #tpu.memory_space<vmem>>
          %dma_wait3A_123 = tpu.memref_squeeze %dma_wait3A_122 : memref<1x128xi32, #tpu.memory_space<vmem>> -> memref<128xi32, #tpu.memory_space<vmem>>
          %dma_wait3A_124 = arith.constant 0 : i32
          %dma_wait3A_125 = arith.constant 0 : i32
          %dma_wait3A_126 = tpu.memref_slice %arg13[%dma_wait3A_124, %dma_wait3A_125] : memref<10112x128xf32, #tpu.memory_space<vmem_shared>> -> memref<10112x128xf32, #tpu.memory_space<vmem_shared>>
          tpu.wait_indirect_dma semaphore(%arg16 : memref<!tpu.dma_semaphore, #tpu.memory_space<semaphore_mem>>) src(%arg11 : memref<128x128xf32, #tpu.memory_space<vmem>>) dst(%dma_wait3A_126 : memref<10112x128xf32, #tpu.memory_space<vmem_shared>>)
        } else {
        }
        %add3A_113 = arith.constant 1 : i32
        %add3A_114 = arith.addi %add3A_95, %add3A_113 : i32
        %lt3A_115 = arith.constant 40 : i32
        %lt3A_116 = arith.cmpi slt, %add3A_114, %lt3A_115 : i32
        %convert_element_type3A_117 = arith.extui %lt3A_116 : i1 to i32
        %cond3A_118 = arith.constant 0 : i32
        %cond3A_119 = arith.cmpi ne, %convert_element_type3A_117, %cond3A_118 : i32
        scf.if %cond3A_119 {
          %add3A_120 = arith.constant 1 : i32
          %add3A_121 = arith.addi %add3A_95, %add3A_120 : i32
          %dma_start3A_122 = arith.constant 0 : i32
          %dma_start3A_123 = tpu.memref_slice %arg9[%add3A_121, %dma_start3A_122] : memref<40x128xi32, #tpu.memory_space<vmem>> -> memref<1x128xi32, #tpu.memory_space<vmem>>
          %dma_start3A_124 = tpu.memref_squeeze %dma_start3A_123 : memref<1x128xi32, #tpu.memory_space<vmem>> -> memref<128xi32, #tpu.memory_space<vmem>>
          %dma_start3A_125 = arith.constant 0 : i32
          %dma_start3A_126 = arith.constant 0 : i32
          %dma_start3A_127 = tpu.memref_slice %arg2[%dma_start3A_125, %dma_start3A_126] : memref<10000x128xf32, #tpu.memory_space<hbm>> -> memref<10000x128xf32, #tpu.memory_space<hbm>>
          tpu.enqueue_indirect_dma source(%dma_start3A_127 : memref<10000x128xf32, #tpu.memory_space<hbm>>) target(%arg11 : memref<128x128xf32, #tpu.memory_space<vmem>>) offsets(%dma_start3A_124 : memref<128xi32, #tpu.memory_space<vmem>>) semaphore(%arg14 : memref<!tpu.dma_semaphore, #tpu.memory_space<semaphore_mem>>)
        } else {
        }
      }
      %scan3A_57 = arith.constant 20 : i32
      %dma_wait3A_58 = arith.constant 39 : i32
      %dma_wait3A_59 = arith.constant 0 : i32
      %dma_wait3A_60 = tpu.memref_slice %arg10[%dma_wait3A_58, %dma_wait3A_59] : memref<40x128xi32, #tpu.memory_space<vmem>> -> memref<1x128xi32, #tpu.memory_space<vmem>>
      %dma_wait3A_61 = tpu.memref_squeeze %dma_wait3A_60 : memref<1x128xi32, #tpu.memory_space<vmem>> -> memref<128xi32, #tpu.memory_space<vmem>>
      %dma_wait3A_62 = arith.constant 0 : i32
      %dma_wait3A_63 = arith.constant 0 : i32
      %dma_wait3A_64 = tpu.memref_slice %arg13[%dma_wait3A_62, %dma_wait3A_63] : memref<10112x128xf32, #tpu.memory_space<vmem_shared>> -> memref<10112x128xf32, #tpu.memory_space<vmem_shared>>
      tpu.wait_indirect_dma semaphore(%arg17 : memref<!tpu.dma_semaphore, #tpu.memory_space<semaphore_mem>>) src(%arg12 : memref<128x128xf32, #tpu.memory_space<vmem>>) dst(%dma_wait3A_64 : memref<10112x128xf32, #tpu.memory_space<vmem_shared>>)
    } else {
    }
    %eq3A_5 = arith.constant 1 : i32
    %eq3A_6 = arith.cmpi eq, %arg0, %eq3A_5 : i32
    %convert_element_type3A_7 = arith.extui %eq3A_6 : i1 to i32
    %cond3A_8 = arith.constant 0 : i32
    %cond3A_9 = arith.cmpi ne, %convert_element_type3A_7, %cond3A_8 : i32
    scf.if %cond3A_9 {
      %mul3A_21 = arith.constant 80 : i32
      %mul3A_22 = arith.muli %arg1, %mul3A_21 : i32
      %add3A = arith.constant 0 : i32
      %add3A_23 = arith.addi %mul3A_22, %add3A : i32
      "tpu.region"() ({
        %run_scoped3A = tpu.sem_alloc : memref<!tpu.dma_semaphore, #tpu.memory_space<semaphore_mem>>
        %dma_start3A_65 = arith.constant 0 : i32
        %dma_start3A_66 = tpu.memref_slice %arg4[%add3A_23, %dma_start3A_65] : memref<1280x128xi32, #tpu.memory_space<hbm>> -> memref<40x128xi32, #tpu.memory_space<hbm>>
        %dma_start3A_67 = arith.constant 0 : i32
        %dma_start3A_68 = tpu.memref_slice %arg4[%add3A_23, %dma_start3A_67] : memref<1280x128xi32, #tpu.memory_space<hbm>> -> memref<40x128xi32, #tpu.memory_space<hbm>>
        tpu.enqueue_dma source(%dma_start3A_68 : memref<40x128xi32, #tpu.memory_space<hbm>>) target(%arg9 : memref<40x128xi32, #tpu.memory_space<vmem>>) target_semaphore(%run_scoped3A : memref<!tpu.dma_semaphore, #tpu.memory_space<semaphore_mem>>)
        %dma_wait3A_69 = arith.constant 0 : i32
        %dma_wait3A_70 = tpu.memref_slice %arg4[%add3A_23, %dma_wait3A_69] : memref<1280x128xi32, #tpu.memory_space<hbm>> -> memref<40x128xi32, #tpu.memory_space<hbm>>
        %dma_wait3A_71 = arith.constant 0 : i32
        %dma_wait3A_72 = tpu.memref_slice %arg4[%add3A_23, %dma_wait3A_71] : memref<1280x128xi32, #tpu.memory_space<hbm>> -> memref<40x128xi32, #tpu.memory_space<hbm>>
        tpu.wait_dma2 semaphore(%run_scoped3A : memref<!tpu.dma_semaphore, #tpu.memory_space<semaphore_mem>>) src(%dma_wait3A_72 : memref<40x128xi32, #tpu.memory_space<hbm>>) dst(%arg9 : memref<40x128xi32, #tpu.memory_space<vmem>>)
        tpu.yield
      }) : () -> ()
      "tpu.region"() ({
        %run_scoped3A = tpu.sem_alloc : memref<!tpu.dma_semaphore, #tpu.memory_space<semaphore_mem>>
        %dma_start3A_65 = arith.constant 0 : i32
        %dma_start3A_66 = tpu.memref_slice %arg5[%add3A_23, %dma_start3A_65] : memref<1280x128xi32, #tpu.memory_space<hbm>> -> memref<40x128xi32, #tpu.memory_space<hbm>>
        %dma_start3A_67 = arith.constant 0 : i32
        %dma_start3A_68 = tpu.memref_slice %arg5[%add3A_23, %dma_start3A_67] : memref<1280x128xi32, #tpu.memory_space<hbm>> -> memref<40x128xi32, #tpu.memory_space<hbm>>
        tpu.enqueue_dma source(%dma_start3A_68 : memref<40x128xi32, #tpu.memory_space<hbm>>) target(%arg10 : memref<40x128xi32, #tpu.memory_space<vmem>>) target_semaphore(%run_scoped3A : memref<!tpu.dma_semaphore, #tpu.memory_space<semaphore_mem>>)
        %dma_wait3A_69 = arith.constant 0 : i32
        %dma_wait3A_70 = tpu.memref_slice %arg5[%add3A_23, %dma_wait3A_69] : memref<1280x128xi32, #tpu.memory_space<hbm>> -> memref<40x128xi32, #tpu.memory_space<hbm>>
        %dma_wait3A_71 = arith.constant 0 : i32
        %dma_wait3A_72 = tpu.memref_slice %arg5[%add3A_23, %dma_wait3A_71] : memref<1280x128xi32, #tpu.memory_space<hbm>> -> memref<40x128xi32, #tpu.memory_space<hbm>>
        tpu.wait_dma2 semaphore(%run_scoped3A : memref<!tpu.dma_semaphore, #tpu.memory_space<semaphore_mem>>) src(%dma_wait3A_72 : memref<40x128xi32, #tpu.memory_space<hbm>>) dst(%arg10 : memref<40x128xi32, #tpu.memory_space<vmem>>)
        tpu.yield
      }) : () -> ()
      %dma_start3A = arith.constant 0 : i32
      %dma_start3A_24 = arith.constant 0 : i32
      %dma_start3A_25 = tpu.memref_slice %arg9[%dma_start3A, %dma_start3A_24] : memref<40x128xi32, #tpu.memory_space<vmem>> -> memref<1x128xi32, #tpu.memory_space<vmem>>
      %dma_start3A_26 = tpu.memref_squeeze %dma_start3A_25 : memref<1x128xi32, #tpu.memory_space<vmem>> -> memref<128xi32, #tpu.memory_space<vmem>>
      %dma_start3A_27 = arith.constant 0 : i32
      %dma_start3A_28 = arith.constant 0 : i32
      %dma_start3A_29 = tpu.memref_slice %arg3[%dma_start3A_27, %dma_start3A_28] : memref<10000x128xf32, #tpu.memory_space<hbm>> -> memref<10000x128xf32, #tpu.memory_space<hbm>>
      tpu.enqueue_indirect_dma source(%dma_start3A_29 : memref<10000x128xf32, #tpu.memory_space<hbm>>) target(%arg11 : memref<128x128xf32, #tpu.memory_space<vmem>>) offsets(%dma_start3A_26 : memref<128xi32, #tpu.memory_space<vmem>>) semaphore(%arg14 : memref<!tpu.dma_semaphore, #tpu.memory_space<semaphore_mem>>)
      %scan3A = arith.constant 0 : i32
      %scan3A_30 = arith.constant 0 : i32
      %scan3A_31 = arith.constant 20 : i32
      %scan3A_32 = arith.addi %scan3A_30, %scan3A_31 : i32
      %scan3A_33 = arith.constant 1 : i32
      scf.for %scan3A_65 = %scan3A_30 to %scan3A_32 step %scan3A_33  : i32 {
        %mul3A_66 = arith.constant 2 : i32
        %mul3A_67 = arith.muli %mul3A_66, %scan3A_65 : i32
        %add3A_68 = arith.constant 0 : i32
        %add3A_69 = arith.addi %mul3A_67, %add3A_68 : i32
        %dma_wait3A_70 = arith.constant 0 : i32
        %dma_wait3A_71 = tpu.memref_slice %arg9[%add3A_69, %dma_wait3A_70] : memref<40x128xi32, #tpu.memory_space<vmem>> -> memref<1x128xi32, #tpu.memory_space<vmem>>
        %dma_wait3A_72 = tpu.memref_squeeze %dma_wait3A_71 : memref<1x128xi32, #tpu.memory_space<vmem>> -> memref<128xi32, #tpu.memory_space<vmem>>
        %dma_wait3A_73 = arith.constant 0 : i32
        %dma_wait3A_74 = arith.constant 0 : i32
        %dma_wait3A_75 = tpu.memref_slice %arg3[%dma_wait3A_73, %dma_wait3A_74] : memref<10000x128xf32, #tpu.memory_space<hbm>> -> memref<10000x128xf32, #tpu.memory_space<hbm>>
        tpu.wait_indirect_dma semaphore(%arg14 : memref<!tpu.dma_semaphore, #tpu.memory_space<semaphore_mem>>) src(%dma_wait3A_75 : memref<10000x128xf32, #tpu.memory_space<hbm>>) dst(%arg11 : memref<128x128xf32, #tpu.memory_space<vmem>>)
        %dma_start3A_76 = arith.constant 0 : i32
        %dma_start3A_77 = tpu.memref_slice %arg10[%add3A_69, %dma_start3A_76] : memref<40x128xi32, #tpu.memory_space<vmem>> -> memref<1x128xi32, #tpu.memory_space<vmem>>
        %dma_start3A_78 = tpu.memref_squeeze %dma_start3A_77 : memref<1x128xi32, #tpu.memory_space<vmem>> -> memref<128xi32, #tpu.memory_space<vmem>>
        %dma_start3A_79 = arith.constant 0 : i32
        %dma_start3A_80 = arith.constant 0 : i32
        %dma_start3A_81 = tpu.memref_slice %arg13[%dma_start3A_79, %dma_start3A_80] : memref<10112x128xf32, #tpu.memory_space<vmem_shared>> -> memref<10112x128xf32, #tpu.memory_space<vmem_shared>>
        tpu.enqueue_indirect_dma source(%arg11 : memref<128x128xf32, #tpu.memory_space<vmem>>) target(%dma_start3A_81 : memref<10112x128xf32, #tpu.memory_space<vmem_shared>>) offsets(%dma_start3A_78 : memref<128xi32, #tpu.memory_space<vmem>>) semaphore(%arg16 : memref<!tpu.dma_semaphore, #tpu.memory_space<semaphore_mem>>) {add = true}
        %ge3A = arith.constant 1 : i32
        %ge3A_82 = arith.cmpi sge, %add3A_69, %ge3A : i32
        %convert_element_type3A_83 = arith.extui %ge3A_82 : i1 to i32
        %cond3A_84 = arith.constant 0 : i32
        %cond3A_85 = arith.cmpi ne, %convert_element_type3A_83, %cond3A_84 : i32
        scf.if %cond3A_85 {
          %sub3A = arith.constant 1 : i32
          %sub3A_120 = arith.subi %add3A_69, %sub3A : i32
          %dma_wait3A_121 = arith.constant 0 : i32
          %dma_wait3A_122 = tpu.memref_slice %arg10[%sub3A_120, %dma_wait3A_121] : memref<40x128xi32, #tpu.memory_space<vmem>> -> memref<1x128xi32, #tpu.memory_space<vmem>>
          %dma_wait3A_123 = tpu.memref_squeeze %dma_wait3A_122 : memref<1x128xi32, #tpu.memory_space<vmem>> -> memref<128xi32, #tpu.memory_space<vmem>>
          %dma_wait3A_124 = arith.constant 0 : i32
          %dma_wait3A_125 = arith.constant 0 : i32
          %dma_wait3A_126 = tpu.memref_slice %arg13[%dma_wait3A_124, %dma_wait3A_125] : memref<10112x128xf32, #tpu.memory_space<vmem_shared>> -> memref<10112x128xf32, #tpu.memory_space<vmem_shared>>
          tpu.wait_indirect_dma semaphore(%arg17 : memref<!tpu.dma_semaphore, #tpu.memory_space<semaphore_mem>>) src(%arg12 : memref<128x128xf32, #tpu.memory_space<vmem>>) dst(%dma_wait3A_126 : memref<10112x128xf32, #tpu.memory_space<vmem_shared>>)
        } else {
        }
        %add3A_86 = arith.constant 1 : i32
        %add3A_87 = arith.addi %add3A_69, %add3A_86 : i32
        %lt3A = arith.constant 40 : i32
        %lt3A_88 = arith.cmpi slt, %add3A_87, %lt3A : i32
        %convert_element_type3A_89 = arith.extui %lt3A_88 : i1 to i32
        %cond3A_90 = arith.constant 0 : i32
        %cond3A_91 = arith.cmpi ne, %convert_element_type3A_89, %cond3A_90 : i32
        scf.if %cond3A_91 {
          %add3A_120 = arith.constant 1 : i32
          %add3A_121 = arith.addi %add3A_69, %add3A_120 : i32
          %dma_start3A_122 = arith.constant 0 : i32
          %dma_start3A_123 = tpu.memref_slice %arg9[%add3A_121, %dma_start3A_122] : memref<40x128xi32, #tpu.memory_space<vmem>> -> memref<1x128xi32, #tpu.memory_space<vmem>>
          %dma_start3A_124 = tpu.memref_squeeze %dma_start3A_123 : memref<1x128xi32, #tpu.memory_space<vmem>> -> memref<128xi32, #tpu.memory_space<vmem>>
          %dma_start3A_125 = arith.constant 0 : i32
          %dma_start3A_126 = arith.constant 0 : i32
          %dma_start3A_127 = tpu.memref_slice %arg3[%dma_start3A_125, %dma_start3A_126] : memref<10000x128xf32, #tpu.memory_space<hbm>> -> memref<10000x128xf32, #tpu.memory_space<hbm>>
          tpu.enqueue_indirect_dma source(%dma_start3A_127 : memref<10000x128xf32, #tpu.memory_space<hbm>>) target(%arg12 : memref<128x128xf32, #tpu.memory_space<vmem>>) offsets(%dma_start3A_124 : memref<128xi32, #tpu.memory_space<vmem>>) semaphore(%arg15 : memref<!tpu.dma_semaphore, #tpu.memory_space<semaphore_mem>>)
        } else {
        }
        %mul3A_92 = arith.constant 2 : i32
        %mul3A_93 = arith.muli %mul3A_92, %scan3A_65 : i32
        %add3A_94 = arith.constant 1 : i32
        %add3A_95 = arith.addi %mul3A_93, %add3A_94 : i32
        %dma_wait3A_96 = arith.constant 0 : i32
        %dma_wait3A_97 = tpu.memref_slice %arg9[%add3A_95, %dma_wait3A_96] : memref<40x128xi32, #tpu.memory_space<vmem>> -> memref<1x128xi32, #tpu.memory_space<vmem>>
        %dma_wait3A_98 = tpu.memref_squeeze %dma_wait3A_97 : memref<1x128xi32, #tpu.memory_space<vmem>> -> memref<128xi32, #tpu.memory_space<vmem>>
        %dma_wait3A_99 = arith.constant 0 : i32
        %dma_wait3A_100 = arith.constant 0 : i32
        %dma_wait3A_101 = tpu.memref_slice %arg3[%dma_wait3A_99, %dma_wait3A_100] : memref<10000x128xf32, #tpu.memory_space<hbm>> -> memref<10000x128xf32, #tpu.memory_space<hbm>>
        tpu.wait_indirect_dma semaphore(%arg15 : memref<!tpu.dma_semaphore, #tpu.memory_space<semaphore_mem>>) src(%dma_wait3A_101 : memref<10000x128xf32, #tpu.memory_space<hbm>>) dst(%arg12 : memref<128x128xf32, #tpu.memory_space<vmem>>)
        %dma_start3A_102 = arith.constant 0 : i32
        %dma_start3A_103 = tpu.memref_slice %arg10[%add3A_95, %dma_start3A_102] : memref<40x128xi32, #tpu.memory_space<vmem>> -> memref<1x128xi32, #tpu.memory_space<vmem>>
        %dma_start3A_104 = tpu.memref_squeeze %dma_start3A_103 : memref<1x128xi32, #tpu.memory_space<vmem>> -> memref<128xi32, #tpu.memory_space<vmem>>
        %dma_start3A_105 = arith.constant 0 : i32
        %dma_start3A_106 = arith.constant 0 : i32
        %dma_start3A_107 = tpu.memref_slice %arg13[%dma_start3A_105, %dma_start3A_106] : memref<10112x128xf32, #tpu.memory_space<vmem_shared>> -> memref<10112x128xf32, #tpu.memory_space<vmem_shared>>
        tpu.enqueue_indirect_dma source(%arg12 : memref<128x128xf32, #tpu.memory_space<vmem>>) target(%dma_start3A_107 : memref<10112x128xf32, #tpu.memory_space<vmem_shared>>) offsets(%dma_start3A_104 : memref<128xi32, #tpu.memory_space<vmem>>) semaphore(%arg17 : memref<!tpu.dma_semaphore, #tpu.memory_space<semaphore_mem>>) {add = true}
        %ge3A_108 = arith.constant 1 : i32
        %ge3A_109 = arith.cmpi sge, %add3A_95, %ge3A_108 : i32
        %convert_element_type3A_110 = arith.extui %ge3A_109 : i1 to i32
        %cond3A_111 = arith.constant 0 : i32
        %cond3A_112 = arith.cmpi ne, %convert_element_type3A_110, %cond3A_111 : i32
        scf.if %cond3A_112 {
          %sub3A = arith.constant 1 : i32
          %sub3A_120 = arith.subi %add3A_95, %sub3A : i32
          %dma_wait3A_121 = arith.constant 0 : i32
          %dma_wait3A_122 = tpu.memref_slice %arg10[%sub3A_120, %dma_wait3A_121] : memref<40x128xi32, #tpu.memory_space<vmem>> -> memref<1x128xi32, #tpu.memory_space<vmem>>
          %dma_wait3A_123 = tpu.memref_squeeze %dma_wait3A_122 : memref<1x128xi32, #tpu.memory_space<vmem>> -> memref<128xi32, #tpu.memory_space<vmem>>
          %dma_wait3A_124 = arith.constant 0 : i32
          %dma_wait3A_125 = arith.constant 0 : i32
          %dma_wait3A_126 = tpu.memref_slice %arg13[%dma_wait3A_124, %dma_wait3A_125] : memref<10112x128xf32, #tpu.memory_space<vmem_shared>> -> memref<10112x128xf32, #tpu.memory_space<vmem_shared>>
          tpu.wait_indirect_dma semaphore(%arg16 : memref<!tpu.dma_semaphore, #tpu.memory_space<semaphore_mem>>) src(%arg11 : memref<128x128xf32, #tpu.memory_space<vmem>>) dst(%dma_wait3A_126 : memref<10112x128xf32, #tpu.memory_space<vmem_shared>>)
        } else {
        }
        %add3A_113 = arith.constant 1 : i32
        %add3A_114 = arith.addi %add3A_95, %add3A_113 : i32
        %lt3A_115 = arith.constant 40 : i32
        %lt3A_116 = arith.cmpi slt, %add3A_114, %lt3A_115 : i32
        %convert_element_type3A_117 = arith.extui %lt3A_116 : i1 to i32
        %cond3A_118 = arith.constant 0 : i32
        %cond3A_119 = arith.cmpi ne, %convert_element_type3A_117, %cond3A_118 : i32
        scf.if %cond3A_119 {
          %add3A_120 = arith.constant 1 : i32
          %add3A_121 = arith.addi %add3A_95, %add3A_120 : i32
          %dma_start3A_122 = arith.constant 0 : i32
          %dma_start3A_123 = tpu.memref_slice %arg9[%add3A_121, %dma_start3A_122] : memref<40x128xi32, #tpu.memory_space<vmem>> -> memref<1x128xi32, #tpu.memory_space<vmem>>
          %dma_start3A_124 = tpu.memref_squeeze %dma_start3A_123 : memref<1x128xi32, #tpu.memory_space<vmem>> -> memref<128xi32, #tpu.memory_space<vmem>>
          %dma_start3A_125 = arith.constant 0 : i32
          %dma_start3A_126 = arith.constant 0 : i32
          %dma_start3A_127 = tpu.memref_slice %arg3[%dma_start3A_125, %dma_start3A_126] : memref<10000x128xf32, #tpu.memory_space<hbm>> -> memref<10000x128xf32, #tpu.memory_space<hbm>>
          tpu.enqueue_indirect_dma source(%dma_start3A_127 : memref<10000x128xf32, #tpu.memory_space<hbm>>) target(%arg11 : memref<128x128xf32, #tpu.memory_space<vmem>>) offsets(%dma_start3A_124 : memref<128xi32, #tpu.memory_space<vmem>>) semaphore(%arg14 : memref<!tpu.dma_semaphore, #tpu.memory_space<semaphore_mem>>)
        } else {
        }
      }
      %scan3A_34 = arith.constant 20 : i32
      %dma_wait3A = arith.constant 39 : i32
      %dma_wait3A_35 = arith.constant 0 : i32
      %dma_wait3A_36 = tpu.memref_slice %arg10[%dma_wait3A, %dma_wait3A_35] : memref<40x128xi32, #tpu.memory_space<vmem>> -> memref<1x128xi32, #tpu.memory_space<vmem>>
      %dma_wait3A_37 = tpu.memref_squeeze %dma_wait3A_36 : memref<1x128xi32, #tpu.memory_space<vmem>> -> memref<128xi32, #tpu.memory_space<vmem>>
      %dma_wait3A_38 = arith.constant 0 : i32
      %dma_wait3A_39 = arith.constant 0 : i32
      %dma_wait3A_40 = tpu.memref_slice %arg13[%dma_wait3A_38, %dma_wait3A_39] : memref<10112x128xf32, #tpu.memory_space<vmem_shared>> -> memref<10112x128xf32, #tpu.memory_space<vmem_shared>>
      tpu.wait_indirect_dma semaphore(%arg17 : memref<!tpu.dma_semaphore, #tpu.memory_space<semaphore_mem>>) src(%arg12 : memref<128x128xf32, #tpu.memory_space<vmem>>) dst(%dma_wait3A_40 : memref<10112x128xf32, #tpu.memory_space<vmem_shared>>)
      %mul3A_41 = arith.constant 80 : i32
      %mul3A_42 = arith.muli %arg1, %mul3A_41 : i32
      %add3A_43 = arith.constant 40 : i32
      %add3A_44 = arith.addi %mul3A_42, %add3A_43 : i32
      "tpu.region"() ({
        %run_scoped3A = tpu.sem_alloc : memref<!tpu.dma_semaphore, #tpu.memory_space<semaphore_mem>>
        %dma_start3A_65 = arith.constant 0 : i32
        %dma_start3A_66 = tpu.memref_slice %arg4[%add3A_44, %dma_start3A_65] : memref<1280x128xi32, #tpu.memory_space<hbm>> -> memref<40x128xi32, #tpu.memory_space<hbm>>
        %dma_start3A_67 = arith.constant 0 : i32
        %dma_start3A_68 = tpu.memref_slice %arg4[%add3A_44, %dma_start3A_67] : memref<1280x128xi32, #tpu.memory_space<hbm>> -> memref<40x128xi32, #tpu.memory_space<hbm>>
        tpu.enqueue_dma source(%dma_start3A_68 : memref<40x128xi32, #tpu.memory_space<hbm>>) target(%arg9 : memref<40x128xi32, #tpu.memory_space<vmem>>) target_semaphore(%run_scoped3A : memref<!tpu.dma_semaphore, #tpu.memory_space<semaphore_mem>>)
        %dma_wait3A_69 = arith.constant 0 : i32
        %dma_wait3A_70 = tpu.memref_slice %arg4[%add3A_44, %dma_wait3A_69] : memref<1280x128xi32, #tpu.memory_space<hbm>> -> memref<40x128xi32, #tpu.memory_space<hbm>>
        %dma_wait3A_71 = arith.constant 0 : i32
        %dma_wait3A_72 = tpu.memref_slice %arg4[%add3A_44, %dma_wait3A_71] : memref<1280x128xi32, #tpu.memory_space<hbm>> -> memref<40x128xi32, #tpu.memory_space<hbm>>
        tpu.wait_dma2 semaphore(%run_scoped3A : memref<!tpu.dma_semaphore, #tpu.memory_space<semaphore_mem>>) src(%dma_wait3A_72 : memref<40x128xi32, #tpu.memory_space<hbm>>) dst(%arg9 : memref<40x128xi32, #tpu.memory_space<vmem>>)
        tpu.yield
      }) : () -> ()
      "tpu.region"() ({
        %run_scoped3A = tpu.sem_alloc : memref<!tpu.dma_semaphore, #tpu.memory_space<semaphore_mem>>
        %dma_start3A_65 = arith.constant 0 : i32
        %dma_start3A_66 = tpu.memref_slice %arg5[%add3A_44, %dma_start3A_65] : memref<1280x128xi32, #tpu.memory_space<hbm>> -> memref<40x128xi32, #tpu.memory_space<hbm>>
        %dma_start3A_67 = arith.constant 0 : i32
        %dma_start3A_68 = tpu.memref_slice %arg5[%add3A_44, %dma_start3A_67] : memref<1280x128xi32, #tpu.memory_space<hbm>> -> memref<40x128xi32, #tpu.memory_space<hbm>>
        tpu.enqueue_dma source(%dma_start3A_68 : memref<40x128xi32, #tpu.memory_space<hbm>>) target(%arg10 : memref<40x128xi32, #tpu.memory_space<vmem>>) target_semaphore(%run_scoped3A : memref<!tpu.dma_semaphore, #tpu.memory_space<semaphore_mem>>)
        %dma_wait3A_69 = arith.constant 0 : i32
        %dma_wait3A_70 = tpu.memref_slice %arg5[%add3A_44, %dma_wait3A_69] : memref<1280x128xi32, #tpu.memory_space<hbm>> -> memref<40x128xi32, #tpu.memory_space<hbm>>
        %dma_wait3A_71 = arith.constant 0 : i32
        %dma_wait3A_72 = tpu.memref_slice %arg5[%add3A_44, %dma_wait3A_71] : memref<1280x128xi32, #tpu.memory_space<hbm>> -> memref<40x128xi32, #tpu.memory_space<hbm>>
        tpu.wait_dma2 semaphore(%run_scoped3A : memref<!tpu.dma_semaphore, #tpu.memory_space<semaphore_mem>>) src(%dma_wait3A_72 : memref<40x128xi32, #tpu.memory_space<hbm>>) dst(%arg10 : memref<40x128xi32, #tpu.memory_space<vmem>>)
        tpu.yield
      }) : () -> ()
      %dma_start3A_45 = arith.constant 0 : i32
      %dma_start3A_46 = arith.constant 0 : i32
      %dma_start3A_47 = tpu.memref_slice %arg9[%dma_start3A_45, %dma_start3A_46] : memref<40x128xi32, #tpu.memory_space<vmem>> -> memref<1x128xi32, #tpu.memory_space<vmem>>
      %dma_start3A_48 = tpu.memref_squeeze %dma_start3A_47 : memref<1x128xi32, #tpu.memory_space<vmem>> -> memref<128xi32, #tpu.memory_space<vmem>>
      %dma_start3A_49 = arith.constant 0 : i32
      %dma_start3A_50 = arith.constant 0 : i32
      %dma_start3A_51 = tpu.memref_slice %arg3[%dma_start3A_49, %dma_start3A_50] : memref<10000x128xf32, #tpu.memory_space<hbm>> -> memref<10000x128xf32, #tpu.memory_space<hbm>>
      tpu.enqueue_indirect_dma source(%dma_start3A_51 : memref<10000x128xf32, #tpu.memory_space<hbm>>) target(%arg11 : memref<128x128xf32, #tpu.memory_space<vmem>>) offsets(%dma_start3A_48 : memref<128xi32, #tpu.memory_space<vmem>>) semaphore(%arg14 : memref<!tpu.dma_semaphore, #tpu.memory_space<semaphore_mem>>)
      %scan3A_52 = arith.constant 0 : i32
      %scan3A_53 = arith.constant 0 : i32
      %scan3A_54 = arith.constant 20 : i32
      %scan3A_55 = arith.addi %scan3A_53, %scan3A_54 : i32
      %scan3A_56 = arith.constant 1 : i32
      scf.for %scan3A_65 = %scan3A_53 to %scan3A_55 step %scan3A_56  : i32 {
        %mul3A_66 = arith.constant 2 : i32
        %mul3A_67 = arith.muli %mul3A_66, %scan3A_65 : i32
        %add3A_68 = arith.constant 0 : i32
        %add3A_69 = arith.addi %mul3A_67, %add3A_68 : i32
        %dma_wait3A_70 = arith.constant 0 : i32
        %dma_wait3A_71 = tpu.memref_slice %arg9[%add3A_69, %dma_wait3A_70] : memref<40x128xi32, #tpu.memory_space<vmem>> -> memref<1x128xi32, #tpu.memory_space<vmem>>
        %dma_wait3A_72 = tpu.memref_squeeze %dma_wait3A_71 : memref<1x128xi32, #tpu.memory_space<vmem>> -> memref<128xi32, #tpu.memory_space<vmem>>
        %dma_wait3A_73 = arith.constant 0 : i32
        %dma_wait3A_74 = arith.constant 0 : i32
        %dma_wait3A_75 = tpu.memref_slice %arg3[%dma_wait3A_73, %dma_wait3A_74] : memref<10000x128xf32, #tpu.memory_space<hbm>> -> memref<10000x128xf32, #tpu.memory_space<hbm>>
        tpu.wait_indirect_dma semaphore(%arg14 : memref<!tpu.dma_semaphore, #tpu.memory_space<semaphore_mem>>) src(%dma_wait3A_75 : memref<10000x128xf32, #tpu.memory_space<hbm>>) dst(%arg11 : memref<128x128xf32, #tpu.memory_space<vmem>>)
        %dma_start3A_76 = arith.constant 0 : i32
        %dma_start3A_77 = tpu.memref_slice %arg10[%add3A_69, %dma_start3A_76] : memref<40x128xi32, #tpu.memory_space<vmem>> -> memref<1x128xi32, #tpu.memory_space<vmem>>
        %dma_start3A_78 = tpu.memref_squeeze %dma_start3A_77 : memref<1x128xi32, #tpu.memory_space<vmem>> -> memref<128xi32, #tpu.memory_space<vmem>>
        %dma_start3A_79 = arith.constant 0 : i32
        %dma_start3A_80 = arith.constant 0 : i32
        %dma_start3A_81 = tpu.memref_slice %arg13[%dma_start3A_79, %dma_start3A_80] : memref<10112x128xf32, #tpu.memory_space<vmem_shared>> -> memref<10112x128xf32, #tpu.memory_space<vmem_shared>>
        tpu.enqueue_indirect_dma source(%arg11 : memref<128x128xf32, #tpu.memory_space<vmem>>) target(%dma_start3A_81 : memref<10112x128xf32, #tpu.memory_space<vmem_shared>>) offsets(%dma_start3A_78 : memref<128xi32, #tpu.memory_space<vmem>>) semaphore(%arg16 : memref<!tpu.dma_semaphore, #tpu.memory_space<semaphore_mem>>) {add = true}
        %ge3A = arith.constant 1 : i32
        %ge3A_82 = arith.cmpi sge, %add3A_69, %ge3A : i32
        %convert_element_type3A_83 = arith.extui %ge3A_82 : i1 to i32
        %cond3A_84 = arith.constant 0 : i32
        %cond3A_85 = arith.cmpi ne, %convert_element_type3A_83, %cond3A_84 : i32
        scf.if %cond3A_85 {
          %sub3A = arith.constant 1 : i32
          %sub3A_120 = arith.subi %add3A_69, %sub3A : i32
          %dma_wait3A_121 = arith.constant 0 : i32
          %dma_wait3A_122 = tpu.memref_slice %arg10[%sub3A_120, %dma_wait3A_121] : memref<40x128xi32, #tpu.memory_space<vmem>> -> memref<1x128xi32, #tpu.memory_space<vmem>>
          %dma_wait3A_123 = tpu.memref_squeeze %dma_wait3A_122 : memref<1x128xi32, #tpu.memory_space<vmem>> -> memref<128xi32, #tpu.memory_space<vmem>>
          %dma_wait3A_124 = arith.constant 0 : i32
          %dma_wait3A_125 = arith.constant 0 : i32
          %dma_wait3A_126 = tpu.memref_slice %arg13[%dma_wait3A_124, %dma_wait3A_125] : memref<10112x128xf32, #tpu.memory_space<vmem_shared>> -> memref<10112x128xf32, #tpu.memory_space<vmem_shared>>
          tpu.wait_indirect_dma semaphore(%arg17 : memref<!tpu.dma_semaphore, #tpu.memory_space<semaphore_mem>>) src(%arg12 : memref<128x128xf32, #tpu.memory_space<vmem>>) dst(%dma_wait3A_126 : memref<10112x128xf32, #tpu.memory_space<vmem_shared>>)
        } else {
        }
        %add3A_86 = arith.constant 1 : i32
        %add3A_87 = arith.addi %add3A_69, %add3A_86 : i32
        %lt3A = arith.constant 40 : i32
        %lt3A_88 = arith.cmpi slt, %add3A_87, %lt3A : i32
        %convert_element_type3A_89 = arith.extui %lt3A_88 : i1 to i32
        %cond3A_90 = arith.constant 0 : i32
        %cond3A_91 = arith.cmpi ne, %convert_element_type3A_89, %cond3A_90 : i32
        scf.if %cond3A_91 {
          %add3A_120 = arith.constant 1 : i32
          %add3A_121 = arith.addi %add3A_69, %add3A_120 : i32
          %dma_start3A_122 = arith.constant 0 : i32
          %dma_start3A_123 = tpu.memref_slice %arg9[%add3A_121, %dma_start3A_122] : memref<40x128xi32, #tpu.memory_space<vmem>> -> memref<1x128xi32, #tpu.memory_space<vmem>>
          %dma_start3A_124 = tpu.memref_squeeze %dma_start3A_123 : memref<1x128xi32, #tpu.memory_space<vmem>> -> memref<128xi32, #tpu.memory_space<vmem>>
          %dma_start3A_125 = arith.constant 0 : i32
          %dma_start3A_126 = arith.constant 0 : i32
          %dma_start3A_127 = tpu.memref_slice %arg3[%dma_start3A_125, %dma_start3A_126] : memref<10000x128xf32, #tpu.memory_space<hbm>> -> memref<10000x128xf32, #tpu.memory_space<hbm>>
          tpu.enqueue_indirect_dma source(%dma_start3A_127 : memref<10000x128xf32, #tpu.memory_space<hbm>>) target(%arg12 : memref<128x128xf32, #tpu.memory_space<vmem>>) offsets(%dma_start3A_124 : memref<128xi32, #tpu.memory_space<vmem>>) semaphore(%arg15 : memref<!tpu.dma_semaphore, #tpu.memory_space<semaphore_mem>>)
        } else {
        }
        %mul3A_92 = arith.constant 2 : i32
        %mul3A_93 = arith.muli %mul3A_92, %scan3A_65 : i32
        %add3A_94 = arith.constant 1 : i32
        %add3A_95 = arith.addi %mul3A_93, %add3A_94 : i32
        %dma_wait3A_96 = arith.constant 0 : i32
        %dma_wait3A_97 = tpu.memref_slice %arg9[%add3A_95, %dma_wait3A_96] : memref<40x128xi32, #tpu.memory_space<vmem>> -> memref<1x128xi32, #tpu.memory_space<vmem>>
        %dma_wait3A_98 = tpu.memref_squeeze %dma_wait3A_97 : memref<1x128xi32, #tpu.memory_space<vmem>> -> memref<128xi32, #tpu.memory_space<vmem>>
        %dma_wait3A_99 = arith.constant 0 : i32
        %dma_wait3A_100 = arith.constant 0 : i32
        %dma_wait3A_101 = tpu.memref_slice %arg3[%dma_wait3A_99, %dma_wait3A_100] : memref<10000x128xf32, #tpu.memory_space<hbm>> -> memref<10000x128xf32, #tpu.memory_space<hbm>>
        tpu.wait_indirect_dma semaphore(%arg15 : memref<!tpu.dma_semaphore, #tpu.memory_space<semaphore_mem>>) src(%dma_wait3A_101 : memref<10000x128xf32, #tpu.memory_space<hbm>>) dst(%arg12 : memref<128x128xf32, #tpu.memory_space<vmem>>)
        %dma_start3A_102 = arith.constant 0 : i32
        %dma_start3A_103 = tpu.memref_slice %arg10[%add3A_95, %dma_start3A_102] : memref<40x128xi32, #tpu.memory_space<vmem>> -> memref<1x128xi32, #tpu.memory_space<vmem>>
        %dma_start3A_104 = tpu.memref_squeeze %dma_start3A_103 : memref<1x128xi32, #tpu.memory_space<vmem>> -> memref<128xi32, #tpu.memory_space<vmem>>
        %dma_start3A_105 = arith.constant 0 : i32
        %dma_start3A_106 = arith.constant 0 : i32
        %dma_start3A_107 = tpu.memref_slice %arg13[%dma_start3A_105, %dma_start3A_106] : memref<10112x128xf32, #tpu.memory_space<vmem_shared>> -> memref<10112x128xf32, #tpu.memory_space<vmem_shared>>
        tpu.enqueue_indirect_dma source(%arg12 : memref<128x128xf32, #tpu.memory_space<vmem>>) target(%dma_start3A_107 : memref<10112x128xf32, #tpu.memory_space<vmem_shared>>) offsets(%dma_start3A_104 : memref<128xi32, #tpu.memory_space<vmem>>) semaphore(%arg17 : memref<!tpu.dma_semaphore, #tpu.memory_space<semaphore_mem>>) {add = true}
        %ge3A_108 = arith.constant 1 : i32
        %ge3A_109 = arith.cmpi sge, %add3A_95, %ge3A_108 : i32
        %convert_element_type3A_110 = arith.extui %ge3A_109 : i1 to i32
        %cond3A_111 = arith.constant 0 : i32
        %cond3A_112 = arith.cmpi ne, %convert_element_type3A_110, %cond3A_111 : i32
        scf.if %cond3A_112 {
          %sub3A = arith.constant 1 : i32
          %sub3A_120 = arith.subi %add3A_95, %sub3A : i32
          %dma_wait3A_121 = arith.constant 0 : i32
          %dma_wait3A_122 = tpu.memref_slice %arg10[%sub3A_120, %dma_wait3A_121] : memref<40x128xi32, #tpu.memory_space<vmem>> -> memref<1x128xi32, #tpu.memory_space<vmem>>
          %dma_wait3A_123 = tpu.memref_squeeze %dma_wait3A_122 : memref<1x128xi32, #tpu.memory_space<vmem>> -> memref<128xi32, #tpu.memory_space<vmem>>
          %dma_wait3A_124 = arith.constant 0 : i32
          %dma_wait3A_125 = arith.constant 0 : i32
          %dma_wait3A_126 = tpu.memref_slice %arg13[%dma_wait3A_124, %dma_wait3A_125] : memref<10112x128xf32, #tpu.memory_space<vmem_shared>> -> memref<10112x128xf32, #tpu.memory_space<vmem_shared>>
          tpu.wait_indirect_dma semaphore(%arg16 : memref<!tpu.dma_semaphore, #tpu.memory_space<semaphore_mem>>) src(%arg11 : memref<128x128xf32, #tpu.memory_space<vmem>>) dst(%dma_wait3A_126 : memref<10112x128xf32, #tpu.memory_space<vmem_shared>>)
        } else {
        }
        %add3A_113 = arith.constant 1 : i32
        %add3A_114 = arith.addi %add3A_95, %add3A_113 : i32
        %lt3A_115 = arith.constant 40 : i32
        %lt3A_116 = arith.cmpi slt, %add3A_114, %lt3A_115 : i32
        %convert_element_type3A_117 = arith.extui %lt3A_116 : i1 to i32
        %cond3A_118 = arith.constant 0 : i32
        %cond3A_119 = arith.cmpi ne, %convert_element_type3A_117, %cond3A_118 : i32
        scf.if %cond3A_119 {
          %add3A_120 = arith.constant 1 : i32
          %add3A_121 = arith.addi %add3A_95, %add3A_120 : i32
          %dma_start3A_122 = arith.constant 0 : i32
          %dma_start3A_123 = tpu.memref_slice %arg9[%add3A_121, %dma_start3A_122] : memref<40x128xi32, #tpu.memory_space<vmem>> -> memref<1x128xi32, #tpu.memory_space<vmem>>
          %dma_start3A_124 = tpu.memref_squeeze %dma_start3A_123 : memref<1x128xi32, #tpu.memory_space<vmem>> -> memref<128xi32, #tpu.memory_space<vmem>>
          %dma_start3A_125 = arith.constant 0 : i32
          %dma_start3A_126 = arith.constant 0 : i32
          %dma_start3A_127 = tpu.memref_slice %arg3[%dma_start3A_125, %dma_start3A_126] : memref<10000x128xf32, #tpu.memory_space<hbm>> -> memref<10000x128xf32, #tpu.memory_space<hbm>>
          tpu.enqueue_indirect_dma source(%dma_start3A_127 : memref<10000x128xf32, #tpu.memory_space<hbm>>) target(%arg11 : memref<128x128xf32, #tpu.memory_space<vmem>>) offsets(%dma_start3A_124 : memref<128xi32, #tpu.memory_space<vmem>>) semaphore(%arg14 : memref<!tpu.dma_semaphore, #tpu.memory_space<semaphore_mem>>)
        } else {
        }
      }
      %scan3A_57 = arith.constant 20 : i32
      %dma_wait3A_58 = arith.constant 39 : i32
      %dma_wait3A_59 = arith.constant 0 : i32
      %dma_wait3A_60 = tpu.memref_slice %arg10[%dma_wait3A_58, %dma_wait3A_59] : memref<40x128xi32, #tpu.memory_space<vmem>> -> memref<1x128xi32, #tpu.memory_space<vmem>>
      %dma_wait3A_61 = tpu.memref_squeeze %dma_wait3A_60 : memref<1x128xi32, #tpu.memory_space<vmem>> -> memref<128xi32, #tpu.memory_space<vmem>>
      %dma_wait3A_62 = arith.constant 0 : i32
      %dma_wait3A_63 = arith.constant 0 : i32
      %dma_wait3A_64 = tpu.memref_slice %arg13[%dma_wait3A_62, %dma_wait3A_63] : memref<10112x128xf32, #tpu.memory_space<vmem_shared>> -> memref<10112x128xf32, #tpu.memory_space<vmem_shared>>
      tpu.wait_indirect_dma semaphore(%arg17 : memref<!tpu.dma_semaphore, #tpu.memory_space<semaphore_mem>>) src(%arg12 : memref<128x128xf32, #tpu.memory_space<vmem>>) dst(%dma_wait3A_64 : memref<10112x128xf32, #tpu.memory_space<vmem_shared>>)
    } else {
    }
    %barrier3A_10 = arith.constant 0 : index
    tpu.barrier barrier_id(%barrier3A_10)
    %eq3A_11 = arith.constant 0 : i32
    %eq3A_12 = arith.cmpi eq, %arg0, %eq3A_11 : i32
    %convert_element_type3A_13 = arith.extui %eq3A_12 : i1 to i32
    %cond3A_14 = arith.constant 0 : i32
    %cond3A_15 = arith.cmpi ne, %convert_element_type3A_13, %cond3A_14 : i32
    scf.if %cond3A_15 {
      %mul3A_21 = arith.constant 632 : i32
      %mul3A_22 = arith.muli %arg1, %mul3A_21 : i32
      %mul3A_23 = arith.constant 632 : i32
      %mul3A_24 = arith.muli %arg1, %mul3A_23 : i32
      "tpu.region"() ({
        %run_scoped3A = tpu.sem_alloc : memref<!tpu.dma_semaphore, #tpu.memory_space<semaphore_mem>>
        %dma_start3A = arith.constant 0 : i32
        %dma_start3A_25 = tpu.memref_slice %arg7[%mul3A_24, %dma_start3A] : memref<10112x128xf32, #tpu.memory_space<hbm>> -> memref<632x128xf32, #tpu.memory_space<hbm>>
        %dma_start3A_26 = arith.constant 0 : i32
        %dma_start3A_27 = tpu.memref_slice %arg13[%mul3A_22, %dma_start3A_26] : memref<10112x128xf32, #tpu.memory_space<vmem_shared>> -> memref<632x128xf32, #tpu.memory_space<vmem_shared>>
        tpu.enqueue_dma source(%dma_start3A_27 : memref<632x128xf32, #tpu.memory_space<vmem_shared>>) target(%dma_start3A_25 : memref<632x128xf32, #tpu.memory_space<hbm>>) target_semaphore(%run_scoped3A : memref<!tpu.dma_semaphore, #tpu.memory_space<semaphore_mem>>)
        %dma_wait3A = arith.constant 0 : i32
        %dma_wait3A_28 = tpu.memref_slice %arg7[%mul3A_24, %dma_wait3A] : memref<10112x128xf32, #tpu.memory_space<hbm>> -> memref<632x128xf32, #tpu.memory_space<hbm>>
        %dma_wait3A_29 = arith.constant 0 : i32
        %dma_wait3A_30 = tpu.memref_slice %arg13[%mul3A_22, %dma_wait3A_29] : memref<10112x128xf32, #tpu.memory_space<vmem_shared>> -> memref<632x128xf32, #tpu.memory_space<vmem_shared>>
        tpu.wait_dma2 semaphore(%run_scoped3A : memref<!tpu.dma_semaphore, #tpu.memory_space<semaphore_mem>>) src(%dma_wait3A_30 : memref<632x128xf32, #tpu.memory_space<vmem_shared>>) dst(%dma_wait3A_28 : memref<632x128xf32, #tpu.memory_space<hbm>>)
        tpu.yield
      }) : () -> ()
    } else {
    }
    %eq3A_16 = arith.constant 1 : i32
    %eq3A_17 = arith.cmpi eq, %arg0, %eq3A_16 : i32
    %convert_element_type3A_18 = arith.extui %eq3A_17 : i1 to i32
    %cond3A_19 = arith.constant 0 : i32
    %cond3A_20 = arith.cmpi ne, %convert_element_type3A_18, %cond3A_19 : i32
    scf.if %cond3A_20 {
      %mul3A_21 = arith.constant 632 : i32
      %mul3A_22 = arith.muli %arg1, %mul3A_21 : i32
      %mul3A_23 = arith.constant 632 : i32
      %mul3A_24 = arith.muli %arg1, %mul3A_23 : i32
      "tpu.region"() ({
        %run_scoped3A = tpu.sem_alloc : memref<!tpu.dma_semaphore, #tpu.memory_space<semaphore_mem>>
        %dma_start3A = arith.constant 0 : i32
        %dma_start3A_25 = tpu.memref_slice %arg8[%mul3A_24, %dma_start3A] : memref<10112x128xf32, #tpu.memory_space<hbm>> -> memref<632x128xf32, #tpu.memory_space<hbm>>
        %dma_start3A_26 = arith.constant 0 : i32
        %dma_start3A_27 = tpu.memref_slice %arg13[%mul3A_22, %dma_start3A_26] : memref<10112x128xf32, #tpu.memory_space<vmem_shared>> -> memref<632x128xf32, #tpu.memory_space<vmem_shared>>
        tpu.enqueue_dma source(%dma_start3A_27 : memref<632x128xf32, #tpu.memory_space<vmem_shared>>) target(%dma_start3A_25 : memref<632x128xf32, #tpu.memory_space<hbm>>) target_semaphore(%run_scoped3A : memref<!tpu.dma_semaphore, #tpu.memory_space<semaphore_mem>>)
        %dma_wait3A = arith.constant 0 : i32
        %dma_wait3A_28 = tpu.memref_slice %arg8[%mul3A_24, %dma_wait3A] : memref<10112x128xf32, #tpu.memory_space<hbm>> -> memref<632x128xf32, #tpu.memory_space<hbm>>
        %dma_wait3A_29 = arith.constant 0 : i32
        %dma_wait3A_30 = tpu.memref_slice %arg13[%mul3A_22, %dma_wait3A_29] : memref<10112x128xf32, #tpu.memory_space<vmem_shared>> -> memref<632x128xf32, #tpu.memory_space<vmem_shared>>
        tpu.wait_dma2 semaphore(%run_scoped3A : memref<!tpu.dma_semaphore, #tpu.memory_space<semaphore_mem>>) src(%dma_wait3A_30 : memref<632x128xf32, #tpu.memory_space<vmem_shared>>) dst(%dma_wait3A_28 : memref<632x128xf32, #tpu.memory_space<hbm>>)
        tpu.yield
      }) : () -> ()
    } else {
    }
    return
  }
}

#map = affine_map<(d0, d1) -> (0, 0)>
module attributes {stable_mosaic.version = 14 : i64} {
  func.func @_agg_sc(%arg0: i32, %arg1: i32, %arg2: memref<10000x128xf32, #tpu.memory_space<hbm>>, %arg3: memref<10000x128xf32, #tpu.memory_space<hbm>>, %arg4: memref<1280x128xi32, #tpu.memory_space<hbm>>, %arg5: memref<1280x128xi32, #tpu.memory_space<hbm>>, %arg6: memref<10112x128xf32, #tpu.memory_space<hbm>>, %arg7: memref<10112x128xf32, #tpu.memory_space<hbm>>, %arg8: memref<10112x128xf32, #tpu.memory_space<hbm>>, %arg9: memref<40x128xi32, #tpu.memory_space<vmem>>, %arg10: memref<40x128xi32, #tpu.memory_space<vmem>>, %arg11: memref<128x128xf32, #tpu.memory_space<vmem>>, %arg12: memref<128x128xf32, #tpu.memory_space<vmem>>, %arg13: memref<10112x128xf32, #tpu.memory_space<vmem_shared>>, %arg14: memref<!tpu.dma_semaphore, #tpu.memory_space<semaphore_mem>>, %arg15: memref<!tpu.dma_semaphore, #tpu.memory_space<semaphore_mem>>, %arg16: memref<!tpu.dma_semaphore, #tpu.memory_space<semaphore_mem>>, %arg17: memref<!tpu.dma_semaphore, #tpu.memory_space<semaphore_mem>>) attributes {dimension_semantics = [#tpu.dimension_semantics<core_parallel>, #tpu.dimension_semantics<subcore_parallel>], iteration_bounds = array<i64: 2, 16>, scalar_prefetch = 0 : i64, scratch_operands = 9 : i64, tpu.core_type = #tpu.core_type<sc_vector_subcore>, window_params = [{transform_indices = #map}, {transform_indices = #map}, {transform_indices = #map}, {transform_indices = #map}, {transform_indices = #map}, {transform_indices = #map}, {transform_indices = #map}]} {
    %mul3A = arith.constant 632 : i32
    %mul3A_0 = arith.muli %arg1, %mul3A : i32
    %mul3A_1 = arith.constant 632 : i32
    %mul3A_2 = arith.muli %arg1, %mul3A_1 : i32
    "tpu.region"() ({
      %run_scoped3A = tpu.sem_alloc : memref<!tpu.dma_semaphore, #tpu.memory_space<semaphore_mem>>
      %dma_start3A = arith.constant 0 : i32
      %dma_start3A_21 = tpu.memref_slice %arg13[%mul3A_2, %dma_start3A] : memref<10112x128xf32, #tpu.memory_space<vmem_shared>> -> memref<632x128xf32, #tpu.memory_space<vmem_shared>>
      %dma_start3A_22 = arith.constant 0 : i32
      %dma_start3A_23 = tpu.memref_slice %arg6[%mul3A_0, %dma_start3A_22] : memref<10112x128xf32, #tpu.memory_space<hbm>> -> memref<632x128xf32, #tpu.memory_space<hbm>>
      tpu.enqueue_dma source(%dma_start3A_23 : memref<632x128xf32, #tpu.memory_space<hbm>>) target(%dma_start3A_21 : memref<632x128xf32, #tpu.memory_space<vmem_shared>>) target_semaphore(%run_scoped3A : memref<!tpu.dma_semaphore, #tpu.memory_space<semaphore_mem>>)
      %dma_wait3A = arith.constant 0 : i32
      %dma_wait3A_24 = tpu.memref_slice %arg13[%mul3A_2, %dma_wait3A] : memref<10112x128xf32, #tpu.memory_space<vmem_shared>> -> memref<632x128xf32, #tpu.memory_space<vmem_shared>>
      %dma_wait3A_25 = arith.constant 0 : i32
      %dma_wait3A_26 = tpu.memref_slice %arg6[%mul3A_0, %dma_wait3A_25] : memref<10112x128xf32, #tpu.memory_space<hbm>> -> memref<632x128xf32, #tpu.memory_space<hbm>>
      tpu.wait_dma2 semaphore(%run_scoped3A : memref<!tpu.dma_semaphore, #tpu.memory_space<semaphore_mem>>) src(%dma_wait3A_26 : memref<632x128xf32, #tpu.memory_space<hbm>>) dst(%dma_wait3A_24 : memref<632x128xf32, #tpu.memory_space<vmem_shared>>)
      tpu.yield
    }) : () -> ()
    %barrier3A = arith.constant 0 : index
    tpu.barrier barrier_id(%barrier3A)
    %eq3A = arith.constant 0 : i32
    %eq3A_3 = arith.cmpi eq, %arg0, %eq3A : i32
    %convert_element_type3A = arith.extui %eq3A_3 : i1 to i32
    %cond3A = arith.constant 0 : i32
    %cond3A_4 = arith.cmpi ne, %convert_element_type3A, %cond3A : i32
    scf.if %cond3A_4 {
      %mul3A_21 = arith.constant 80 : i32
      %mul3A_22 = arith.muli %arg1, %mul3A_21 : i32
      %add3A = arith.constant 0 : i32
      %add3A_23 = arith.addi %mul3A_22, %add3A : i32
      "tpu.region"() ({
        %run_scoped3A = tpu.sem_alloc : memref<!tpu.dma_semaphore, #tpu.memory_space<semaphore_mem>>
        %dma_start3A_65 = arith.constant 0 : i32
        %dma_start3A_66 = tpu.memref_slice %arg4[%add3A_23, %dma_start3A_65] : memref<1280x128xi32, #tpu.memory_space<hbm>> -> memref<40x128xi32, #tpu.memory_space<hbm>>
        %dma_start3A_67 = arith.constant 0 : i32
        %dma_start3A_68 = tpu.memref_slice %arg4[%add3A_23, %dma_start3A_67] : memref<1280x128xi32, #tpu.memory_space<hbm>> -> memref<40x128xi32, #tpu.memory_space<hbm>>
        tpu.enqueue_dma source(%dma_start3A_68 : memref<40x128xi32, #tpu.memory_space<hbm>>) target(%arg9 : memref<40x128xi32, #tpu.memory_space<vmem>>) target_semaphore(%run_scoped3A : memref<!tpu.dma_semaphore, #tpu.memory_space<semaphore_mem>>)
        %dma_wait3A_69 = arith.constant 0 : i32
        %dma_wait3A_70 = tpu.memref_slice %arg4[%add3A_23, %dma_wait3A_69] : memref<1280x128xi32, #tpu.memory_space<hbm>> -> memref<40x128xi32, #tpu.memory_space<hbm>>
        %dma_wait3A_71 = arith.constant 0 : i32
        %dma_wait3A_72 = tpu.memref_slice %arg4[%add3A_23, %dma_wait3A_71] : memref<1280x128xi32, #tpu.memory_space<hbm>> -> memref<40x128xi32, #tpu.memory_space<hbm>>
        tpu.wait_dma2 semaphore(%run_scoped3A : memref<!tpu.dma_semaphore, #tpu.memory_space<semaphore_mem>>) src(%dma_wait3A_72 : memref<40x128xi32, #tpu.memory_space<hbm>>) dst(%arg9 : memref<40x128xi32, #tpu.memory_space<vmem>>)
        tpu.yield
      }) : () -> ()
      "tpu.region"() ({
        %run_scoped3A = tpu.sem_alloc : memref<!tpu.dma_semaphore, #tpu.memory_space<semaphore_mem>>
        %dma_start3A_65 = arith.constant 0 : i32
        %dma_start3A_66 = tpu.memref_slice %arg5[%add3A_23, %dma_start3A_65] : memref<1280x128xi32, #tpu.memory_space<hbm>> -> memref<40x128xi32, #tpu.memory_space<hbm>>
        %dma_start3A_67 = arith.constant 0 : i32
        %dma_start3A_68 = tpu.memref_slice %arg5[%add3A_23, %dma_start3A_67] : memref<1280x128xi32, #tpu.memory_space<hbm>> -> memref<40x128xi32, #tpu.memory_space<hbm>>
        tpu.enqueue_dma source(%dma_start3A_68 : memref<40x128xi32, #tpu.memory_space<hbm>>) target(%arg10 : memref<40x128xi32, #tpu.memory_space<vmem>>) target_semaphore(%run_scoped3A : memref<!tpu.dma_semaphore, #tpu.memory_space<semaphore_mem>>)
        %dma_wait3A_69 = arith.constant 0 : i32
        %dma_wait3A_70 = tpu.memref_slice %arg5[%add3A_23, %dma_wait3A_69] : memref<1280x128xi32, #tpu.memory_space<hbm>> -> memref<40x128xi32, #tpu.memory_space<hbm>>
        %dma_wait3A_71 = arith.constant 0 : i32
        %dma_wait3A_72 = tpu.memref_slice %arg5[%add3A_23, %dma_wait3A_71] : memref<1280x128xi32, #tpu.memory_space<hbm>> -> memref<40x128xi32, #tpu.memory_space<hbm>>
        tpu.wait_dma2 semaphore(%run_scoped3A : memref<!tpu.dma_semaphore, #tpu.memory_space<semaphore_mem>>) src(%dma_wait3A_72 : memref<40x128xi32, #tpu.memory_space<hbm>>) dst(%arg10 : memref<40x128xi32, #tpu.memory_space<vmem>>)
        tpu.yield
      }) : () -> ()
      %dma_start3A = arith.constant 0 : i32
      %dma_start3A_24 = arith.constant 0 : i32
      %dma_start3A_25 = tpu.memref_slice %arg9[%dma_start3A, %dma_start3A_24] : memref<40x128xi32, #tpu.memory_space<vmem>> -> memref<1x128xi32, #tpu.memory_space<vmem>>
      %dma_start3A_26 = tpu.memref_squeeze %dma_start3A_25 : memref<1x128xi32, #tpu.memory_space<vmem>> -> memref<128xi32, #tpu.memory_space<vmem>>
      %dma_start3A_27 = arith.constant 0 : i32
      %dma_start3A_28 = arith.constant 0 : i32
      %dma_start3A_29 = tpu.memref_slice %arg2[%dma_start3A_27, %dma_start3A_28] : memref<10000x128xf32, #tpu.memory_space<hbm>> -> memref<10000x128xf32, #tpu.memory_space<hbm>>
      tpu.enqueue_indirect_dma source(%dma_start3A_29 : memref<10000x128xf32, #tpu.memory_space<hbm>>) target(%arg11 : memref<128x128xf32, #tpu.memory_space<vmem>>) offsets(%dma_start3A_26 : memref<128xi32, #tpu.memory_space<vmem>>) semaphore(%arg14 : memref<!tpu.dma_semaphore, #tpu.memory_space<semaphore_mem>>)
      %scan3A = arith.constant 0 : i32
      %scan3A_30 = arith.constant 0 : i32
      %scan3A_31 = arith.constant 20 : i32
      %scan3A_32 = arith.addi %scan3A_30, %scan3A_31 : i32
      %scan3A_33 = arith.constant 1 : i32
      scf.for %scan3A_65 = %scan3A_30 to %scan3A_32 step %scan3A_33  : i32 {
        %mul3A_66 = arith.constant 2 : i32
        %mul3A_67 = arith.muli %mul3A_66, %scan3A_65 : i32
        %add3A_68 = arith.constant 0 : i32
        %add3A_69 = arith.addi %mul3A_67, %add3A_68 : i32
        %dma_wait3A_70 = arith.constant 0 : i32
        %dma_wait3A_71 = tpu.memref_slice %arg9[%add3A_69, %dma_wait3A_70] : memref<40x128xi32, #tpu.memory_space<vmem>> -> memref<1x128xi32, #tpu.memory_space<vmem>>
        %dma_wait3A_72 = tpu.memref_squeeze %dma_wait3A_71 : memref<1x128xi32, #tpu.memory_space<vmem>> -> memref<128xi32, #tpu.memory_space<vmem>>
        %dma_wait3A_73 = arith.constant 0 : i32
        %dma_wait3A_74 = arith.constant 0 : i32
        %dma_wait3A_75 = tpu.memref_slice %arg2[%dma_wait3A_73, %dma_wait3A_74] : memref<10000x128xf32, #tpu.memory_space<hbm>> -> memref<10000x128xf32, #tpu.memory_space<hbm>>
        tpu.wait_indirect_dma semaphore(%arg14 : memref<!tpu.dma_semaphore, #tpu.memory_space<semaphore_mem>>) src(%dma_wait3A_75 : memref<10000x128xf32, #tpu.memory_space<hbm>>) dst(%arg11 : memref<128x128xf32, #tpu.memory_space<vmem>>)
        %dma_start3A_76 = arith.constant 0 : i32
        %dma_start3A_77 = tpu.memref_slice %arg10[%add3A_69, %dma_start3A_76] : memref<40x128xi32, #tpu.memory_space<vmem>> -> memref<1x128xi32, #tpu.memory_space<vmem>>
        %dma_start3A_78 = tpu.memref_squeeze %dma_start3A_77 : memref<1x128xi32, #tpu.memory_space<vmem>> -> memref<128xi32, #tpu.memory_space<vmem>>
        %dma_start3A_79 = arith.constant 0 : i32
        %dma_start3A_80 = arith.constant 0 : i32
        %dma_start3A_81 = tpu.memref_slice %arg13[%dma_start3A_79, %dma_start3A_80] : memref<10112x128xf32, #tpu.memory_space<vmem_shared>> -> memref<10112x128xf32, #tpu.memory_space<vmem_shared>>
        tpu.enqueue_indirect_dma source(%arg11 : memref<128x128xf32, #tpu.memory_space<vmem>>) target(%dma_start3A_81 : memref<10112x128xf32, #tpu.memory_space<vmem_shared>>) offsets(%dma_start3A_78 : memref<128xi32, #tpu.memory_space<vmem>>) semaphore(%arg16 : memref<!tpu.dma_semaphore, #tpu.memory_space<semaphore_mem>>) {add = true}
        %ge3A = arith.constant 1 : i32
        %ge3A_82 = arith.cmpi sge, %add3A_69, %ge3A : i32
        %convert_element_type3A_83 = arith.extui %ge3A_82 : i1 to i32
        %cond3A_84 = arith.constant 0 : i32
        %cond3A_85 = arith.cmpi ne, %convert_element_type3A_83, %cond3A_84 : i32
        scf.if %cond3A_85 {
          %sub3A = arith.constant 1 : i32
          %sub3A_120 = arith.subi %add3A_69, %sub3A : i32
          %dma_wait3A_121 = arith.constant 0 : i32
          %dma_wait3A_122 = tpu.memref_slice %arg10[%sub3A_120, %dma_wait3A_121] : memref<40x128xi32, #tpu.memory_space<vmem>> -> memref<1x128xi32, #tpu.memory_space<vmem>>
          %dma_wait3A_123 = tpu.memref_squeeze %dma_wait3A_122 : memref<1x128xi32, #tpu.memory_space<vmem>> -> memref<128xi32, #tpu.memory_space<vmem>>
          %dma_wait3A_124 = arith.constant 0 : i32
          %dma_wait3A_125 = arith.constant 0 : i32
          %dma_wait3A_126 = tpu.memref_slice %arg13[%dma_wait3A_124, %dma_wait3A_125] : memref<10112x128xf32, #tpu.memory_space<vmem_shared>> -> memref<10112x128xf32, #tpu.memory_space<vmem_shared>>
          tpu.wait_indirect_dma semaphore(%arg17 : memref<!tpu.dma_semaphore, #tpu.memory_space<semaphore_mem>>) src(%arg12 : memref<128x128xf32, #tpu.memory_space<vmem>>) dst(%dma_wait3A_126 : memref<10112x128xf32, #tpu.memory_space<vmem_shared>>)
        } else {
        }
        %add3A_86 = arith.constant 1 : i32
        %add3A_87 = arith.addi %add3A_69, %add3A_86 : i32
        %lt3A = arith.constant 40 : i32
        %lt3A_88 = arith.cmpi slt, %add3A_87, %lt3A : i32
        %convert_element_type3A_89 = arith.extui %lt3A_88 : i1 to i32
        %cond3A_90 = arith.constant 0 : i32
        %cond3A_91 = arith.cmpi ne, %convert_element_type3A_89, %cond3A_90 : i32
        scf.if %cond3A_91 {
          %add3A_120 = arith.constant 1 : i32
          %add3A_121 = arith.addi %add3A_69, %add3A_120 : i32
          %dma_start3A_122 = arith.constant 0 : i32
          %dma_start3A_123 = tpu.memref_slice %arg9[%add3A_121, %dma_start3A_122] : memref<40x128xi32, #tpu.memory_space<vmem>> -> memref<1x128xi32, #tpu.memory_space<vmem>>
          %dma_start3A_124 = tpu.memref_squeeze %dma_start3A_123 : memref<1x128xi32, #tpu.memory_space<vmem>> -> memref<128xi32, #tpu.memory_space<vmem>>
          %dma_start3A_125 = arith.constant 0 : i32
          %dma_start3A_126 = arith.constant 0 : i32
          %dma_start3A_127 = tpu.memref_slice %arg2[%dma_start3A_125, %dma_start3A_126] : memref<10000x128xf32, #tpu.memory_space<hbm>> -> memref<10000x128xf32, #tpu.memory_space<hbm>>
          tpu.enqueue_indirect_dma source(%dma_start3A_127 : memref<10000x128xf32, #tpu.memory_space<hbm>>) target(%arg12 : memref<128x128xf32, #tpu.memory_space<vmem>>) offsets(%dma_start3A_124 : memref<128xi32, #tpu.memory_space<vmem>>) semaphore(%arg15 : memref<!tpu.dma_semaphore, #tpu.memory_space<semaphore_mem>>)
        } else {
        }
        %mul3A_92 = arith.constant 2 : i32
        %mul3A_93 = arith.muli %mul3A_92, %scan3A_65 : i32
        %add3A_94 = arith.constant 1 : i32
        %add3A_95 = arith.addi %mul3A_93, %add3A_94 : i32
        %dma_wait3A_96 = arith.constant 0 : i32
        %dma_wait3A_97 = tpu.memref_slice %arg9[%add3A_95, %dma_wait3A_96] : memref<40x128xi32, #tpu.memory_space<vmem>> -> memref<1x128xi32, #tpu.memory_space<vmem>>
        %dma_wait3A_98 = tpu.memref_squeeze %dma_wait3A_97 : memref<1x128xi32, #tpu.memory_space<vmem>> -> memref<128xi32, #tpu.memory_space<vmem>>
        %dma_wait3A_99 = arith.constant 0 : i32
        %dma_wait3A_100 = arith.constant 0 : i32
        %dma_wait3A_101 = tpu.memref_slice %arg2[%dma_wait3A_99, %dma_wait3A_100] : memref<10000x128xf32, #tpu.memory_space<hbm>> -> memref<10000x128xf32, #tpu.memory_space<hbm>>
        tpu.wait_indirect_dma semaphore(%arg15 : memref<!tpu.dma_semaphore, #tpu.memory_space<semaphore_mem>>) src(%dma_wait3A_101 : memref<10000x128xf32, #tpu.memory_space<hbm>>) dst(%arg12 : memref<128x128xf32, #tpu.memory_space<vmem>>)
        %dma_start3A_102 = arith.constant 0 : i32
        %dma_start3A_103 = tpu.memref_slice %arg10[%add3A_95, %dma_start3A_102] : memref<40x128xi32, #tpu.memory_space<vmem>> -> memref<1x128xi32, #tpu.memory_space<vmem>>
        %dma_start3A_104 = tpu.memref_squeeze %dma_start3A_103 : memref<1x128xi32, #tpu.memory_space<vmem>> -> memref<128xi32, #tpu.memory_space<vmem>>
        %dma_start3A_105 = arith.constant 0 : i32
        %dma_start3A_106 = arith.constant 0 : i32
        %dma_start3A_107 = tpu.memref_slice %arg13[%dma_start3A_105, %dma_start3A_106] : memref<10112x128xf32, #tpu.memory_space<vmem_shared>> -> memref<10112x128xf32, #tpu.memory_space<vmem_shared>>
        tpu.enqueue_indirect_dma source(%arg12 : memref<128x128xf32, #tpu.memory_space<vmem>>) target(%dma_start3A_107 : memref<10112x128xf32, #tpu.memory_space<vmem_shared>>) offsets(%dma_start3A_104 : memref<128xi32, #tpu.memory_space<vmem>>) semaphore(%arg17 : memref<!tpu.dma_semaphore, #tpu.memory_space<semaphore_mem>>) {add = true}
        %ge3A_108 = arith.constant 1 : i32
        %ge3A_109 = arith.cmpi sge, %add3A_95, %ge3A_108 : i32
        %convert_element_type3A_110 = arith.extui %ge3A_109 : i1 to i32
        %cond3A_111 = arith.constant 0 : i32
        %cond3A_112 = arith.cmpi ne, %convert_element_type3A_110, %cond3A_111 : i32
        scf.if %cond3A_112 {
          %sub3A = arith.constant 1 : i32
          %sub3A_120 = arith.subi %add3A_95, %sub3A : i32
          %dma_wait3A_121 = arith.constant 0 : i32
          %dma_wait3A_122 = tpu.memref_slice %arg10[%sub3A_120, %dma_wait3A_121] : memref<40x128xi32, #tpu.memory_space<vmem>> -> memref<1x128xi32, #tpu.memory_space<vmem>>
          %dma_wait3A_123 = tpu.memref_squeeze %dma_wait3A_122 : memref<1x128xi32, #tpu.memory_space<vmem>> -> memref<128xi32, #tpu.memory_space<vmem>>
          %dma_wait3A_124 = arith.constant 0 : i32
          %dma_wait3A_125 = arith.constant 0 : i32
          %dma_wait3A_126 = tpu.memref_slice %arg13[%dma_wait3A_124, %dma_wait3A_125] : memref<10112x128xf32, #tpu.memory_space<vmem_shared>> -> memref<10112x128xf32, #tpu.memory_space<vmem_shared>>
          tpu.wait_indirect_dma semaphore(%arg16 : memref<!tpu.dma_semaphore, #tpu.memory_space<semaphore_mem>>) src(%arg11 : memref<128x128xf32, #tpu.memory_space<vmem>>) dst(%dma_wait3A_126 : memref<10112x128xf32, #tpu.memory_space<vmem_shared>>)
        } else {
        }
        %add3A_113 = arith.constant 1 : i32
        %add3A_114 = arith.addi %add3A_95, %add3A_113 : i32
        %lt3A_115 = arith.constant 40 : i32
        %lt3A_116 = arith.cmpi slt, %add3A_114, %lt3A_115 : i32
        %convert_element_type3A_117 = arith.extui %lt3A_116 : i1 to i32
        %cond3A_118 = arith.constant 0 : i32
        %cond3A_119 = arith.cmpi ne, %convert_element_type3A_117, %cond3A_118 : i32
        scf.if %cond3A_119 {
          %add3A_120 = arith.constant 1 : i32
          %add3A_121 = arith.addi %add3A_95, %add3A_120 : i32
          %dma_start3A_122 = arith.constant 0 : i32
          %dma_start3A_123 = tpu.memref_slice %arg9[%add3A_121, %dma_start3A_122] : memref<40x128xi32, #tpu.memory_space<vmem>> -> memref<1x128xi32, #tpu.memory_space<vmem>>
          %dma_start3A_124 = tpu.memref_squeeze %dma_start3A_123 : memref<1x128xi32, #tpu.memory_space<vmem>> -> memref<128xi32, #tpu.memory_space<vmem>>
          %dma_start3A_125 = arith.constant 0 : i32
          %dma_start3A_126 = arith.constant 0 : i32
          %dma_start3A_127 = tpu.memref_slice %arg2[%dma_start3A_125, %dma_start3A_126] : memref<10000x128xf32, #tpu.memory_space<hbm>> -> memref<10000x128xf32, #tpu.memory_space<hbm>>
          tpu.enqueue_indirect_dma source(%dma_start3A_127 : memref<10000x128xf32, #tpu.memory_space<hbm>>) target(%arg11 : memref<128x128xf32, #tpu.memory_space<vmem>>) offsets(%dma_start3A_124 : memref<128xi32, #tpu.memory_space<vmem>>) semaphore(%arg14 : memref<!tpu.dma_semaphore, #tpu.memory_space<semaphore_mem>>)
        } else {
        }
      }
      %scan3A_34 = arith.constant 20 : i32
      %dma_wait3A = arith.constant 39 : i32
      %dma_wait3A_35 = arith.constant 0 : i32
      %dma_wait3A_36 = tpu.memref_slice %arg10[%dma_wait3A, %dma_wait3A_35] : memref<40x128xi32, #tpu.memory_space<vmem>> -> memref<1x128xi32, #tpu.memory_space<vmem>>
      %dma_wait3A_37 = tpu.memref_squeeze %dma_wait3A_36 : memref<1x128xi32, #tpu.memory_space<vmem>> -> memref<128xi32, #tpu.memory_space<vmem>>
      %dma_wait3A_38 = arith.constant 0 : i32
      %dma_wait3A_39 = arith.constant 0 : i32
      %dma_wait3A_40 = tpu.memref_slice %arg13[%dma_wait3A_38, %dma_wait3A_39] : memref<10112x128xf32, #tpu.memory_space<vmem_shared>> -> memref<10112x128xf32, #tpu.memory_space<vmem_shared>>
      tpu.wait_indirect_dma semaphore(%arg17 : memref<!tpu.dma_semaphore, #tpu.memory_space<semaphore_mem>>) src(%arg12 : memref<128x128xf32, #tpu.memory_space<vmem>>) dst(%dma_wait3A_40 : memref<10112x128xf32, #tpu.memory_space<vmem_shared>>)
      %mul3A_41 = arith.constant 80 : i32
      %mul3A_42 = arith.muli %arg1, %mul3A_41 : i32
      %add3A_43 = arith.constant 40 : i32
      %add3A_44 = arith.addi %mul3A_42, %add3A_43 : i32
      "tpu.region"() ({
        %run_scoped3A = tpu.sem_alloc : memref<!tpu.dma_semaphore, #tpu.memory_space<semaphore_mem>>
        %dma_start3A_65 = arith.constant 0 : i32
        %dma_start3A_66 = tpu.memref_slice %arg4[%add3A_44, %dma_start3A_65] : memref<1280x128xi32, #tpu.memory_space<hbm>> -> memref<40x128xi32, #tpu.memory_space<hbm>>
        %dma_start3A_67 = arith.constant 0 : i32
        %dma_start3A_68 = tpu.memref_slice %arg4[%add3A_44, %dma_start3A_67] : memref<1280x128xi32, #tpu.memory_space<hbm>> -> memref<40x128xi32, #tpu.memory_space<hbm>>
        tpu.enqueue_dma source(%dma_start3A_68 : memref<40x128xi32, #tpu.memory_space<hbm>>) target(%arg9 : memref<40x128xi32, #tpu.memory_space<vmem>>) target_semaphore(%run_scoped3A : memref<!tpu.dma_semaphore, #tpu.memory_space<semaphore_mem>>)
        %dma_wait3A_69 = arith.constant 0 : i32
        %dma_wait3A_70 = tpu.memref_slice %arg4[%add3A_44, %dma_wait3A_69] : memref<1280x128xi32, #tpu.memory_space<hbm>> -> memref<40x128xi32, #tpu.memory_space<hbm>>
        %dma_wait3A_71 = arith.constant 0 : i32
        %dma_wait3A_72 = tpu.memref_slice %arg4[%add3A_44, %dma_wait3A_71] : memref<1280x128xi32, #tpu.memory_space<hbm>> -> memref<40x128xi32, #tpu.memory_space<hbm>>
        tpu.wait_dma2 semaphore(%run_scoped3A : memref<!tpu.dma_semaphore, #tpu.memory_space<semaphore_mem>>) src(%dma_wait3A_72 : memref<40x128xi32, #tpu.memory_space<hbm>>) dst(%arg9 : memref<40x128xi32, #tpu.memory_space<vmem>>)
        tpu.yield
      }) : () -> ()
      "tpu.region"() ({
        %run_scoped3A = tpu.sem_alloc : memref<!tpu.dma_semaphore, #tpu.memory_space<semaphore_mem>>
        %dma_start3A_65 = arith.constant 0 : i32
        %dma_start3A_66 = tpu.memref_slice %arg5[%add3A_44, %dma_start3A_65] : memref<1280x128xi32, #tpu.memory_space<hbm>> -> memref<40x128xi32, #tpu.memory_space<hbm>>
        %dma_start3A_67 = arith.constant 0 : i32
        %dma_start3A_68 = tpu.memref_slice %arg5[%add3A_44, %dma_start3A_67] : memref<1280x128xi32, #tpu.memory_space<hbm>> -> memref<40x128xi32, #tpu.memory_space<hbm>>
        tpu.enqueue_dma source(%dma_start3A_68 : memref<40x128xi32, #tpu.memory_space<hbm>>) target(%arg10 : memref<40x128xi32, #tpu.memory_space<vmem>>) target_semaphore(%run_scoped3A : memref<!tpu.dma_semaphore, #tpu.memory_space<semaphore_mem>>)
        %dma_wait3A_69 = arith.constant 0 : i32
        %dma_wait3A_70 = tpu.memref_slice %arg5[%add3A_44, %dma_wait3A_69] : memref<1280x128xi32, #tpu.memory_space<hbm>> -> memref<40x128xi32, #tpu.memory_space<hbm>>
        %dma_wait3A_71 = arith.constant 0 : i32
        %dma_wait3A_72 = tpu.memref_slice %arg5[%add3A_44, %dma_wait3A_71] : memref<1280x128xi32, #tpu.memory_space<hbm>> -> memref<40x128xi32, #tpu.memory_space<hbm>>
        tpu.wait_dma2 semaphore(%run_scoped3A : memref<!tpu.dma_semaphore, #tpu.memory_space<semaphore_mem>>) src(%dma_wait3A_72 : memref<40x128xi32, #tpu.memory_space<hbm>>) dst(%arg10 : memref<40x128xi32, #tpu.memory_space<vmem>>)
        tpu.yield
      }) : () -> ()
      %dma_start3A_45 = arith.constant 0 : i32
      %dma_start3A_46 = arith.constant 0 : i32
      %dma_start3A_47 = tpu.memref_slice %arg9[%dma_start3A_45, %dma_start3A_46] : memref<40x128xi32, #tpu.memory_space<vmem>> -> memref<1x128xi32, #tpu.memory_space<vmem>>
      %dma_start3A_48 = tpu.memref_squeeze %dma_start3A_47 : memref<1x128xi32, #tpu.memory_space<vmem>> -> memref<128xi32, #tpu.memory_space<vmem>>
      %dma_start3A_49 = arith.constant 0 : i32
      %dma_start3A_50 = arith.constant 0 : i32
      %dma_start3A_51 = tpu.memref_slice %arg2[%dma_start3A_49, %dma_start3A_50] : memref<10000x128xf32, #tpu.memory_space<hbm>> -> memref<10000x128xf32, #tpu.memory_space<hbm>>
      tpu.enqueue_indirect_dma source(%dma_start3A_51 : memref<10000x128xf32, #tpu.memory_space<hbm>>) target(%arg11 : memref<128x128xf32, #tpu.memory_space<vmem>>) offsets(%dma_start3A_48 : memref<128xi32, #tpu.memory_space<vmem>>) semaphore(%arg14 : memref<!tpu.dma_semaphore, #tpu.memory_space<semaphore_mem>>)
      %scan3A_52 = arith.constant 0 : i32
      %scan3A_53 = arith.constant 0 : i32
      %scan3A_54 = arith.constant 20 : i32
      %scan3A_55 = arith.addi %scan3A_53, %scan3A_54 : i32
      %scan3A_56 = arith.constant 1 : i32
      scf.for %scan3A_65 = %scan3A_53 to %scan3A_55 step %scan3A_56  : i32 {
        %mul3A_66 = arith.constant 2 : i32
        %mul3A_67 = arith.muli %mul3A_66, %scan3A_65 : i32
        %add3A_68 = arith.constant 0 : i32
        %add3A_69 = arith.addi %mul3A_67, %add3A_68 : i32
        %dma_wait3A_70 = arith.constant 0 : i32
        %dma_wait3A_71 = tpu.memref_slice %arg9[%add3A_69, %dma_wait3A_70] : memref<40x128xi32, #tpu.memory_space<vmem>> -> memref<1x128xi32, #tpu.memory_space<vmem>>
        %dma_wait3A_72 = tpu.memref_squeeze %dma_wait3A_71 : memref<1x128xi32, #tpu.memory_space<vmem>> -> memref<128xi32, #tpu.memory_space<vmem>>
        %dma_wait3A_73 = arith.constant 0 : i32
        %dma_wait3A_74 = arith.constant 0 : i32
        %dma_wait3A_75 = tpu.memref_slice %arg2[%dma_wait3A_73, %dma_wait3A_74] : memref<10000x128xf32, #tpu.memory_space<hbm>> -> memref<10000x128xf32, #tpu.memory_space<hbm>>
        tpu.wait_indirect_dma semaphore(%arg14 : memref<!tpu.dma_semaphore, #tpu.memory_space<semaphore_mem>>) src(%dma_wait3A_75 : memref<10000x128xf32, #tpu.memory_space<hbm>>) dst(%arg11 : memref<128x128xf32, #tpu.memory_space<vmem>>)
        %dma_start3A_76 = arith.constant 0 : i32
        %dma_start3A_77 = tpu.memref_slice %arg10[%add3A_69, %dma_start3A_76] : memref<40x128xi32, #tpu.memory_space<vmem>> -> memref<1x128xi32, #tpu.memory_space<vmem>>
        %dma_start3A_78 = tpu.memref_squeeze %dma_start3A_77 : memref<1x128xi32, #tpu.memory_space<vmem>> -> memref<128xi32, #tpu.memory_space<vmem>>
        %dma_start3A_79 = arith.constant 0 : i32
        %dma_start3A_80 = arith.constant 0 : i32
        %dma_start3A_81 = tpu.memref_slice %arg13[%dma_start3A_79, %dma_start3A_80] : memref<10112x128xf32, #tpu.memory_space<vmem_shared>> -> memref<10112x128xf32, #tpu.memory_space<vmem_shared>>
        tpu.enqueue_indirect_dma source(%arg11 : memref<128x128xf32, #tpu.memory_space<vmem>>) target(%dma_start3A_81 : memref<10112x128xf32, #tpu.memory_space<vmem_shared>>) offsets(%dma_start3A_78 : memref<128xi32, #tpu.memory_space<vmem>>) semaphore(%arg16 : memref<!tpu.dma_semaphore, #tpu.memory_space<semaphore_mem>>) {add = true}
        %ge3A = arith.constant 1 : i32
        %ge3A_82 = arith.cmpi sge, %add3A_69, %ge3A : i32
        %convert_element_type3A_83 = arith.extui %ge3A_82 : i1 to i32
        %cond3A_84 = arith.constant 0 : i32
        %cond3A_85 = arith.cmpi ne, %convert_element_type3A_83, %cond3A_84 : i32
        scf.if %cond3A_85 {
          %sub3A = arith.constant 1 : i32
          %sub3A_120 = arith.subi %add3A_69, %sub3A : i32
          %dma_wait3A_121 = arith.constant 0 : i32
          %dma_wait3A_122 = tpu.memref_slice %arg10[%sub3A_120, %dma_wait3A_121] : memref<40x128xi32, #tpu.memory_space<vmem>> -> memref<1x128xi32, #tpu.memory_space<vmem>>
          %dma_wait3A_123 = tpu.memref_squeeze %dma_wait3A_122 : memref<1x128xi32, #tpu.memory_space<vmem>> -> memref<128xi32, #tpu.memory_space<vmem>>
          %dma_wait3A_124 = arith.constant 0 : i32
          %dma_wait3A_125 = arith.constant 0 : i32
          %dma_wait3A_126 = tpu.memref_slice %arg13[%dma_wait3A_124, %dma_wait3A_125] : memref<10112x128xf32, #tpu.memory_space<vmem_shared>> -> memref<10112x128xf32, #tpu.memory_space<vmem_shared>>
          tpu.wait_indirect_dma semaphore(%arg17 : memref<!tpu.dma_semaphore, #tpu.memory_space<semaphore_mem>>) src(%arg12 : memref<128x128xf32, #tpu.memory_space<vmem>>) dst(%dma_wait3A_126 : memref<10112x128xf32, #tpu.memory_space<vmem_shared>>)
        } else {
        }
        %add3A_86 = arith.constant 1 : i32
        %add3A_87 = arith.addi %add3A_69, %add3A_86 : i32
        %lt3A = arith.constant 40 : i32
        %lt3A_88 = arith.cmpi slt, %add3A_87, %lt3A : i32
        %convert_element_type3A_89 = arith.extui %lt3A_88 : i1 to i32
        %cond3A_90 = arith.constant 0 : i32
        %cond3A_91 = arith.cmpi ne, %convert_element_type3A_89, %cond3A_90 : i32
        scf.if %cond3A_91 {
          %add3A_120 = arith.constant 1 : i32
          %add3A_121 = arith.addi %add3A_69, %add3A_120 : i32
          %dma_start3A_122 = arith.constant 0 : i32
          %dma_start3A_123 = tpu.memref_slice %arg9[%add3A_121, %dma_start3A_122] : memref<40x128xi32, #tpu.memory_space<vmem>> -> memref<1x128xi32, #tpu.memory_space<vmem>>
          %dma_start3A_124 = tpu.memref_squeeze %dma_start3A_123 : memref<1x128xi32, #tpu.memory_space<vmem>> -> memref<128xi32, #tpu.memory_space<vmem>>
          %dma_start3A_125 = arith.constant 0 : i32
          %dma_start3A_126 = arith.constant 0 : i32
          %dma_start3A_127 = tpu.memref_slice %arg2[%dma_start3A_125, %dma_start3A_126] : memref<10000x128xf32, #tpu.memory_space<hbm>> -> memref<10000x128xf32, #tpu.memory_space<hbm>>
          tpu.enqueue_indirect_dma source(%dma_start3A_127 : memref<10000x128xf32, #tpu.memory_space<hbm>>) target(%arg12 : memref<128x128xf32, #tpu.memory_space<vmem>>) offsets(%dma_start3A_124 : memref<128xi32, #tpu.memory_space<vmem>>) semaphore(%arg15 : memref<!tpu.dma_semaphore, #tpu.memory_space<semaphore_mem>>)
        } else {
        }
        %mul3A_92 = arith.constant 2 : i32
        %mul3A_93 = arith.muli %mul3A_92, %scan3A_65 : i32
        %add3A_94 = arith.constant 1 : i32
        %add3A_95 = arith.addi %mul3A_93, %add3A_94 : i32
        %dma_wait3A_96 = arith.constant 0 : i32
        %dma_wait3A_97 = tpu.memref_slice %arg9[%add3A_95, %dma_wait3A_96] : memref<40x128xi32, #tpu.memory_space<vmem>> -> memref<1x128xi32, #tpu.memory_space<vmem>>
        %dma_wait3A_98 = tpu.memref_squeeze %dma_wait3A_97 : memref<1x128xi32, #tpu.memory_space<vmem>> -> memref<128xi32, #tpu.memory_space<vmem>>
        %dma_wait3A_99 = arith.constant 0 : i32
        %dma_wait3A_100 = arith.constant 0 : i32
        %dma_wait3A_101 = tpu.memref_slice %arg2[%dma_wait3A_99, %dma_wait3A_100] : memref<10000x128xf32, #tpu.memory_space<hbm>> -> memref<10000x128xf32, #tpu.memory_space<hbm>>
        tpu.wait_indirect_dma semaphore(%arg15 : memref<!tpu.dma_semaphore, #tpu.memory_space<semaphore_mem>>) src(%dma_wait3A_101 : memref<10000x128xf32, #tpu.memory_space<hbm>>) dst(%arg12 : memref<128x128xf32, #tpu.memory_space<vmem>>)
        %dma_start3A_102 = arith.constant 0 : i32
        %dma_start3A_103 = tpu.memref_slice %arg10[%add3A_95, %dma_start3A_102] : memref<40x128xi32, #tpu.memory_space<vmem>> -> memref<1x128xi32, #tpu.memory_space<vmem>>
        %dma_start3A_104 = tpu.memref_squeeze %dma_start3A_103 : memref<1x128xi32, #tpu.memory_space<vmem>> -> memref<128xi32, #tpu.memory_space<vmem>>
        %dma_start3A_105 = arith.constant 0 : i32
        %dma_start3A_106 = arith.constant 0 : i32
        %dma_start3A_107 = tpu.memref_slice %arg13[%dma_start3A_105, %dma_start3A_106] : memref<10112x128xf32, #tpu.memory_space<vmem_shared>> -> memref<10112x128xf32, #tpu.memory_space<vmem_shared>>
        tpu.enqueue_indirect_dma source(%arg12 : memref<128x128xf32, #tpu.memory_space<vmem>>) target(%dma_start3A_107 : memref<10112x128xf32, #tpu.memory_space<vmem_shared>>) offsets(%dma_start3A_104 : memref<128xi32, #tpu.memory_space<vmem>>) semaphore(%arg17 : memref<!tpu.dma_semaphore, #tpu.memory_space<semaphore_mem>>) {add = true}
        %ge3A_108 = arith.constant 1 : i32
        %ge3A_109 = arith.cmpi sge, %add3A_95, %ge3A_108 : i32
        %convert_element_type3A_110 = arith.extui %ge3A_109 : i1 to i32
        %cond3A_111 = arith.constant 0 : i32
        %cond3A_112 = arith.cmpi ne, %convert_element_type3A_110, %cond3A_111 : i32
        scf.if %cond3A_112 {
          %sub3A = arith.constant 1 : i32
          %sub3A_120 = arith.subi %add3A_95, %sub3A : i32
          %dma_wait3A_121 = arith.constant 0 : i32
          %dma_wait3A_122 = tpu.memref_slice %arg10[%sub3A_120, %dma_wait3A_121] : memref<40x128xi32, #tpu.memory_space<vmem>> -> memref<1x128xi32, #tpu.memory_space<vmem>>
          %dma_wait3A_123 = tpu.memref_squeeze %dma_wait3A_122 : memref<1x128xi32, #tpu.memory_space<vmem>> -> memref<128xi32, #tpu.memory_space<vmem>>
          %dma_wait3A_124 = arith.constant 0 : i32
          %dma_wait3A_125 = arith.constant 0 : i32
          %dma_wait3A_126 = tpu.memref_slice %arg13[%dma_wait3A_124, %dma_wait3A_125] : memref<10112x128xf32, #tpu.memory_space<vmem_shared>> -> memref<10112x128xf32, #tpu.memory_space<vmem_shared>>
          tpu.wait_indirect_dma semaphore(%arg16 : memref<!tpu.dma_semaphore, #tpu.memory_space<semaphore_mem>>) src(%arg11 : memref<128x128xf32, #tpu.memory_space<vmem>>) dst(%dma_wait3A_126 : memref<10112x128xf32, #tpu.memory_space<vmem_shared>>)
        } else {
        }
        %add3A_113 = arith.constant 1 : i32
        %add3A_114 = arith.addi %add3A_95, %add3A_113 : i32
        %lt3A_115 = arith.constant 40 : i32
        %lt3A_116 = arith.cmpi slt, %add3A_114, %lt3A_115 : i32
        %convert_element_type3A_117 = arith.extui %lt3A_116 : i1 to i32
        %cond3A_118 = arith.constant 0 : i32
        %cond3A_119 = arith.cmpi ne, %convert_element_type3A_117, %cond3A_118 : i32
        scf.if %cond3A_119 {
          %add3A_120 = arith.constant 1 : i32
          %add3A_121 = arith.addi %add3A_95, %add3A_120 : i32
          %dma_start3A_122 = arith.constant 0 : i32
          %dma_start3A_123 = tpu.memref_slice %arg9[%add3A_121, %dma_start3A_122] : memref<40x128xi32, #tpu.memory_space<vmem>> -> memref<1x128xi32, #tpu.memory_space<vmem>>
          %dma_start3A_124 = tpu.memref_squeeze %dma_start3A_123 : memref<1x128xi32, #tpu.memory_space<vmem>> -> memref<128xi32, #tpu.memory_space<vmem>>
          %dma_start3A_125 = arith.constant 0 : i32
          %dma_start3A_126 = arith.constant 0 : i32
          %dma_start3A_127 = tpu.memref_slice %arg2[%dma_start3A_125, %dma_start3A_126] : memref<10000x128xf32, #tpu.memory_space<hbm>> -> memref<10000x128xf32, #tpu.memory_space<hbm>>
          tpu.enqueue_indirect_dma source(%dma_start3A_127 : memref<10000x128xf32, #tpu.memory_space<hbm>>) target(%arg11 : memref<128x128xf32, #tpu.memory_space<vmem>>) offsets(%dma_start3A_124 : memref<128xi32, #tpu.memory_space<vmem>>) semaphore(%arg14 : memref<!tpu.dma_semaphore, #tpu.memory_space<semaphore_mem>>)
        } else {
        }
      }
      %scan3A_57 = arith.constant 20 : i32
      %dma_wait3A_58 = arith.constant 39 : i32
      %dma_wait3A_59 = arith.constant 0 : i32
      %dma_wait3A_60 = tpu.memref_slice %arg10[%dma_wait3A_58, %dma_wait3A_59] : memref<40x128xi32, #tpu.memory_space<vmem>> -> memref<1x128xi32, #tpu.memory_space<vmem>>
      %dma_wait3A_61 = tpu.memref_squeeze %dma_wait3A_60 : memref<1x128xi32, #tpu.memory_space<vmem>> -> memref<128xi32, #tpu.memory_space<vmem>>
      %dma_wait3A_62 = arith.constant 0 : i32
      %dma_wait3A_63 = arith.constant 0 : i32
      %dma_wait3A_64 = tpu.memref_slice %arg13[%dma_wait3A_62, %dma_wait3A_63] : memref<10112x128xf32, #tpu.memory_space<vmem_shared>> -> memref<10112x128xf32, #tpu.memory_space<vmem_shared>>
      tpu.wait_indirect_dma semaphore(%arg17 : memref<!tpu.dma_semaphore, #tpu.memory_space<semaphore_mem>>) src(%arg12 : memref<128x128xf32, #tpu.memory_space<vmem>>) dst(%dma_wait3A_64 : memref<10112x128xf32, #tpu.memory_space<vmem_shared>>)
    } else {
    }
    %eq3A_5 = arith.constant 1 : i32
    %eq3A_6 = arith.cmpi eq, %arg0, %eq3A_5 : i32
    %convert_element_type3A_7 = arith.extui %eq3A_6 : i1 to i32
    %cond3A_8 = arith.constant 0 : i32
    %cond3A_9 = arith.cmpi ne, %convert_element_type3A_7, %cond3A_8 : i32
    scf.if %cond3A_9 {
      %mul3A_21 = arith.constant 80 : i32
      %mul3A_22 = arith.muli %arg1, %mul3A_21 : i32
      %add3A = arith.constant 0 : i32
      %add3A_23 = arith.addi %mul3A_22, %add3A : i32
      "tpu.region"() ({
        %run_scoped3A = tpu.sem_alloc : memref<!tpu.dma_semaphore, #tpu.memory_space<semaphore_mem>>
        %dma_start3A_65 = arith.constant 0 : i32
        %dma_start3A_66 = tpu.memref_slice %arg4[%add3A_23, %dma_start3A_65] : memref<1280x128xi32, #tpu.memory_space<hbm>> -> memref<40x128xi32, #tpu.memory_space<hbm>>
        %dma_start3A_67 = arith.constant 0 : i32
        %dma_start3A_68 = tpu.memref_slice %arg4[%add3A_23, %dma_start3A_67] : memref<1280x128xi32, #tpu.memory_space<hbm>> -> memref<40x128xi32, #tpu.memory_space<hbm>>
        tpu.enqueue_dma source(%dma_start3A_68 : memref<40x128xi32, #tpu.memory_space<hbm>>) target(%arg9 : memref<40x128xi32, #tpu.memory_space<vmem>>) target_semaphore(%run_scoped3A : memref<!tpu.dma_semaphore, #tpu.memory_space<semaphore_mem>>)
        %dma_wait3A_69 = arith.constant 0 : i32
        %dma_wait3A_70 = tpu.memref_slice %arg4[%add3A_23, %dma_wait3A_69] : memref<1280x128xi32, #tpu.memory_space<hbm>> -> memref<40x128xi32, #tpu.memory_space<hbm>>
        %dma_wait3A_71 = arith.constant 0 : i32
        %dma_wait3A_72 = tpu.memref_slice %arg4[%add3A_23, %dma_wait3A_71] : memref<1280x128xi32, #tpu.memory_space<hbm>> -> memref<40x128xi32, #tpu.memory_space<hbm>>
        tpu.wait_dma2 semaphore(%run_scoped3A : memref<!tpu.dma_semaphore, #tpu.memory_space<semaphore_mem>>) src(%dma_wait3A_72 : memref<40x128xi32, #tpu.memory_space<hbm>>) dst(%arg9 : memref<40x128xi32, #tpu.memory_space<vmem>>)
        tpu.yield
      }) : () -> ()
      "tpu.region"() ({
        %run_scoped3A = tpu.sem_alloc : memref<!tpu.dma_semaphore, #tpu.memory_space<semaphore_mem>>
        %dma_start3A_65 = arith.constant 0 : i32
        %dma_start3A_66 = tpu.memref_slice %arg5[%add3A_23, %dma_start3A_65] : memref<1280x128xi32, #tpu.memory_space<hbm>> -> memref<40x128xi32, #tpu.memory_space<hbm>>
        %dma_start3A_67 = arith.constant 0 : i32
        %dma_start3A_68 = tpu.memref_slice %arg5[%add3A_23, %dma_start3A_67] : memref<1280x128xi32, #tpu.memory_space<hbm>> -> memref<40x128xi32, #tpu.memory_space<hbm>>
        tpu.enqueue_dma source(%dma_start3A_68 : memref<40x128xi32, #tpu.memory_space<hbm>>) target(%arg10 : memref<40x128xi32, #tpu.memory_space<vmem>>) target_semaphore(%run_scoped3A : memref<!tpu.dma_semaphore, #tpu.memory_space<semaphore_mem>>)
        %dma_wait3A_69 = arith.constant 0 : i32
        %dma_wait3A_70 = tpu.memref_slice %arg5[%add3A_23, %dma_wait3A_69] : memref<1280x128xi32, #tpu.memory_space<hbm>> -> memref<40x128xi32, #tpu.memory_space<hbm>>
        %dma_wait3A_71 = arith.constant 0 : i32
        %dma_wait3A_72 = tpu.memref_slice %arg5[%add3A_23, %dma_wait3A_71] : memref<1280x128xi32, #tpu.memory_space<hbm>> -> memref<40x128xi32, #tpu.memory_space<hbm>>
        tpu.wait_dma2 semaphore(%run_scoped3A : memref<!tpu.dma_semaphore, #tpu.memory_space<semaphore_mem>>) src(%dma_wait3A_72 : memref<40x128xi32, #tpu.memory_space<hbm>>) dst(%arg10 : memref<40x128xi32, #tpu.memory_space<vmem>>)
        tpu.yield
      }) : () -> ()
      %dma_start3A = arith.constant 0 : i32
      %dma_start3A_24 = arith.constant 0 : i32
      %dma_start3A_25 = tpu.memref_slice %arg9[%dma_start3A, %dma_start3A_24] : memref<40x128xi32, #tpu.memory_space<vmem>> -> memref<1x128xi32, #tpu.memory_space<vmem>>
      %dma_start3A_26 = tpu.memref_squeeze %dma_start3A_25 : memref<1x128xi32, #tpu.memory_space<vmem>> -> memref<128xi32, #tpu.memory_space<vmem>>
      %dma_start3A_27 = arith.constant 0 : i32
      %dma_start3A_28 = arith.constant 0 : i32
      %dma_start3A_29 = tpu.memref_slice %arg3[%dma_start3A_27, %dma_start3A_28] : memref<10000x128xf32, #tpu.memory_space<hbm>> -> memref<10000x128xf32, #tpu.memory_space<hbm>>
      tpu.enqueue_indirect_dma source(%dma_start3A_29 : memref<10000x128xf32, #tpu.memory_space<hbm>>) target(%arg11 : memref<128x128xf32, #tpu.memory_space<vmem>>) offsets(%dma_start3A_26 : memref<128xi32, #tpu.memory_space<vmem>>) semaphore(%arg14 : memref<!tpu.dma_semaphore, #tpu.memory_space<semaphore_mem>>)
      %scan3A = arith.constant 0 : i32
      %scan3A_30 = arith.constant 0 : i32
      %scan3A_31 = arith.constant 20 : i32
      %scan3A_32 = arith.addi %scan3A_30, %scan3A_31 : i32
      %scan3A_33 = arith.constant 1 : i32
      scf.for %scan3A_65 = %scan3A_30 to %scan3A_32 step %scan3A_33  : i32 {
        %mul3A_66 = arith.constant 2 : i32
        %mul3A_67 = arith.muli %mul3A_66, %scan3A_65 : i32
        %add3A_68 = arith.constant 0 : i32
        %add3A_69 = arith.addi %mul3A_67, %add3A_68 : i32
        %dma_wait3A_70 = arith.constant 0 : i32
        %dma_wait3A_71 = tpu.memref_slice %arg9[%add3A_69, %dma_wait3A_70] : memref<40x128xi32, #tpu.memory_space<vmem>> -> memref<1x128xi32, #tpu.memory_space<vmem>>
        %dma_wait3A_72 = tpu.memref_squeeze %dma_wait3A_71 : memref<1x128xi32, #tpu.memory_space<vmem>> -> memref<128xi32, #tpu.memory_space<vmem>>
        %dma_wait3A_73 = arith.constant 0 : i32
        %dma_wait3A_74 = arith.constant 0 : i32
        %dma_wait3A_75 = tpu.memref_slice %arg3[%dma_wait3A_73, %dma_wait3A_74] : memref<10000x128xf32, #tpu.memory_space<hbm>> -> memref<10000x128xf32, #tpu.memory_space<hbm>>
        tpu.wait_indirect_dma semaphore(%arg14 : memref<!tpu.dma_semaphore, #tpu.memory_space<semaphore_mem>>) src(%dma_wait3A_75 : memref<10000x128xf32, #tpu.memory_space<hbm>>) dst(%arg11 : memref<128x128xf32, #tpu.memory_space<vmem>>)
        %dma_start3A_76 = arith.constant 0 : i32
        %dma_start3A_77 = tpu.memref_slice %arg10[%add3A_69, %dma_start3A_76] : memref<40x128xi32, #tpu.memory_space<vmem>> -> memref<1x128xi32, #tpu.memory_space<vmem>>
        %dma_start3A_78 = tpu.memref_squeeze %dma_start3A_77 : memref<1x128xi32, #tpu.memory_space<vmem>> -> memref<128xi32, #tpu.memory_space<vmem>>
        %dma_start3A_79 = arith.constant 0 : i32
        %dma_start3A_80 = arith.constant 0 : i32
        %dma_start3A_81 = tpu.memref_slice %arg13[%dma_start3A_79, %dma_start3A_80] : memref<10112x128xf32, #tpu.memory_space<vmem_shared>> -> memref<10112x128xf32, #tpu.memory_space<vmem_shared>>
        tpu.enqueue_indirect_dma source(%arg11 : memref<128x128xf32, #tpu.memory_space<vmem>>) target(%dma_start3A_81 : memref<10112x128xf32, #tpu.memory_space<vmem_shared>>) offsets(%dma_start3A_78 : memref<128xi32, #tpu.memory_space<vmem>>) semaphore(%arg16 : memref<!tpu.dma_semaphore, #tpu.memory_space<semaphore_mem>>) {add = true}
        %ge3A = arith.constant 1 : i32
        %ge3A_82 = arith.cmpi sge, %add3A_69, %ge3A : i32
        %convert_element_type3A_83 = arith.extui %ge3A_82 : i1 to i32
        %cond3A_84 = arith.constant 0 : i32
        %cond3A_85 = arith.cmpi ne, %convert_element_type3A_83, %cond3A_84 : i32
        scf.if %cond3A_85 {
          %sub3A = arith.constant 1 : i32
          %sub3A_120 = arith.subi %add3A_69, %sub3A : i32
          %dma_wait3A_121 = arith.constant 0 : i32
          %dma_wait3A_122 = tpu.memref_slice %arg10[%sub3A_120, %dma_wait3A_121] : memref<40x128xi32, #tpu.memory_space<vmem>> -> memref<1x128xi32, #tpu.memory_space<vmem>>
          %dma_wait3A_123 = tpu.memref_squeeze %dma_wait3A_122 : memref<1x128xi32, #tpu.memory_space<vmem>> -> memref<128xi32, #tpu.memory_space<vmem>>
          %dma_wait3A_124 = arith.constant 0 : i32
          %dma_wait3A_125 = arith.constant 0 : i32
          %dma_wait3A_126 = tpu.memref_slice %arg13[%dma_wait3A_124, %dma_wait3A_125] : memref<10112x128xf32, #tpu.memory_space<vmem_shared>> -> memref<10112x128xf32, #tpu.memory_space<vmem_shared>>
          tpu.wait_indirect_dma semaphore(%arg17 : memref<!tpu.dma_semaphore, #tpu.memory_space<semaphore_mem>>) src(%arg12 : memref<128x128xf32, #tpu.memory_space<vmem>>) dst(%dma_wait3A_126 : memref<10112x128xf32, #tpu.memory_space<vmem_shared>>)
        } else {
        }
        %add3A_86 = arith.constant 1 : i32
        %add3A_87 = arith.addi %add3A_69, %add3A_86 : i32
        %lt3A = arith.constant 40 : i32
        %lt3A_88 = arith.cmpi slt, %add3A_87, %lt3A : i32
        %convert_element_type3A_89 = arith.extui %lt3A_88 : i1 to i32
        %cond3A_90 = arith.constant 0 : i32
        %cond3A_91 = arith.cmpi ne, %convert_element_type3A_89, %cond3A_90 : i32
        scf.if %cond3A_91 {
          %add3A_120 = arith.constant 1 : i32
          %add3A_121 = arith.addi %add3A_69, %add3A_120 : i32
          %dma_start3A_122 = arith.constant 0 : i32
          %dma_start3A_123 = tpu.memref_slice %arg9[%add3A_121, %dma_start3A_122] : memref<40x128xi32, #tpu.memory_space<vmem>> -> memref<1x128xi32, #tpu.memory_space<vmem>>
          %dma_start3A_124 = tpu.memref_squeeze %dma_start3A_123 : memref<1x128xi32, #tpu.memory_space<vmem>> -> memref<128xi32, #tpu.memory_space<vmem>>
          %dma_start3A_125 = arith.constant 0 : i32
          %dma_start3A_126 = arith.constant 0 : i32
          %dma_start3A_127 = tpu.memref_slice %arg3[%dma_start3A_125, %dma_start3A_126] : memref<10000x128xf32, #tpu.memory_space<hbm>> -> memref<10000x128xf32, #tpu.memory_space<hbm>>
          tpu.enqueue_indirect_dma source(%dma_start3A_127 : memref<10000x128xf32, #tpu.memory_space<hbm>>) target(%arg12 : memref<128x128xf32, #tpu.memory_space<vmem>>) offsets(%dma_start3A_124 : memref<128xi32, #tpu.memory_space<vmem>>) semaphore(%arg15 : memref<!tpu.dma_semaphore, #tpu.memory_space<semaphore_mem>>)
        } else {
        }
        %mul3A_92 = arith.constant 2 : i32
        %mul3A_93 = arith.muli %mul3A_92, %scan3A_65 : i32
        %add3A_94 = arith.constant 1 : i32
        %add3A_95 = arith.addi %mul3A_93, %add3A_94 : i32
        %dma_wait3A_96 = arith.constant 0 : i32
        %dma_wait3A_97 = tpu.memref_slice %arg9[%add3A_95, %dma_wait3A_96] : memref<40x128xi32, #tpu.memory_space<vmem>> -> memref<1x128xi32, #tpu.memory_space<vmem>>
        %dma_wait3A_98 = tpu.memref_squeeze %dma_wait3A_97 : memref<1x128xi32, #tpu.memory_space<vmem>> -> memref<128xi32, #tpu.memory_space<vmem>>
        %dma_wait3A_99 = arith.constant 0 : i32
        %dma_wait3A_100 = arith.constant 0 : i32
        %dma_wait3A_101 = tpu.memref_slice %arg3[%dma_wait3A_99, %dma_wait3A_100] : memref<10000x128xf32, #tpu.memory_space<hbm>> -> memref<10000x128xf32, #tpu.memory_space<hbm>>
        tpu.wait_indirect_dma semaphore(%arg15 : memref<!tpu.dma_semaphore, #tpu.memory_space<semaphore_mem>>) src(%dma_wait3A_101 : memref<10000x128xf32, #tpu.memory_space<hbm>>) dst(%arg12 : memref<128x128xf32, #tpu.memory_space<vmem>>)
        %dma_start3A_102 = arith.constant 0 : i32
        %dma_start3A_103 = tpu.memref_slice %arg10[%add3A_95, %dma_start3A_102] : memref<40x128xi32, #tpu.memory_space<vmem>> -> memref<1x128xi32, #tpu.memory_space<vmem>>
        %dma_start3A_104 = tpu.memref_squeeze %dma_start3A_103 : memref<1x128xi32, #tpu.memory_space<vmem>> -> memref<128xi32, #tpu.memory_space<vmem>>
        %dma_start3A_105 = arith.constant 0 : i32
        %dma_start3A_106 = arith.constant 0 : i32
        %dma_start3A_107 = tpu.memref_slice %arg13[%dma_start3A_105, %dma_start3A_106] : memref<10112x128xf32, #tpu.memory_space<vmem_shared>> -> memref<10112x128xf32, #tpu.memory_space<vmem_shared>>
        tpu.enqueue_indirect_dma source(%arg12 : memref<128x128xf32, #tpu.memory_space<vmem>>) target(%dma_start3A_107 : memref<10112x128xf32, #tpu.memory_space<vmem_shared>>) offsets(%dma_start3A_104 : memref<128xi32, #tpu.memory_space<vmem>>) semaphore(%arg17 : memref<!tpu.dma_semaphore, #tpu.memory_space<semaphore_mem>>) {add = true}
        %ge3A_108 = arith.constant 1 : i32
        %ge3A_109 = arith.cmpi sge, %add3A_95, %ge3A_108 : i32
        %convert_element_type3A_110 = arith.extui %ge3A_109 : i1 to i32
        %cond3A_111 = arith.constant 0 : i32
        %cond3A_112 = arith.cmpi ne, %convert_element_type3A_110, %cond3A_111 : i32
        scf.if %cond3A_112 {
          %sub3A = arith.constant 1 : i32
          %sub3A_120 = arith.subi %add3A_95, %sub3A : i32
          %dma_wait3A_121 = arith.constant 0 : i32
          %dma_wait3A_122 = tpu.memref_slice %arg10[%sub3A_120, %dma_wait3A_121] : memref<40x128xi32, #tpu.memory_space<vmem>> -> memref<1x128xi32, #tpu.memory_space<vmem>>
          %dma_wait3A_123 = tpu.memref_squeeze %dma_wait3A_122 : memref<1x128xi32, #tpu.memory_space<vmem>> -> memref<128xi32, #tpu.memory_space<vmem>>
          %dma_wait3A_124 = arith.constant 0 : i32
          %dma_wait3A_125 = arith.constant 0 : i32
          %dma_wait3A_126 = tpu.memref_slice %arg13[%dma_wait3A_124, %dma_wait3A_125] : memref<10112x128xf32, #tpu.memory_space<vmem_shared>> -> memref<10112x128xf32, #tpu.memory_space<vmem_shared>>
          tpu.wait_indirect_dma semaphore(%arg16 : memref<!tpu.dma_semaphore, #tpu.memory_space<semaphore_mem>>) src(%arg11 : memref<128x128xf32, #tpu.memory_space<vmem>>) dst(%dma_wait3A_126 : memref<10112x128xf32, #tpu.memory_space<vmem_shared>>)
        } else {
        }
        %add3A_113 = arith.constant 1 : i32
        %add3A_114 = arith.addi %add3A_95, %add3A_113 : i32
        %lt3A_115 = arith.constant 40 : i32
        %lt3A_116 = arith.cmpi slt, %add3A_114, %lt3A_115 : i32
        %convert_element_type3A_117 = arith.extui %lt3A_116 : i1 to i32
        %cond3A_118 = arith.constant 0 : i32
        %cond3A_119 = arith.cmpi ne, %convert_element_type3A_117, %cond3A_118 : i32
        scf.if %cond3A_119 {
          %add3A_120 = arith.constant 1 : i32
          %add3A_121 = arith.addi %add3A_95, %add3A_120 : i32
          %dma_start3A_122 = arith.constant 0 : i32
          %dma_start3A_123 = tpu.memref_slice %arg9[%add3A_121, %dma_start3A_122] : memref<40x128xi32, #tpu.memory_space<vmem>> -> memref<1x128xi32, #tpu.memory_space<vmem>>
          %dma_start3A_124 = tpu.memref_squeeze %dma_start3A_123 : memref<1x128xi32, #tpu.memory_space<vmem>> -> memref<128xi32, #tpu.memory_space<vmem>>
          %dma_start3A_125 = arith.constant 0 : i32
          %dma_start3A_126 = arith.constant 0 : i32
          %dma_start3A_127 = tpu.memref_slice %arg3[%dma_start3A_125, %dma_start3A_126] : memref<10000x128xf32, #tpu.memory_space<hbm>> -> memref<10000x128xf32, #tpu.memory_space<hbm>>
          tpu.enqueue_indirect_dma source(%dma_start3A_127 : memref<10000x128xf32, #tpu.memory_space<hbm>>) target(%arg11 : memref<128x128xf32, #tpu.memory_space<vmem>>) offsets(%dma_start3A_124 : memref<128xi32, #tpu.memory_space<vmem>>) semaphore(%arg14 : memref<!tpu.dma_semaphore, #tpu.memory_space<semaphore_mem>>)
        } else {
        }
      }
      %scan3A_34 = arith.constant 20 : i32
      %dma_wait3A = arith.constant 39 : i32
      %dma_wait3A_35 = arith.constant 0 : i32
      %dma_wait3A_36 = tpu.memref_slice %arg10[%dma_wait3A, %dma_wait3A_35] : memref<40x128xi32, #tpu.memory_space<vmem>> -> memref<1x128xi32, #tpu.memory_space<vmem>>
      %dma_wait3A_37 = tpu.memref_squeeze %dma_wait3A_36 : memref<1x128xi32, #tpu.memory_space<vmem>> -> memref<128xi32, #tpu.memory_space<vmem>>
      %dma_wait3A_38 = arith.constant 0 : i32
      %dma_wait3A_39 = arith.constant 0 : i32
      %dma_wait3A_40 = tpu.memref_slice %arg13[%dma_wait3A_38, %dma_wait3A_39] : memref<10112x128xf32, #tpu.memory_space<vmem_shared>> -> memref<10112x128xf32, #tpu.memory_space<vmem_shared>>
      tpu.wait_indirect_dma semaphore(%arg17 : memref<!tpu.dma_semaphore, #tpu.memory_space<semaphore_mem>>) src(%arg12 : memref<128x128xf32, #tpu.memory_space<vmem>>) dst(%dma_wait3A_40 : memref<10112x128xf32, #tpu.memory_space<vmem_shared>>)
      %mul3A_41 = arith.constant 80 : i32
      %mul3A_42 = arith.muli %arg1, %mul3A_41 : i32
      %add3A_43 = arith.constant 40 : i32
      %add3A_44 = arith.addi %mul3A_42, %add3A_43 : i32
      "tpu.region"() ({
        %run_scoped3A = tpu.sem_alloc : memref<!tpu.dma_semaphore, #tpu.memory_space<semaphore_mem>>
        %dma_start3A_65 = arith.constant 0 : i32
        %dma_start3A_66 = tpu.memref_slice %arg4[%add3A_44, %dma_start3A_65] : memref<1280x128xi32, #tpu.memory_space<hbm>> -> memref<40x128xi32, #tpu.memory_space<hbm>>
        %dma_start3A_67 = arith.constant 0 : i32
        %dma_start3A_68 = tpu.memref_slice %arg4[%add3A_44, %dma_start3A_67] : memref<1280x128xi32, #tpu.memory_space<hbm>> -> memref<40x128xi32, #tpu.memory_space<hbm>>
        tpu.enqueue_dma source(%dma_start3A_68 : memref<40x128xi32, #tpu.memory_space<hbm>>) target(%arg9 : memref<40x128xi32, #tpu.memory_space<vmem>>) target_semaphore(%run_scoped3A : memref<!tpu.dma_semaphore, #tpu.memory_space<semaphore_mem>>)
        %dma_wait3A_69 = arith.constant 0 : i32
        %dma_wait3A_70 = tpu.memref_slice %arg4[%add3A_44, %dma_wait3A_69] : memref<1280x128xi32, #tpu.memory_space<hbm>> -> memref<40x128xi32, #tpu.memory_space<hbm>>
        %dma_wait3A_71 = arith.constant 0 : i32
        %dma_wait3A_72 = tpu.memref_slice %arg4[%add3A_44, %dma_wait3A_71] : memref<1280x128xi32, #tpu.memory_space<hbm>> -> memref<40x128xi32, #tpu.memory_space<hbm>>
        tpu.wait_dma2 semaphore(%run_scoped3A : memref<!tpu.dma_semaphore, #tpu.memory_space<semaphore_mem>>) src(%dma_wait3A_72 : memref<40x128xi32, #tpu.memory_space<hbm>>) dst(%arg9 : memref<40x128xi32, #tpu.memory_space<vmem>>)
        tpu.yield
      }) : () -> ()
      "tpu.region"() ({
        %run_scoped3A = tpu.sem_alloc : memref<!tpu.dma_semaphore, #tpu.memory_space<semaphore_mem>>
        %dma_start3A_65 = arith.constant 0 : i32
        %dma_start3A_66 = tpu.memref_slice %arg5[%add3A_44, %dma_start3A_65] : memref<1280x128xi32, #tpu.memory_space<hbm>> -> memref<40x128xi32, #tpu.memory_space<hbm>>
        %dma_start3A_67 = arith.constant 0 : i32
        %dma_start3A_68 = tpu.memref_slice %arg5[%add3A_44, %dma_start3A_67] : memref<1280x128xi32, #tpu.memory_space<hbm>> -> memref<40x128xi32, #tpu.memory_space<hbm>>
        tpu.enqueue_dma source(%dma_start3A_68 : memref<40x128xi32, #tpu.memory_space<hbm>>) target(%arg10 : memref<40x128xi32, #tpu.memory_space<vmem>>) target_semaphore(%run_scoped3A : memref<!tpu.dma_semaphore, #tpu.memory_space<semaphore_mem>>)
        %dma_wait3A_69 = arith.constant 0 : i32
        %dma_wait3A_70 = tpu.memref_slice %arg5[%add3A_44, %dma_wait3A_69] : memref<1280x128xi32, #tpu.memory_space<hbm>> -> memref<40x128xi32, #tpu.memory_space<hbm>>
        %dma_wait3A_71 = arith.constant 0 : i32
        %dma_wait3A_72 = tpu.memref_slice %arg5[%add3A_44, %dma_wait3A_71] : memref<1280x128xi32, #tpu.memory_space<hbm>> -> memref<40x128xi32, #tpu.memory_space<hbm>>
        tpu.wait_dma2 semaphore(%run_scoped3A : memref<!tpu.dma_semaphore, #tpu.memory_space<semaphore_mem>>) src(%dma_wait3A_72 : memref<40x128xi32, #tpu.memory_space<hbm>>) dst(%arg10 : memref<40x128xi32, #tpu.memory_space<vmem>>)
        tpu.yield
      }) : () -> ()
      %dma_start3A_45 = arith.constant 0 : i32
      %dma_start3A_46 = arith.constant 0 : i32
      %dma_start3A_47 = tpu.memref_slice %arg9[%dma_start3A_45, %dma_start3A_46] : memref<40x128xi32, #tpu.memory_space<vmem>> -> memref<1x128xi32, #tpu.memory_space<vmem>>
      %dma_start3A_48 = tpu.memref_squeeze %dma_start3A_47 : memref<1x128xi32, #tpu.memory_space<vmem>> -> memref<128xi32, #tpu.memory_space<vmem>>
      %dma_start3A_49 = arith.constant 0 : i32
      %dma_start3A_50 = arith.constant 0 : i32
      %dma_start3A_51 = tpu.memref_slice %arg3[%dma_start3A_49, %dma_start3A_50] : memref<10000x128xf32, #tpu.memory_space<hbm>> -> memref<10000x128xf32, #tpu.memory_space<hbm>>
      tpu.enqueue_indirect_dma source(%dma_start3A_51 : memref<10000x128xf32, #tpu.memory_space<hbm>>) target(%arg11 : memref<128x128xf32, #tpu.memory_space<vmem>>) offsets(%dma_start3A_48 : memref<128xi32, #tpu.memory_space<vmem>>) semaphore(%arg14 : memref<!tpu.dma_semaphore, #tpu.memory_space<semaphore_mem>>)
      %scan3A_52 = arith.constant 0 : i32
      %scan3A_53 = arith.constant 0 : i32
      %scan3A_54 = arith.constant 20 : i32
      %scan3A_55 = arith.addi %scan3A_53, %scan3A_54 : i32
      %scan3A_56 = arith.constant 1 : i32
      scf.for %scan3A_65 = %scan3A_53 to %scan3A_55 step %scan3A_56  : i32 {
        %mul3A_66 = arith.constant 2 : i32
        %mul3A_67 = arith.muli %mul3A_66, %scan3A_65 : i32
        %add3A_68 = arith.constant 0 : i32
        %add3A_69 = arith.addi %mul3A_67, %add3A_68 : i32
        %dma_wait3A_70 = arith.constant 0 : i32
        %dma_wait3A_71 = tpu.memref_slice %arg9[%add3A_69, %dma_wait3A_70] : memref<40x128xi32, #tpu.memory_space<vmem>> -> memref<1x128xi32, #tpu.memory_space<vmem>>
        %dma_wait3A_72 = tpu.memref_squeeze %dma_wait3A_71 : memref<1x128xi32, #tpu.memory_space<vmem>> -> memref<128xi32, #tpu.memory_space<vmem>>
        %dma_wait3A_73 = arith.constant 0 : i32
        %dma_wait3A_74 = arith.constant 0 : i32
        %dma_wait3A_75 = tpu.memref_slice %arg3[%dma_wait3A_73, %dma_wait3A_74] : memref<10000x128xf32, #tpu.memory_space<hbm>> -> memref<10000x128xf32, #tpu.memory_space<hbm>>
        tpu.wait_indirect_dma semaphore(%arg14 : memref<!tpu.dma_semaphore, #tpu.memory_space<semaphore_mem>>) src(%dma_wait3A_75 : memref<10000x128xf32, #tpu.memory_space<hbm>>) dst(%arg11 : memref<128x128xf32, #tpu.memory_space<vmem>>)
        %dma_start3A_76 = arith.constant 0 : i32
        %dma_start3A_77 = tpu.memref_slice %arg10[%add3A_69, %dma_start3A_76] : memref<40x128xi32, #tpu.memory_space<vmem>> -> memref<1x128xi32, #tpu.memory_space<vmem>>
        %dma_start3A_78 = tpu.memref_squeeze %dma_start3A_77 : memref<1x128xi32, #tpu.memory_space<vmem>> -> memref<128xi32, #tpu.memory_space<vmem>>
        %dma_start3A_79 = arith.constant 0 : i32
        %dma_start3A_80 = arith.constant 0 : i32
        %dma_start3A_81 = tpu.memref_slice %arg13[%dma_start3A_79, %dma_start3A_80] : memref<10112x128xf32, #tpu.memory_space<vmem_shared>> -> memref<10112x128xf32, #tpu.memory_space<vmem_shared>>
        tpu.enqueue_indirect_dma source(%arg11 : memref<128x128xf32, #tpu.memory_space<vmem>>) target(%dma_start3A_81 : memref<10112x128xf32, #tpu.memory_space<vmem_shared>>) offsets(%dma_start3A_78 : memref<128xi32, #tpu.memory_space<vmem>>) semaphore(%arg16 : memref<!tpu.dma_semaphore, #tpu.memory_space<semaphore_mem>>) {add = true}
        %ge3A = arith.constant 1 : i32
        %ge3A_82 = arith.cmpi sge, %add3A_69, %ge3A : i32
        %convert_element_type3A_83 = arith.extui %ge3A_82 : i1 to i32
        %cond3A_84 = arith.constant 0 : i32
        %cond3A_85 = arith.cmpi ne, %convert_element_type3A_83, %cond3A_84 : i32
        scf.if %cond3A_85 {
          %sub3A = arith.constant 1 : i32
          %sub3A_120 = arith.subi %add3A_69, %sub3A : i32
          %dma_wait3A_121 = arith.constant 0 : i32
          %dma_wait3A_122 = tpu.memref_slice %arg10[%sub3A_120, %dma_wait3A_121] : memref<40x128xi32, #tpu.memory_space<vmem>> -> memref<1x128xi32, #tpu.memory_space<vmem>>
          %dma_wait3A_123 = tpu.memref_squeeze %dma_wait3A_122 : memref<1x128xi32, #tpu.memory_space<vmem>> -> memref<128xi32, #tpu.memory_space<vmem>>
          %dma_wait3A_124 = arith.constant 0 : i32
          %dma_wait3A_125 = arith.constant 0 : i32
          %dma_wait3A_126 = tpu.memref_slice %arg13[%dma_wait3A_124, %dma_wait3A_125] : memref<10112x128xf32, #tpu.memory_space<vmem_shared>> -> memref<10112x128xf32, #tpu.memory_space<vmem_shared>>
          tpu.wait_indirect_dma semaphore(%arg17 : memref<!tpu.dma_semaphore, #tpu.memory_space<semaphore_mem>>) src(%arg12 : memref<128x128xf32, #tpu.memory_space<vmem>>) dst(%dma_wait3A_126 : memref<10112x128xf32, #tpu.memory_space<vmem_shared>>)
        } else {
        }
        %add3A_86 = arith.constant 1 : i32
        %add3A_87 = arith.addi %add3A_69, %add3A_86 : i32
        %lt3A = arith.constant 40 : i32
        %lt3A_88 = arith.cmpi slt, %add3A_87, %lt3A : i32
        %convert_element_type3A_89 = arith.extui %lt3A_88 : i1 to i32
        %cond3A_90 = arith.constant 0 : i32
        %cond3A_91 = arith.cmpi ne, %convert_element_type3A_89, %cond3A_90 : i32
        scf.if %cond3A_91 {
          %add3A_120 = arith.constant 1 : i32
          %add3A_121 = arith.addi %add3A_69, %add3A_120 : i32
          %dma_start3A_122 = arith.constant 0 : i32
          %dma_start3A_123 = tpu.memref_slice %arg9[%add3A_121, %dma_start3A_122] : memref<40x128xi32, #tpu.memory_space<vmem>> -> memref<1x128xi32, #tpu.memory_space<vmem>>
          %dma_start3A_124 = tpu.memref_squeeze %dma_start3A_123 : memref<1x128xi32, #tpu.memory_space<vmem>> -> memref<128xi32, #tpu.memory_space<vmem>>
          %dma_start3A_125 = arith.constant 0 : i32
          %dma_start3A_126 = arith.constant 0 : i32
          %dma_start3A_127 = tpu.memref_slice %arg3[%dma_start3A_125, %dma_start3A_126] : memref<10000x128xf32, #tpu.memory_space<hbm>> -> memref<10000x128xf32, #tpu.memory_space<hbm>>
          tpu.enqueue_indirect_dma source(%dma_start3A_127 : memref<10000x128xf32, #tpu.memory_space<hbm>>) target(%arg12 : memref<128x128xf32, #tpu.memory_space<vmem>>) offsets(%dma_start3A_124 : memref<128xi32, #tpu.memory_space<vmem>>) semaphore(%arg15 : memref<!tpu.dma_semaphore, #tpu.memory_space<semaphore_mem>>)
        } else {
        }
        %mul3A_92 = arith.constant 2 : i32
        %mul3A_93 = arith.muli %mul3A_92, %scan3A_65 : i32
        %add3A_94 = arith.constant 1 : i32
        %add3A_95 = arith.addi %mul3A_93, %add3A_94 : i32
        %dma_wait3A_96 = arith.constant 0 : i32
        %dma_wait3A_97 = tpu.memref_slice %arg9[%add3A_95, %dma_wait3A_96] : memref<40x128xi32, #tpu.memory_space<vmem>> -> memref<1x128xi32, #tpu.memory_space<vmem>>
        %dma_wait3A_98 = tpu.memref_squeeze %dma_wait3A_97 : memref<1x128xi32, #tpu.memory_space<vmem>> -> memref<128xi32, #tpu.memory_space<vmem>>
        %dma_wait3A_99 = arith.constant 0 : i32
        %dma_wait3A_100 = arith.constant 0 : i32
        %dma_wait3A_101 = tpu.memref_slice %arg3[%dma_wait3A_99, %dma_wait3A_100] : memref<10000x128xf32, #tpu.memory_space<hbm>> -> memref<10000x128xf32, #tpu.memory_space<hbm>>
        tpu.wait_indirect_dma semaphore(%arg15 : memref<!tpu.dma_semaphore, #tpu.memory_space<semaphore_mem>>) src(%dma_wait3A_101 : memref<10000x128xf32, #tpu.memory_space<hbm>>) dst(%arg12 : memref<128x128xf32, #tpu.memory_space<vmem>>)
        %dma_start3A_102 = arith.constant 0 : i32
        %dma_start3A_103 = tpu.memref_slice %arg10[%add3A_95, %dma_start3A_102] : memref<40x128xi32, #tpu.memory_space<vmem>> -> memref<1x128xi32, #tpu.memory_space<vmem>>
        %dma_start3A_104 = tpu.memref_squeeze %dma_start3A_103 : memref<1x128xi32, #tpu.memory_space<vmem>> -> memref<128xi32, #tpu.memory_space<vmem>>
        %dma_start3A_105 = arith.constant 0 : i32
        %dma_start3A_106 = arith.constant 0 : i32
        %dma_start3A_107 = tpu.memref_slice %arg13[%dma_start3A_105, %dma_start3A_106] : memref<10112x128xf32, #tpu.memory_space<vmem_shared>> -> memref<10112x128xf32, #tpu.memory_space<vmem_shared>>
        tpu.enqueue_indirect_dma source(%arg12 : memref<128x128xf32, #tpu.memory_space<vmem>>) target(%dma_start3A_107 : memref<10112x128xf32, #tpu.memory_space<vmem_shared>>) offsets(%dma_start3A_104 : memref<128xi32, #tpu.memory_space<vmem>>) semaphore(%arg17 : memref<!tpu.dma_semaphore, #tpu.memory_space<semaphore_mem>>) {add = true}
        %ge3A_108 = arith.constant 1 : i32
        %ge3A_109 = arith.cmpi sge, %add3A_95, %ge3A_108 : i32
        %convert_element_type3A_110 = arith.extui %ge3A_109 : i1 to i32
        %cond3A_111 = arith.constant 0 : i32
        %cond3A_112 = arith.cmpi ne, %convert_element_type3A_110, %cond3A_111 : i32
        scf.if %cond3A_112 {
          %sub3A = arith.constant 1 : i32
          %sub3A_120 = arith.subi %add3A_95, %sub3A : i32
          %dma_wait3A_121 = arith.constant 0 : i32
          %dma_wait3A_122 = tpu.memref_slice %arg10[%sub3A_120, %dma_wait3A_121] : memref<40x128xi32, #tpu.memory_space<vmem>> -> memref<1x128xi32, #tpu.memory_space<vmem>>
          %dma_wait3A_123 = tpu.memref_squeeze %dma_wait3A_122 : memref<1x128xi32, #tpu.memory_space<vmem>> -> memref<128xi32, #tpu.memory_space<vmem>>
          %dma_wait3A_124 = arith.constant 0 : i32
          %dma_wait3A_125 = arith.constant 0 : i32
          %dma_wait3A_126 = tpu.memref_slice %arg13[%dma_wait3A_124, %dma_wait3A_125] : memref<10112x128xf32, #tpu.memory_space<vmem_shared>> -> memref<10112x128xf32, #tpu.memory_space<vmem_shared>>
          tpu.wait_indirect_dma semaphore(%arg16 : memref<!tpu.dma_semaphore, #tpu.memory_space<semaphore_mem>>) src(%arg11 : memref<128x128xf32, #tpu.memory_space<vmem>>) dst(%dma_wait3A_126 : memref<10112x128xf32, #tpu.memory_space<vmem_shared>>)
        } else {
        }
        %add3A_113 = arith.constant 1 : i32
        %add3A_114 = arith.addi %add3A_95, %add3A_113 : i32
        %lt3A_115 = arith.constant 40 : i32
        %lt3A_116 = arith.cmpi slt, %add3A_114, %lt3A_115 : i32
        %convert_element_type3A_117 = arith.extui %lt3A_116 : i1 to i32
        %cond3A_118 = arith.constant 0 : i32
        %cond3A_119 = arith.cmpi ne, %convert_element_type3A_117, %cond3A_118 : i32
        scf.if %cond3A_119 {
          %add3A_120 = arith.constant 1 : i32
          %add3A_121 = arith.addi %add3A_95, %add3A_120 : i32
          %dma_start3A_122 = arith.constant 0 : i32
          %dma_start3A_123 = tpu.memref_slice %arg9[%add3A_121, %dma_start3A_122] : memref<40x128xi32, #tpu.memory_space<vmem>> -> memref<1x128xi32, #tpu.memory_space<vmem>>
          %dma_start3A_124 = tpu.memref_squeeze %dma_start3A_123 : memref<1x128xi32, #tpu.memory_space<vmem>> -> memref<128xi32, #tpu.memory_space<vmem>>
          %dma_start3A_125 = arith.constant 0 : i32
          %dma_start3A_126 = arith.constant 0 : i32
          %dma_start3A_127 = tpu.memref_slice %arg3[%dma_start3A_125, %dma_start3A_126] : memref<10000x128xf32, #tpu.memory_space<hbm>> -> memref<10000x128xf32, #tpu.memory_space<hbm>>
          tpu.enqueue_indirect_dma source(%dma_start3A_127 : memref<10000x128xf32, #tpu.memory_space<hbm>>) target(%arg11 : memref<128x128xf32, #tpu.memory_space<vmem>>) offsets(%dma_start3A_124 : memref<128xi32, #tpu.memory_space<vmem>>) semaphore(%arg14 : memref<!tpu.dma_semaphore, #tpu.memory_space<semaphore_mem>>)
        } else {
        }
      }
      %scan3A_57 = arith.constant 20 : i32
      %dma_wait3A_58 = arith.constant 39 : i32
      %dma_wait3A_59 = arith.constant 0 : i32
      %dma_wait3A_60 = tpu.memref_slice %arg10[%dma_wait3A_58, %dma_wait3A_59] : memref<40x128xi32, #tpu.memory_space<vmem>> -> memref<1x128xi32, #tpu.memory_space<vmem>>
      %dma_wait3A_61 = tpu.memref_squeeze %dma_wait3A_60 : memref<1x128xi32, #tpu.memory_space<vmem>> -> memref<128xi32, #tpu.memory_space<vmem>>
      %dma_wait3A_62 = arith.constant 0 : i32
      %dma_wait3A_63 = arith.constant 0 : i32
      %dma_wait3A_64 = tpu.memref_slice %arg13[%dma_wait3A_62, %dma_wait3A_63] : memref<10112x128xf32, #tpu.memory_space<vmem_shared>> -> memref<10112x128xf32, #tpu.memory_space<vmem_shared>>
      tpu.wait_indirect_dma semaphore(%arg17 : memref<!tpu.dma_semaphore, #tpu.memory_space<semaphore_mem>>) src(%arg12 : memref<128x128xf32, #tpu.memory_space<vmem>>) dst(%dma_wait3A_64 : memref<10112x128xf32, #tpu.memory_space<vmem_shared>>)
    } else {
    }
    %barrier3A_10 = arith.constant 0 : index
    tpu.barrier barrier_id(%barrier3A_10)
    %eq3A_11 = arith.constant 0 : i32
    %eq3A_12 = arith.cmpi eq, %arg0, %eq3A_11 : i32
    %convert_element_type3A_13 = arith.extui %eq3A_12 : i1 to i32
    %cond3A_14 = arith.constant 0 : i32
    %cond3A_15 = arith.cmpi ne, %convert_element_type3A_13, %cond3A_14 : i32
    scf.if %cond3A_15 {
      %mul3A_21 = arith.constant 632 : i32
      %mul3A_22 = arith.muli %arg1, %mul3A_21 : i32
      %mul3A_23 = arith.constant 632 : i32
      %mul3A_24 = arith.muli %arg1, %mul3A_23 : i32
      "tpu.region"() ({
        %run_scoped3A = tpu.sem_alloc : memref<!tpu.dma_semaphore, #tpu.memory_space<semaphore_mem>>
        %dma_start3A = arith.constant 0 : i32
        %dma_start3A_25 = tpu.memref_slice %arg7[%mul3A_24, %dma_start3A] : memref<10112x128xf32, #tpu.memory_space<hbm>> -> memref<632x128xf32, #tpu.memory_space<hbm>>
        %dma_start3A_26 = arith.constant 0 : i32
        %dma_start3A_27 = tpu.memref_slice %arg13[%mul3A_22, %dma_start3A_26] : memref<10112x128xf32, #tpu.memory_space<vmem_shared>> -> memref<632x128xf32, #tpu.memory_space<vmem_shared>>
        tpu.enqueue_dma source(%dma_start3A_27 : memref<632x128xf32, #tpu.memory_space<vmem_shared>>) target(%dma_start3A_25 : memref<632x128xf32, #tpu.memory_space<hbm>>) target_semaphore(%run_scoped3A : memref<!tpu.dma_semaphore, #tpu.memory_space<semaphore_mem>>)
        %dma_wait3A = arith.constant 0 : i32
        %dma_wait3A_28 = tpu.memref_slice %arg7[%mul3A_24, %dma_wait3A] : memref<10112x128xf32, #tpu.memory_space<hbm>> -> memref<632x128xf32, #tpu.memory_space<hbm>>
        %dma_wait3A_29 = arith.constant 0 : i32
        %dma_wait3A_30 = tpu.memref_slice %arg13[%mul3A_22, %dma_wait3A_29] : memref<10112x128xf32, #tpu.memory_space<vmem_shared>> -> memref<632x128xf32, #tpu.memory_space<vmem_shared>>
        tpu.wait_dma2 semaphore(%run_scoped3A : memref<!tpu.dma_semaphore, #tpu.memory_space<semaphore_mem>>) src(%dma_wait3A_30 : memref<632x128xf32, #tpu.memory_space<vmem_shared>>) dst(%dma_wait3A_28 : memref<632x128xf32, #tpu.memory_space<hbm>>)
        tpu.yield
      }) : () -> ()
    } else {
    }
    %eq3A_16 = arith.constant 1 : i32
    %eq3A_17 = arith.cmpi eq, %arg0, %eq3A_16 : i32
    %convert_element_type3A_18 = arith.extui %eq3A_17 : i1 to i32
    %cond3A_19 = arith.constant 0 : i32
    %cond3A_20 = arith.cmpi ne, %convert_element_type3A_18, %cond3A_19 : i32
    scf.if %cond3A_20 {
      %mul3A_21 = arith.constant 632 : i32
      %mul3A_22 = arith.muli %arg1, %mul3A_21 : i32
      %mul3A_23 = arith.constant 632 : i32
      %mul3A_24 = arith.muli %arg1, %mul3A_23 : i32
      "tpu.region"() ({
        %run_scoped3A = tpu.sem_alloc : memref<!tpu.dma_semaphore, #tpu.memory_space<semaphore_mem>>
        %dma_start3A = arith.constant 0 : i32
        %dma_start3A_25 = tpu.memref_slice %arg8[%mul3A_24, %dma_start3A] : memref<10112x128xf32, #tpu.memory_space<hbm>> -> memref<632x128xf32, #tpu.memory_space<hbm>>
        %dma_start3A_26 = arith.constant 0 : i32
        %dma_start3A_27 = tpu.memref_slice %arg13[%mul3A_22, %dma_start3A_26] : memref<10112x128xf32, #tpu.memory_space<vmem_shared>> -> memref<632x128xf32, #tpu.memory_space<vmem_shared>>
        tpu.enqueue_dma source(%dma_start3A_27 : memref<632x128xf32, #tpu.memory_space<vmem_shared>>) target(%dma_start3A_25 : memref<632x128xf32, #tpu.memory_space<hbm>>) target_semaphore(%run_scoped3A : memref<!tpu.dma_semaphore, #tpu.memory_space<semaphore_mem>>)
        %dma_wait3A = arith.constant 0 : i32
        %dma_wait3A_28 = tpu.memref_slice %arg8[%mul3A_24, %dma_wait3A] : memref<10112x128xf32, #tpu.memory_space<hbm>> -> memref<632x128xf32, #tpu.memory_space<hbm>>
        %dma_wait3A_29 = arith.constant 0 : i32
        %dma_wait3A_30 = tpu.memref_slice %arg13[%mul3A_22, %dma_wait3A_29] : memref<10112x128xf32, #tpu.memory_space<vmem_shared>> -> memref<632x128xf32, #tpu.memory_space<vmem_shared>>
        tpu.wait_dma2 semaphore(%run_scoped3A : memref<!tpu.dma_semaphore, #tpu.memory_space<semaphore_mem>>) src(%dma_wait3A_30 : memref<632x128xf32, #tpu.memory_space<vmem_shared>>) dst(%dma_wait3A_28 : memref<632x128xf32, #tpu.memory_space<hbm>>)
        tpu.yield
      }) : () -> ()
    } else {
    }
    return
  }
}

#map = affine_map<(d0, d1) -> (0, 0)>
module attributes {stable_mosaic.version = 14 : i64} {
  func.func @_agg_sc(%arg0: i32, %arg1: i32, %arg2: memref<10000x128xf32, #tpu.memory_space<hbm>>, %arg3: memref<10000x128xf32, #tpu.memory_space<hbm>>, %arg4: memref<1280x128xi32, #tpu.memory_space<hbm>>, %arg5: memref<1280x128xi32, #tpu.memory_space<hbm>>, %arg6: memref<10112x128xf32, #tpu.memory_space<hbm>>, %arg7: memref<10112x128xf32, #tpu.memory_space<hbm>>, %arg8: memref<10112x128xf32, #tpu.memory_space<hbm>>, %arg9: memref<40x128xi32, #tpu.memory_space<vmem>>, %arg10: memref<40x128xi32, #tpu.memory_space<vmem>>, %arg11: memref<128x128xf32, #tpu.memory_space<vmem>>, %arg12: memref<128x128xf32, #tpu.memory_space<vmem>>, %arg13: memref<10112x128xf32, #tpu.memory_space<vmem_shared>>, %arg14: memref<!tpu.dma_semaphore, #tpu.memory_space<semaphore_mem>>, %arg15: memref<!tpu.dma_semaphore, #tpu.memory_space<semaphore_mem>>, %arg16: memref<!tpu.dma_semaphore, #tpu.memory_space<semaphore_mem>>, %arg17: memref<!tpu.dma_semaphore, #tpu.memory_space<semaphore_mem>>) attributes {dimension_semantics = [#tpu.dimension_semantics<core_parallel>, #tpu.dimension_semantics<subcore_parallel>], iteration_bounds = array<i64: 2, 16>, scalar_prefetch = 0 : i64, scratch_operands = 9 : i64, tpu.core_type = #tpu.core_type<sc_vector_subcore>, window_params = [{transform_indices = #map}, {transform_indices = #map}, {transform_indices = #map}, {transform_indices = #map}, {transform_indices = #map}, {transform_indices = #map}, {transform_indices = #map}]} {
    %mul3A = arith.constant 632 : i32
    %mul3A_0 = arith.muli %arg1, %mul3A : i32
    %mul3A_1 = arith.constant 632 : i32
    %mul3A_2 = arith.muli %arg1, %mul3A_1 : i32
    "tpu.region"() ({
      %run_scoped3A = tpu.sem_alloc : memref<!tpu.dma_semaphore, #tpu.memory_space<semaphore_mem>>
      %dma_start3A = arith.constant 0 : i32
      %dma_start3A_21 = tpu.memref_slice %arg13[%mul3A_2, %dma_start3A] : memref<10112x128xf32, #tpu.memory_space<vmem_shared>> -> memref<632x128xf32, #tpu.memory_space<vmem_shared>>
      %dma_start3A_22 = arith.constant 0 : i32
      %dma_start3A_23 = tpu.memref_slice %arg6[%mul3A_0, %dma_start3A_22] : memref<10112x128xf32, #tpu.memory_space<hbm>> -> memref<632x128xf32, #tpu.memory_space<hbm>>
      tpu.enqueue_dma source(%dma_start3A_23 : memref<632x128xf32, #tpu.memory_space<hbm>>) target(%dma_start3A_21 : memref<632x128xf32, #tpu.memory_space<vmem_shared>>) target_semaphore(%run_scoped3A : memref<!tpu.dma_semaphore, #tpu.memory_space<semaphore_mem>>)
      %dma_wait3A = arith.constant 0 : i32
      %dma_wait3A_24 = tpu.memref_slice %arg13[%mul3A_2, %dma_wait3A] : memref<10112x128xf32, #tpu.memory_space<vmem_shared>> -> memref<632x128xf32, #tpu.memory_space<vmem_shared>>
      %dma_wait3A_25 = arith.constant 0 : i32
      %dma_wait3A_26 = tpu.memref_slice %arg6[%mul3A_0, %dma_wait3A_25] : memref<10112x128xf32, #tpu.memory_space<hbm>> -> memref<632x128xf32, #tpu.memory_space<hbm>>
      tpu.wait_dma2 semaphore(%run_scoped3A : memref<!tpu.dma_semaphore, #tpu.memory_space<semaphore_mem>>) src(%dma_wait3A_26 : memref<632x128xf32, #tpu.memory_space<hbm>>) dst(%dma_wait3A_24 : memref<632x128xf32, #tpu.memory_space<vmem_shared>>)
      tpu.yield
    }) : () -> ()
    %barrier3A = arith.constant 0 : index
    tpu.barrier barrier_id(%barrier3A)
    %eq3A = arith.constant 0 : i32
    %eq3A_3 = arith.cmpi eq, %arg0, %eq3A : i32
    %convert_element_type3A = arith.extui %eq3A_3 : i1 to i32
    %cond3A = arith.constant 0 : i32
    %cond3A_4 = arith.cmpi ne, %convert_element_type3A, %cond3A : i32
    scf.if %cond3A_4 {
      %mul3A_21 = arith.constant 80 : i32
      %mul3A_22 = arith.muli %arg1, %mul3A_21 : i32
      %add3A = arith.constant 0 : i32
      %add3A_23 = arith.addi %mul3A_22, %add3A : i32
      "tpu.region"() ({
        %run_scoped3A = tpu.sem_alloc : memref<!tpu.dma_semaphore, #tpu.memory_space<semaphore_mem>>
        %dma_start3A_65 = arith.constant 0 : i32
        %dma_start3A_66 = tpu.memref_slice %arg4[%add3A_23, %dma_start3A_65] : memref<1280x128xi32, #tpu.memory_space<hbm>> -> memref<40x128xi32, #tpu.memory_space<hbm>>
        %dma_start3A_67 = arith.constant 0 : i32
        %dma_start3A_68 = tpu.memref_slice %arg4[%add3A_23, %dma_start3A_67] : memref<1280x128xi32, #tpu.memory_space<hbm>> -> memref<40x128xi32, #tpu.memory_space<hbm>>
        tpu.enqueue_dma source(%dma_start3A_68 : memref<40x128xi32, #tpu.memory_space<hbm>>) target(%arg9 : memref<40x128xi32, #tpu.memory_space<vmem>>) target_semaphore(%run_scoped3A : memref<!tpu.dma_semaphore, #tpu.memory_space<semaphore_mem>>)
        %dma_wait3A_69 = arith.constant 0 : i32
        %dma_wait3A_70 = tpu.memref_slice %arg4[%add3A_23, %dma_wait3A_69] : memref<1280x128xi32, #tpu.memory_space<hbm>> -> memref<40x128xi32, #tpu.memory_space<hbm>>
        %dma_wait3A_71 = arith.constant 0 : i32
        %dma_wait3A_72 = tpu.memref_slice %arg4[%add3A_23, %dma_wait3A_71] : memref<1280x128xi32, #tpu.memory_space<hbm>> -> memref<40x128xi32, #tpu.memory_space<hbm>>
        tpu.wait_dma2 semaphore(%run_scoped3A : memref<!tpu.dma_semaphore, #tpu.memory_space<semaphore_mem>>) src(%dma_wait3A_72 : memref<40x128xi32, #tpu.memory_space<hbm>>) dst(%arg9 : memref<40x128xi32, #tpu.memory_space<vmem>>)
        tpu.yield
      }) : () -> ()
      "tpu.region"() ({
        %run_scoped3A = tpu.sem_alloc : memref<!tpu.dma_semaphore, #tpu.memory_space<semaphore_mem>>
        %dma_start3A_65 = arith.constant 0 : i32
        %dma_start3A_66 = tpu.memref_slice %arg5[%add3A_23, %dma_start3A_65] : memref<1280x128xi32, #tpu.memory_space<hbm>> -> memref<40x128xi32, #tpu.memory_space<hbm>>
        %dma_start3A_67 = arith.constant 0 : i32
        %dma_start3A_68 = tpu.memref_slice %arg5[%add3A_23, %dma_start3A_67] : memref<1280x128xi32, #tpu.memory_space<hbm>> -> memref<40x128xi32, #tpu.memory_space<hbm>>
        tpu.enqueue_dma source(%dma_start3A_68 : memref<40x128xi32, #tpu.memory_space<hbm>>) target(%arg10 : memref<40x128xi32, #tpu.memory_space<vmem>>) target_semaphore(%run_scoped3A : memref<!tpu.dma_semaphore, #tpu.memory_space<semaphore_mem>>)
        %dma_wait3A_69 = arith.constant 0 : i32
        %dma_wait3A_70 = tpu.memref_slice %arg5[%add3A_23, %dma_wait3A_69] : memref<1280x128xi32, #tpu.memory_space<hbm>> -> memref<40x128xi32, #tpu.memory_space<hbm>>
        %dma_wait3A_71 = arith.constant 0 : i32
        %dma_wait3A_72 = tpu.memref_slice %arg5[%add3A_23, %dma_wait3A_71] : memref<1280x128xi32, #tpu.memory_space<hbm>> -> memref<40x128xi32, #tpu.memory_space<hbm>>
        tpu.wait_dma2 semaphore(%run_scoped3A : memref<!tpu.dma_semaphore, #tpu.memory_space<semaphore_mem>>) src(%dma_wait3A_72 : memref<40x128xi32, #tpu.memory_space<hbm>>) dst(%arg10 : memref<40x128xi32, #tpu.memory_space<vmem>>)
        tpu.yield
      }) : () -> ()
      %dma_start3A = arith.constant 0 : i32
      %dma_start3A_24 = arith.constant 0 : i32
      %dma_start3A_25 = tpu.memref_slice %arg9[%dma_start3A, %dma_start3A_24] : memref<40x128xi32, #tpu.memory_space<vmem>> -> memref<1x128xi32, #tpu.memory_space<vmem>>
      %dma_start3A_26 = tpu.memref_squeeze %dma_start3A_25 : memref<1x128xi32, #tpu.memory_space<vmem>> -> memref<128xi32, #tpu.memory_space<vmem>>
      %dma_start3A_27 = arith.constant 0 : i32
      %dma_start3A_28 = arith.constant 0 : i32
      %dma_start3A_29 = tpu.memref_slice %arg2[%dma_start3A_27, %dma_start3A_28] : memref<10000x128xf32, #tpu.memory_space<hbm>> -> memref<10000x128xf32, #tpu.memory_space<hbm>>
      tpu.enqueue_indirect_dma source(%dma_start3A_29 : memref<10000x128xf32, #tpu.memory_space<hbm>>) target(%arg11 : memref<128x128xf32, #tpu.memory_space<vmem>>) offsets(%dma_start3A_26 : memref<128xi32, #tpu.memory_space<vmem>>) semaphore(%arg14 : memref<!tpu.dma_semaphore, #tpu.memory_space<semaphore_mem>>)
      %scan3A = arith.constant 0 : i32
      %scan3A_30 = arith.constant 0 : i32
      %scan3A_31 = arith.constant 20 : i32
      %scan3A_32 = arith.addi %scan3A_30, %scan3A_31 : i32
      %scan3A_33 = arith.constant 1 : i32
      scf.for %scan3A_65 = %scan3A_30 to %scan3A_32 step %scan3A_33  : i32 {
        %mul3A_66 = arith.constant 2 : i32
        %mul3A_67 = arith.muli %mul3A_66, %scan3A_65 : i32
        %add3A_68 = arith.constant 0 : i32
        %add3A_69 = arith.addi %mul3A_67, %add3A_68 : i32
        %dma_wait3A_70 = arith.constant 0 : i32
        %dma_wait3A_71 = tpu.memref_slice %arg9[%add3A_69, %dma_wait3A_70] : memref<40x128xi32, #tpu.memory_space<vmem>> -> memref<1x128xi32, #tpu.memory_space<vmem>>
        %dma_wait3A_72 = tpu.memref_squeeze %dma_wait3A_71 : memref<1x128xi32, #tpu.memory_space<vmem>> -> memref<128xi32, #tpu.memory_space<vmem>>
        %dma_wait3A_73 = arith.constant 0 : i32
        %dma_wait3A_74 = arith.constant 0 : i32
        %dma_wait3A_75 = tpu.memref_slice %arg2[%dma_wait3A_73, %dma_wait3A_74] : memref<10000x128xf32, #tpu.memory_space<hbm>> -> memref<10000x128xf32, #tpu.memory_space<hbm>>
        tpu.wait_indirect_dma semaphore(%arg14 : memref<!tpu.dma_semaphore, #tpu.memory_space<semaphore_mem>>) src(%dma_wait3A_75 : memref<10000x128xf32, #tpu.memory_space<hbm>>) dst(%arg11 : memref<128x128xf32, #tpu.memory_space<vmem>>)
        %dma_start3A_76 = arith.constant 0 : i32
        %dma_start3A_77 = tpu.memref_slice %arg10[%add3A_69, %dma_start3A_76] : memref<40x128xi32, #tpu.memory_space<vmem>> -> memref<1x128xi32, #tpu.memory_space<vmem>>
        %dma_start3A_78 = tpu.memref_squeeze %dma_start3A_77 : memref<1x128xi32, #tpu.memory_space<vmem>> -> memref<128xi32, #tpu.memory_space<vmem>>
        %dma_start3A_79 = arith.constant 0 : i32
        %dma_start3A_80 = arith.constant 0 : i32
        %dma_start3A_81 = tpu.memref_slice %arg13[%dma_start3A_79, %dma_start3A_80] : memref<10112x128xf32, #tpu.memory_space<vmem_shared>> -> memref<10112x128xf32, #tpu.memory_space<vmem_shared>>
        tpu.enqueue_indirect_dma source(%arg11 : memref<128x128xf32, #tpu.memory_space<vmem>>) target(%dma_start3A_81 : memref<10112x128xf32, #tpu.memory_space<vmem_shared>>) offsets(%dma_start3A_78 : memref<128xi32, #tpu.memory_space<vmem>>) semaphore(%arg16 : memref<!tpu.dma_semaphore, #tpu.memory_space<semaphore_mem>>) {add = true}
        %ge3A = arith.constant 1 : i32
        %ge3A_82 = arith.cmpi sge, %add3A_69, %ge3A : i32
        %convert_element_type3A_83 = arith.extui %ge3A_82 : i1 to i32
        %cond3A_84 = arith.constant 0 : i32
        %cond3A_85 = arith.cmpi ne, %convert_element_type3A_83, %cond3A_84 : i32
        scf.if %cond3A_85 {
          %sub3A = arith.constant 1 : i32
          %sub3A_120 = arith.subi %add3A_69, %sub3A : i32
          %dma_wait3A_121 = arith.constant 0 : i32
          %dma_wait3A_122 = tpu.memref_slice %arg10[%sub3A_120, %dma_wait3A_121] : memref<40x128xi32, #tpu.memory_space<vmem>> -> memref<1x128xi32, #tpu.memory_space<vmem>>
          %dma_wait3A_123 = tpu.memref_squeeze %dma_wait3A_122 : memref<1x128xi32, #tpu.memory_space<vmem>> -> memref<128xi32, #tpu.memory_space<vmem>>
          %dma_wait3A_124 = arith.constant 0 : i32
          %dma_wait3A_125 = arith.constant 0 : i32
          %dma_wait3A_126 = tpu.memref_slice %arg13[%dma_wait3A_124, %dma_wait3A_125] : memref<10112x128xf32, #tpu.memory_space<vmem_shared>> -> memref<10112x128xf32, #tpu.memory_space<vmem_shared>>
          tpu.wait_indirect_dma semaphore(%arg17 : memref<!tpu.dma_semaphore, #tpu.memory_space<semaphore_mem>>) src(%arg12 : memref<128x128xf32, #tpu.memory_space<vmem>>) dst(%dma_wait3A_126 : memref<10112x128xf32, #tpu.memory_space<vmem_shared>>)
        } else {
        }
        %add3A_86 = arith.constant 1 : i32
        %add3A_87 = arith.addi %add3A_69, %add3A_86 : i32
        %lt3A = arith.constant 40 : i32
        %lt3A_88 = arith.cmpi slt, %add3A_87, %lt3A : i32
        %convert_element_type3A_89 = arith.extui %lt3A_88 : i1 to i32
        %cond3A_90 = arith.constant 0 : i32
        %cond3A_91 = arith.cmpi ne, %convert_element_type3A_89, %cond3A_90 : i32
        scf.if %cond3A_91 {
          %add3A_120 = arith.constant 1 : i32
          %add3A_121 = arith.addi %add3A_69, %add3A_120 : i32
          %dma_start3A_122 = arith.constant 0 : i32
          %dma_start3A_123 = tpu.memref_slice %arg9[%add3A_121, %dma_start3A_122] : memref<40x128xi32, #tpu.memory_space<vmem>> -> memref<1x128xi32, #tpu.memory_space<vmem>>
          %dma_start3A_124 = tpu.memref_squeeze %dma_start3A_123 : memref<1x128xi32, #tpu.memory_space<vmem>> -> memref<128xi32, #tpu.memory_space<vmem>>
          %dma_start3A_125 = arith.constant 0 : i32
          %dma_start3A_126 = arith.constant 0 : i32
          %dma_start3A_127 = tpu.memref_slice %arg2[%dma_start3A_125, %dma_start3A_126] : memref<10000x128xf32, #tpu.memory_space<hbm>> -> memref<10000x128xf32, #tpu.memory_space<hbm>>
          tpu.enqueue_indirect_dma source(%dma_start3A_127 : memref<10000x128xf32, #tpu.memory_space<hbm>>) target(%arg12 : memref<128x128xf32, #tpu.memory_space<vmem>>) offsets(%dma_start3A_124 : memref<128xi32, #tpu.memory_space<vmem>>) semaphore(%arg15 : memref<!tpu.dma_semaphore, #tpu.memory_space<semaphore_mem>>)
        } else {
        }
        %mul3A_92 = arith.constant 2 : i32
        %mul3A_93 = arith.muli %mul3A_92, %scan3A_65 : i32
        %add3A_94 = arith.constant 1 : i32
        %add3A_95 = arith.addi %mul3A_93, %add3A_94 : i32
        %dma_wait3A_96 = arith.constant 0 : i32
        %dma_wait3A_97 = tpu.memref_slice %arg9[%add3A_95, %dma_wait3A_96] : memref<40x128xi32, #tpu.memory_space<vmem>> -> memref<1x128xi32, #tpu.memory_space<vmem>>
        %dma_wait3A_98 = tpu.memref_squeeze %dma_wait3A_97 : memref<1x128xi32, #tpu.memory_space<vmem>> -> memref<128xi32, #tpu.memory_space<vmem>>
        %dma_wait3A_99 = arith.constant 0 : i32
        %dma_wait3A_100 = arith.constant 0 : i32
        %dma_wait3A_101 = tpu.memref_slice %arg2[%dma_wait3A_99, %dma_wait3A_100] : memref<10000x128xf32, #tpu.memory_space<hbm>> -> memref<10000x128xf32, #tpu.memory_space<hbm>>
        tpu.wait_indirect_dma semaphore(%arg15 : memref<!tpu.dma_semaphore, #tpu.memory_space<semaphore_mem>>) src(%dma_wait3A_101 : memref<10000x128xf32, #tpu.memory_space<hbm>>) dst(%arg12 : memref<128x128xf32, #tpu.memory_space<vmem>>)
        %dma_start3A_102 = arith.constant 0 : i32
        %dma_start3A_103 = tpu.memref_slice %arg10[%add3A_95, %dma_start3A_102] : memref<40x128xi32, #tpu.memory_space<vmem>> -> memref<1x128xi32, #tpu.memory_space<vmem>>
        %dma_start3A_104 = tpu.memref_squeeze %dma_start3A_103 : memref<1x128xi32, #tpu.memory_space<vmem>> -> memref<128xi32, #tpu.memory_space<vmem>>
        %dma_start3A_105 = arith.constant 0 : i32
        %dma_start3A_106 = arith.constant 0 : i32
        %dma_start3A_107 = tpu.memref_slice %arg13[%dma_start3A_105, %dma_start3A_106] : memref<10112x128xf32, #tpu.memory_space<vmem_shared>> -> memref<10112x128xf32, #tpu.memory_space<vmem_shared>>
        tpu.enqueue_indirect_dma source(%arg12 : memref<128x128xf32, #tpu.memory_space<vmem>>) target(%dma_start3A_107 : memref<10112x128xf32, #tpu.memory_space<vmem_shared>>) offsets(%dma_start3A_104 : memref<128xi32, #tpu.memory_space<vmem>>) semaphore(%arg17 : memref<!tpu.dma_semaphore, #tpu.memory_space<semaphore_mem>>) {add = true}
        %ge3A_108 = arith.constant 1 : i32
        %ge3A_109 = arith.cmpi sge, %add3A_95, %ge3A_108 : i32
        %convert_element_type3A_110 = arith.extui %ge3A_109 : i1 to i32
        %cond3A_111 = arith.constant 0 : i32
        %cond3A_112 = arith.cmpi ne, %convert_element_type3A_110, %cond3A_111 : i32
        scf.if %cond3A_112 {
          %sub3A = arith.constant 1 : i32
          %sub3A_120 = arith.subi %add3A_95, %sub3A : i32
          %dma_wait3A_121 = arith.constant 0 : i32
          %dma_wait3A_122 = tpu.memref_slice %arg10[%sub3A_120, %dma_wait3A_121] : memref<40x128xi32, #tpu.memory_space<vmem>> -> memref<1x128xi32, #tpu.memory_space<vmem>>
          %dma_wait3A_123 = tpu.memref_squeeze %dma_wait3A_122 : memref<1x128xi32, #tpu.memory_space<vmem>> -> memref<128xi32, #tpu.memory_space<vmem>>
          %dma_wait3A_124 = arith.constant 0 : i32
          %dma_wait3A_125 = arith.constant 0 : i32
          %dma_wait3A_126 = tpu.memref_slice %arg13[%dma_wait3A_124, %dma_wait3A_125] : memref<10112x128xf32, #tpu.memory_space<vmem_shared>> -> memref<10112x128xf32, #tpu.memory_space<vmem_shared>>
          tpu.wait_indirect_dma semaphore(%arg16 : memref<!tpu.dma_semaphore, #tpu.memory_space<semaphore_mem>>) src(%arg11 : memref<128x128xf32, #tpu.memory_space<vmem>>) dst(%dma_wait3A_126 : memref<10112x128xf32, #tpu.memory_space<vmem_shared>>)
        } else {
        }
        %add3A_113 = arith.constant 1 : i32
        %add3A_114 = arith.addi %add3A_95, %add3A_113 : i32
        %lt3A_115 = arith.constant 40 : i32
        %lt3A_116 = arith.cmpi slt, %add3A_114, %lt3A_115 : i32
        %convert_element_type3A_117 = arith.extui %lt3A_116 : i1 to i32
        %cond3A_118 = arith.constant 0 : i32
        %cond3A_119 = arith.cmpi ne, %convert_element_type3A_117, %cond3A_118 : i32
        scf.if %cond3A_119 {
          %add3A_120 = arith.constant 1 : i32
          %add3A_121 = arith.addi %add3A_95, %add3A_120 : i32
          %dma_start3A_122 = arith.constant 0 : i32
          %dma_start3A_123 = tpu.memref_slice %arg9[%add3A_121, %dma_start3A_122] : memref<40x128xi32, #tpu.memory_space<vmem>> -> memref<1x128xi32, #tpu.memory_space<vmem>>
          %dma_start3A_124 = tpu.memref_squeeze %dma_start3A_123 : memref<1x128xi32, #tpu.memory_space<vmem>> -> memref<128xi32, #tpu.memory_space<vmem>>
          %dma_start3A_125 = arith.constant 0 : i32
          %dma_start3A_126 = arith.constant 0 : i32
          %dma_start3A_127 = tpu.memref_slice %arg2[%dma_start3A_125, %dma_start3A_126] : memref<10000x128xf32, #tpu.memory_space<hbm>> -> memref<10000x128xf32, #tpu.memory_space<hbm>>
          tpu.enqueue_indirect_dma source(%dma_start3A_127 : memref<10000x128xf32, #tpu.memory_space<hbm>>) target(%arg11 : memref<128x128xf32, #tpu.memory_space<vmem>>) offsets(%dma_start3A_124 : memref<128xi32, #tpu.memory_space<vmem>>) semaphore(%arg14 : memref<!tpu.dma_semaphore, #tpu.memory_space<semaphore_mem>>)
        } else {
        }
      }
      %scan3A_34 = arith.constant 20 : i32
      %dma_wait3A = arith.constant 39 : i32
      %dma_wait3A_35 = arith.constant 0 : i32
      %dma_wait3A_36 = tpu.memref_slice %arg10[%dma_wait3A, %dma_wait3A_35] : memref<40x128xi32, #tpu.memory_space<vmem>> -> memref<1x128xi32, #tpu.memory_space<vmem>>
      %dma_wait3A_37 = tpu.memref_squeeze %dma_wait3A_36 : memref<1x128xi32, #tpu.memory_space<vmem>> -> memref<128xi32, #tpu.memory_space<vmem>>
      %dma_wait3A_38 = arith.constant 0 : i32
      %dma_wait3A_39 = arith.constant 0 : i32
      %dma_wait3A_40 = tpu.memref_slice %arg13[%dma_wait3A_38, %dma_wait3A_39] : memref<10112x128xf32, #tpu.memory_space<vmem_shared>> -> memref<10112x128xf32, #tpu.memory_space<vmem_shared>>
      tpu.wait_indirect_dma semaphore(%arg17 : memref<!tpu.dma_semaphore, #tpu.memory_space<semaphore_mem>>) src(%arg12 : memref<128x128xf32, #tpu.memory_space<vmem>>) dst(%dma_wait3A_40 : memref<10112x128xf32, #tpu.memory_space<vmem_shared>>)
      %mul3A_41 = arith.constant 80 : i32
      %mul3A_42 = arith.muli %arg1, %mul3A_41 : i32
      %add3A_43 = arith.constant 40 : i32
      %add3A_44 = arith.addi %mul3A_42, %add3A_43 : i32
      "tpu.region"() ({
        %run_scoped3A = tpu.sem_alloc : memref<!tpu.dma_semaphore, #tpu.memory_space<semaphore_mem>>
        %dma_start3A_65 = arith.constant 0 : i32
        %dma_start3A_66 = tpu.memref_slice %arg4[%add3A_44, %dma_start3A_65] : memref<1280x128xi32, #tpu.memory_space<hbm>> -> memref<40x128xi32, #tpu.memory_space<hbm>>
        %dma_start3A_67 = arith.constant 0 : i32
        %dma_start3A_68 = tpu.memref_slice %arg4[%add3A_44, %dma_start3A_67] : memref<1280x128xi32, #tpu.memory_space<hbm>> -> memref<40x128xi32, #tpu.memory_space<hbm>>
        tpu.enqueue_dma source(%dma_start3A_68 : memref<40x128xi32, #tpu.memory_space<hbm>>) target(%arg9 : memref<40x128xi32, #tpu.memory_space<vmem>>) target_semaphore(%run_scoped3A : memref<!tpu.dma_semaphore, #tpu.memory_space<semaphore_mem>>)
        %dma_wait3A_69 = arith.constant 0 : i32
        %dma_wait3A_70 = tpu.memref_slice %arg4[%add3A_44, %dma_wait3A_69] : memref<1280x128xi32, #tpu.memory_space<hbm>> -> memref<40x128xi32, #tpu.memory_space<hbm>>
        %dma_wait3A_71 = arith.constant 0 : i32
        %dma_wait3A_72 = tpu.memref_slice %arg4[%add3A_44, %dma_wait3A_71] : memref<1280x128xi32, #tpu.memory_space<hbm>> -> memref<40x128xi32, #tpu.memory_space<hbm>>
        tpu.wait_dma2 semaphore(%run_scoped3A : memref<!tpu.dma_semaphore, #tpu.memory_space<semaphore_mem>>) src(%dma_wait3A_72 : memref<40x128xi32, #tpu.memory_space<hbm>>) dst(%arg9 : memref<40x128xi32, #tpu.memory_space<vmem>>)
        tpu.yield
      }) : () -> ()
      "tpu.region"() ({
        %run_scoped3A = tpu.sem_alloc : memref<!tpu.dma_semaphore, #tpu.memory_space<semaphore_mem>>
        %dma_start3A_65 = arith.constant 0 : i32
        %dma_start3A_66 = tpu.memref_slice %arg5[%add3A_44, %dma_start3A_65] : memref<1280x128xi32, #tpu.memory_space<hbm>> -> memref<40x128xi32, #tpu.memory_space<hbm>>
        %dma_start3A_67 = arith.constant 0 : i32
        %dma_start3A_68 = tpu.memref_slice %arg5[%add3A_44, %dma_start3A_67] : memref<1280x128xi32, #tpu.memory_space<hbm>> -> memref<40x128xi32, #tpu.memory_space<hbm>>
        tpu.enqueue_dma source(%dma_start3A_68 : memref<40x128xi32, #tpu.memory_space<hbm>>) target(%arg10 : memref<40x128xi32, #tpu.memory_space<vmem>>) target_semaphore(%run_scoped3A : memref<!tpu.dma_semaphore, #tpu.memory_space<semaphore_mem>>)
        %dma_wait3A_69 = arith.constant 0 : i32
        %dma_wait3A_70 = tpu.memref_slice %arg5[%add3A_44, %dma_wait3A_69] : memref<1280x128xi32, #tpu.memory_space<hbm>> -> memref<40x128xi32, #tpu.memory_space<hbm>>
        %dma_wait3A_71 = arith.constant 0 : i32
        %dma_wait3A_72 = tpu.memref_slice %arg5[%add3A_44, %dma_wait3A_71] : memref<1280x128xi32, #tpu.memory_space<hbm>> -> memref<40x128xi32, #tpu.memory_space<hbm>>
        tpu.wait_dma2 semaphore(%run_scoped3A : memref<!tpu.dma_semaphore, #tpu.memory_space<semaphore_mem>>) src(%dma_wait3A_72 : memref<40x128xi32, #tpu.memory_space<hbm>>) dst(%arg10 : memref<40x128xi32, #tpu.memory_space<vmem>>)
        tpu.yield
      }) : () -> ()
      %dma_start3A_45 = arith.constant 0 : i32
      %dma_start3A_46 = arith.constant 0 : i32
      %dma_start3A_47 = tpu.memref_slice %arg9[%dma_start3A_45, %dma_start3A_46] : memref<40x128xi32, #tpu.memory_space<vmem>> -> memref<1x128xi32, #tpu.memory_space<vmem>>
      %dma_start3A_48 = tpu.memref_squeeze %dma_start3A_47 : memref<1x128xi32, #tpu.memory_space<vmem>> -> memref<128xi32, #tpu.memory_space<vmem>>
      %dma_start3A_49 = arith.constant 0 : i32
      %dma_start3A_50 = arith.constant 0 : i32
      %dma_start3A_51 = tpu.memref_slice %arg2[%dma_start3A_49, %dma_start3A_50] : memref<10000x128xf32, #tpu.memory_space<hbm>> -> memref<10000x128xf32, #tpu.memory_space<hbm>>
      tpu.enqueue_indirect_dma source(%dma_start3A_51 : memref<10000x128xf32, #tpu.memory_space<hbm>>) target(%arg11 : memref<128x128xf32, #tpu.memory_space<vmem>>) offsets(%dma_start3A_48 : memref<128xi32, #tpu.memory_space<vmem>>) semaphore(%arg14 : memref<!tpu.dma_semaphore, #tpu.memory_space<semaphore_mem>>)
      %scan3A_52 = arith.constant 0 : i32
      %scan3A_53 = arith.constant 0 : i32
      %scan3A_54 = arith.constant 20 : i32
      %scan3A_55 = arith.addi %scan3A_53, %scan3A_54 : i32
      %scan3A_56 = arith.constant 1 : i32
      scf.for %scan3A_65 = %scan3A_53 to %scan3A_55 step %scan3A_56  : i32 {
        %mul3A_66 = arith.constant 2 : i32
        %mul3A_67 = arith.muli %mul3A_66, %scan3A_65 : i32
        %add3A_68 = arith.constant 0 : i32
        %add3A_69 = arith.addi %mul3A_67, %add3A_68 : i32
        %dma_wait3A_70 = arith.constant 0 : i32
        %dma_wait3A_71 = tpu.memref_slice %arg9[%add3A_69, %dma_wait3A_70] : memref<40x128xi32, #tpu.memory_space<vmem>> -> memref<1x128xi32, #tpu.memory_space<vmem>>
        %dma_wait3A_72 = tpu.memref_squeeze %dma_wait3A_71 : memref<1x128xi32, #tpu.memory_space<vmem>> -> memref<128xi32, #tpu.memory_space<vmem>>
        %dma_wait3A_73 = arith.constant 0 : i32
        %dma_wait3A_74 = arith.constant 0 : i32
        %dma_wait3A_75 = tpu.memref_slice %arg2[%dma_wait3A_73, %dma_wait3A_74] : memref<10000x128xf32, #tpu.memory_space<hbm>> -> memref<10000x128xf32, #tpu.memory_space<hbm>>
        tpu.wait_indirect_dma semaphore(%arg14 : memref<!tpu.dma_semaphore, #tpu.memory_space<semaphore_mem>>) src(%dma_wait3A_75 : memref<10000x128xf32, #tpu.memory_space<hbm>>) dst(%arg11 : memref<128x128xf32, #tpu.memory_space<vmem>>)
        %dma_start3A_76 = arith.constant 0 : i32
        %dma_start3A_77 = tpu.memref_slice %arg10[%add3A_69, %dma_start3A_76] : memref<40x128xi32, #tpu.memory_space<vmem>> -> memref<1x128xi32, #tpu.memory_space<vmem>>
        %dma_start3A_78 = tpu.memref_squeeze %dma_start3A_77 : memref<1x128xi32, #tpu.memory_space<vmem>> -> memref<128xi32, #tpu.memory_space<vmem>>
        %dma_start3A_79 = arith.constant 0 : i32
        %dma_start3A_80 = arith.constant 0 : i32
        %dma_start3A_81 = tpu.memref_slice %arg13[%dma_start3A_79, %dma_start3A_80] : memref<10112x128xf32, #tpu.memory_space<vmem_shared>> -> memref<10112x128xf32, #tpu.memory_space<vmem_shared>>
        tpu.enqueue_indirect_dma source(%arg11 : memref<128x128xf32, #tpu.memory_space<vmem>>) target(%dma_start3A_81 : memref<10112x128xf32, #tpu.memory_space<vmem_shared>>) offsets(%dma_start3A_78 : memref<128xi32, #tpu.memory_space<vmem>>) semaphore(%arg16 : memref<!tpu.dma_semaphore, #tpu.memory_space<semaphore_mem>>) {add = true}
        %ge3A = arith.constant 1 : i32
        %ge3A_82 = arith.cmpi sge, %add3A_69, %ge3A : i32
        %convert_element_type3A_83 = arith.extui %ge3A_82 : i1 to i32
        %cond3A_84 = arith.constant 0 : i32
        %cond3A_85 = arith.cmpi ne, %convert_element_type3A_83, %cond3A_84 : i32
        scf.if %cond3A_85 {
          %sub3A = arith.constant 1 : i32
          %sub3A_120 = arith.subi %add3A_69, %sub3A : i32
          %dma_wait3A_121 = arith.constant 0 : i32
          %dma_wait3A_122 = tpu.memref_slice %arg10[%sub3A_120, %dma_wait3A_121] : memref<40x128xi32, #tpu.memory_space<vmem>> -> memref<1x128xi32, #tpu.memory_space<vmem>>
          %dma_wait3A_123 = tpu.memref_squeeze %dma_wait3A_122 : memref<1x128xi32, #tpu.memory_space<vmem>> -> memref<128xi32, #tpu.memory_space<vmem>>
          %dma_wait3A_124 = arith.constant 0 : i32
          %dma_wait3A_125 = arith.constant 0 : i32
          %dma_wait3A_126 = tpu.memref_slice %arg13[%dma_wait3A_124, %dma_wait3A_125] : memref<10112x128xf32, #tpu.memory_space<vmem_shared>> -> memref<10112x128xf32, #tpu.memory_space<vmem_shared>>
          tpu.wait_indirect_dma semaphore(%arg17 : memref<!tpu.dma_semaphore, #tpu.memory_space<semaphore_mem>>) src(%arg12 : memref<128x128xf32, #tpu.memory_space<vmem>>) dst(%dma_wait3A_126 : memref<10112x128xf32, #tpu.memory_space<vmem_shared>>)
        } else {
        }
        %add3A_86 = arith.constant 1 : i32
        %add3A_87 = arith.addi %add3A_69, %add3A_86 : i32
        %lt3A = arith.constant 40 : i32
        %lt3A_88 = arith.cmpi slt, %add3A_87, %lt3A : i32
        %convert_element_type3A_89 = arith.extui %lt3A_88 : i1 to i32
        %cond3A_90 = arith.constant 0 : i32
        %cond3A_91 = arith.cmpi ne, %convert_element_type3A_89, %cond3A_90 : i32
        scf.if %cond3A_91 {
          %add3A_120 = arith.constant 1 : i32
          %add3A_121 = arith.addi %add3A_69, %add3A_120 : i32
          %dma_start3A_122 = arith.constant 0 : i32
          %dma_start3A_123 = tpu.memref_slice %arg9[%add3A_121, %dma_start3A_122] : memref<40x128xi32, #tpu.memory_space<vmem>> -> memref<1x128xi32, #tpu.memory_space<vmem>>
          %dma_start3A_124 = tpu.memref_squeeze %dma_start3A_123 : memref<1x128xi32, #tpu.memory_space<vmem>> -> memref<128xi32, #tpu.memory_space<vmem>>
          %dma_start3A_125 = arith.constant 0 : i32
          %dma_start3A_126 = arith.constant 0 : i32
          %dma_start3A_127 = tpu.memref_slice %arg2[%dma_start3A_125, %dma_start3A_126] : memref<10000x128xf32, #tpu.memory_space<hbm>> -> memref<10000x128xf32, #tpu.memory_space<hbm>>
          tpu.enqueue_indirect_dma source(%dma_start3A_127 : memref<10000x128xf32, #tpu.memory_space<hbm>>) target(%arg12 : memref<128x128xf32, #tpu.memory_space<vmem>>) offsets(%dma_start3A_124 : memref<128xi32, #tpu.memory_space<vmem>>) semaphore(%arg15 : memref<!tpu.dma_semaphore, #tpu.memory_space<semaphore_mem>>)
        } else {
        }
        %mul3A_92 = arith.constant 2 : i32
        %mul3A_93 = arith.muli %mul3A_92, %scan3A_65 : i32
        %add3A_94 = arith.constant 1 : i32
        %add3A_95 = arith.addi %mul3A_93, %add3A_94 : i32
        %dma_wait3A_96 = arith.constant 0 : i32
        %dma_wait3A_97 = tpu.memref_slice %arg9[%add3A_95, %dma_wait3A_96] : memref<40x128xi32, #tpu.memory_space<vmem>> -> memref<1x128xi32, #tpu.memory_space<vmem>>
        %dma_wait3A_98 = tpu.memref_squeeze %dma_wait3A_97 : memref<1x128xi32, #tpu.memory_space<vmem>> -> memref<128xi32, #tpu.memory_space<vmem>>
        %dma_wait3A_99 = arith.constant 0 : i32
        %dma_wait3A_100 = arith.constant 0 : i32
        %dma_wait3A_101 = tpu.memref_slice %arg2[%dma_wait3A_99, %dma_wait3A_100] : memref<10000x128xf32, #tpu.memory_space<hbm>> -> memref<10000x128xf32, #tpu.memory_space<hbm>>
        tpu.wait_indirect_dma semaphore(%arg15 : memref<!tpu.dma_semaphore, #tpu.memory_space<semaphore_mem>>) src(%dma_wait3A_101 : memref<10000x128xf32, #tpu.memory_space<hbm>>) dst(%arg12 : memref<128x128xf32, #tpu.memory_space<vmem>>)
        %dma_start3A_102 = arith.constant 0 : i32
        %dma_start3A_103 = tpu.memref_slice %arg10[%add3A_95, %dma_start3A_102] : memref<40x128xi32, #tpu.memory_space<vmem>> -> memref<1x128xi32, #tpu.memory_space<vmem>>
        %dma_start3A_104 = tpu.memref_squeeze %dma_start3A_103 : memref<1x128xi32, #tpu.memory_space<vmem>> -> memref<128xi32, #tpu.memory_space<vmem>>
        %dma_start3A_105 = arith.constant 0 : i32
        %dma_start3A_106 = arith.constant 0 : i32
        %dma_start3A_107 = tpu.memref_slice %arg13[%dma_start3A_105, %dma_start3A_106] : memref<10112x128xf32, #tpu.memory_space<vmem_shared>> -> memref<10112x128xf32, #tpu.memory_space<vmem_shared>>
        tpu.enqueue_indirect_dma source(%arg12 : memref<128x128xf32, #tpu.memory_space<vmem>>) target(%dma_start3A_107 : memref<10112x128xf32, #tpu.memory_space<vmem_shared>>) offsets(%dma_start3A_104 : memref<128xi32, #tpu.memory_space<vmem>>) semaphore(%arg17 : memref<!tpu.dma_semaphore, #tpu.memory_space<semaphore_mem>>) {add = true}
        %ge3A_108 = arith.constant 1 : i32
        %ge3A_109 = arith.cmpi sge, %add3A_95, %ge3A_108 : i32
        %convert_element_type3A_110 = arith.extui %ge3A_109 : i1 to i32
        %cond3A_111 = arith.constant 0 : i32
        %cond3A_112 = arith.cmpi ne, %convert_element_type3A_110, %cond3A_111 : i32
        scf.if %cond3A_112 {
          %sub3A = arith.constant 1 : i32
          %sub3A_120 = arith.subi %add3A_95, %sub3A : i32
          %dma_wait3A_121 = arith.constant 0 : i32
          %dma_wait3A_122 = tpu.memref_slice %arg10[%sub3A_120, %dma_wait3A_121] : memref<40x128xi32, #tpu.memory_space<vmem>> -> memref<1x128xi32, #tpu.memory_space<vmem>>
          %dma_wait3A_123 = tpu.memref_squeeze %dma_wait3A_122 : memref<1x128xi32, #tpu.memory_space<vmem>> -> memref<128xi32, #tpu.memory_space<vmem>>
          %dma_wait3A_124 = arith.constant 0 : i32
          %dma_wait3A_125 = arith.constant 0 : i32
          %dma_wait3A_126 = tpu.memref_slice %arg13[%dma_wait3A_124, %dma_wait3A_125] : memref<10112x128xf32, #tpu.memory_space<vmem_shared>> -> memref<10112x128xf32, #tpu.memory_space<vmem_shared>>
          tpu.wait_indirect_dma semaphore(%arg16 : memref<!tpu.dma_semaphore, #tpu.memory_space<semaphore_mem>>) src(%arg11 : memref<128x128xf32, #tpu.memory_space<vmem>>) dst(%dma_wait3A_126 : memref<10112x128xf32, #tpu.memory_space<vmem_shared>>)
        } else {
        }
        %add3A_113 = arith.constant 1 : i32
        %add3A_114 = arith.addi %add3A_95, %add3A_113 : i32
        %lt3A_115 = arith.constant 40 : i32
        %lt3A_116 = arith.cmpi slt, %add3A_114, %lt3A_115 : i32
        %convert_element_type3A_117 = arith.extui %lt3A_116 : i1 to i32
        %cond3A_118 = arith.constant 0 : i32
        %cond3A_119 = arith.cmpi ne, %convert_element_type3A_117, %cond3A_118 : i32
        scf.if %cond3A_119 {
          %add3A_120 = arith.constant 1 : i32
          %add3A_121 = arith.addi %add3A_95, %add3A_120 : i32
          %dma_start3A_122 = arith.constant 0 : i32
          %dma_start3A_123 = tpu.memref_slice %arg9[%add3A_121, %dma_start3A_122] : memref<40x128xi32, #tpu.memory_space<vmem>> -> memref<1x128xi32, #tpu.memory_space<vmem>>
          %dma_start3A_124 = tpu.memref_squeeze %dma_start3A_123 : memref<1x128xi32, #tpu.memory_space<vmem>> -> memref<128xi32, #tpu.memory_space<vmem>>
          %dma_start3A_125 = arith.constant 0 : i32
          %dma_start3A_126 = arith.constant 0 : i32
          %dma_start3A_127 = tpu.memref_slice %arg2[%dma_start3A_125, %dma_start3A_126] : memref<10000x128xf32, #tpu.memory_space<hbm>> -> memref<10000x128xf32, #tpu.memory_space<hbm>>
          tpu.enqueue_indirect_dma source(%dma_start3A_127 : memref<10000x128xf32, #tpu.memory_space<hbm>>) target(%arg11 : memref<128x128xf32, #tpu.memory_space<vmem>>) offsets(%dma_start3A_124 : memref<128xi32, #tpu.memory_space<vmem>>) semaphore(%arg14 : memref<!tpu.dma_semaphore, #tpu.memory_space<semaphore_mem>>)
        } else {
        }
      }
      %scan3A_57 = arith.constant 20 : i32
      %dma_wait3A_58 = arith.constant 39 : i32
      %dma_wait3A_59 = arith.constant 0 : i32
      %dma_wait3A_60 = tpu.memref_slice %arg10[%dma_wait3A_58, %dma_wait3A_59] : memref<40x128xi32, #tpu.memory_space<vmem>> -> memref<1x128xi32, #tpu.memory_space<vmem>>
      %dma_wait3A_61 = tpu.memref_squeeze %dma_wait3A_60 : memref<1x128xi32, #tpu.memory_space<vmem>> -> memref<128xi32, #tpu.memory_space<vmem>>
      %dma_wait3A_62 = arith.constant 0 : i32
      %dma_wait3A_63 = arith.constant 0 : i32
      %dma_wait3A_64 = tpu.memref_slice %arg13[%dma_wait3A_62, %dma_wait3A_63] : memref<10112x128xf32, #tpu.memory_space<vmem_shared>> -> memref<10112x128xf32, #tpu.memory_space<vmem_shared>>
      tpu.wait_indirect_dma semaphore(%arg17 : memref<!tpu.dma_semaphore, #tpu.memory_space<semaphore_mem>>) src(%arg12 : memref<128x128xf32, #tpu.memory_space<vmem>>) dst(%dma_wait3A_64 : memref<10112x128xf32, #tpu.memory_space<vmem_shared>>)
    } else {
    }
    %eq3A_5 = arith.constant 1 : i32
    %eq3A_6 = arith.cmpi eq, %arg0, %eq3A_5 : i32
    %convert_element_type3A_7 = arith.extui %eq3A_6 : i1 to i32
    %cond3A_8 = arith.constant 0 : i32
    %cond3A_9 = arith.cmpi ne, %convert_element_type3A_7, %cond3A_8 : i32
    scf.if %cond3A_9 {
      %mul3A_21 = arith.constant 80 : i32
      %mul3A_22 = arith.muli %arg1, %mul3A_21 : i32
      %add3A = arith.constant 0 : i32
      %add3A_23 = arith.addi %mul3A_22, %add3A : i32
      "tpu.region"() ({
        %run_scoped3A = tpu.sem_alloc : memref<!tpu.dma_semaphore, #tpu.memory_space<semaphore_mem>>
        %dma_start3A_65 = arith.constant 0 : i32
        %dma_start3A_66 = tpu.memref_slice %arg4[%add3A_23, %dma_start3A_65] : memref<1280x128xi32, #tpu.memory_space<hbm>> -> memref<40x128xi32, #tpu.memory_space<hbm>>
        %dma_start3A_67 = arith.constant 0 : i32
        %dma_start3A_68 = tpu.memref_slice %arg4[%add3A_23, %dma_start3A_67] : memref<1280x128xi32, #tpu.memory_space<hbm>> -> memref<40x128xi32, #tpu.memory_space<hbm>>
        tpu.enqueue_dma source(%dma_start3A_68 : memref<40x128xi32, #tpu.memory_space<hbm>>) target(%arg9 : memref<40x128xi32, #tpu.memory_space<vmem>>) target_semaphore(%run_scoped3A : memref<!tpu.dma_semaphore, #tpu.memory_space<semaphore_mem>>)
        %dma_wait3A_69 = arith.constant 0 : i32
        %dma_wait3A_70 = tpu.memref_slice %arg4[%add3A_23, %dma_wait3A_69] : memref<1280x128xi32, #tpu.memory_space<hbm>> -> memref<40x128xi32, #tpu.memory_space<hbm>>
        %dma_wait3A_71 = arith.constant 0 : i32
        %dma_wait3A_72 = tpu.memref_slice %arg4[%add3A_23, %dma_wait3A_71] : memref<1280x128xi32, #tpu.memory_space<hbm>> -> memref<40x128xi32, #tpu.memory_space<hbm>>
        tpu.wait_dma2 semaphore(%run_scoped3A : memref<!tpu.dma_semaphore, #tpu.memory_space<semaphore_mem>>) src(%dma_wait3A_72 : memref<40x128xi32, #tpu.memory_space<hbm>>) dst(%arg9 : memref<40x128xi32, #tpu.memory_space<vmem>>)
        tpu.yield
      }) : () -> ()
      "tpu.region"() ({
        %run_scoped3A = tpu.sem_alloc : memref<!tpu.dma_semaphore, #tpu.memory_space<semaphore_mem>>
        %dma_start3A_65 = arith.constant 0 : i32
        %dma_start3A_66 = tpu.memref_slice %arg5[%add3A_23, %dma_start3A_65] : memref<1280x128xi32, #tpu.memory_space<hbm>> -> memref<40x128xi32, #tpu.memory_space<hbm>>
        %dma_start3A_67 = arith.constant 0 : i32
        %dma_start3A_68 = tpu.memref_slice %arg5[%add3A_23, %dma_start3A_67] : memref<1280x128xi32, #tpu.memory_space<hbm>> -> memref<40x128xi32, #tpu.memory_space<hbm>>
        tpu.enqueue_dma source(%dma_start3A_68 : memref<40x128xi32, #tpu.memory_space<hbm>>) target(%arg10 : memref<40x128xi32, #tpu.memory_space<vmem>>) target_semaphore(%run_scoped3A : memref<!tpu.dma_semaphore, #tpu.memory_space<semaphore_mem>>)
        %dma_wait3A_69 = arith.constant 0 : i32
        %dma_wait3A_70 = tpu.memref_slice %arg5[%add3A_23, %dma_wait3A_69] : memref<1280x128xi32, #tpu.memory_space<hbm>> -> memref<40x128xi32, #tpu.memory_space<hbm>>
        %dma_wait3A_71 = arith.constant 0 : i32
        %dma_wait3A_72 = tpu.memref_slice %arg5[%add3A_23, %dma_wait3A_71] : memref<1280x128xi32, #tpu.memory_space<hbm>> -> memref<40x128xi32, #tpu.memory_space<hbm>>
        tpu.wait_dma2 semaphore(%run_scoped3A : memref<!tpu.dma_semaphore, #tpu.memory_space<semaphore_mem>>) src(%dma_wait3A_72 : memref<40x128xi32, #tpu.memory_space<hbm>>) dst(%arg10 : memref<40x128xi32, #tpu.memory_space<vmem>>)
        tpu.yield
      }) : () -> ()
      %dma_start3A = arith.constant 0 : i32
      %dma_start3A_24 = arith.constant 0 : i32
      %dma_start3A_25 = tpu.memref_slice %arg9[%dma_start3A, %dma_start3A_24] : memref<40x128xi32, #tpu.memory_space<vmem>> -> memref<1x128xi32, #tpu.memory_space<vmem>>
      %dma_start3A_26 = tpu.memref_squeeze %dma_start3A_25 : memref<1x128xi32, #tpu.memory_space<vmem>> -> memref<128xi32, #tpu.memory_space<vmem>>
      %dma_start3A_27 = arith.constant 0 : i32
      %dma_start3A_28 = arith.constant 0 : i32
      %dma_start3A_29 = tpu.memref_slice %arg3[%dma_start3A_27, %dma_start3A_28] : memref<10000x128xf32, #tpu.memory_space<hbm>> -> memref<10000x128xf32, #tpu.memory_space<hbm>>
      tpu.enqueue_indirect_dma source(%dma_start3A_29 : memref<10000x128xf32, #tpu.memory_space<hbm>>) target(%arg11 : memref<128x128xf32, #tpu.memory_space<vmem>>) offsets(%dma_start3A_26 : memref<128xi32, #tpu.memory_space<vmem>>) semaphore(%arg14 : memref<!tpu.dma_semaphore, #tpu.memory_space<semaphore_mem>>)
      %scan3A = arith.constant 0 : i32
      %scan3A_30 = arith.constant 0 : i32
      %scan3A_31 = arith.constant 20 : i32
      %scan3A_32 = arith.addi %scan3A_30, %scan3A_31 : i32
      %scan3A_33 = arith.constant 1 : i32
      scf.for %scan3A_65 = %scan3A_30 to %scan3A_32 step %scan3A_33  : i32 {
        %mul3A_66 = arith.constant 2 : i32
        %mul3A_67 = arith.muli %mul3A_66, %scan3A_65 : i32
        %add3A_68 = arith.constant 0 : i32
        %add3A_69 = arith.addi %mul3A_67, %add3A_68 : i32
        %dma_wait3A_70 = arith.constant 0 : i32
        %dma_wait3A_71 = tpu.memref_slice %arg9[%add3A_69, %dma_wait3A_70] : memref<40x128xi32, #tpu.memory_space<vmem>> -> memref<1x128xi32, #tpu.memory_space<vmem>>
        %dma_wait3A_72 = tpu.memref_squeeze %dma_wait3A_71 : memref<1x128xi32, #tpu.memory_space<vmem>> -> memref<128xi32, #tpu.memory_space<vmem>>
        %dma_wait3A_73 = arith.constant 0 : i32
        %dma_wait3A_74 = arith.constant 0 : i32
        %dma_wait3A_75 = tpu.memref_slice %arg3[%dma_wait3A_73, %dma_wait3A_74] : memref<10000x128xf32, #tpu.memory_space<hbm>> -> memref<10000x128xf32, #tpu.memory_space<hbm>>
        tpu.wait_indirect_dma semaphore(%arg14 : memref<!tpu.dma_semaphore, #tpu.memory_space<semaphore_mem>>) src(%dma_wait3A_75 : memref<10000x128xf32, #tpu.memory_space<hbm>>) dst(%arg11 : memref<128x128xf32, #tpu.memory_space<vmem>>)
        %dma_start3A_76 = arith.constant 0 : i32
        %dma_start3A_77 = tpu.memref_slice %arg10[%add3A_69, %dma_start3A_76] : memref<40x128xi32, #tpu.memory_space<vmem>> -> memref<1x128xi32, #tpu.memory_space<vmem>>
        %dma_start3A_78 = tpu.memref_squeeze %dma_start3A_77 : memref<1x128xi32, #tpu.memory_space<vmem>> -> memref<128xi32, #tpu.memory_space<vmem>>
        %dma_start3A_79 = arith.constant 0 : i32
        %dma_start3A_80 = arith.constant 0 : i32
        %dma_start3A_81 = tpu.memref_slice %arg13[%dma_start3A_79, %dma_start3A_80] : memref<10112x128xf32, #tpu.memory_space<vmem_shared>> -> memref<10112x128xf32, #tpu.memory_space<vmem_shared>>
        tpu.enqueue_indirect_dma source(%arg11 : memref<128x128xf32, #tpu.memory_space<vmem>>) target(%dma_start3A_81 : memref<10112x128xf32, #tpu.memory_space<vmem_shared>>) offsets(%dma_start3A_78 : memref<128xi32, #tpu.memory_space<vmem>>) semaphore(%arg16 : memref<!tpu.dma_semaphore, #tpu.memory_space<semaphore_mem>>) {add = true}
        %ge3A = arith.constant 1 : i32
        %ge3A_82 = arith.cmpi sge, %add3A_69, %ge3A : i32
        %convert_element_type3A_83 = arith.extui %ge3A_82 : i1 to i32
        %cond3A_84 = arith.constant 0 : i32
        %cond3A_85 = arith.cmpi ne, %convert_element_type3A_83, %cond3A_84 : i32
        scf.if %cond3A_85 {
          %sub3A = arith.constant 1 : i32
          %sub3A_120 = arith.subi %add3A_69, %sub3A : i32
          %dma_wait3A_121 = arith.constant 0 : i32
          %dma_wait3A_122 = tpu.memref_slice %arg10[%sub3A_120, %dma_wait3A_121] : memref<40x128xi32, #tpu.memory_space<vmem>> -> memref<1x128xi32, #tpu.memory_space<vmem>>
          %dma_wait3A_123 = tpu.memref_squeeze %dma_wait3A_122 : memref<1x128xi32, #tpu.memory_space<vmem>> -> memref<128xi32, #tpu.memory_space<vmem>>
          %dma_wait3A_124 = arith.constant 0 : i32
          %dma_wait3A_125 = arith.constant 0 : i32
          %dma_wait3A_126 = tpu.memref_slice %arg13[%dma_wait3A_124, %dma_wait3A_125] : memref<10112x128xf32, #tpu.memory_space<vmem_shared>> -> memref<10112x128xf32, #tpu.memory_space<vmem_shared>>
          tpu.wait_indirect_dma semaphore(%arg17 : memref<!tpu.dma_semaphore, #tpu.memory_space<semaphore_mem>>) src(%arg12 : memref<128x128xf32, #tpu.memory_space<vmem>>) dst(%dma_wait3A_126 : memref<10112x128xf32, #tpu.memory_space<vmem_shared>>)
        } else {
        }
        %add3A_86 = arith.constant 1 : i32
        %add3A_87 = arith.addi %add3A_69, %add3A_86 : i32
        %lt3A = arith.constant 40 : i32
        %lt3A_88 = arith.cmpi slt, %add3A_87, %lt3A : i32
        %convert_element_type3A_89 = arith.extui %lt3A_88 : i1 to i32
        %cond3A_90 = arith.constant 0 : i32
        %cond3A_91 = arith.cmpi ne, %convert_element_type3A_89, %cond3A_90 : i32
        scf.if %cond3A_91 {
          %add3A_120 = arith.constant 1 : i32
          %add3A_121 = arith.addi %add3A_69, %add3A_120 : i32
          %dma_start3A_122 = arith.constant 0 : i32
          %dma_start3A_123 = tpu.memref_slice %arg9[%add3A_121, %dma_start3A_122] : memref<40x128xi32, #tpu.memory_space<vmem>> -> memref<1x128xi32, #tpu.memory_space<vmem>>
          %dma_start3A_124 = tpu.memref_squeeze %dma_start3A_123 : memref<1x128xi32, #tpu.memory_space<vmem>> -> memref<128xi32, #tpu.memory_space<vmem>>
          %dma_start3A_125 = arith.constant 0 : i32
          %dma_start3A_126 = arith.constant 0 : i32
          %dma_start3A_127 = tpu.memref_slice %arg3[%dma_start3A_125, %dma_start3A_126] : memref<10000x128xf32, #tpu.memory_space<hbm>> -> memref<10000x128xf32, #tpu.memory_space<hbm>>
          tpu.enqueue_indirect_dma source(%dma_start3A_127 : memref<10000x128xf32, #tpu.memory_space<hbm>>) target(%arg12 : memref<128x128xf32, #tpu.memory_space<vmem>>) offsets(%dma_start3A_124 : memref<128xi32, #tpu.memory_space<vmem>>) semaphore(%arg15 : memref<!tpu.dma_semaphore, #tpu.memory_space<semaphore_mem>>)
        } else {
        }
        %mul3A_92 = arith.constant 2 : i32
        %mul3A_93 = arith.muli %mul3A_92, %scan3A_65 : i32
        %add3A_94 = arith.constant 1 : i32
        %add3A_95 = arith.addi %mul3A_93, %add3A_94 : i32
        %dma_wait3A_96 = arith.constant 0 : i32
        %dma_wait3A_97 = tpu.memref_slice %arg9[%add3A_95, %dma_wait3A_96] : memref<40x128xi32, #tpu.memory_space<vmem>> -> memref<1x128xi32, #tpu.memory_space<vmem>>
        %dma_wait3A_98 = tpu.memref_squeeze %dma_wait3A_97 : memref<1x128xi32, #tpu.memory_space<vmem>> -> memref<128xi32, #tpu.memory_space<vmem>>
        %dma_wait3A_99 = arith.constant 0 : i32
        %dma_wait3A_100 = arith.constant 0 : i32
        %dma_wait3A_101 = tpu.memref_slice %arg3[%dma_wait3A_99, %dma_wait3A_100] : memref<10000x128xf32, #tpu.memory_space<hbm>> -> memref<10000x128xf32, #tpu.memory_space<hbm>>
        tpu.wait_indirect_dma semaphore(%arg15 : memref<!tpu.dma_semaphore, #tpu.memory_space<semaphore_mem>>) src(%dma_wait3A_101 : memref<10000x128xf32, #tpu.memory_space<hbm>>) dst(%arg12 : memref<128x128xf32, #tpu.memory_space<vmem>>)
        %dma_start3A_102 = arith.constant 0 : i32
        %dma_start3A_103 = tpu.memref_slice %arg10[%add3A_95, %dma_start3A_102] : memref<40x128xi32, #tpu.memory_space<vmem>> -> memref<1x128xi32, #tpu.memory_space<vmem>>
        %dma_start3A_104 = tpu.memref_squeeze %dma_start3A_103 : memref<1x128xi32, #tpu.memory_space<vmem>> -> memref<128xi32, #tpu.memory_space<vmem>>
        %dma_start3A_105 = arith.constant 0 : i32
        %dma_start3A_106 = arith.constant 0 : i32
        %dma_start3A_107 = tpu.memref_slice %arg13[%dma_start3A_105, %dma_start3A_106] : memref<10112x128xf32, #tpu.memory_space<vmem_shared>> -> memref<10112x128xf32, #tpu.memory_space<vmem_shared>>
        tpu.enqueue_indirect_dma source(%arg12 : memref<128x128xf32, #tpu.memory_space<vmem>>) target(%dma_start3A_107 : memref<10112x128xf32, #tpu.memory_space<vmem_shared>>) offsets(%dma_start3A_104 : memref<128xi32, #tpu.memory_space<vmem>>) semaphore(%arg17 : memref<!tpu.dma_semaphore, #tpu.memory_space<semaphore_mem>>) {add = true}
        %ge3A_108 = arith.constant 1 : i32
        %ge3A_109 = arith.cmpi sge, %add3A_95, %ge3A_108 : i32
        %convert_element_type3A_110 = arith.extui %ge3A_109 : i1 to i32
        %cond3A_111 = arith.constant 0 : i32
        %cond3A_112 = arith.cmpi ne, %convert_element_type3A_110, %cond3A_111 : i32
        scf.if %cond3A_112 {
          %sub3A = arith.constant 1 : i32
          %sub3A_120 = arith.subi %add3A_95, %sub3A : i32
          %dma_wait3A_121 = arith.constant 0 : i32
          %dma_wait3A_122 = tpu.memref_slice %arg10[%sub3A_120, %dma_wait3A_121] : memref<40x128xi32, #tpu.memory_space<vmem>> -> memref<1x128xi32, #tpu.memory_space<vmem>>
          %dma_wait3A_123 = tpu.memref_squeeze %dma_wait3A_122 : memref<1x128xi32, #tpu.memory_space<vmem>> -> memref<128xi32, #tpu.memory_space<vmem>>
          %dma_wait3A_124 = arith.constant 0 : i32
          %dma_wait3A_125 = arith.constant 0 : i32
          %dma_wait3A_126 = tpu.memref_slice %arg13[%dma_wait3A_124, %dma_wait3A_125] : memref<10112x128xf32, #tpu.memory_space<vmem_shared>> -> memref<10112x128xf32, #tpu.memory_space<vmem_shared>>
          tpu.wait_indirect_dma semaphore(%arg16 : memref<!tpu.dma_semaphore, #tpu.memory_space<semaphore_mem>>) src(%arg11 : memref<128x128xf32, #tpu.memory_space<vmem>>) dst(%dma_wait3A_126 : memref<10112x128xf32, #tpu.memory_space<vmem_shared>>)
        } else {
        }
        %add3A_113 = arith.constant 1 : i32
        %add3A_114 = arith.addi %add3A_95, %add3A_113 : i32
        %lt3A_115 = arith.constant 40 : i32
        %lt3A_116 = arith.cmpi slt, %add3A_114, %lt3A_115 : i32
        %convert_element_type3A_117 = arith.extui %lt3A_116 : i1 to i32
        %cond3A_118 = arith.constant 0 : i32
        %cond3A_119 = arith.cmpi ne, %convert_element_type3A_117, %cond3A_118 : i32
        scf.if %cond3A_119 {
          %add3A_120 = arith.constant 1 : i32
          %add3A_121 = arith.addi %add3A_95, %add3A_120 : i32
          %dma_start3A_122 = arith.constant 0 : i32
          %dma_start3A_123 = tpu.memref_slice %arg9[%add3A_121, %dma_start3A_122] : memref<40x128xi32, #tpu.memory_space<vmem>> -> memref<1x128xi32, #tpu.memory_space<vmem>>
          %dma_start3A_124 = tpu.memref_squeeze %dma_start3A_123 : memref<1x128xi32, #tpu.memory_space<vmem>> -> memref<128xi32, #tpu.memory_space<vmem>>
          %dma_start3A_125 = arith.constant 0 : i32
          %dma_start3A_126 = arith.constant 0 : i32
          %dma_start3A_127 = tpu.memref_slice %arg3[%dma_start3A_125, %dma_start3A_126] : memref<10000x128xf32, #tpu.memory_space<hbm>> -> memref<10000x128xf32, #tpu.memory_space<hbm>>
          tpu.enqueue_indirect_dma source(%dma_start3A_127 : memref<10000x128xf32, #tpu.memory_space<hbm>>) target(%arg11 : memref<128x128xf32, #tpu.memory_space<vmem>>) offsets(%dma_start3A_124 : memref<128xi32, #tpu.memory_space<vmem>>) semaphore(%arg14 : memref<!tpu.dma_semaphore, #tpu.memory_space<semaphore_mem>>)
        } else {
        }
      }
      %scan3A_34 = arith.constant 20 : i32
      %dma_wait3A = arith.constant 39 : i32
      %dma_wait3A_35 = arith.constant 0 : i32
      %dma_wait3A_36 = tpu.memref_slice %arg10[%dma_wait3A, %dma_wait3A_35] : memref<40x128xi32, #tpu.memory_space<vmem>> -> memref<1x128xi32, #tpu.memory_space<vmem>>
      %dma_wait3A_37 = tpu.memref_squeeze %dma_wait3A_36 : memref<1x128xi32, #tpu.memory_space<vmem>> -> memref<128xi32, #tpu.memory_space<vmem>>
      %dma_wait3A_38 = arith.constant 0 : i32
      %dma_wait3A_39 = arith.constant 0 : i32
      %dma_wait3A_40 = tpu.memref_slice %arg13[%dma_wait3A_38, %dma_wait3A_39] : memref<10112x128xf32, #tpu.memory_space<vmem_shared>> -> memref<10112x128xf32, #tpu.memory_space<vmem_shared>>
      tpu.wait_indirect_dma semaphore(%arg17 : memref<!tpu.dma_semaphore, #tpu.memory_space<semaphore_mem>>) src(%arg12 : memref<128x128xf32, #tpu.memory_space<vmem>>) dst(%dma_wait3A_40 : memref<10112x128xf32, #tpu.memory_space<vmem_shared>>)
      %mul3A_41 = arith.constant 80 : i32
      %mul3A_42 = arith.muli %arg1, %mul3A_41 : i32
      %add3A_43 = arith.constant 40 : i32
      %add3A_44 = arith.addi %mul3A_42, %add3A_43 : i32
      "tpu.region"() ({
        %run_scoped3A = tpu.sem_alloc : memref<!tpu.dma_semaphore, #tpu.memory_space<semaphore_mem>>
        %dma_start3A_65 = arith.constant 0 : i32
        %dma_start3A_66 = tpu.memref_slice %arg4[%add3A_44, %dma_start3A_65] : memref<1280x128xi32, #tpu.memory_space<hbm>> -> memref<40x128xi32, #tpu.memory_space<hbm>>
        %dma_start3A_67 = arith.constant 0 : i32
        %dma_start3A_68 = tpu.memref_slice %arg4[%add3A_44, %dma_start3A_67] : memref<1280x128xi32, #tpu.memory_space<hbm>> -> memref<40x128xi32, #tpu.memory_space<hbm>>
        tpu.enqueue_dma source(%dma_start3A_68 : memref<40x128xi32, #tpu.memory_space<hbm>>) target(%arg9 : memref<40x128xi32, #tpu.memory_space<vmem>>) target_semaphore(%run_scoped3A : memref<!tpu.dma_semaphore, #tpu.memory_space<semaphore_mem>>)
        %dma_wait3A_69 = arith.constant 0 : i32
        %dma_wait3A_70 = tpu.memref_slice %arg4[%add3A_44, %dma_wait3A_69] : memref<1280x128xi32, #tpu.memory_space<hbm>> -> memref<40x128xi32, #tpu.memory_space<hbm>>
        %dma_wait3A_71 = arith.constant 0 : i32
        %dma_wait3A_72 = tpu.memref_slice %arg4[%add3A_44, %dma_wait3A_71] : memref<1280x128xi32, #tpu.memory_space<hbm>> -> memref<40x128xi32, #tpu.memory_space<hbm>>
        tpu.wait_dma2 semaphore(%run_scoped3A : memref<!tpu.dma_semaphore, #tpu.memory_space<semaphore_mem>>) src(%dma_wait3A_72 : memref<40x128xi32, #tpu.memory_space<hbm>>) dst(%arg9 : memref<40x128xi32, #tpu.memory_space<vmem>>)
        tpu.yield
      }) : () -> ()
      "tpu.region"() ({
        %run_scoped3A = tpu.sem_alloc : memref<!tpu.dma_semaphore, #tpu.memory_space<semaphore_mem>>
        %dma_start3A_65 = arith.constant 0 : i32
        %dma_start3A_66 = tpu.memref_slice %arg5[%add3A_44, %dma_start3A_65] : memref<1280x128xi32, #tpu.memory_space<hbm>> -> memref<40x128xi32, #tpu.memory_space<hbm>>
        %dma_start3A_67 = arith.constant 0 : i32
        %dma_start3A_68 = tpu.memref_slice %arg5[%add3A_44, %dma_start3A_67] : memref<1280x128xi32, #tpu.memory_space<hbm>> -> memref<40x128xi32, #tpu.memory_space<hbm>>
        tpu.enqueue_dma source(%dma_start3A_68 : memref<40x128xi32, #tpu.memory_space<hbm>>) target(%arg10 : memref<40x128xi32, #tpu.memory_space<vmem>>) target_semaphore(%run_scoped3A : memref<!tpu.dma_semaphore, #tpu.memory_space<semaphore_mem>>)
        %dma_wait3A_69 = arith.constant 0 : i32
        %dma_wait3A_70 = tpu.memref_slice %arg5[%add3A_44, %dma_wait3A_69] : memref<1280x128xi32, #tpu.memory_space<hbm>> -> memref<40x128xi32, #tpu.memory_space<hbm>>
        %dma_wait3A_71 = arith.constant 0 : i32
        %dma_wait3A_72 = tpu.memref_slice %arg5[%add3A_44, %dma_wait3A_71] : memref<1280x128xi32, #tpu.memory_space<hbm>> -> memref<40x128xi32, #tpu.memory_space<hbm>>
        tpu.wait_dma2 semaphore(%run_scoped3A : memref<!tpu.dma_semaphore, #tpu.memory_space<semaphore_mem>>) src(%dma_wait3A_72 : memref<40x128xi32, #tpu.memory_space<hbm>>) dst(%arg10 : memref<40x128xi32, #tpu.memory_space<vmem>>)
        tpu.yield
      }) : () -> ()
      %dma_start3A_45 = arith.constant 0 : i32
      %dma_start3A_46 = arith.constant 0 : i32
      %dma_start3A_47 = tpu.memref_slice %arg9[%dma_start3A_45, %dma_start3A_46] : memref<40x128xi32, #tpu.memory_space<vmem>> -> memref<1x128xi32, #tpu.memory_space<vmem>>
      %dma_start3A_48 = tpu.memref_squeeze %dma_start3A_47 : memref<1x128xi32, #tpu.memory_space<vmem>> -> memref<128xi32, #tpu.memory_space<vmem>>
      %dma_start3A_49 = arith.constant 0 : i32
      %dma_start3A_50 = arith.constant 0 : i32
      %dma_start3A_51 = tpu.memref_slice %arg3[%dma_start3A_49, %dma_start3A_50] : memref<10000x128xf32, #tpu.memory_space<hbm>> -> memref<10000x128xf32, #tpu.memory_space<hbm>>
      tpu.enqueue_indirect_dma source(%dma_start3A_51 : memref<10000x128xf32, #tpu.memory_space<hbm>>) target(%arg11 : memref<128x128xf32, #tpu.memory_space<vmem>>) offsets(%dma_start3A_48 : memref<128xi32, #tpu.memory_space<vmem>>) semaphore(%arg14 : memref<!tpu.dma_semaphore, #tpu.memory_space<semaphore_mem>>)
      %scan3A_52 = arith.constant 0 : i32
      %scan3A_53 = arith.constant 0 : i32
      %scan3A_54 = arith.constant 20 : i32
      %scan3A_55 = arith.addi %scan3A_53, %scan3A_54 : i32
      %scan3A_56 = arith.constant 1 : i32
      scf.for %scan3A_65 = %scan3A_53 to %scan3A_55 step %scan3A_56  : i32 {
        %mul3A_66 = arith.constant 2 : i32
        %mul3A_67 = arith.muli %mul3A_66, %scan3A_65 : i32
        %add3A_68 = arith.constant 0 : i32
        %add3A_69 = arith.addi %mul3A_67, %add3A_68 : i32
        %dma_wait3A_70 = arith.constant 0 : i32
        %dma_wait3A_71 = tpu.memref_slice %arg9[%add3A_69, %dma_wait3A_70] : memref<40x128xi32, #tpu.memory_space<vmem>> -> memref<1x128xi32, #tpu.memory_space<vmem>>
        %dma_wait3A_72 = tpu.memref_squeeze %dma_wait3A_71 : memref<1x128xi32, #tpu.memory_space<vmem>> -> memref<128xi32, #tpu.memory_space<vmem>>
        %dma_wait3A_73 = arith.constant 0 : i32
        %dma_wait3A_74 = arith.constant 0 : i32
        %dma_wait3A_75 = tpu.memref_slice %arg3[%dma_wait3A_73, %dma_wait3A_74] : memref<10000x128xf32, #tpu.memory_space<hbm>> -> memref<10000x128xf32, #tpu.memory_space<hbm>>
        tpu.wait_indirect_dma semaphore(%arg14 : memref<!tpu.dma_semaphore, #tpu.memory_space<semaphore_mem>>) src(%dma_wait3A_75 : memref<10000x128xf32, #tpu.memory_space<hbm>>) dst(%arg11 : memref<128x128xf32, #tpu.memory_space<vmem>>)
        %dma_start3A_76 = arith.constant 0 : i32
        %dma_start3A_77 = tpu.memref_slice %arg10[%add3A_69, %dma_start3A_76] : memref<40x128xi32, #tpu.memory_space<vmem>> -> memref<1x128xi32, #tpu.memory_space<vmem>>
        %dma_start3A_78 = tpu.memref_squeeze %dma_start3A_77 : memref<1x128xi32, #tpu.memory_space<vmem>> -> memref<128xi32, #tpu.memory_space<vmem>>
        %dma_start3A_79 = arith.constant 0 : i32
        %dma_start3A_80 = arith.constant 0 : i32
        %dma_start3A_81 = tpu.memref_slice %arg13[%dma_start3A_79, %dma_start3A_80] : memref<10112x128xf32, #tpu.memory_space<vmem_shared>> -> memref<10112x128xf32, #tpu.memory_space<vmem_shared>>
        tpu.enqueue_indirect_dma source(%arg11 : memref<128x128xf32, #tpu.memory_space<vmem>>) target(%dma_start3A_81 : memref<10112x128xf32, #tpu.memory_space<vmem_shared>>) offsets(%dma_start3A_78 : memref<128xi32, #tpu.memory_space<vmem>>) semaphore(%arg16 : memref<!tpu.dma_semaphore, #tpu.memory_space<semaphore_mem>>) {add = true}
        %ge3A = arith.constant 1 : i32
        %ge3A_82 = arith.cmpi sge, %add3A_69, %ge3A : i32
        %convert_element_type3A_83 = arith.extui %ge3A_82 : i1 to i32
        %cond3A_84 = arith.constant 0 : i32
        %cond3A_85 = arith.cmpi ne, %convert_element_type3A_83, %cond3A_84 : i32
        scf.if %cond3A_85 {
          %sub3A = arith.constant 1 : i32
          %sub3A_120 = arith.subi %add3A_69, %sub3A : i32
          %dma_wait3A_121 = arith.constant 0 : i32
          %dma_wait3A_122 = tpu.memref_slice %arg10[%sub3A_120, %dma_wait3A_121] : memref<40x128xi32, #tpu.memory_space<vmem>> -> memref<1x128xi32, #tpu.memory_space<vmem>>
          %dma_wait3A_123 = tpu.memref_squeeze %dma_wait3A_122 : memref<1x128xi32, #tpu.memory_space<vmem>> -> memref<128xi32, #tpu.memory_space<vmem>>
          %dma_wait3A_124 = arith.constant 0 : i32
          %dma_wait3A_125 = arith.constant 0 : i32
          %dma_wait3A_126 = tpu.memref_slice %arg13[%dma_wait3A_124, %dma_wait3A_125] : memref<10112x128xf32, #tpu.memory_space<vmem_shared>> -> memref<10112x128xf32, #tpu.memory_space<vmem_shared>>
          tpu.wait_indirect_dma semaphore(%arg17 : memref<!tpu.dma_semaphore, #tpu.memory_space<semaphore_mem>>) src(%arg12 : memref<128x128xf32, #tpu.memory_space<vmem>>) dst(%dma_wait3A_126 : memref<10112x128xf32, #tpu.memory_space<vmem_shared>>)
        } else {
        }
        %add3A_86 = arith.constant 1 : i32
        %add3A_87 = arith.addi %add3A_69, %add3A_86 : i32
        %lt3A = arith.constant 40 : i32
        %lt3A_88 = arith.cmpi slt, %add3A_87, %lt3A : i32
        %convert_element_type3A_89 = arith.extui %lt3A_88 : i1 to i32
        %cond3A_90 = arith.constant 0 : i32
        %cond3A_91 = arith.cmpi ne, %convert_element_type3A_89, %cond3A_90 : i32
        scf.if %cond3A_91 {
          %add3A_120 = arith.constant 1 : i32
          %add3A_121 = arith.addi %add3A_69, %add3A_120 : i32
          %dma_start3A_122 = arith.constant 0 : i32
          %dma_start3A_123 = tpu.memref_slice %arg9[%add3A_121, %dma_start3A_122] : memref<40x128xi32, #tpu.memory_space<vmem>> -> memref<1x128xi32, #tpu.memory_space<vmem>>
          %dma_start3A_124 = tpu.memref_squeeze %dma_start3A_123 : memref<1x128xi32, #tpu.memory_space<vmem>> -> memref<128xi32, #tpu.memory_space<vmem>>
          %dma_start3A_125 = arith.constant 0 : i32
          %dma_start3A_126 = arith.constant 0 : i32
          %dma_start3A_127 = tpu.memref_slice %arg3[%dma_start3A_125, %dma_start3A_126] : memref<10000x128xf32, #tpu.memory_space<hbm>> -> memref<10000x128xf32, #tpu.memory_space<hbm>>
          tpu.enqueue_indirect_dma source(%dma_start3A_127 : memref<10000x128xf32, #tpu.memory_space<hbm>>) target(%arg12 : memref<128x128xf32, #tpu.memory_space<vmem>>) offsets(%dma_start3A_124 : memref<128xi32, #tpu.memory_space<vmem>>) semaphore(%arg15 : memref<!tpu.dma_semaphore, #tpu.memory_space<semaphore_mem>>)
        } else {
        }
        %mul3A_92 = arith.constant 2 : i32
        %mul3A_93 = arith.muli %mul3A_92, %scan3A_65 : i32
        %add3A_94 = arith.constant 1 : i32
        %add3A_95 = arith.addi %mul3A_93, %add3A_94 : i32
        %dma_wait3A_96 = arith.constant 0 : i32
        %dma_wait3A_97 = tpu.memref_slice %arg9[%add3A_95, %dma_wait3A_96] : memref<40x128xi32, #tpu.memory_space<vmem>> -> memref<1x128xi32, #tpu.memory_space<vmem>>
        %dma_wait3A_98 = tpu.memref_squeeze %dma_wait3A_97 : memref<1x128xi32, #tpu.memory_space<vmem>> -> memref<128xi32, #tpu.memory_space<vmem>>
        %dma_wait3A_99 = arith.constant 0 : i32
        %dma_wait3A_100 = arith.constant 0 : i32
        %dma_wait3A_101 = tpu.memref_slice %arg3[%dma_wait3A_99, %dma_wait3A_100] : memref<10000x128xf32, #tpu.memory_space<hbm>> -> memref<10000x128xf32, #tpu.memory_space<hbm>>
        tpu.wait_indirect_dma semaphore(%arg15 : memref<!tpu.dma_semaphore, #tpu.memory_space<semaphore_mem>>) src(%dma_wait3A_101 : memref<10000x128xf32, #tpu.memory_space<hbm>>) dst(%arg12 : memref<128x128xf32, #tpu.memory_space<vmem>>)
        %dma_start3A_102 = arith.constant 0 : i32
        %dma_start3A_103 = tpu.memref_slice %arg10[%add3A_95, %dma_start3A_102] : memref<40x128xi32, #tpu.memory_space<vmem>> -> memref<1x128xi32, #tpu.memory_space<vmem>>
        %dma_start3A_104 = tpu.memref_squeeze %dma_start3A_103 : memref<1x128xi32, #tpu.memory_space<vmem>> -> memref<128xi32, #tpu.memory_space<vmem>>
        %dma_start3A_105 = arith.constant 0 : i32
        %dma_start3A_106 = arith.constant 0 : i32
        %dma_start3A_107 = tpu.memref_slice %arg13[%dma_start3A_105, %dma_start3A_106] : memref<10112x128xf32, #tpu.memory_space<vmem_shared>> -> memref<10112x128xf32, #tpu.memory_space<vmem_shared>>
        tpu.enqueue_indirect_dma source(%arg12 : memref<128x128xf32, #tpu.memory_space<vmem>>) target(%dma_start3A_107 : memref<10112x128xf32, #tpu.memory_space<vmem_shared>>) offsets(%dma_start3A_104 : memref<128xi32, #tpu.memory_space<vmem>>) semaphore(%arg17 : memref<!tpu.dma_semaphore, #tpu.memory_space<semaphore_mem>>) {add = true}
        %ge3A_108 = arith.constant 1 : i32
        %ge3A_109 = arith.cmpi sge, %add3A_95, %ge3A_108 : i32
        %convert_element_type3A_110 = arith.extui %ge3A_109 : i1 to i32
        %cond3A_111 = arith.constant 0 : i32
        %cond3A_112 = arith.cmpi ne, %convert_element_type3A_110, %cond3A_111 : i32
        scf.if %cond3A_112 {
          %sub3A = arith.constant 1 : i32
          %sub3A_120 = arith.subi %add3A_95, %sub3A : i32
          %dma_wait3A_121 = arith.constant 0 : i32
          %dma_wait3A_122 = tpu.memref_slice %arg10[%sub3A_120, %dma_wait3A_121] : memref<40x128xi32, #tpu.memory_space<vmem>> -> memref<1x128xi32, #tpu.memory_space<vmem>>
          %dma_wait3A_123 = tpu.memref_squeeze %dma_wait3A_122 : memref<1x128xi32, #tpu.memory_space<vmem>> -> memref<128xi32, #tpu.memory_space<vmem>>
          %dma_wait3A_124 = arith.constant 0 : i32
          %dma_wait3A_125 = arith.constant 0 : i32
          %dma_wait3A_126 = tpu.memref_slice %arg13[%dma_wait3A_124, %dma_wait3A_125] : memref<10112x128xf32, #tpu.memory_space<vmem_shared>> -> memref<10112x128xf32, #tpu.memory_space<vmem_shared>>
          tpu.wait_indirect_dma semaphore(%arg16 : memref<!tpu.dma_semaphore, #tpu.memory_space<semaphore_mem>>) src(%arg11 : memref<128x128xf32, #tpu.memory_space<vmem>>) dst(%dma_wait3A_126 : memref<10112x128xf32, #tpu.memory_space<vmem_shared>>)
        } else {
        }
        %add3A_113 = arith.constant 1 : i32
        %add3A_114 = arith.addi %add3A_95, %add3A_113 : i32
        %lt3A_115 = arith.constant 40 : i32
        %lt3A_116 = arith.cmpi slt, %add3A_114, %lt3A_115 : i32
        %convert_element_type3A_117 = arith.extui %lt3A_116 : i1 to i32
        %cond3A_118 = arith.constant 0 : i32
        %cond3A_119 = arith.cmpi ne, %convert_element_type3A_117, %cond3A_118 : i32
        scf.if %cond3A_119 {
          %add3A_120 = arith.constant 1 : i32
          %add3A_121 = arith.addi %add3A_95, %add3A_120 : i32
          %dma_start3A_122 = arith.constant 0 : i32
          %dma_start3A_123 = tpu.memref_slice %arg9[%add3A_121, %dma_start3A_122] : memref<40x128xi32, #tpu.memory_space<vmem>> -> memref<1x128xi32, #tpu.memory_space<vmem>>
          %dma_start3A_124 = tpu.memref_squeeze %dma_start3A_123 : memref<1x128xi32, #tpu.memory_space<vmem>> -> memref<128xi32, #tpu.memory_space<vmem>>
          %dma_start3A_125 = arith.constant 0 : i32
          %dma_start3A_126 = arith.constant 0 : i32
          %dma_start3A_127 = tpu.memref_slice %arg3[%dma_start3A_125, %dma_start3A_126] : memref<10000x128xf32, #tpu.memory_space<hbm>> -> memref<10000x128xf32, #tpu.memory_space<hbm>>
          tpu.enqueue_indirect_dma source(%dma_start3A_127 : memref<10000x128xf32, #tpu.memory_space<hbm>>) target(%arg11 : memref<128x128xf32, #tpu.memory_space<vmem>>) offsets(%dma_start3A_124 : memref<128xi32, #tpu.memory_space<vmem>>) semaphore(%arg14 : memref<!tpu.dma_semaphore, #tpu.memory_space<semaphore_mem>>)
        } else {
        }
      }
      %scan3A_57 = arith.constant 20 : i32
      %dma_wait3A_58 = arith.constant 39 : i32
      %dma_wait3A_59 = arith.constant 0 : i32
      %dma_wait3A_60 = tpu.memref_slice %arg10[%dma_wait3A_58, %dma_wait3A_59] : memref<40x128xi32, #tpu.memory_space<vmem>> -> memref<1x128xi32, #tpu.memory_space<vmem>>
      %dma_wait3A_61 = tpu.memref_squeeze %dma_wait3A_60 : memref<1x128xi32, #tpu.memory_space<vmem>> -> memref<128xi32, #tpu.memory_space<vmem>>
      %dma_wait3A_62 = arith.constant 0 : i32
      %dma_wait3A_63 = arith.constant 0 : i32
      %dma_wait3A_64 = tpu.memref_slice %arg13[%dma_wait3A_62, %dma_wait3A_63] : memref<10112x128xf32, #tpu.memory_space<vmem_shared>> -> memref<10112x128xf32, #tpu.memory_space<vmem_shared>>
      tpu.wait_indirect_dma semaphore(%arg17 : memref<!tpu.dma_semaphore, #tpu.memory_space<semaphore_mem>>) src(%arg12 : memref<128x128xf32, #tpu.memory_space<vmem>>) dst(%dma_wait3A_64 : memref<10112x128xf32, #tpu.memory_space<vmem_shared>>)
    } else {
    }
    %barrier3A_10 = arith.constant 0 : index
    tpu.barrier barrier_id(%barrier3A_10)
    %eq3A_11 = arith.constant 0 : i32
    %eq3A_12 = arith.cmpi eq, %arg0, %eq3A_11 : i32
    %convert_element_type3A_13 = arith.extui %eq3A_12 : i1 to i32
    %cond3A_14 = arith.constant 0 : i32
    %cond3A_15 = arith.cmpi ne, %convert_element_type3A_13, %cond3A_14 : i32
    scf.if %cond3A_15 {
      %mul3A_21 = arith.constant 632 : i32
      %mul3A_22 = arith.muli %arg1, %mul3A_21 : i32
      %mul3A_23 = arith.constant 632 : i32
      %mul3A_24 = arith.muli %arg1, %mul3A_23 : i32
      "tpu.region"() ({
        %run_scoped3A = tpu.sem_alloc : memref<!tpu.dma_semaphore, #tpu.memory_space<semaphore_mem>>
        %dma_start3A = arith.constant 0 : i32
        %dma_start3A_25 = tpu.memref_slice %arg7[%mul3A_24, %dma_start3A] : memref<10112x128xf32, #tpu.memory_space<hbm>> -> memref<632x128xf32, #tpu.memory_space<hbm>>
        %dma_start3A_26 = arith.constant 0 : i32
        %dma_start3A_27 = tpu.memref_slice %arg13[%mul3A_22, %dma_start3A_26] : memref<10112x128xf32, #tpu.memory_space<vmem_shared>> -> memref<632x128xf32, #tpu.memory_space<vmem_shared>>
        tpu.enqueue_dma source(%dma_start3A_27 : memref<632x128xf32, #tpu.memory_space<vmem_shared>>) target(%dma_start3A_25 : memref<632x128xf32, #tpu.memory_space<hbm>>) target_semaphore(%run_scoped3A : memref<!tpu.dma_semaphore, #tpu.memory_space<semaphore_mem>>)
        %dma_wait3A = arith.constant 0 : i32
        %dma_wait3A_28 = tpu.memref_slice %arg7[%mul3A_24, %dma_wait3A] : memref<10112x128xf32, #tpu.memory_space<hbm>> -> memref<632x128xf32, #tpu.memory_space<hbm>>
        %dma_wait3A_29 = arith.constant 0 : i32
        %dma_wait3A_30 = tpu.memref_slice %arg13[%mul3A_22, %dma_wait3A_29] : memref<10112x128xf32, #tpu.memory_space<vmem_shared>> -> memref<632x128xf32, #tpu.memory_space<vmem_shared>>
        tpu.wait_dma2 semaphore(%run_scoped3A : memref<!tpu.dma_semaphore, #tpu.memory_space<semaphore_mem>>) src(%dma_wait3A_30 : memref<632x128xf32, #tpu.memory_space<vmem_shared>>) dst(%dma_wait3A_28 : memref<632x128xf32, #tpu.memory_space<hbm>>)
        tpu.yield
      }) : () -> ()
    } else {
    }
    %eq3A_16 = arith.constant 1 : i32
    %eq3A_17 = arith.cmpi eq, %arg0, %eq3A_16 : i32
    %convert_element_type3A_18 = arith.extui %eq3A_17 : i1 to i32
    %cond3A_19 = arith.constant 0 : i32
    %cond3A_20 = arith.cmpi ne, %convert_element_type3A_18, %cond3A_19 : i32
    scf.if %cond3A_20 {
      %mul3A_21 = arith.constant 632 : i32
      %mul3A_22 = arith.muli %arg1, %mul3A_21 : i32
      %mul3A_23 = arith.constant 632 : i32
      %mul3A_24 = arith.muli %arg1, %mul3A_23 : i32
      "tpu.region"() ({
        %run_scoped3A = tpu.sem_alloc : memref<!tpu.dma_semaphore, #tpu.memory_space<semaphore_mem>>
        %dma_start3A = arith.constant 0 : i32
        %dma_start3A_25 = tpu.memref_slice %arg8[%mul3A_24, %dma_start3A] : memref<10112x128xf32, #tpu.memory_space<hbm>> -> memref<632x128xf32, #tpu.memory_space<hbm>>
        %dma_start3A_26 = arith.constant 0 : i32
        %dma_start3A_27 = tpu.memref_slice %arg13[%mul3A_22, %dma_start3A_26] : memref<10112x128xf32, #tpu.memory_space<vmem_shared>> -> memref<632x128xf32, #tpu.memory_space<vmem_shared>>
        tpu.enqueue_dma source(%dma_start3A_27 : memref<632x128xf32, #tpu.memory_space<vmem_shared>>) target(%dma_start3A_25 : memref<632x128xf32, #tpu.memory_space<hbm>>) target_semaphore(%run_scoped3A : memref<!tpu.dma_semaphore, #tpu.memory_space<semaphore_mem>>)
        %dma_wait3A = arith.constant 0 : i32
        %dma_wait3A_28 = tpu.memref_slice %arg8[%mul3A_24, %dma_wait3A] : memref<10112x128xf32, #tpu.memory_space<hbm>> -> memref<632x128xf32, #tpu.memory_space<hbm>>
        %dma_wait3A_29 = arith.constant 0 : i32
        %dma_wait3A_30 = tpu.memref_slice %arg13[%mul3A_22, %dma_wait3A_29] : memref<10112x128xf32, #tpu.memory_space<vmem_shared>> -> memref<632x128xf32, #tpu.memory_space<vmem_shared>>
        tpu.wait_dma2 semaphore(%run_scoped3A : memref<!tpu.dma_semaphore, #tpu.memory_space<semaphore_mem>>) src(%dma_wait3A_30 : memref<632x128xf32, #tpu.memory_space<vmem_shared>>) dst(%dma_wait3A_28 : memref<632x128xf32, #tpu.memory_space<hbm>>)
        tpu.yield
      }) : () -> ()
    } else {
    }
    return
  }
}

module attributes {stable_mosaic.version = 14 : i64} {
  func.func @_mlp_body(%arg0: i32, %arg1: memref<2000x128xf32, #tpu.memory_space<vmem>>, %arg2: memref<2000x128xf32, #tpu.memory_space<vmem>>, %arg3: memref<2000x128xf32, #tpu.memory_space<vmem>>, %arg4: memref<2000x128xf32, #tpu.memory_space<vmem>>, %arg5: memref<256x256xf32, #tpu.memory_space<vmem>>, %arg6: memref<1x256xf32, #tpu.memory_space<vmem>>, %arg7: memref<256x256xf32, #tpu.memory_space<vmem>>, %arg8: memref<1x256xf32, #tpu.memory_space<vmem>>, %arg9: memref<2000x256xf32, #tpu.memory_space<vmem>>, %arg10: memref<1x256xf32, #tpu.memory_space<vmem>>, %arg11: memref<1x256xf32, #tpu.memory_space<vmem>>) attributes {dimension_semantics = [#tpu.dimension_semantics<arbitrary>], iteration_bounds = array<i64: 5>, scalar_prefetch = 0 : i64, scratch_operands = 0 : i64, tpu.core_type = #tpu.core_type<tc>, window_params = [{transform_indices = @transform_0, window_bounds = array<i64: 2000, 128>}, {transform_indices = @transform_1, window_bounds = array<i64: 2000, 128>}, {transform_indices = @transform_2, window_bounds = array<i64: 2000, 128>}, {transform_indices = @transform_3, window_bounds = array<i64: 2000, 128>}, {pipeline_mode = #tpu.pipeline_mode<synchronous>, transform_indices = @transform_4, window_bounds = array<i64: 256, 256>}, {pipeline_mode = #tpu.pipeline_mode<synchronous>, transform_indices = @transform_5, window_bounds = array<i64: 1, 256>}, {pipeline_mode = #tpu.pipeline_mode<synchronous>, transform_indices = @transform_6, window_bounds = array<i64: 256, 256>}, {pipeline_mode = #tpu.pipeline_mode<synchronous>, transform_indices = @transform_7, window_bounds = array<i64: 1, 256>}, {transform_indices = @transform_8, window_bounds = array<i64: 2000, 256>}, {pipeline_mode = #tpu.pipeline_mode<synchronous>, transform_indices = @transform_9, window_bounds = array<i64: 1, 256>}, {pipeline_mode = #tpu.pipeline_mode<synchronous>, transform_indices = @transform_10, window_bounds = array<i64: 1, 256>}]} {
    %get3A = arith.constant 0 : index
    %get3A_0 = arith.constant 0 : index
    %get3A_1 = vector.load %arg1[%get3A, %get3A_0] : memref<2000x128xf32, #tpu.memory_space<vmem>>, vector<2000x128xf32>
    %get3A_2 = arith.constant 0 : index
    %get3A_3 = arith.constant 0 : index
    %get3A_4 = vector.load %arg3[%get3A_2, %get3A_3] : memref<2000x128xf32, #tpu.memory_space<vmem>>, vector<2000x128xf32>
    %add3A = arith.addf %get3A_1, %get3A_4 : vector<2000x128xf32>
    %get3A_5 = arith.constant 0 : index
    %get3A_6 = arith.constant 0 : index
    %get3A_7 = vector.load %arg2[%get3A_5, %get3A_6] : memref<2000x128xf32, #tpu.memory_space<vmem>>, vector<2000x128xf32>
    %get3A_8 = arith.constant 0 : index
    %get3A_9 = arith.constant 0 : index
    %get3A_10 = vector.load %arg4[%get3A_8, %get3A_9] : memref<2000x128xf32, #tpu.memory_space<vmem>>, vector<2000x128xf32>
    %add3A_11 = arith.addf %get3A_7, %get3A_10 : vector<2000x128xf32>
    %concatenate3A = tpu.concatenate %add3A, %add3A_11 in 1 : vector<2000x128xf32>, vector<2000x128xf32> -> vector<2000x256xf32>
    %get3A_12 = arith.constant 0 : index
    %get3A_13 = arith.constant 0 : index
    %get3A_14 = vector.load %arg5[%get3A_12, %get3A_13] : memref<256x256xf32, #tpu.memory_space<vmem>>, vector<256x256xf32>
    %dot_general3A = arith.constant dense<0.000000e+00> : vector<2000x256xf32>
    %dot_general3A_15 = tpu.matmul %concatenate3A, %get3A_14, %dot_general3A {dimension_numbers = #tpu.dot_dimension_numbers<[1], [0], [0], [1], [0, 0, 1, 1], [], []>, transpose_lhs_hint = false} : vector<2000x256xf32>, vector<256x256xf32>, vector<2000x256xf32> -> vector<2000x256xf32>
    %get3A_16 = arith.constant 0 : index
    %get3A_17 = arith.constant 0 : index
    %get3A_18 = vector.load %arg6[%get3A_16, %get3A_17] : memref<1x256xf32, #tpu.memory_space<vmem>>, vector<1x256xf32>
    %add3A_19 = vector.broadcast %get3A_18 : vector<1x256xf32> to vector<2000x256xf32>
    %add3A_20 = arith.addf %dot_general3A_15, %add3A_19 : vector<2000x256xf32>
    %max3A = arith.constant 0.000000e+00 : f32
    %max3A_21 = vector.broadcast %max3A : f32 to vector<2000x256xf32>
    %max3A_22 = arith.maximumf %add3A_20, %max3A_21 : vector<2000x256xf32>
    %get3A_23 = arith.constant 0 : index
    %get3A_24 = arith.constant 0 : index
    %get3A_25 = vector.load %arg7[%get3A_23, %get3A_24] : memref<256x256xf32, #tpu.memory_space<vmem>>, vector<256x256xf32>
    %dot_general3A_26 = arith.constant dense<0.000000e+00> : vector<2000x256xf32>
    %dot_general3A_27 = tpu.matmul %max3A_22, %get3A_25, %dot_general3A_26 {dimension_numbers = #tpu.dot_dimension_numbers<[1], [0], [0], [1], [0, 0, 1, 1], [], []>, transpose_lhs_hint = false} : vector<2000x256xf32>, vector<256x256xf32>, vector<2000x256xf32> -> vector<2000x256xf32>
    %get3A_28 = arith.constant 0 : index
    %get3A_29 = arith.constant 0 : index
    %get3A_30 = vector.load %arg8[%get3A_28, %get3A_29] : memref<1x256xf32, #tpu.memory_space<vmem>>, vector<1x256xf32>
    %add3A_31 = vector.broadcast %get3A_30 : vector<1x256xf32> to vector<2000x256xf32>
    %add3A_32 = arith.addf %dot_general3A_27, %add3A_31 : vector<2000x256xf32>
    %max3A_33 = arith.constant 0.000000e+00 : f32
    %max3A_34 = vector.broadcast %max3A_33 : f32 to vector<2000x256xf32>
    %max3A_35 = arith.maximumf %add3A_32, %max3A_34 : vector<2000x256xf32>
    %swap3A = arith.constant 0 : index
    %swap3A_36 = arith.constant 0 : index
    %swap3A_37 = vector.load %arg9[%swap3A, %swap3A_36] : memref<2000x256xf32, #tpu.memory_space<vmem>>, vector<2000x256xf32>
    tpu.vector_store %arg9[%swap3A, %swap3A_36], %max3A_35 {strides = array<i32>} : memref<2000x256xf32, #tpu.memory_space<vmem>>, vector<2000x256xf32>,
    %eq3A = arith.constant 0 : i32
    %eq3A_38 = arith.cmpi eq, %arg0, %eq3A : i32
    %convert_element_type3A = arith.extui %eq3A_38 : i1 to i32
    %cond3A = arith.constant 0 : i32
    %cond3A_39 = arith.cmpi ne, %convert_element_type3A, %cond3A : i32
    scf.if %cond3A_39 {
      %broadcast_in_dim3A_58 = arith.constant 0.000000e+00 : f32
      %broadcast_in_dim3A_59 = vector.broadcast %broadcast_in_dim3A_58 : f32 to vector<1x256xf32>
      %swap3A_60 = arith.constant 0 : index
      %swap3A_61 = arith.constant 0 : index
      %swap3A_62 = vector.load %arg10[%swap3A_60, %swap3A_61] : memref<1x256xf32, #tpu.memory_space<vmem>>, vector<1x256xf32>
      tpu.vector_store %arg10[%swap3A_60, %swap3A_61], %broadcast_in_dim3A_59 {strides = array<i32>} : memref<1x256xf32, #tpu.memory_space<vmem>>, vector<1x256xf32>,
      %broadcast_in_dim3A_63 = arith.constant 0.000000e+00 : f32
      %broadcast_in_dim3A_64 = vector.broadcast %broadcast_in_dim3A_63 : f32 to vector<1x256xf32>
      %swap3A_65 = arith.constant 0 : index
      %swap3A_66 = arith.constant 0 : index
      %swap3A_67 = vector.load %arg11[%swap3A_65, %swap3A_66] : memref<1x256xf32, #tpu.memory_space<vmem>>, vector<1x256xf32>
      tpu.vector_store %arg11[%swap3A_65, %swap3A_66], %broadcast_in_dim3A_64 {strides = array<i32>} : memref<1x256xf32, #tpu.memory_space<vmem>>, vector<1x256xf32>,
    } else {
    }
    %get3A_40 = arith.constant 0 : index
    %get3A_41 = arith.constant 0 : index
    %get3A_42 = vector.load %arg10[%get3A_40, %get3A_41] : memref<1x256xf32, #tpu.memory_space<vmem>>, vector<1x256xf32>
    %reduce_sum3A = arith.constant dense<0.000000e+00> : vector<256xf32>
    %reduce_sum3A_43 = vector.multi_reduction <add>, %max3A_35, %reduce_sum3A [0] : vector<2000x256xf32> to vector<256xf32>
    %broadcast_in_dim3A = vector.shape_cast %reduce_sum3A_43 : vector<256xf32> to vector<1x256xf32>
    %add3A_44 = arith.addf %get3A_42, %broadcast_in_dim3A : vector<1x256xf32>
    %swap3A_45 = arith.constant 0 : index
    %swap3A_46 = arith.constant 0 : index
    %swap3A_47 = vector.load %arg10[%swap3A_45, %swap3A_46] : memref<1x256xf32, #tpu.memory_space<vmem>>, vector<1x256xf32>
    tpu.vector_store %arg10[%swap3A_45, %swap3A_46], %add3A_44 {strides = array<i32>} : memref<1x256xf32, #tpu.memory_space<vmem>>, vector<1x256xf32>,
    %get3A_48 = arith.constant 0 : index
    %get3A_49 = arith.constant 0 : index
    %get3A_50 = vector.load %arg11[%get3A_48, %get3A_49] : memref<1x256xf32, #tpu.memory_space<vmem>>, vector<1x256xf32>
    %mul3A = arith.mulf %max3A_35, %max3A_35 : vector<2000x256xf32>
    %reduce_sum3A_51 = arith.constant dense<0.000000e+00> : vector<256xf32>
    %reduce_sum3A_52 = vector.multi_reduction <add>, %mul3A, %reduce_sum3A_51 [0] : vector<2000x256xf32> to vector<256xf32>
    %broadcast_in_dim3A_53 = vector.shape_cast %reduce_sum3A_52 : vector<256xf32> to vector<1x256xf32>
    %add3A_54 = arith.addf %get3A_50, %broadcast_in_dim3A_53 : vector<1x256xf32>
    %swap3A_55 = arith.constant 0 : index
    %swap3A_56 = arith.constant 0 : index
    %swap3A_57 = vector.load %arg11[%swap3A_55, %swap3A_56] : memref<1x256xf32, #tpu.memory_space<vmem>>, vector<1x256xf32>
    tpu.vector_store %arg11[%swap3A_55, %swap3A_56], %add3A_54 {strides = array<i32>} : memref<1x256xf32, #tpu.memory_space<vmem>>, vector<1x256xf32>,
    return
  }
  func.func @transform_0(%arg0: i32) -> (i32, i32) {
    %c0_i32 = arith.constant 0 : i32
    %c0_i32_0 = arith.constant 0 : i32
    return %arg0, %c0_i32 : i32, i32
  }
  func.func @transform_1(%arg0: i32) -> (i32, i32) {
    %c0_i32 = arith.constant 0 : i32
    %c0_i32_0 = arith.constant 0 : i32
    return %arg0, %c0_i32 : i32, i32
  }
  func.func @transform_2(%arg0: i32) -> (i32, i32) {
    %c0_i32 = arith.constant 0 : i32
    %c0_i32_0 = arith.constant 0 : i32
    return %arg0, %c0_i32 : i32, i32
  }
  func.func @transform_3(%arg0: i32) -> (i32, i32) {
    %c0_i32 = arith.constant 0 : i32
    %c0_i32_0 = arith.constant 0 : i32
    return %arg0, %c0_i32 : i32, i32
  }
  func.func @transform_4(%arg0: i32) -> (i32, i32) {
    %c0_i32 = arith.constant 0 : i32
    %c0_i32_0 = arith.constant 0 : i32
    %c0_i32_1 = arith.constant 0 : i32
    return %c0_i32, %c0_i32_0 : i32, i32
  }
  func.func @transform_5(%arg0: i32) -> (i32, i32) {
    %c0_i32 = arith.constant 0 : i32
    %c0_i32_0 = arith.constant 0 : i32
    %c0_i32_1 = arith.constant 0 : i32
    return %c0_i32, %c0_i32_0 : i32, i32
  }
  func.func @transform_6(%arg0: i32) -> (i32, i32) {
    %c0_i32 = arith.constant 0 : i32
    %c0_i32_0 = arith.constant 0 : i32
    %c0_i32_1 = arith.constant 0 : i32
    return %c0_i32, %c0_i32_0 : i32, i32
  }
  func.func @transform_7(%arg0: i32) -> (i32, i32) {
    %c0_i32 = arith.constant 0 : i32
    %c0_i32_0 = arith.constant 0 : i32
    %c0_i32_1 = arith.constant 0 : i32
    return %c0_i32, %c0_i32_0 : i32, i32
  }
  func.func @transform_8(%arg0: i32) -> (i32, i32) {
    %c0_i32 = arith.constant 0 : i32
    %c0_i32_0 = arith.constant 0 : i32
    return %arg0, %c0_i32 : i32, i32
  }
  func.func @transform_9(%arg0: i32) -> (i32, i32) {
    %c0_i32 = arith.constant 0 : i32
    %c0_i32_0 = arith.constant 0 : i32
    %c0_i32_1 = arith.constant 0 : i32
    return %c0_i32, %c0_i32_0 : i32, i32
  }
  func.func @transform_10(%arg0: i32) -> (i32, i32) {
    %c0_i32 = arith.constant 0 : i32
    %c0_i32_0 = arith.constant 0 : i32
    %c0_i32_1 = arith.constant 0 : i32
    return %c0_i32, %c0_i32_0 : i32, i32
  }
}

module attributes {stable_mosaic.version = 14 : i64} {
  func.func @_bn_body(%arg0: i32, %arg1: memref<2000x256xf32, #tpu.memory_space<vmem>>, %arg2: memref<1x256xf32, #tpu.memory_space<vmem>>, %arg3: memref<1x256xf32, #tpu.memory_space<vmem>>, %arg4: memref<1x256xf32, #tpu.memory_space<vmem>>, %arg5: memref<1x256xf32, #tpu.memory_space<vmem>>, %arg6: memref<2000x1xi32, #tpu.memory_space<vmem>>, %arg7: memref<2000x128xf32, #tpu.memory_space<vmem>>, %arg8: memref<2000x128xf32, #tpu.memory_space<vmem>>, %arg9: memref<64x256xf32, #tpu.memory_space<vmem>>) attributes {dimension_semantics = [#tpu.dimension_semantics<arbitrary>], iteration_bounds = array<i64: 5>, scalar_prefetch = 0 : i64, scratch_operands = 0 : i64, tpu.core_type = #tpu.core_type<tc>, window_params = [{transform_indices = @transform_0, window_bounds = array<i64: 2000, 256>}, {pipeline_mode = #tpu.pipeline_mode<synchronous>, transform_indices = @transform_1, window_bounds = array<i64: 1, 256>}, {pipeline_mode = #tpu.pipeline_mode<synchronous>, transform_indices = @transform_2, window_bounds = array<i64: 1, 256>}, {pipeline_mode = #tpu.pipeline_mode<synchronous>, transform_indices = @transform_3, window_bounds = array<i64: 1, 256>}, {pipeline_mode = #tpu.pipeline_mode<synchronous>, transform_indices = @transform_4, window_bounds = array<i64: 1, 256>}, {transform_indices = @transform_5, window_bounds = array<i64: 2000, 1>}, {transform_indices = @transform_6, window_bounds = array<i64: 2000, 128>}, {transform_indices = @transform_7, window_bounds = array<i64: 2000, 128>}, {pipeline_mode = #tpu.pipeline_mode<synchronous>, transform_indices = @transform_8, window_bounds = array<i64: 64, 256>}]} {
    %get3A = arith.constant 0 : index
    %get3A_0 = arith.constant 0 : index
    %get3A_1 = vector.load %arg2[%get3A, %get3A_0] : memref<1x256xf32, #tpu.memory_space<vmem>>, vector<1x256xf32>
    %mul3A = arith.constant 9.99999974E-5 : f32
    %mul3A_2 = vector.broadcast %mul3A : f32 to vector<1x256xf32>
    %mul3A_3 = arith.mulf %get3A_1, %mul3A_2 : vector<1x256xf32>
    %get3A_4 = arith.constant 0 : index
    %get3A_5 = arith.constant 0 : index
    %get3A_6 = vector.load %arg3[%get3A_4, %get3A_5] : memref<1x256xf32, #tpu.memory_space<vmem>>, vector<1x256xf32>
    %mul3A_7 = arith.constant 9.99999974E-5 : f32
    %mul3A_8 = vector.broadcast %mul3A_7 : f32 to vector<1x256xf32>
    %mul3A_9 = arith.mulf %get3A_6, %mul3A_8 : vector<1x256xf32>
    %mul3A_10 = arith.mulf %mul3A_3, %mul3A_3 : vector<1x256xf32>
    %sub3A = arith.subf %mul3A_9, %mul3A_10 : vector<1x256xf32>
    %get3A_11 = arith.constant 0 : index
    %get3A_12 = arith.constant 0 : index
    %get3A_13 = vector.load %arg4[%get3A_11, %get3A_12] : memref<1x256xf32, #tpu.memory_space<vmem>>, vector<1x256xf32>
    %add3A = arith.constant 9.99999974E-6 : f32
    %add3A_14 = vector.broadcast %add3A : f32 to vector<1x256xf32>
    %add3A_15 = arith.addf %sub3A, %add3A_14 : vector<1x256xf32>
    %rsqrt3A = math.rsqrt %add3A_15 : vector<1x256xf32>
    %mul3A_16 = arith.mulf %get3A_13, %rsqrt3A : vector<1x256xf32>
    %get3A_17 = arith.constant 0 : index
    %get3A_18 = arith.constant 0 : index
    %get3A_19 = vector.load %arg5[%get3A_17, %get3A_18] : memref<1x256xf32, #tpu.memory_space<vmem>>, vector<1x256xf32>
    %mul3A_20 = arith.mulf %mul3A_3, %mul3A_16 : vector<1x256xf32>
    %sub3A_21 = arith.subf %get3A_19, %mul3A_20 : vector<1x256xf32>
    %get3A_22 = arith.constant 0 : index
    %get3A_23 = arith.constant 0 : index
    %get3A_24 = vector.load %arg1[%get3A_22, %get3A_23] : memref<2000x256xf32, #tpu.memory_space<vmem>>, vector<2000x256xf32>
    %mul3A_25 = vector.broadcast %mul3A_16 : vector<1x256xf32> to vector<2000x256xf32>
    %mul3A_26 = arith.mulf %get3A_24, %mul3A_25 : vector<2000x256xf32>
    %add3A_27 = vector.broadcast %sub3A_21 : vector<1x256xf32> to vector<2000x256xf32>
    %add3A_28 = arith.addf %mul3A_26, %add3A_27 : vector<2000x256xf32>
    %slice3A = vector.extract_strided_slice %add3A_28 {offsets = [0, 0], sizes = [2000, 128], strides = [1, 1]} : vector<2000x256xf32> to vector<2000x128xf32>
    %swap3A = arith.constant 0 : index
    %swap3A_29 = arith.constant 0 : index
    %swap3A_30 = vector.load %arg7[%swap3A, %swap3A_29] : memref<2000x128xf32, #tpu.memory_space<vmem>>, vector<2000x128xf32>
    tpu.vector_store %arg7[%swap3A, %swap3A_29], %slice3A {strides = array<i32>} : memref<2000x128xf32, #tpu.memory_space<vmem>>, vector<2000x128xf32>,
    %slice3A_31 = vector.extract_strided_slice %add3A_28 {offsets = [0, 128], sizes = [2000, 128], strides = [1, 1]} : vector<2000x256xf32> to vector<2000x128xf32>
    %swap3A_32 = arith.constant 0 : index
    %swap3A_33 = arith.constant 0 : index
    %swap3A_34 = vector.load %arg8[%swap3A_32, %swap3A_33] : memref<2000x128xf32, #tpu.memory_space<vmem>>, vector<2000x128xf32>
    tpu.vector_store %arg8[%swap3A_32, %swap3A_33], %slice3A_31 {strides = array<i32>} : memref<2000x128xf32, #tpu.memory_space<vmem>>, vector<2000x128xf32>,
    %get3A_35 = arith.constant 0 : index
    %get3A_36 = arith.constant 0 : index
    %get3A_37 = vector.load %arg6[%get3A_35, %get3A_36] : memref<2000x1xi32, #tpu.memory_space<vmem>>, vector<2000x1xi32>
    %iota3A = tpu.iota {dimensions = array<i32: 1>} : vector<2000x64xi32>
    %eq3A = vector.broadcast %get3A_37 : vector<2000x1xi32> to vector<2000x64xi32>
    %eq3A_38 = arith.cmpi eq, %eq3A, %iota3A : vector<2000x64xi32>
    %convert_element_type3A = arith.extui %eq3A_38 : vector<2000x64xi1> to vector<2000x64xi32>
    %convert_element_type3A_39 = arith.sitofp %convert_element_type3A : vector<2000x64xi32> to vector<2000x64xf32>
    %eq3A_40 = arith.constant 0 : i32
    %eq3A_41 = arith.cmpi eq, %arg0, %eq3A_40 : i32
    %convert_element_type3A_42 = arith.extui %eq3A_41 : i1 to i32
    %cond3A = arith.constant 0 : i32
    %cond3A_43 = arith.cmpi ne, %convert_element_type3A_42, %cond3A : i32
    scf.if %cond3A_43 {
      %broadcast_in_dim3A = arith.constant 0.000000e+00 : f32
      %broadcast_in_dim3A_52 = vector.broadcast %broadcast_in_dim3A : f32 to vector<64x256xf32>
      %swap3A_53 = arith.constant 0 : index
      %swap3A_54 = arith.constant 0 : index
      %swap3A_55 = vector.load %arg9[%swap3A_53, %swap3A_54] : memref<64x256xf32, #tpu.memory_space<vmem>>, vector<64x256xf32>
      tpu.vector_store %arg9[%swap3A_53, %swap3A_54], %broadcast_in_dim3A_52 {strides = array<i32>} : memref<64x256xf32, #tpu.memory_space<vmem>>, vector<64x256xf32>,
    } else {
    }
    %get3A_44 = arith.constant 0 : index
    %get3A_45 = arith.constant 0 : index
    %get3A_46 = vector.load %arg9[%get3A_44, %get3A_45] : memref<64x256xf32, #tpu.memory_space<vmem>>, vector<64x256xf32>
    %dot_general3A = arith.constant dense<0.000000e+00> : vector<64x256xf32>
    %dot_general3A_47 = tpu.matmul %convert_element_type3A_39, %add3A_28, %dot_general3A {dimension_numbers = #tpu.dot_dimension_numbers<[0], [0], [1], [1], [0, 1, 1, 1], [], []>, transpose_lhs_hint = false} : vector<2000x64xf32>, vector<2000x256xf32>, vector<64x256xf32> -> vector<64x256xf32>
    %add3A_48 = arith.addf %get3A_46, %dot_general3A_47 : vector<64x256xf32>
    %swap3A_49 = arith.constant 0 : index
    %swap3A_50 = arith.constant 0 : index
    %swap3A_51 = vector.load %arg9[%swap3A_49, %swap3A_50] : memref<64x256xf32, #tpu.memory_space<vmem>>, vector<64x256xf32>
    tpu.vector_store %arg9[%swap3A_49, %swap3A_50], %add3A_48 {strides = array<i32>} : memref<64x256xf32, #tpu.memory_space<vmem>>, vector<64x256xf32>,
    return
  }
  func.func @transform_0(%arg0: i32) -> (i32, i32) {
    %c0_i32 = arith.constant 0 : i32
    %c0_i32_0 = arith.constant 0 : i32
    return %arg0, %c0_i32 : i32, i32
  }
  func.func @transform_1(%arg0: i32) -> (i32, i32) {
    %c0_i32 = arith.constant 0 : i32
    %c0_i32_0 = arith.constant 0 : i32
    %c0_i32_1 = arith.constant 0 : i32
    return %c0_i32, %c0_i32_0 : i32, i32
  }
  func.func @transform_2(%arg0: i32) -> (i32, i32) {
    %c0_i32 = arith.constant 0 : i32
    %c0_i32_0 = arith.constant 0 : i32
    %c0_i32_1 = arith.constant 0 : i32
    return %c0_i32, %c0_i32_0 : i32, i32
  }
  func.func @transform_3(%arg0: i32) -> (i32, i32) {
    %c0_i32 = arith.constant 0 : i32
    %c0_i32_0 = arith.constant 0 : i32
    %c0_i32_1 = arith.constant 0 : i32
    return %c0_i32, %c0_i32_0 : i32, i32
  }
  func.func @transform_4(%arg0: i32) -> (i32, i32) {
    %c0_i32 = arith.constant 0 : i32
    %c0_i32_0 = arith.constant 0 : i32
    %c0_i32_1 = arith.constant 0 : i32
    return %c0_i32, %c0_i32_0 : i32, i32
  }
  func.func @transform_5(%arg0: i32) -> (i32, i32) {
    %c0_i32 = arith.constant 0 : i32
    %c0_i32_0 = arith.constant 0 : i32
    return %arg0, %c0_i32 : i32, i32
  }
  func.func @transform_6(%arg0: i32) -> (i32, i32) {
    %c0_i32 = arith.constant 0 : i32
    %c0_i32_0 = arith.constant 0 : i32
    return %arg0, %c0_i32 : i32, i32
  }
  func.func @transform_7(%arg0: i32) -> (i32, i32) {
    %c0_i32 = arith.constant 0 : i32
    %c0_i32_0 = arith.constant 0 : i32
    return %arg0, %c0_i32 : i32, i32
  }
  func.func @transform_8(%arg0: i32) -> (i32, i32) {
    %c0_i32 = arith.constant 0 : i32
    %c0_i32_0 = arith.constant 0 : i32
    %c0_i32_1 = arith.constant 0 : i32
    return %c0_i32, %c0_i32_0 : i32, i32
  }
}

</mosaic_0001>

<sc_bundles>
// kernel: kernel.11.cloned.1.call-start
scs
__scs_entry_jumppad:
0x0: {  	(pc) =	sbr.rel $0x88, $3  }
0x1: {  	(tag) =	ssettag $0x0;
	lr =	simm.s32 $0x1  }
0x2: {  	[smem:$0x3F8C] =	sst lr;
	_ =	strace $0xD0000000  }
0x3: {  	_ = 	snop  }
0x4: {  	_ = 	snop  }
0x5: {  	_ = 	snop  }
0x6: {  	_ = 	snop  }
0x7: {  	_ = 	snop  }
__scs_overlays_trampoline_lowered:
0x8: {  	[smem:$0x3F9B] =	sst s0  }
0x9: {  	[smem:$0x3F9C] =	sst s1  }
0xa: {  	[smem:$0x3F9D] =	sst s2  }
0xb: {  	[smem:$0x3F9E] =	sst s3  }
0xc: {  	[smem:$0x3F9F] =	sst s4  }
0xd: {  	[smem:$0x3FA0] =	sst s5  }
0xe: {  	[smem:$0x3FA1] =	sst s6  }
0xf: {  	[smem:$0x3FA2] =	sst s7  }
0x10: {  	[smem:$0x3FA3] =	sst s8  }
0x11: {  	[smem:$0x3FA4] =	sst s9;
	s0 =	simm.s32 @!p0 $0x0  }
0x12: {  	s1 =	sld [smem:$0x3F8A];
	s0 =	simm.s32 @p0 $0x1  }
0x13: {  	[smem:$0x3FA5] =	sst s0;
	s0 =	simm.s32 @!p1 $0x0  }
0x14: {  	s2 =	sld [smem:$0x3F89];
	s0 =	simm.s32 @p1 $0x1  }
0x15: {  	[smem:$0x3FA6] =	sst s0;
	s0 =	simm.s32 @!p2 $0x0  }
0x16: {  	s3 =	sld [smem:$0x3FDB];
	s0 =	simm.s32 @p2 $0x1  }
0x17: {  	s4 =	simm.s32 $0x1BF5;
	[smem:$0x3FA8] =	sst s0  }
0x18: {  	s0 =	sld [smem:$0x3F8B];
	_ =	swait.ge [sflag:s4], $0x0  }
0x19: {  	s7 =	sld [smem:$0x3F8C]  }
0x1a: {  	s8 =	sadd.s32 $0xFFFFE003, lr  }
0x1b: {  	s9 =	sadd.s32 $0xFFFFFEF7, lr;
	s5 =	simm.s32 $0xFFFFFFFF;
	p2 =	slt.u32 s8, $0xFFFFF086  }
0x1c: {  	p1 =	slt.u32 s9, $0xF7A;
	s5 =	simm.s32 @!p2 $0x0  }
0x1d: {  	s5 =	simm.s32 @p1 $0x1;
	p0 =	seq.s32 s7, s2  }
0x1e: {  	s7 =	smul.u32 @!p0 $0xF7A, s2;
	p2 =	seq.s32 @!p0 s5, $0x0  }
0x1f: {  	s9 =	smul.u32 $0xF7A, s1;
	s8 =	simm.s32 @!p0 $0x1BF5;
	p2 =	por !p2, p0  }
0x20: {  	[sflag:s8] =	ssyncset.s32 @!p0 $0xFFFFF086;
	s6 =	sadd.s32 @!p0 s3, s7;
	s7 =	simm.s32 @!p0 $0x108  }
0x21: {  	s3 =	sadd.s32 s3, s9;
	s6 =	sadd.s32 @!p0 $0x88, s6;
	s7 =	simm.s32 @p2 $0x1082  }
0x22: {  	[simem:s7], [sflag:s8] =	dma.local @!p0 [hbm:s6], $0xF7A  }
0x23: {  	s9 =	sor.u32 $0xD0000000, s2;
	s6 =	simm.s32 $0x108;
	_ =	swait.ge @!p0 [sflag:s8], $0x0  }
0x24: {  	s3 =	sadd.s32 $0x88, s3;
	s6 =	simm.s32 @!p1 $0x1082;
	[sflag:s4] =	ssyncset.s32 $0xFFFFF086  }
0x25: {  	[simem:s6], [sflag:s4] =	dma.local [hbm:s3], $0xF7A  }
0x26: {  	[smem:$0x3F8C] =	sst s1;
	(tag) =	ssettag s2;
	_ =	strace s9  }
0x27: {  	s1 =	sld [smem:$0x3F9C]  }
0x28: {  	s2 =	sld [smem:$0x3F9D]  }
0x29: {  	s4 =	sld [smem:$0x3F9F]  }
0x2a: {  	p0 =	seq.s32 s5, $0x0;
	s5 =	sld [smem:$0x3FA0]  }
0x2b: {  	s6 =	sld [smem:$0x3FA1]  }
0x2c: {  	s7 =	sld [smem:$0x3FA2]  }
0x2d: {  	s3 =	simm.s32 $0x108;
	s8 =	sld [smem:$0x3FA3]  }
0x2e: {  	s3 =	simm.s32 @!p0 $0x1082;
	s9 =	sld [smem:$0x3FA4]  }
0x2f: {  	lr =	sadd.s32 s0, s3;
	s0 =	sld [smem:$0x3F9B]  }
0x30: {  	s3 =	sld [smem:$0x3F9E]  }
0x31: {  	[smem:$0x3FA7] =	sst s10  }
0x32: {  	s10 =	sld [smem:$0x3FA5];
	_ =	sdelay $0x3  }
0x33: {  	p0 =	seq.s32 s10, $0x1;
	s10 =	sld [smem:$0x3FA7];
	_ =	sdelay $0x3  }
0x34: {  	[smem:$0x3FA7] =	sst s10  }
0x35: {  	s10 =	sld [smem:$0x3FA6];
	_ =	sdelay $0x3  }
0x36: {  	p1 =	seq.s32 s10, $0x1;
	s10 =	sld [smem:$0x3FA7];
	_ =	sdelay $0x3  }
0x37: {  	[smem:$0x3FA7] =	sst s10  }
0x38: {  	s10 =	sld [smem:$0x3FA8]  }
0x39: {  	_ = 	snop;
	(pc) =	sbr.ind lr, $3  }
0x3a: {  	_ = 	snop  }
0x3b: {  	_ = 	snop  }
0x3c: {  	p2 =	seq.s32 s10, $0x1;
	s10 =	sld [smem:$0x3FA7]  }
0x3d: {  	_ =	shalt  }
0x3e: {  	_ =	shalt  }
0x3f: {  	_ =	shalt  }
0x40: {  	_ =	shalt  }
0x41: {  	_ =	shalt  }
0x42: {  	_ =	shalt  }
0x43: {  	_ =	shalt  }
0x44: {  	_ =	shalt  }
0x45: {  	_ =	shalt  }
0x46: {  	_ =	shalt  }
0x47: {  	_ =	shalt  }
0x48: {  	_ =	shalt  }
0x49: {  	_ =	shalt  }
0x4a: {  	_ =	shalt  }
0x4b: {  	_ =	shalt  }
0x4c: {  	_ =	shalt  }
0x4d: {  	_ =	shalt  }
0x4e: {  	_ =	shalt  }
0x4f: {  	_ =	shalt  }
0x50: {  	_ =	shalt  }
0x51: {  	_ =	shalt  }
0x52: {  	_ =	shalt  }
0x53: {  	_ =	shalt  }
0x54: {  	_ =	shalt  }
0x55: {  	_ =	shalt  }
0x56: {  	_ =	shalt  }
0x57: {  	_ =	shalt  }
0x58: {  	_ =	shalt  }
0x59: {  	_ =	shalt  }
0x5a: {  	_ =	shalt  }
0x5b: {  	_ =	shalt  }
0x5c: {  	_ =	shalt  }
0x5d: {  	_ =	shalt  }
0x5e: {  	_ =	shalt  }
0x5f: {  	_ =	shalt  }
0x60: {  	_ =	shalt  }
0x61: {  	_ =	shalt  }
0x62: {  	_ =	shalt  }
0x63: {  	_ =	shalt  }
0x64: {  	_ =	shalt  }
0x65: {  	_ =	shalt  }
0x66: {  	_ =	shalt  }
0x67: {  	_ =	shalt  }
0x68: {  	_ =	shalt  }
0x69: {  	_ =	shalt  }
0x6a: {  	_ =	shalt  }
0x6b: {  	_ =	shalt  }
0x6c: {  	_ =	shalt  }
0x6d: {  	_ =	shalt  }
0x6e: {  	_ =	shalt  }
0x6f: {  	_ =	shalt  }
0x70: {  	_ =	shalt  }
0x71: {  	_ =	shalt  }
0x72: {  	_ =	shalt  }
0x73: {  	_ =	shalt  }
0x74: {  	_ =	shalt  }
0x75: {  	_ =	shalt  }
0x76: {  	_ =	shalt  }
0x77: {  	_ =	shalt  }
0x78: {  	_ =	shalt  }
0x79: {  	_ =	shalt  }
0x7a: {  	_ =	shalt  }
0x7b: {  	_ =	shalt  }
0x7c: {  	_ =	shalt  }
0x7d: {  	_ =	shalt  }
0x7e: {  	_ =	shalt  }
0x7f: {  	_ =	shalt  }
0x80: {  	_ =	shalt  }
0x81: {  	_ =	shalt  }
0x82: {  	_ =	shalt  }
0x83: {  	_ =	shalt  }
0x84: {  	_ =	shalt  }
0x85: {  	_ =	shalt  }
0x86: {  	_ =	shalt  }
0x87: {  	_ =	shalt  }
.Lfunc_end0:
.L_simem_size_0:
called_computation_lowered:
.L_overlay_start_0:
0x88: {  	s2 =	sld [smem:$0x3FD9]  }
0x89: {  	s3 =	sld [smem:$0x3FFE];
	_ =	sdelay $0x1  }
0x8a: {  	s1 =	srdreg.scid  }
0x8b: {  	s0 =	sand.u32 $0x1, s1  }
0x8c: {  	s14 =	sshll.u32 s0, $0xA;
	s2 =	sadd.s32 s3, s2  }
0x8d: {  	s2 =	sadd.s32 s2, s14  }
0x8e: {  	[smem:$0x3FB3] =	sst s2  }
0x8f: {  	_ = 	snop  }
0x90: {  	s2 =	sld [smem:$0x3FD0];
	_ =	sdelay $0x2  }
0x91: {  	s15 =	simm.s32 $0xA;
	s4 =	simm.s32 $0x10  }
0x92: {  	[smem:s4], [sflag:s15] =	dma.local [hbm:s2], $0x1  }
0x93: {  	_ =	swait.eq [sflag:s15], $0x1  }
0x94: {  	[sflag:s15] =	ssyncset.done $0x0  }
0x95: {  	[sflag:s15] =	ssyncadd.s32 $0xFFFFFFFF  }
0x96: {  	s16 =	sld [smem:$0x11];
	(tm) =	ssettm $0x1  }
0x97: {  	s17 =	sld [smem:$0x3FFB];
	_ =	sdelay $0x3  }
0x98: {  	_ =	strace s17  }
0x99: {  	s3 =	sld [smem:$0x3FFC];
	_ =	sdelay $0x3  }
0x9a: {  	_ =	strace s3  }
0x9b: {  	s3 =	sld [smem:$0x3FFD];
	_ =	sdelay $0x3  }
0x9c: {  	_ =	strace s3  }
0x9d: {  	_ =	strace $0x8FFFFFFF  }
0x9e: {  	s18 =	sld [smem:$0x3FDB];
	_ =	sdelay $0x1  }
0x9f: {  	s19 =	simm.s32 $_scs_section_size  }
0xa0: {  	s5 =	simm.s32 $_size__tile_overlayer_lowered;
	s6 =	simm.s32 $_tile_overlayer_lowered  }
0xa1: {  	s22 =	simm.s32 $0x1BFF;
	s21 =	sshll.u32 s6, $0x1;
	s3 =	sadd.s32 s19, s18  }
0xa2: {  	s7 =	simm.s32 $0x0;
	s20 =	sshll.u32 s5, $0x1;
	s5 =	sadd.s32 s21, s3  }
0xa3: {  	[timem:s7], [sflag:s22] =	dma.local [hbm:s5], s20  }
0xa4: {  	_ =	swait.ge [sflag:s22], s20  }
0xa5: {  	s4 =	ssub.s32 $0x0, s20;
	[sflag:s22] =	ssyncset.done $0x0  }
0xa6: {  	[sflag:s22] =	ssyncadd.s32 s4;
	_ =	sdelay $0x1  }
0xa7: {  	s23 =	simm.s32 $0x1B8B  }
0xa8: {  	_ =	swait.ge [sflag:s23], $0x1  }
0xa9: {  	[sflag:s23] =	ssyncset.done $0x0  }
0xaa: {  	s25 =	simm.s32 $0x1B8E;
	s24 =	sld [smem:$0x3FFE];
	[sflag:s23] =	ssyncadd.s32 $0xFFFFFFFF  }
0xab: {  	s26 =	simm.s32 $execute0_lowered;
	[smem:$0x3FD2] =	sst s25  }
0xac: {  	s5 =	sshll.u32 s26, $0x1;
	_ =	strace $0x80000046;
	[dreg:$0x1] =	wrdreg $0xFFFFFFFF  }
0xad: {  	s28 =	simm.s32 $_size_execute0_lowered;
	s3 =	sadd.s32 s3, s5;
	[dreg:$0x0] =	wrdreg $0x0  }
0xae: {  	s5 =	sshll.u32 s28, $0x1;
	[dreg:$0x2] =	wrdreg s3  }
0xaf: {  	[dreg:$0x3] =	wrdreg s5  }
0xb0: {  	[dreg:$0x4] =	wrdreg $0xC0  }
0xb1: {  	_ =	task [dreg:s7], $0x5FFFF  }
0xb2: {  	[dreg:$0x1] =	wrdreg $0xFFFFFFFF  }
0xb3: {  	[dreg:$0x0] =	wrdreg $0x60  }
0xb4: {  	[dreg:$0x2] =	wrdreg s24  }
0xb5: {  	[dreg:$0x3] =	wrdreg s16  }
0xb6: {  	[dreg:$0x4] =	wrdreg $0xA8000  }
0xb7: {  	[dreg:$0x5] =	wrdreg $0x9  }
0xb8: {  	_ =	task.clear_ibuf [dreg:s7], $0x6FFFF;
	_ =	strace $0x90000046  }
0xb9: {  	s29 =	simm.s32 $0x9;
	_ =	strace $0x80000048  }
0xba: {  	_ =	swait.ge [sflag:s29], $0x1  }
0xbb: {  	[sflag:s29] =	ssyncadd.s32 $0xFFFFFFFF  }
0xbc: {  	_ =	strace $0x90000048  }
0xbd: {  	_ =	sfence  }
0xbe: {  	s30 =	sld [smem:$0x0];
	_ =	sdelay $0x2  }
0xbf: {  	s31 =	sshll.u32 s1, $0xD;
	s1 =	sshrl.u32 s1, $0x2  }
0xc0: {  	s3 =	sand.u32 $0x4000, s31;
	s1 =	sadd.s32 s1, s30  }
0xc1: {  	s0 =	sor.u32 s3, s0;
	s1 =	sshll.u32 s1, $0x11  }
0xc2: {  	s0 =	sor.u32 s1, s0  }
0xc3: {  	s0 =	sadd.s32 $0x8F2B, s0  }
0xc4: {  	[sflag:s0] =	ssyncadd.remote.s32 $0x1  }
0xc5: {  	_ =	sfence.sel $0xFFFF  }
0xc6: {  	[dreg:$0x0] =	wrdreg $0xFFFFFFFF;
	(pc) =	sbr.abs _section_cstart, $3  }
0xc7: {  	[dreg:$0x1] =	wrdreg $0xFFFFFFFF  }
0xc8: {  	_ =	task.clear_ibuf [dreg:s7], $0x2FFFF;
	_ =	strace $0x9FFFFFFF  }
0xc9: {  	(tm) =	ssettm $0x7FFFFFFF  }
tec
execute0_lowered:
.L_overlay_start_1:
0x0: {  	(tag) =	ssettag $0x1  }
0x1: {  	s8 =	rddreg [dreg:$0x0]  }
0x2: {  	s1 =	rddreg [dreg:$0x1]  }
0x3: {  	s2 =	rddreg [dreg:$0x2];
	s3 =	simm.s32 $0x0  }
0x4: {  	s4 =	stileid.u32;
	s9 =	srdreg.scid;
	s19 =	simm.s32 $0x80  }
0x5: {  	s20 =	simm.s32 $0x2800;
	s21 =	simm.s32 $0x1;
	s22 =	simm.s32 $0x6800  }
0x6: {  	s23 =	simm.s32 $0x2;
	s24 =	simm.s32 $0x1480;
	s25 =	simm.s32 $0x3  }
0x7: {  	s28 =	simm.s32 $0x4;
	s29 =	simm.s32 $0x0;
	s7 =	smul.u32 $0x2780, s4  }
0x8: {  	[smem:$0x7FF] =	sst s3;
	s5 =	sadd.s32 $0x8A00, s8;
	s26 =	smul.u32 $0x4F000, s4  }
0x9: {  	s6 =	sadd.s32 $0x2FC00, s8;
	s13 =	sadd.s32 $0x5BE00, s8;
	s15 =	smul.u32 $0x2800, s4  }
0xa: {  	s14 =	sadd.s32 $0x56E00, s8;
	s16 =	sand.u32 $0x1, s9;
	s30 =	smul.u32 $0x500, s4  }
0xb: {  	s31 =	sshll.u32 s4, $0x6;
	_ =	strace $0x80000047;
	s11 =	ssub.s32 $0x2, s16  }
0xc: {  	p0 =	sne.s32 s16, $0x0;
	s10 =	sadd.s32 s7, s8;
	s8 =	sadd.s32 $0x88600, s8  }
0xd: {  	s12 =	sshrl.u32 s11, $0x1;
	s9 =	sshrl.u32 s26, $0x2;
	s15 =	sshrl.u32 s15, $0x3  }
.Ltmp0:
0xe: {  	s26 =	simm.s32 $0x100;
	s17 =	ssub.s32 s11, s12;
	(pc) =	sbr.rel .LBB2_1-.Ltmp0, $4  }
0xf: {  	s18 =	sadd.s32 s9, s2;
	s9 =	sadd.s32 $0x60E00, s10;
	s10 =	sor.u32 $0x1C05, s31  }
0x10: {  	s11 =	sadd.s32 s13, s30;
	s15 =	sadd.s32 $0x280, s15;
	s12 =	sadd.s32 s14, s30  }
0x11: {  	s13 =	sadd.s32 s13, s15;
	s14 =	sadd.s32 s14, s15;
	s15 =	smax.u32 s17, $0x1  }
0x12: {  	s16 =	sshrl.u32 s18, $0x3;
	s17 =	simm.s32 $0x5;
	s18 =	simm.s32 $0x1400  }
.LBB2_14:
0x13: {  	s30 =	smov.u32 s8  }
.LBB2_15:
0x14: {  	_ =	swait.ge [sflag:s28], $0x4000  }
0x15: {  	s29 =	sadd.s32 $0x1, s29;
	[sflag:s28] =	ssyncset.done $0x0  }
0x16: {  	p1 =	sne.s32 s29, s15;
	[sflag:s28] =	ssyncadd.s32 $0xFFFFC000  }
.Ltmp1:
0x17: {  	s0 =	sadd.s32 s30, s7;
	[bflag:$0x0] =	sbarrier.arrive $0xFFFF;
	(pc) =	sbr.rel @!p1 .LBB2_16-.Ltmp1, $4  }
0x18: {  	[hbm:s0], [sflag:s10] =	dma.local [spmem:s16], $0x2780  }
0x19: {  	_ =	swait.ge [sflag:s17], $0x2780  }
0x1a: {  	[sflag:s17] =	ssyncset.done $0x0  }
0x1b: {  	[sflag:s17] =	ssyncadd.s32 $0xFFFFD880  }
.LBB2_1:
0x1c: {  	[spmem:s16], [sflag:s10] =	dma.local [hbm:s9], $0x2780  }
0x1d: {  	_ =	swait.ge [sflag:s17], $0x2780  }
0x1e: {  	[sflag:s17] =	ssyncset.done $0x0  }
0x1f: {  	[sflag:s17] =	ssyncadd.s32 $0xFFFFD880  }
0x20: {  	[bflag:$0x0] =	sbarrier.arrive $0xFFFF  }
0x21: {  	[tilespmem:s3], [sflag:$0x5] =	stream.linear.gather [hbm4b:s11+s3], $0x1400, $0x38;
	[tilespmem:$0x1E400] =	vst v63  }
0x22: {  	_ =	swait.ge [sflag:s17], $0x1400  }
0x23: {  	[sflag:s17] =	ssyncset.done $0x0  }
.Ltmp2:
0x24: {  	[sflag:s17] =	ssyncadd.s32 $0xFFFFEC00;
	(pc) =	sbr.rel @p0 .LBB2_9-.Ltmp2, $4  }
0x25: {  	[tilespmem:s18], [sflag:$0x5] =	stream.linear.gather [hbm4b:s12+s3], $0x1400, $0x38;
	[tilespmem:$0x1E400] =	vst v63  }
0x26: {  	_ =	swait.ge [sflag:s17], $0x1400  }
0x27: {  	[sflag:s17] =	ssyncset.done $0x0  }
0x28: {  	[sflag:s17] =	ssyncadd.s32 $0xFFFFEC00  }
0x29: {  	[tilespmem:s20], [sflag:$0x1] =	stream.indirect.gather [hbm4b:s5+s19], $0x80, s3, s19, $0xb8;
	[tilespmem:$0x1E400] =	vst v63  }
0x2a: {  	_ =	swait.ge [sflag:s21], $0x4000  }
0x2b: {  	[sflag:s21] =	ssyncset.done $0x0  }
0x2c: {  	[sflag:s21] =	ssyncadd.s32 $0xFFFFC000  }
0x2d: {  	[spmem:s2] =	stream.indirect.scatter.add.f32 [tilespmem:s20], [sflag:$0x3], $0x80, s18, s19, $0xb8;
	[tilespmem:$0x1E400] =	vst v63  }
0x2e: {  	_ = 	snop  }
0x2f: {  	[tilespmem:s22], [sflag:$0x2] =	stream.indirect.gather [hbm4b:s5+s19], $0x80, s19, s19, $0xb8;
	[tilespmem:$0x1E400] =	vst v63  }
0x30: {  	_ =	swait.ge [sflag:s23], $0x4000  }
0x31: {  	[sflag:s23] =	ssyncset.done $0x0  }
0x32: {  	[sflag:s23] =	ssyncadd.s32 $0xFFFFC000  }
0x33: {  	[spmem:s2] =	stream.indirect.scatter.add.f32 [tilespmem:s22], [sflag:$0x4], $0x80, s24, s19, $0xb8;
	[tilespmem:$0x1E400] =	vst v63  }
0x34: {  	_ =	swait.ge [sflag:s25], $0x4000  }
0x35: {  	[sflag:s25] =	ssyncset.done $0x0  }
0x36: {  	s30 =	simm.s32 $0xFFFFB800;
	[sflag:s25] =	ssyncadd.s32 $0xFFFFC000  }
0x37: {  	[tilespmem:s20], [sflag:$0x1] =	stream.indirect.gather [hbm4b:s5+s19], $0x80, s26, s19, $0xb8;
	[tilespmem:$0x1E400] =	vst v63  }
.LBB2_3:
0x38: {  	_ =	swait.ge [sflag:s21], $0x4000  }
0x39: {  	s31 =	sshra.s32 s30, $0x2;
	[sflag:s21] =	ssyncset.done $0x0  }
0x3a: {  	s0 =	sadd.s32 $0x2700, s31;
	[sflag:s21] =	ssyncadd.s32 $0xFFFFC000  }
0x3b: {  	[spmem:s2] =	stream.indirect.scatter.add.f32 [tilespmem:s20], [sflag:$0x3], $0x80, s0, s19, $0xb8;
	[tilespmem:$0x1E400] =	vst v63  }
0x3c: {  	_ =	swait.ge [sflag:s28], $0x4000  }
0x3d: {  	[sflag:s28] =	ssyncset.done $0x0  }
0x3e: {  	s0 =	sadd.s32 $0x1380, s31;
	[sflag:s28] =	ssyncadd.s32 $0xFFFFC000  }
0x3f: {  	[tilespmem:s22], [sflag:$0x2] =	stream.indirect.gather [hbm4b:s5+s19], $0x80, s0, s19, $0xb8;
	[tilespmem:$0x1E400] =	vst v63  }
0x40: {  	_ =	swait.ge [sflag:s23], $0x4000  }
0x41: {  	p1 =	seq.s32 s30, $0x0;
	[sflag:s23] =	ssyncset.done $0x0  }
.Ltmp3:
0x42: {  	s0 =	sadd.s32 $0x2780, s31;
	[sflag:s23] =	ssyncadd.s32 $0xFFFFC000;
	(pc) =	sbr.rel @p1 .LBB2_5-.Ltmp3, $4  }
0x43: {  	[spmem:s2] =	stream.indirect.scatter.add.f32 [tilespmem:s22], [sflag:$0x4], $0x80, s0, s19, $0xb8;
	[tilespmem:$0x1E400] =	vst v63  }
0x44: {  	_ =	swait.ge [sflag:s25], $0x4000  }
0x45: {  	[sflag:s25] =	ssyncset.done $0x0  }
0x46: {  	[sflag:s25] =	ssyncadd.s32 $0xFFFFC000  }
.Ltmp4:
0x47: {  	(pc) =	sbr.rel .LBB2_3-.Ltmp4, $3  }
0x48: {  	_ =	sdelay $0x1  }
0x49: {  	s0 =	sadd.s32 $0x1400, s31;
	s30 =	sadd.s32 $0x400, s30  }
0x4a: {  	[tilespmem:s20], [sflag:$0x1] =	stream.indirect.gather [hbm4b:s5+s19], $0x80, s0, s19, $0xb8;
	[tilespmem:$0x1E400] =	vst v63  }
.LBB2_9:
0x4b: {  	[tilespmem:s20], [sflag:$0x1] =	stream.indirect.gather [hbm4b:s6+s19], $0x80, s3, s19, $0xb8;
	[tilespmem:$0x1E400] =	vst v63  }
0x4c: {  	_ =	swait.ge [sflag:s21], $0x4000  }
0x4d: {  	[sflag:s21] =	ssyncset.done $0x0  }
0x4e: {  	[sflag:s21] =	ssyncadd.s32 $0xFFFFC000  }
0x4f: {  	[spmem:s2] =	stream.indirect.scatter.add.f32 [tilespmem:s20], [sflag:$0x3], $0x80, s18, s19, $0xb8;
	[tilespmem:$0x1E400] =	vst v63  }
0x50: {  	_ = 	snop  }
0x51: {  	[tilespmem:s22], [sflag:$0x2] =	stream.indirect.gather [hbm4b:s6+s19], $0x80, s19, s19, $0xb8;
	[tilespmem:$0x1E400] =	vst v63  }
0x52: {  	_ =	swait.ge [sflag:s23], $0x4000  }
0x53: {  	[sflag:s23] =	ssyncset.done $0x0  }
0x54: {  	[sflag:s23] =	ssyncadd.s32 $0xFFFFC000  }
0x55: {  	[spmem:s2] =	stream.indirect.scatter.add.f32 [tilespmem:s22], [sflag:$0x4], $0x80, s24, s19, $0xb8;
	[tilespmem:$0x1E400] =	vst v63  }
0x56: {  	_ =	swait.ge [sflag:s25], $0x4000  }
0x57: {  	[sflag:s25] =	ssyncset.done $0x0  }
0x58: {  	s30 =	simm.s32 $0xFFFFB800;
	[sflag:s25] =	ssyncadd.s32 $0xFFFFC000  }
0x59: {  	[tilespmem:s20], [sflag:$0x1] =	stream.indirect.gather [hbm4b:s6+s19], $0x80, s26, s19, $0xb8;
	[tilespmem:$0x1E400] =	vst v63  }
.LBB2_10:
0x5a: {  	_ =	swait.ge [sflag:s21], $0x4000  }
0x5b: {  	s31 =	sshra.s32 s30, $0x2;
	[sflag:s21] =	ssyncset.done $0x0  }
0x5c: {  	s0 =	sadd.s32 $0x2700, s31;
	[sflag:s21] =	ssyncadd.s32 $0xFFFFC000  }
0x5d: {  	[spmem:s2] =	stream.indirect.scatter.add.f32 [tilespmem:s20], [sflag:$0x3], $0x80, s0, s19, $0xb8;
	[tilespmem:$0x1E400] =	vst v63  }
0x5e: {  	_ =	swait.ge [sflag:s28], $0x4000  }
0x5f: {  	[sflag:s28] =	ssyncset.done $0x0  }
0x60: {  	s0 =	sadd.s32 $0x1380, s31;
	[sflag:s28] =	ssyncadd.s32 $0xFFFFC000  }
0x61: {  	[tilespmem:s22], [sflag:$0x2] =	stream.indirect.gather [hbm4b:s6+s19], $0x80, s0, s19, $0xb8;
	[tilespmem:$0x1E400] =	vst v63  }
0x62: {  	_ =	swait.ge [sflag:s23], $0x4000  }
0x63: {  	p1 =	seq.s32 s30, $0x0;
	[sflag:s23] =	ssyncset.done $0x0  }
.Ltmp5:
0x64: {  	s0 =	sadd.s32 $0x2780, s31;
	[sflag:s23] =	ssyncadd.s32 $0xFFFFC000;
	(pc) =	sbr.rel @p1 .LBB2_12-.Ltmp5, $4  }
0x65: {  	[spmem:s2] =	stream.indirect.scatter.add.f32 [tilespmem:s22], [sflag:$0x4], $0x80, s0, s19, $0xb8;
	[tilespmem:$0x1E400] =	vst v63  }
0x66: {  	_ =	swait.ge [sflag:s25], $0x4000  }
0x67: {  	[sflag:s25] =	ssyncset.done $0x0  }
0x68: {  	[sflag:s25] =	ssyncadd.s32 $0xFFFFC000  }
.Ltmp6:
0x69: {  	(pc) =	sbr.rel .LBB2_10-.Ltmp6, $3  }
0x6a: {  	_ =	sdelay $0x1  }
0x6b: {  	s0 =	sadd.s32 $0x1400, s31;
	s30 =	sadd.s32 $0x400, s30  }
0x6c: {  	[tilespmem:s20], [sflag:$0x1] =	stream.indirect.gather [hbm4b:s6+s19], $0x80, s0, s19, $0xb8;
	[tilespmem:$0x1E400] =	vst v63  }
.LBB2_5:
0x6d: {  	_ =	swait.ge [sflag:s28], $0x4000  }
0x6e: {  	[sflag:s28] =	ssyncset.done $0x0  }
0x6f: {  	[sflag:s28] =	ssyncadd.s32 $0xFFFFC000  }
0x70: {  	[tilespmem:s3], [sflag:$0x5] =	stream.linear.gather [hbm4b:s13+s3], $0x1400, $0x38;
	[tilespmem:$0x1E400] =	vst v63  }
0x71: {  	_ =	swait.ge [sflag:s17], $0x1400  }
0x72: {  	[sflag:s17] =	ssyncset.done $0x0  }
0x73: {  	[sflag:s17] =	ssyncadd.s32 $0xFFFFEC00  }
0x74: {  	[tilespmem:s18], [sflag:$0x5] =	stream.linear.gather [hbm4b:s14+s3], $0x1400, $0x38;
	[tilespmem:$0x1E400] =	vst v63  }
0x75: {  	_ =	swait.ge [sflag:s17], $0x1400  }
0x76: {  	[sflag:s17] =	ssyncset.done $0x0  }
0x77: {  	[sflag:s17] =	ssyncadd.s32 $0xFFFFEC00  }
0x78: {  	[tilespmem:s20], [sflag:$0x1] =	stream.indirect.gather [hbm4b:s5+s19], $0x80, s3, s19, $0xb8;
	[tilespmem:$0x1E400] =	vst v63  }
0x79: {  	_ =	swait.ge [sflag:s21], $0x4000  }
0x7a: {  	[sflag:s21] =	ssyncset.done $0x0  }
0x7b: {  	[sflag:s21] =	ssyncadd.s32 $0xFFFFC000  }
0x7c: {  	[spmem:s2] =	stream.indirect.scatter.add.f32 [tilespmem:s20], [sflag:$0x3], $0x80, s18, s19, $0xb8;
	[tilespmem:$0x1E400] =	vst v63  }
0x7d: {  	_ = 	snop  }
0x7e: {  	[tilespmem:s22], [sflag:$0x2] =	stream.indirect.gather [hbm4b:s5+s19], $0x80, s19, s19, $0xb8;
	[tilespmem:$0x1E400] =	vst v63  }
0x7f: {  	_ =	swait.ge [sflag:s23], $0x4000  }
0x80: {  	[sflag:s23] =	ssyncset.done $0x0  }
0x81: {  	[sflag:s23] =	ssyncadd.s32 $0xFFFFC000  }
0x82: {  	[spmem:s2] =	stream.indirect.scatter.add.f32 [tilespmem:s22], [sflag:$0x4], $0x80, s24, s19, $0xb8;
	[tilespmem:$0x1E400] =	vst v63  }
0x83: {  	_ =	swait.ge [sflag:s25], $0x4000  }
0x84: {  	[sflag:s25] =	ssyncset.done $0x0  }
0x85: {  	s30 =	simm.s32 $0xFFFFB800;
	[sflag:s25] =	ssyncadd.s32 $0xFFFFC000  }
0x86: {  	[tilespmem:s20], [sflag:$0x1] =	stream.indirect.gather [hbm4b:s5+s19], $0x80, s26, s19, $0xb8;
	[tilespmem:$0x1E400] =	vst v63  }
.LBB2_6:
0x87: {  	_ =	swait.ge [sflag:s21], $0x4000  }
0x88: {  	s31 =	sshra.s32 s30, $0x2;
	[sflag:s21] =	ssyncset.done $0x0  }
0x89: {  	s0 =	sadd.s32 $0x2700, s31;
	[sflag:s21] =	ssyncadd.s32 $0xFFFFC000  }
0x8a: {  	[spmem:s2] =	stream.indirect.scatter.add.f32 [tilespmem:s20], [sflag:$0x3], $0x80, s0, s19, $0xb8;
	[tilespmem:$0x1E400] =	vst v63  }
0x8b: {  	_ =	swait.ge [sflag:s28], $0x4000  }
0x8c: {  	[sflag:s28] =	ssyncset.done $0x0  }
0x8d: {  	s0 =	sadd.s32 $0x1380, s31;
	[sflag:s28] =	ssyncadd.s32 $0xFFFFC000  }
0x8e: {  	[tilespmem:s22], [sflag:$0x2] =	stream.indirect.gather [hbm4b:s5+s19], $0x80, s0, s19, $0xb8;
	[tilespmem:$0x1E400] =	vst v63  }
0x8f: {  	_ =	swait.ge [sflag:s23], $0x4000  }
0x90: {  	p1 =	seq.s32 s30, $0x0;
	[sflag:s23] =	ssyncset.done $0x0  }
.Ltmp7:
0x91: {  	s0 =	sadd.s32 $0x2780, s31;
	[sflag:s23] =	ssyncadd.s32 $0xFFFFC000;
	(pc) =	sbr.rel @p1 .LBB2_7-.Ltmp7, $4  }
0x92: {  	[spmem:s2] =	stream.indirect.scatter.add.f32 [tilespmem:s22], [sflag:$0x4], $0x80, s0, s19, $0xb8;
	[tilespmem:$0x1E400] =	vst v63  }
0x93: {  	_ =	swait.ge [sflag:s25], $0x4000  }
0x94: {  	[sflag:s25] =	ssyncset.done $0x0  }
0x95: {  	[sflag:s25] =	ssyncadd.s32 $0xFFFFC000  }
.Ltmp8:
0x96: {  	(pc) =	sbr.rel .LBB2_6-.Ltmp8, $3  }
0x97: {  	_ =	sdelay $0x1  }
0x98: {  	s0 =	sadd.s32 $0x1400, s31;
	s30 =	sadd.s32 $0x400, s30  }
0x99: {  	[tilespmem:s20], [sflag:$0x1] =	stream.indirect.gather [hbm4b:s5+s19], $0x80, s0, s19, $0xb8;
	[tilespmem:$0x1E400] =	vst v63  }
.LBB2_12:
0x9a: {  	_ =	swait.ge [sflag:s28], $0x4000  }
0x9b: {  	[sflag:s28] =	ssyncset.done $0x0  }
0x9c: {  	[sflag:s28] =	ssyncadd.s32 $0xFFFFC000  }
0x9d: {  	[tilespmem:s3], [sflag:$0x5] =	stream.linear.gather [hbm4b:s13+s3], $0x1400, $0x38;
	[tilespmem:$0x1E400] =	vst v63  }
0x9e: {  	_ =	swait.ge [sflag:s17], $0x1400  }
0x9f: {  	[sflag:s17] =	ssyncset.done $0x0  }
0xa0: {  	[sflag:s17] =	ssyncadd.s32 $0xFFFFEC00  }
0xa1: {  	[tilespmem:s18], [sflag:$0x5] =	stream.linear.gather [hbm4b:s14+s3], $0x1400, $0x38;
	[tilespmem:$0x1E400] =	vst v63  }
0xa2: {  	_ =	swait.ge [sflag:s17], $0x1400  }
0xa3: {  	[sflag:s17] =	ssyncset.done $0x0  }
0xa4: {  	[sflag:s17] =	ssyncadd.s32 $0xFFFFEC00  }
0xa5: {  	[tilespmem:s20], [sflag:$0x1] =	stream.indirect.gather [hbm4b:s6+s19], $0x80, s3, s19, $0xb8;
	[tilespmem:$0x1E400] =	vst v63  }
0xa6: {  	_ =	swait.ge [sflag:s21], $0x4000  }
0xa7: {  	[sflag:s21] =	ssyncset.done $0x0  }
0xa8: {  	[sflag:s21] =	ssyncadd.s32 $0xFFFFC000  }
0xa9: {  	[spmem:s2] =	stream.indirect.scatter.add.f32 [tilespmem:s20], [sflag:$0x3], $0x80, s18, s19, $0xb8;
	[tilespmem:$0x1E400] =	vst v63  }
0xaa: {  	_ = 	snop  }
0xab: {  	[tilespmem:s22], [sflag:$0x2] =	stream.indirect.gather [hbm4b:s6+s19], $0x80, s19, s19, $0xb8;
	[tilespmem:$0x1E400] =	vst v63  }
0xac: {  	_ =	swait.ge [sflag:s23], $0x4000  }
0xad: {  	[sflag:s23] =	ssyncset.done $0x0  }
0xae: {  	[sflag:s23] =	ssyncadd.s32 $0xFFFFC000  }
0xaf: {  	[spmem:s2] =	stream.indirect.scatter.add.f32 [tilespmem:s22], [sflag:$0x4], $0x80, s24, s19, $0xb8;
	[tilespmem:$0x1E400] =	vst v63  }
0xb0: {  	_ =	swait.ge [sflag:s25], $0x4000  }
0xb1: {  	[sflag:s25] =	ssyncset.done $0x0  }
0xb2: {  	s30 =	simm.s32 $0xFFFFB800;
	[sflag:s25] =	ssyncadd.s32 $0xFFFFC000  }
0xb3: {  	[tilespmem:s20], [sflag:$0x1] =	stream.indirect.gather [hbm4b:s6+s19], $0x80, s26, s19, $0xb8;
	[tilespmem:$0x1E400] =	vst v63  }
.LBB2_13:
0xb4: {  	_ =	swait.ge [sflag:s21], $0x4000  }
0xb5: {  	s31 =	sshra.s32 s30, $0x2;
	[sflag:s21] =	ssyncset.done $0x0  }
0xb6: {  	s0 =	sadd.s32 $0x2700, s31;
	[sflag:s21] =	ssyncadd.s32 $0xFFFFC000  }
0xb7: {  	[spmem:s2] =	stream.indirect.scatter.add.f32 [tilespmem:s20], [sflag:$0x3], $0x80, s0, s19, $0xb8;
	[tilespmem:$0x1E400] =	vst v63  }
0xb8: {  	_ =	swait.ge [sflag:s28], $0x4000  }
0xb9: {  	[sflag:s28] =	ssyncset.done $0x0  }
0xba: {  	s0 =	sadd.s32 $0x1380, s31;
	[sflag:s28] =	ssyncadd.s32 $0xFFFFC000  }
0xbb: {  	[tilespmem:s22], [sflag:$0x2] =	stream.indirect.gather [hbm4b:s6+s19], $0x80, s0, s19, $0xb8;
	[tilespmem:$0x1E400] =	vst v63  }
0xbc: {  	_ =	swait.ge [sflag:s23], $0x4000  }
0xbd: {  	p1 =	seq.s32 s30, $0x0;
	[sflag:s23] =	ssyncset.done $0x0  }
.Ltmp9:
0xbe: {  	s0 =	sadd.s32 $0x2780, s31;
	[sflag:s23] =	ssyncadd.s32 $0xFFFFC000;
	(pc) =	sbr.rel @p1 .LBB2_14-.Ltmp9, $4  }
0xbf: {  	[spmem:s2] =	stream.indirect.scatter.add.f32 [tilespmem:s22], [sflag:$0x4], $0x80, s0, s19, $0xb8;
	[tilespmem:$0x1E400] =	vst v63  }
0xc0: {  	_ =	swait.ge [sflag:s25], $0x4000  }
0xc1: {  	[sflag:s25] =	ssyncset.done $0x0  }
0xc2: {  	[sflag:s25] =	ssyncadd.s32 $0xFFFFC000  }
.Ltmp10:
0xc3: {  	(pc) =	sbr.rel .LBB2_13-.Ltmp10, $3  }
0xc4: {  	_ =	sdelay $0x1  }
0xc5: {  	s0 =	sadd.s32 $0x1400, s31;
	s30 =	sadd.s32 $0x400, s30  }
0xc6: {  	[tilespmem:s20], [sflag:$0x1] =	stream.indirect.gather [hbm4b:s6+s19], $0x80, s0, s19, $0xb8;
	[tilespmem:$0x1E400] =	vst v63  }
.LBB2_7:
.Ltmp11:
0xc7: {  	(pc) =	sbr.rel .LBB2_15-.Ltmp11, $2  }
0xc8: {  	_ =	sdelay $0x2  }
0xc9: {  	s30 =	smov.u32 s1  }
.LBB2_16:
0xca: {  	_ =	sfence.sel $0x180000  }
0xcb: {  	[bflag:$0x0] =	sbarrier.arrive $0xFFFF  }
0xcc: {  	_ =	strace $0x90000047  }
0xcd: {  	[bflag:$0x2] =	sbarrier.arrive $0xFFFF  }
0xce: {  	p0 =	sne.s32 s4, $0x0;
	s0 =	rddreg [dreg:$0x3]  }
0xcf: {  	s0 =	sadd.s32 @!p0 $0x100000, s0  }
0xd0: {  	[sflag:s0] =	ssyncadd.tile.s32 @!p0 $0x1;
	_ =	shalt  }
.Lfunc_end2:
_tile_overlayer_lowered:
.L_overlay_start_2:
0xd1: {  	(tag) =	ssettag $0x2  }
0xd2: {  	s0 =	rddreg [dreg:$0x0];
	s2 =	stileid.u32  }
0xd3: {  	s1 =	rddreg [dreg:$0x1];
	p0 =	sne.s32 s2, $0x0  }
0xd4: {  	s3 =	rddreg [dreg:$0x2];
	[bflag:$0x3] =	sbarrier.arrive $0xFFFF;
	s2 =	simm.s32 @!p0 $0x1C05  }
0xd5: {  	[timem:s3], [sflag:s2] =	dma.local @!p0 [hbm:s0], s1  }
0xd6: {  	s0 =	simm.s32 @!p0 $0x5  }
0xd7: {  	_ =	swait.ge @!p0 [sflag:s0], s1  }
0xd8: {  	s1 =	ssub.s32 @!p0 $0x0, s1;
	[sflag:s0] =	ssyncset.done @!p0 $0x0  }
0xd9: {  	[sflag:s0] =	ssyncadd.s32 @!p0 s1  }
0xda: {  	[bflag:$0x3] =	sbarrier.arrive $0xFFFF  }
0xdb: {  	_ =	shalt  }

// kernel: kernel.14.cloned.1.call-start
scs
__scs_entry_jumppad:
0x0: {  	(pc) =	sbr.rel $0x88, $3  }
0x1: {  	(tag) =	ssettag $0x0;
	lr =	simm.s32 $0x1  }
0x2: {  	[smem:$0x3F8C] =	sst lr;
	_ =	strace $0xD0000000  }
0x3: {  	_ = 	snop  }
0x4: {  	_ = 	snop  }
0x5: {  	_ = 	snop  }
0x6: {  	_ = 	snop  }
0x7: {  	_ = 	snop  }
__scs_overlays_trampoline_lowered:
0x8: {  	[smem:$0x3F9B] =	sst s0  }
0x9: {  	[smem:$0x3F9C] =	sst s1  }
0xa: {  	[smem:$0x3F9D] =	sst s2  }
0xb: {  	[smem:$0x3F9E] =	sst s3  }
0xc: {  	[smem:$0x3F9F] =	sst s4  }
0xd: {  	[smem:$0x3FA0] =	sst s5  }
0xe: {  	[smem:$0x3FA1] =	sst s6  }
0xf: {  	[smem:$0x3FA2] =	sst s7  }
0x10: {  	[smem:$0x3FA3] =	sst s8  }
0x11: {  	[smem:$0x3FA4] =	sst s9;
	s0 =	simm.s32 @!p0 $0x0  }
0x12: {  	s1 =	sld [smem:$0x3F8A];
	s0 =	simm.s32 @p0 $0x1  }
0x13: {  	[smem:$0x3FA5] =	sst s0;
	s0 =	simm.s32 @!p1 $0x0  }
0x14: {  	s2 =	sld [smem:$0x3F89];
	s0 =	simm.s32 @p1 $0x1  }
0x15: {  	[smem:$0x3FA6] =	sst s0;
	s0 =	simm.s32 @!p2 $0x0  }
0x16: {  	s3 =	sld [smem:$0x3FDB];
	s0 =	simm.s32 @p2 $0x1  }
0x17: {  	s4 =	simm.s32 $0x1BF5;
	[smem:$0x3FA8] =	sst s0  }
0x18: {  	s0 =	sld [smem:$0x3F8B];
	_ =	swait.ge [sflag:s4], $0x0  }
0x19: {  	s7 =	sld [smem:$0x3F8C]  }
0x1a: {  	s8 =	sadd.s32 $0xFFFFE003, lr  }
0x1b: {  	s9 =	sadd.s32 $0xFFFFFEF7, lr;
	s5 =	simm.s32 $0xFFFFFFFF;
	p2 =	slt.u32 s8, $0xFFFFF086  }
0x1c: {  	p1 =	slt.u32 s9, $0xF7A;
	s5 =	simm.s32 @!p2 $0x0  }
0x1d: {  	s5 =	simm.s32 @p1 $0x1;
	p0 =	seq.s32 s7, s2  }
0x1e: {  	s7 =	smul.u32 @!p0 $0xF7A, s2;
	p2 =	seq.s32 @!p0 s5, $0x0  }
0x1f: {  	s9 =	smul.u32 $0xF7A, s1;
	s8 =	simm.s32 @!p0 $0x1BF5;
	p2 =	por !p2, p0  }
0x20: {  	[sflag:s8] =	ssyncset.s32 @!p0 $0xFFFFF086;
	s6 =	sadd.s32 @!p0 s3, s7;
	s7 =	simm.s32 @!p0 $0x108  }
0x21: {  	s3 =	sadd.s32 s3, s9;
	s6 =	sadd.s32 @!p0 $0x88, s6;
	s7 =	simm.s32 @p2 $0x1082  }
0x22: {  	[simem:s7], [sflag:s8] =	dma.local @!p0 [hbm:s6], $0xF7A  }
0x23: {  	s9 =	sor.u32 $0xD0000000, s2;
	s6 =	simm.s32 $0x108;
	_ =	swait.ge @!p0 [sflag:s8], $0x0  }
0x24: {  	s3 =	sadd.s32 $0x88, s3;
	s6 =	simm.s32 @!p1 $0x1082;
	[sflag:s4] =	ssyncset.s32 $0xFFFFF086  }
0x25: {  	[simem:s6], [sflag:s4] =	dma.local [hbm:s3], $0xF7A  }
0x26: {  	[smem:$0x3F8C] =	sst s1;
	(tag) =	ssettag s2;
	_ =	strace s9  }
0x27: {  	s1 =	sld [smem:$0x3F9C]  }
0x28: {  	s2 =	sld [smem:$0x3F9D]  }
0x29: {  	s4 =	sld [smem:$0x3F9F]  }
0x2a: {  	p0 =	seq.s32 s5, $0x0;
	s5 =	sld [smem:$0x3FA0]  }
0x2b: {  	s6 =	sld [smem:$0x3FA1]  }
0x2c: {  	s7 =	sld [smem:$0x3FA2]  }
0x2d: {  	s3 =	simm.s32 $0x108;
	s8 =	sld [smem:$0x3FA3]  }
0x2e: {  	s3 =	simm.s32 @!p0 $0x1082;
	s9 =	sld [smem:$0x3FA4]  }
0x2f: {  	lr =	sadd.s32 s0, s3;
	s0 =	sld [smem:$0x3F9B]  }
0x30: {  	s3 =	sld [smem:$0x3F9E]  }
0x31: {  	[smem:$0x3FA7] =	sst s10  }
0x32: {  	s10 =	sld [smem:$0x3FA5];
	_ =	sdelay $0x3  }
0x33: {  	p0 =	seq.s32 s10, $0x1;
	s10 =	sld [smem:$0x3FA7];
	_ =	sdelay $0x3  }
0x34: {  	[smem:$0x3FA7] =	sst s10  }
0x35: {  	s10 =	sld [smem:$0x3FA6];
	_ =	sdelay $0x3  }
0x36: {  	p1 =	seq.s32 s10, $0x1;
	s10 =	sld [smem:$0x3FA7];
	_ =	sdelay $0x3  }
0x37: {  	[smem:$0x3FA7] =	sst s10  }
0x38: {  	s10 =	sld [smem:$0x3FA8]  }
0x39: {  	_ = 	snop;
	(pc) =	sbr.ind lr, $3  }
0x3a: {  	_ = 	snop  }
0x3b: {  	_ = 	snop  }
0x3c: {  	p2 =	seq.s32 s10, $0x1;
	s10 =	sld [smem:$0x3FA7]  }
0x3d: {  	_ =	shalt  }
0x3e: {  	_ =	shalt  }
0x3f: {  	_ =	shalt  }
0x40: {  	_ =	shalt  }
0x41: {  	_ =	shalt  }
0x42: {  	_ =	shalt  }
0x43: {  	_ =	shalt  }
0x44: {  	_ =	shalt  }
0x45: {  	_ =	shalt  }
0x46: {  	_ =	shalt  }
0x47: {  	_ =	shalt  }
0x48: {  	_ =	shalt  }
0x49: {  	_ =	shalt  }
0x4a: {  	_ =	shalt  }
0x4b: {  	_ =	shalt  }
0x4c: {  	_ =	shalt  }
0x4d: {  	_ =	shalt  }
0x4e: {  	_ =	shalt  }
0x4f: {  	_ =	shalt  }
0x50: {  	_ =	shalt  }
0x51: {  	_ =	shalt  }
0x52: {  	_ =	shalt  }
0x53: {  	_ =	shalt  }
0x54: {  	_ =	shalt  }
0x55: {  	_ =	shalt  }
0x56: {  	_ =	shalt  }
0x57: {  	_ =	shalt  }
0x58: {  	_ =	shalt  }
0x59: {  	_ =	shalt  }
0x5a: {  	_ =	shalt  }
0x5b: {  	_ =	shalt  }
0x5c: {  	_ =	shalt  }
0x5d: {  	_ =	shalt  }
0x5e: {  	_ =	shalt  }
0x5f: {  	_ =	shalt  }
0x60: {  	_ =	shalt  }
0x61: {  	_ =	shalt  }
0x62: {  	_ =	shalt  }
0x63: {  	_ =	shalt  }
0x64: {  	_ =	shalt  }
0x65: {  	_ =	shalt  }
0x66: {  	_ =	shalt  }
0x67: {  	_ =	shalt  }
0x68: {  	_ =	shalt  }
0x69: {  	_ =	shalt  }
0x6a: {  	_ =	shalt  }
0x6b: {  	_ =	shalt  }
0x6c: {  	_ =	shalt  }
0x6d: {  	_ =	shalt  }
0x6e: {  	_ =	shalt  }
0x6f: {  	_ =	shalt  }
0x70: {  	_ =	shalt  }
0x71: {  	_ =	shalt  }
0x72: {  	_ =	shalt  }
0x73: {  	_ =	shalt  }
0x74: {  	_ =	shalt  }
0x75: {  	_ =	shalt  }
0x76: {  	_ =	shalt  }
0x77: {  	_ =	shalt  }
0x78: {  	_ =	shalt  }
0x79: {  	_ =	shalt  }
0x7a: {  	_ =	shalt  }
0x7b: {  	_ =	shalt  }
0x7c: {  	_ =	shalt  }
0x7d: {  	_ =	shalt  }
0x7e: {  	_ =	shalt  }
0x7f: {  	_ =	shalt  }
0x80: {  	_ =	shalt  }
0x81: {  	_ =	shalt  }
0x82: {  	_ =	shalt  }
0x83: {  	_ =	shalt  }
0x84: {  	_ =	shalt  }
0x85: {  	_ =	shalt  }
0x86: {  	_ =	shalt  }
0x87: {  	_ =	shalt  }
.Lfunc_end0:
.L_simem_size_0:
called_computation.1_lowered:
.L_overlay_start_0:
0x88: {  	s2 =	sld [smem:$0x3FD9]  }
0x89: {  	s3 =	sld [smem:$0x3FFE];
	_ =	sdelay $0x1  }
0x8a: {  	s1 =	srdreg.scid  }
0x8b: {  	s0 =	sand.u32 $0x1, s1  }
0x8c: {  	s14 =	sshll.u32 s0, $0xA;
	s2 =	sadd.s32 s3, s2  }
0x8d: {  	s2 =	sadd.s32 s2, s14  }
0x8e: {  	[smem:$0x3FB3] =	sst s2  }
0x8f: {  	_ = 	snop  }
0x90: {  	s2 =	sld [smem:$0x3FD0];
	_ =	sdelay $0x2  }
0x91: {  	s15 =	simm.s32 $0xA;
	s4 =	simm.s32 $0x10  }
0x92: {  	[smem:s4], [sflag:s15] =	dma.local [hbm:s2], $0x1  }
0x93: {  	_ =	swait.eq [sflag:s15], $0x1  }
0x94: {  	[sflag:s15] =	ssyncset.done $0x0  }
0x95: {  	[sflag:s15] =	ssyncadd.s32 $0xFFFFFFFF  }
0x96: {  	s16 =	sld [smem:$0x11];
	(tm) =	ssettm $0x1  }
0x97: {  	s17 =	sld [smem:$0x3FFB];
	_ =	sdelay $0x3  }
0x98: {  	_ =	strace s17  }
0x99: {  	s3 =	sld [smem:$0x3FFC];
	_ =	sdelay $0x3  }
0x9a: {  	_ =	strace s3  }
0x9b: {  	s3 =	sld [smem:$0x3FFD];
	_ =	sdelay $0x3  }
0x9c: {  	_ =	strace s3  }
0x9d: {  	_ =	strace $0x8FFFFFFF  }
0x9e: {  	s18 =	sld [smem:$0x3FDB];
	_ =	sdelay $0x1  }
0x9f: {  	s19 =	simm.s32 $_scs_section_size  }
0xa0: {  	s5 =	simm.s32 $_size__tile_overlayer_lowered;
	s6 =	simm.s32 $_tile_overlayer_lowered  }
0xa1: {  	s22 =	simm.s32 $0x1BFF;
	s21 =	sshll.u32 s6, $0x1;
	s3 =	sadd.s32 s19, s18  }
0xa2: {  	s7 =	simm.s32 $0x0;
	s20 =	sshll.u32 s5, $0x1;
	s5 =	sadd.s32 s21, s3  }
0xa3: {  	[timem:s7], [sflag:s22] =	dma.local [hbm:s5], s20  }
0xa4: {  	_ =	swait.ge [sflag:s22], s20  }
0xa5: {  	s4 =	ssub.s32 $0x0, s20;
	[sflag:s22] =	ssyncset.done $0x0  }
0xa6: {  	[sflag:s22] =	ssyncadd.s32 s4;
	_ =	sdelay $0x1  }
0xa7: {  	s23 =	simm.s32 $0x1B8B  }
0xa8: {  	_ =	swait.ge [sflag:s23], $0x1  }
0xa9: {  	[sflag:s23] =	ssyncset.done $0x0  }
0xaa: {  	s25 =	simm.s32 $0x1B8E;
	s24 =	sld [smem:$0x3FFE];
	[sflag:s23] =	ssyncadd.s32 $0xFFFFFFFF  }
0xab: {  	s26 =	simm.s32 $execute0_lowered;
	[smem:$0x3FD2] =	sst s25  }
0xac: {  	s5 =	sshll.u32 s26, $0x1;
	_ =	strace $0x80000049;
	[dreg:$0x1] =	wrdreg $0xFFFFFFFF  }
0xad: {  	s28 =	simm.s32 $_size_execute0_lowered;
	s3 =	sadd.s32 s3, s5;
	[dreg:$0x0] =	wrdreg $0x0  }
0xae: {  	s5 =	sshll.u32 s28, $0x1;
	[dreg:$0x2] =	wrdreg s3  }
0xaf: {  	[dreg:$0x3] =	wrdreg s5  }
0xb0: {  	[dreg:$0x4] =	wrdreg $0xC0  }
0xb1: {  	_ =	task [dreg:s7], $0x5FFFF  }
0xb2: {  	[dreg:$0x1] =	wrdreg $0xFFFFFFFF  }
0xb3: {  	[dreg:$0x0] =	wrdreg $0x60  }
0xb4: {  	[dreg:$0x2] =	wrdreg s24  }
0xb5: {  	[dreg:$0x3] =	wrdreg s16  }
0xb6: {  	[dreg:$0x4] =	wrdreg $0xA8000  }
0xb7: {  	[dreg:$0x5] =	wrdreg $0x9  }
0xb8: {  	_ =	task.clear_ibuf [dreg:s7], $0x6FFFF;
	_ =	strace $0x90000049  }
0xb9: {  	s29 =	simm.s32 $0x9;
	_ =	strace $0x8000004B  }
0xba: {  	_ =	swait.ge [sflag:s29], $0x1  }
0xbb: {  	[sflag:s29] =	ssyncadd.s32 $0xFFFFFFFF  }
0xbc: {  	_ =	strace $0x9000004B  }
0xbd: {  	_ =	sfence  }
0xbe: {  	s30 =	sld [smem:$0x0];
	_ =	sdelay $0x2  }
0xbf: {  	s31 =	sshll.u32 s1, $0xD;
	s1 =	sshrl.u32 s1, $0x2  }
0xc0: {  	s3 =	sand.u32 $0x4000, s31;
	s1 =	sadd.s32 s1, s30  }
0xc1: {  	s0 =	sor.u32 s3, s0;
	s1 =	sshll.u32 s1, $0x11  }
0xc2: {  	s0 =	sor.u32 s1, s0  }
0xc3: {  	s0 =	sadd.s32 $0x8F2B, s0  }
0xc4: {  	[sflag:s0] =	ssyncadd.remote.s32 $0x1  }
0xc5: {  	_ =	sfence.sel $0xFFFF  }
0xc6: {  	[dreg:$0x0] =	wrdreg $0xFFFFFFFF;
	(pc) =	sbr.abs _section_cstart, $3  }
0xc7: {  	[dreg:$0x1] =	wrdreg $0xFFFFFFFF  }
0xc8: {  	_ =	task.clear_ibuf [dreg:s7], $0x2FFFF;
	_ =	strace $0x9FFFFFFF  }
0xc9: {  	(tm) =	ssettm $0x7FFFFFFF  }
tec
execute0_lowered:
.L_overlay_start_1:
0x0: {  	(tag) =	ssettag $0x1  }
0x1: {  	s8 =	rddreg [dreg:$0x0]  }
0x2: {  	s1 =	rddreg [dreg:$0x1]  }
0x3: {  	s2 =	rddreg [dreg:$0x2];
	s3 =	simm.s32 $0x0  }
0x4: {  	s4 =	stileid.u32;
	s9 =	srdreg.scid;
	s19 =	simm.s32 $0x80  }
0x5: {  	s20 =	simm.s32 $0x2800;
	s21 =	simm.s32 $0x1;
	s22 =	simm.s32 $0x6800  }
0x6: {  	s23 =	simm.s32 $0x2;
	s24 =	simm.s32 $0x1480;
	s25 =	simm.s32 $0x3  }
0x7: {  	s28 =	simm.s32 $0x4;
	s29 =	simm.s32 $0x0;
	s7 =	smul.u32 $0x2780, s4  }
0x8: {  	[smem:$0x7FF] =	sst s3;
	s5 =	sadd.s32 $0x88600, s8;
	s26 =	smul.u32 $0x4F000, s4  }
0x9: {  	s6 =	sadd.s32 $0x8A00, s8;
	s13 =	sadd.s32 $0x5BE00, s8;
	s15 =	smul.u32 $0x2800, s4  }
0xa: {  	s14 =	sadd.s32 $0x56E00, s8;
	s16 =	sand.u32 $0x1, s9;
	s30 =	smul.u32 $0x500, s4  }
0xb: {  	s31 =	sshll.u32 s4, $0x6;
	_ =	strace $0x8000004A;
	s11 =	ssub.s32 $0x2, s16  }
0xc: {  	p0 =	sne.s32 s16, $0x0;
	s10 =	sadd.s32 s7, s8;
	s8 =	sadd.s32 $0xD7000, s8  }
0xd: {  	s12 =	sshrl.u32 s11, $0x1;
	s9 =	sshrl.u32 s26, $0x2;
	s15 =	sshrl.u32 s15, $0x3  }
.Ltmp0:
0xe: {  	s26 =	simm.s32 $0x100;
	s17 =	ssub.s32 s11, s12;
	(pc) =	sbr.rel .LBB2_1-.Ltmp0, $4  }
0xf: {  	s18 =	sadd.s32 s9, s2;
	s9 =	sadd.s32 $0x60E00, s10;
	s10 =	sor.u32 $0x1C05, s31  }
0x10: {  	s11 =	sadd.s32 s13, s30;
	s15 =	sadd.s32 $0x280, s15;
	s12 =	sadd.s32 s14, s30  }
0x11: {  	s13 =	sadd.s32 s13, s15;
	s14 =	sadd.s32 s14, s15;
	s15 =	smax.u32 s17, $0x1  }
0x12: {  	s16 =	sshrl.u32 s18, $0x3;
	s17 =	simm.s32 $0x5;
	s18 =	simm.s32 $0x1400  }
.LBB2_14:
0x13: {  	s30 =	smov.u32 s8  }
.LBB2_15:
0x14: {  	_ =	swait.ge [sflag:s28], $0x4000  }
0x15: {  	s29 =	sadd.s32 $0x1, s29;
	[sflag:s28] =	ssyncset.done $0x0  }
0x16: {  	p1 =	sne.s32 s29, s15;
	[sflag:s28] =	ssyncadd.s32 $0xFFFFC000  }
.Ltmp1:
0x17: {  	s0 =	sadd.s32 s30, s7;
	[bflag:$0x0] =	sbarrier.arrive $0xFFFF;
	(pc) =	sbr.rel @!p1 .LBB2_16-.Ltmp1, $4  }
0x18: {  	[hbm:s0], [sflag:s10] =	dma.local [spmem:s16], $0x2780  }
0x19: {  	_ =	swait.ge [sflag:s17], $0x2780  }
0x1a: {  	[sflag:s17] =	ssyncset.done $0x0  }
0x1b: {  	[sflag:s17] =	ssyncadd.s32 $0xFFFFD880  }
.LBB2_1:
0x1c: {  	[spmem:s16], [sflag:s10] =	dma.local [hbm:s9], $0x2780  }
0x1d: {  	_ =	swait.ge [sflag:s17], $0x2780  }
0x1e: {  	[sflag:s17] =	ssyncset.done $0x0  }
0x1f: {  	[sflag:s17] =	ssyncadd.s32 $0xFFFFD880  }
0x20: {  	[bflag:$0x0] =	sbarrier.arrive $0xFFFF  }
0x21: {  	[tilespmem:s3], [sflag:$0x5] =	stream.linear.gather [hbm4b:s11+s3], $0x1400, $0x38;
	[tilespmem:$0x1E400] =	vst v63  }
0x22: {  	_ =	swait.ge [sflag:s17], $0x1400  }
0x23: {  	[sflag:s17] =	ssyncset.done $0x0  }
.Ltmp2:
0x24: {  	[sflag:s17] =	ssyncadd.s32 $0xFFFFEC00;
	(pc) =	sbr.rel @p0 .LBB2_9-.Ltmp2, $4  }
0x25: {  	[tilespmem:s18], [sflag:$0x5] =	stream.linear.gather [hbm4b:s12+s3], $0x1400, $0x38;
	[tilespmem:$0x1E400] =	vst v63  }
0x26: {  	_ =	swait.ge [sflag:s17], $0x1400  }
0x27: {  	[sflag:s17] =	ssyncset.done $0x0  }
0x28: {  	[sflag:s17] =	ssyncadd.s32 $0xFFFFEC00  }
0x29: {  	[tilespmem:s20], [sflag:$0x1] =	stream.indirect.gather [hbm4b:s5+s19], $0x80, s3, s19, $0xb8;
	[tilespmem:$0x1E400] =	vst v63  }
0x2a: {  	_ =	swait.ge [sflag:s21], $0x4000  }
0x2b: {  	[sflag:s21] =	ssyncset.done $0x0  }
0x2c: {  	[sflag:s21] =	ssyncadd.s32 $0xFFFFC000  }
0x2d: {  	[spmem:s2] =	stream.indirect.scatter.add.f32 [tilespmem:s20], [sflag:$0x3], $0x80, s18, s19, $0xb8;
	[tilespmem:$0x1E400] =	vst v63  }
0x2e: {  	_ = 	snop  }
0x2f: {  	[tilespmem:s22], [sflag:$0x2] =	stream.indirect.gather [hbm4b:s5+s19], $0x80, s19, s19, $0xb8;
	[tilespmem:$0x1E400] =	vst v63  }
0x30: {  	_ =	swait.ge [sflag:s23], $0x4000  }
0x31: {  	[sflag:s23] =	ssyncset.done $0x0  }
0x32: {  	[sflag:s23] =	ssyncadd.s32 $0xFFFFC000  }
0x33: {  	[spmem:s2] =	stream.indirect.scatter.add.f32 [tilespmem:s22], [sflag:$0x4], $0x80, s24, s19, $0xb8;
	[tilespmem:$0x1E400] =	vst v63  }
0x34: {  	_ =	swait.ge [sflag:s25], $0x4000  }
0x35: {  	[sflag:s25] =	ssyncset.done $0x0  }
0x36: {  	s30 =	simm.s32 $0xFFFFB800;
	[sflag:s25] =	ssyncadd.s32 $0xFFFFC000  }
0x37: {  	[tilespmem:s20], [sflag:$0x1] =	stream.indirect.gather [hbm4b:s5+s19], $0x80, s26, s19, $0xb8;
	[tilespmem:$0x1E400] =	vst v63  }
.LBB2_3:
0x38: {  	_ =	swait.ge [sflag:s21], $0x4000  }
0x39: {  	s31 =	sshra.s32 s30, $0x2;
	[sflag:s21] =	ssyncset.done $0x0  }
0x3a: {  	s0 =	sadd.s32 $0x2700, s31;
	[sflag:s21] =	ssyncadd.s32 $0xFFFFC000  }
0x3b: {  	[spmem:s2] =	stream.indirect.scatter.add.f32 [tilespmem:s20], [sflag:$0x3], $0x80, s0, s19, $0xb8;
	[tilespmem:$0x1E400] =	vst v63  }
0x3c: {  	_ =	swait.ge [sflag:s28], $0x4000  }
0x3d: {  	[sflag:s28] =	ssyncset.done $0x0  }
0x3e: {  	s0 =	sadd.s32 $0x1380, s31;
	[sflag:s28] =	ssyncadd.s32 $0xFFFFC000  }
0x3f: {  	[tilespmem:s22], [sflag:$0x2] =	stream.indirect.gather [hbm4b:s5+s19], $0x80, s0, s19, $0xb8;
	[tilespmem:$0x1E400] =	vst v63  }
0x40: {  	_ =	swait.ge [sflag:s23], $0x4000  }
0x41: {  	p1 =	seq.s32 s30, $0x0;
	[sflag:s23] =	ssyncset.done $0x0  }
.Ltmp3:
0x42: {  	s0 =	sadd.s32 $0x2780, s31;
	[sflag:s23] =	ssyncadd.s32 $0xFFFFC000;
	(pc) =	sbr.rel @p1 .LBB2_5-.Ltmp3, $4  }
0x43: {  	[spmem:s2] =	stream.indirect.scatter.add.f32 [tilespmem:s22], [sflag:$0x4], $0x80, s0, s19, $0xb8;
	[tilespmem:$0x1E400] =	vst v63  }
0x44: {  	_ =	swait.ge [sflag:s25], $0x4000  }
0x45: {  	[sflag:s25] =	ssyncset.done $0x0  }
0x46: {  	[sflag:s25] =	ssyncadd.s32 $0xFFFFC000  }
.Ltmp4:
0x47: {  	(pc) =	sbr.rel .LBB2_3-.Ltmp4, $3  }
0x48: {  	_ =	sdelay $0x1  }
0x49: {  	s0 =	sadd.s32 $0x1400, s31;
	s30 =	sadd.s32 $0x400, s30  }
0x4a: {  	[tilespmem:s20], [sflag:$0x1] =	stream.indirect.gather [hbm4b:s5+s19], $0x80, s0, s19, $0xb8;
	[tilespmem:$0x1E400] =	vst v63  }
.LBB2_9:
0x4b: {  	[tilespmem:s20], [sflag:$0x1] =	stream.indirect.gather [hbm4b:s6+s19], $0x80, s3, s19, $0xb8;
	[tilespmem:$0x1E400] =	vst v63  }
0x4c: {  	_ =	swait.ge [sflag:s21], $0x4000  }
0x4d: {  	[sflag:s21] =	ssyncset.done $0x0  }
0x4e: {  	[sflag:s21] =	ssyncadd.s32 $0xFFFFC000  }
0x4f: {  	[spmem:s2] =	stream.indirect.scatter.add.f32 [tilespmem:s20], [sflag:$0x3], $0x80, s18, s19, $0xb8;
	[tilespmem:$0x1E400] =	vst v63  }
0x50: {  	_ = 	snop  }
0x51: {  	[tilespmem:s22], [sflag:$0x2] =	stream.indirect.gather [hbm4b:s6+s19], $0x80, s19, s19, $0xb8;
	[tilespmem:$0x1E400] =	vst v63  }
0x52: {  	_ =	swait.ge [sflag:s23], $0x4000  }
0x53: {  	[sflag:s23] =	ssyncset.done $0x0  }
0x54: {  	[sflag:s23] =	ssyncadd.s32 $0xFFFFC000  }
0x55: {  	[spmem:s2] =	stream.indirect.scatter.add.f32 [tilespmem:s22], [sflag:$0x4], $0x80, s24, s19, $0xb8;
	[tilespmem:$0x1E400] =	vst v63  }
0x56: {  	_ =	swait.ge [sflag:s25], $0x4000  }
0x57: {  	[sflag:s25] =	ssyncset.done $0x0  }
0x58: {  	s30 =	simm.s32 $0xFFFFB800;
	[sflag:s25] =	ssyncadd.s32 $0xFFFFC000  }
0x59: {  	[tilespmem:s20], [sflag:$0x1] =	stream.indirect.gather [hbm4b:s6+s19], $0x80, s26, s19, $0xb8;
	[tilespmem:$0x1E400] =	vst v63  }
.LBB2_10:
0x5a: {  	_ =	swait.ge [sflag:s21], $0x4000  }
0x5b: {  	s31 =	sshra.s32 s30, $0x2;
	[sflag:s21] =	ssyncset.done $0x0  }
0x5c: {  	s0 =	sadd.s32 $0x2700, s31;
	[sflag:s21] =	ssyncadd.s32 $0xFFFFC000  }
0x5d: {  	[spmem:s2] =	stream.indirect.scatter.add.f32 [tilespmem:s20], [sflag:$0x3], $0x80, s0, s19, $0xb8;
	[tilespmem:$0x1E400] =	vst v63  }
0x5e: {  	_ =	swait.ge [sflag:s28], $0x4000  }
0x5f: {  	[sflag:s28] =	ssyncset.done $0x0  }
0x60: {  	s0 =	sadd.s32 $0x1380, s31;
	[sflag:s28] =	ssyncadd.s32 $0xFFFFC000  }
0x61: {  	[tilespmem:s22], [sflag:$0x2] =	stream.indirect.gather [hbm4b:s6+s19], $0x80, s0, s19, $0xb8;
	[tilespmem:$0x1E400] =	vst v63  }
0x62: {  	_ =	swait.ge [sflag:s23], $0x4000  }
0x63: {  	p1 =	seq.s32 s30, $0x0;
	[sflag:s23] =	ssyncset.done $0x0  }
.Ltmp5:
0x64: {  	s0 =	sadd.s32 $0x2780, s31;
	[sflag:s23] =	ssyncadd.s32 $0xFFFFC000;
	(pc) =	sbr.rel @p1 .LBB2_12-.Ltmp5, $4  }
0x65: {  	[spmem:s2] =	stream.indirect.scatter.add.f32 [tilespmem:s22], [sflag:$0x4], $0x80, s0, s19, $0xb8;
	[tilespmem:$0x1E400] =	vst v63  }
0x66: {  	_ =	swait.ge [sflag:s25], $0x4000  }
0x67: {  	[sflag:s25] =	ssyncset.done $0x0  }
0x68: {  	[sflag:s25] =	ssyncadd.s32 $0xFFFFC000  }
.Ltmp6:
0x69: {  	(pc) =	sbr.rel .LBB2_10-.Ltmp6, $3  }
0x6a: {  	_ =	sdelay $0x1  }
0x6b: {  	s0 =	sadd.s32 $0x1400, s31;
	s30 =	sadd.s32 $0x400, s30  }
0x6c: {  	[tilespmem:s20], [sflag:$0x1] =	stream.indirect.gather [hbm4b:s6+s19], $0x80, s0, s19, $0xb8;
	[tilespmem:$0x1E400] =	vst v63  }
.LBB2_5:
0x6d: {  	_ =	swait.ge [sflag:s28], $0x4000  }
0x6e: {  	[sflag:s28] =	ssyncset.done $0x0  }
0x6f: {  	[sflag:s28] =	ssyncadd.s32 $0xFFFFC000  }
0x70: {  	[tilespmem:s3], [sflag:$0x5] =	stream.linear.gather [hbm4b:s13+s3], $0x1400, $0x38;
	[tilespmem:$0x1E400] =	vst v63  }
0x71: {  	_ =	swait.ge [sflag:s17], $0x1400  }
0x72: {  	[sflag:s17] =	ssyncset.done $0x0  }
0x73: {  	[sflag:s17] =	ssyncadd.s32 $0xFFFFEC00  }
0x74: {  	[tilespmem:s18], [sflag:$0x5] =	stream.linear.gather [hbm4b:s14+s3], $0x1400, $0x38;
	[tilespmem:$0x1E400] =	vst v63  }
0x75: {  	_ =	swait.ge [sflag:s17], $0x1400  }
0x76: {  	[sflag:s17] =	ssyncset.done $0x0  }
0x77: {  	[sflag:s17] =	ssyncadd.s32 $0xFFFFEC00  }
0x78: {  	[tilespmem:s20], [sflag:$0x1] =	stream.indirect.gather [hbm4b:s5+s19], $0x80, s3, s19, $0xb8;
	[tilespmem:$0x1E400] =	vst v63  }
0x79: {  	_ =	swait.ge [sflag:s21], $0x4000  }
0x7a: {  	[sflag:s21] =	ssyncset.done $0x0  }
0x7b: {  	[sflag:s21] =	ssyncadd.s32 $0xFFFFC000  }
0x7c: {  	[spmem:s2] =	stream.indirect.scatter.add.f32 [tilespmem:s20], [sflag:$0x3], $0x80, s18, s19, $0xb8;
	[tilespmem:$0x1E400] =	vst v63  }
0x7d: {  	_ = 	snop  }
0x7e: {  	[tilespmem:s22], [sflag:$0x2] =	stream.indirect.gather [hbm4b:s5+s19], $0x80, s19, s19, $0xb8;
	[tilespmem:$0x1E400] =	vst v63  }
0x7f: {  	_ =	swait.ge [sflag:s23], $0x4000  }
0x80: {  	[sflag:s23] =	ssyncset.done $0x0  }
0x81: {  	[sflag:s23] =	ssyncadd.s32 $0xFFFFC000  }
0x82: {  	[spmem:s2] =	stream.indirect.scatter.add.f32 [tilespmem:s22], [sflag:$0x4], $0x80, s24, s19, $0xb8;
	[tilespmem:$0x1E400] =	vst v63  }
0x83: {  	_ =	swait.ge [sflag:s25], $0x4000  }
0x84: {  	[sflag:s25] =	ssyncset.done $0x0  }
0x85: {  	s30 =	simm.s32 $0xFFFFB800;
	[sflag:s25] =	ssyncadd.s32 $0xFFFFC000  }
0x86: {  	[tilespmem:s20], [sflag:$0x1] =	stream.indirect.gather [hbm4b:s5+s19], $0x80, s26, s19, $0xb8;
	[tilespmem:$0x1E400] =	vst v63  }
.LBB2_6:
0x87: {  	_ =	swait.ge [sflag:s21], $0x4000  }
0x88: {  	s31 =	sshra.s32 s30, $0x2;
	[sflag:s21] =	ssyncset.done $0x0  }
0x89: {  	s0 =	sadd.s32 $0x2700, s31;
	[sflag:s21] =	ssyncadd.s32 $0xFFFFC000  }
0x8a: {  	[spmem:s2] =	stream.indirect.scatter.add.f32 [tilespmem:s20], [sflag:$0x3], $0x80, s0, s19, $0xb8;
	[tilespmem:$0x1E400] =	vst v63  }
0x8b: {  	_ =	swait.ge [sflag:s28], $0x4000  }
0x8c: {  	[sflag:s28] =	ssyncset.done $0x0  }
0x8d: {  	s0 =	sadd.s32 $0x1380, s31;
	[sflag:s28] =	ssyncadd.s32 $0xFFFFC000  }
0x8e: {  	[tilespmem:s22], [sflag:$0x2] =	stream.indirect.gather [hbm4b:s5+s19], $0x80, s0, s19, $0xb8;
	[tilespmem:$0x1E400] =	vst v63  }
0x8f: {  	_ =	swait.ge [sflag:s23], $0x4000  }
0x90: {  	p1 =	seq.s32 s30, $0x0;
	[sflag:s23] =	ssyncset.done $0x0  }
.Ltmp7:
0x91: {  	s0 =	sadd.s32 $0x2780, s31;
	[sflag:s23] =	ssyncadd.s32 $0xFFFFC000;
	(pc) =	sbr.rel @p1 .LBB2_7-.Ltmp7, $4  }
0x92: {  	[spmem:s2] =	stream.indirect.scatter.add.f32 [tilespmem:s22], [sflag:$0x4], $0x80, s0, s19, $0xb8;
	[tilespmem:$0x1E400] =	vst v63  }
0x93: {  	_ =	swait.ge [sflag:s25], $0x4000  }
0x94: {  	[sflag:s25] =	ssyncset.done $0x0  }
0x95: {  	[sflag:s25] =	ssyncadd.s32 $0xFFFFC000  }
.Ltmp8:
0x96: {  	(pc) =	sbr.rel .LBB2_6-.Ltmp8, $3  }
0x97: {  	_ =	sdelay $0x1  }
0x98: {  	s0 =	sadd.s32 $0x1400, s31;
	s30 =	sadd.s32 $0x400, s30  }
0x99: {  	[tilespmem:s20], [sflag:$0x1] =	stream.indirect.gather [hbm4b:s5+s19], $0x80, s0, s19, $0xb8;
	[tilespmem:$0x1E400] =	vst v63  }
.LBB2_12:
0x9a: {  	_ =	swait.ge [sflag:s28], $0x4000  }
0x9b: {  	[sflag:s28] =	ssyncset.done $0x0  }
0x9c: {  	[sflag:s28] =	ssyncadd.s32 $0xFFFFC000  }
0x9d: {  	[tilespmem:s3], [sflag:$0x5] =	stream.linear.gather [hbm4b:s13+s3], $0x1400, $0x38;
	[tilespmem:$0x1E400] =	vst v63  }
0x9e: {  	_ =	swait.ge [sflag:s17], $0x1400  }
0x9f: {  	[sflag:s17] =	ssyncset.done $0x0  }
0xa0: {  	[sflag:s17] =	ssyncadd.s32 $0xFFFFEC00  }
0xa1: {  	[tilespmem:s18], [sflag:$0x5] =	stream.linear.gather [hbm4b:s14+s3], $0x1400, $0x38;
	[tilespmem:$0x1E400] =	vst v63  }
0xa2: {  	_ =	swait.ge [sflag:s17], $0x1400  }
0xa3: {  	[sflag:s17] =	ssyncset.done $0x0  }
0xa4: {  	[sflag:s17] =	ssyncadd.s32 $0xFFFFEC00  }
0xa5: {  	[tilespmem:s20], [sflag:$0x1] =	stream.indirect.gather [hbm4b:s6+s19], $0x80, s3, s19, $0xb8;
	[tilespmem:$0x1E400] =	vst v63  }
0xa6: {  	_ =	swait.ge [sflag:s21], $0x4000  }
0xa7: {  	[sflag:s21] =	ssyncset.done $0x0  }
0xa8: {  	[sflag:s21] =	ssyncadd.s32 $0xFFFFC000  }
0xa9: {  	[spmem:s2] =	stream.indirect.scatter.add.f32 [tilespmem:s20], [sflag:$0x3], $0x80, s18, s19, $0xb8;
	[tilespmem:$0x1E400] =	vst v63  }
0xaa: {  	_ = 	snop  }
0xab: {  	[tilespmem:s22], [sflag:$0x2] =	stream.indirect.gather [hbm4b:s6+s19], $0x80, s19, s19, $0xb8;
	[tilespmem:$0x1E400] =	vst v63  }
0xac: {  	_ =	swait.ge [sflag:s23], $0x4000  }
0xad: {  	[sflag:s23] =	ssyncset.done $0x0  }
0xae: {  	[sflag:s23] =	ssyncadd.s32 $0xFFFFC000  }
0xaf: {  	[spmem:s2] =	stream.indirect.scatter.add.f32 [tilespmem:s22], [sflag:$0x4], $0x80, s24, s19, $0xb8;
	[tilespmem:$0x1E400] =	vst v63  }
0xb0: {  	_ =	swait.ge [sflag:s25], $0x4000  }
0xb1: {  	[sflag:s25] =	ssyncset.done $0x0  }
0xb2: {  	s30 =	simm.s32 $0xFFFFB800;
	[sflag:s25] =	ssyncadd.s32 $0xFFFFC000  }
0xb3: {  	[tilespmem:s20], [sflag:$0x1] =	stream.indirect.gather [hbm4b:s6+s19], $0x80, s26, s19, $0xb8;
	[tilespmem:$0x1E400] =	vst v63  }
.LBB2_13:
0xb4: {  	_ =	swait.ge [sflag:s21], $0x4000  }
0xb5: {  	s31 =	sshra.s32 s30, $0x2;
	[sflag:s21] =	ssyncset.done $0x0  }
0xb6: {  	s0 =	sadd.s32 $0x2700, s31;
	[sflag:s21] =	ssyncadd.s32 $0xFFFFC000  }
0xb7: {  	[spmem:s2] =	stream.indirect.scatter.add.f32 [tilespmem:s20], [sflag:$0x3], $0x80, s0, s19, $0xb8;
	[tilespmem:$0x1E400] =	vst v63  }
0xb8: {  	_ =	swait.ge [sflag:s28], $0x4000  }
0xb9: {  	[sflag:s28] =	ssyncset.done $0x0  }
0xba: {  	s0 =	sadd.s32 $0x1380, s31;
	[sflag:s28] =	ssyncadd.s32 $0xFFFFC000  }
0xbb: {  	[tilespmem:s22], [sflag:$0x2] =	stream.indirect.gather [hbm4b:s6+s19], $0x80, s0, s19, $0xb8;
	[tilespmem:$0x1E400] =	vst v63  }
0xbc: {  	_ =	swait.ge [sflag:s23], $0x4000  }
0xbd: {  	p1 =	seq.s32 s30, $0x0;
	[sflag:s23] =	ssyncset.done $0x0  }
.Ltmp9:
0xbe: {  	s0 =	sadd.s32 $0x2780, s31;
	[sflag:s23] =	ssyncadd.s32 $0xFFFFC000;
	(pc) =	sbr.rel @p1 .LBB2_14-.Ltmp9, $4  }
0xbf: {  	[spmem:s2] =	stream.indirect.scatter.add.f32 [tilespmem:s22], [sflag:$0x4], $0x80, s0, s19, $0xb8;
	[tilespmem:$0x1E400] =	vst v63  }
0xc0: {  	_ =	swait.ge [sflag:s25], $0x4000  }
0xc1: {  	[sflag:s25] =	ssyncset.done $0x0  }
0xc2: {  	[sflag:s25] =	ssyncadd.s32 $0xFFFFC000  }
.Ltmp10:
0xc3: {  	(pc) =	sbr.rel .LBB2_13-.Ltmp10, $3  }
0xc4: {  	_ =	sdelay $0x1  }
0xc5: {  	s0 =	sadd.s32 $0x1400, s31;
	s30 =	sadd.s32 $0x400, s30  }
0xc6: {  	[tilespmem:s20], [sflag:$0x1] =	stream.indirect.gather [hbm4b:s6+s19], $0x80, s0, s19, $0xb8;
	[tilespmem:$0x1E400] =	vst v63  }
.LBB2_7:
.Ltmp11:
0xc7: {  	(pc) =	sbr.rel .LBB2_15-.Ltmp11, $2  }
0xc8: {  	_ =	sdelay $0x2  }
0xc9: {  	s30 =	smov.u32 s1  }
.LBB2_16:
0xca: {  	_ =	sfence.sel $0x180000  }
0xcb: {  	[bflag:$0x0] =	sbarrier.arrive $0xFFFF  }
0xcc: {  	_ =	strace $0x9000004A  }
0xcd: {  	[bflag:$0x2] =	sbarrier.arrive $0xFFFF  }
0xce: {  	p0 =	sne.s32 s4, $0x0;
	s0 =	rddreg [dreg:$0x3]  }
0xcf: {  	s0 =	sadd.s32 @!p0 $0x100000, s0  }
0xd0: {  	[sflag:s0] =	ssyncadd.tile.s32 @!p0 $0x1;
	_ =	shalt  }
.Lfunc_end2:
_tile_overlayer_lowered:
.L_overlay_start_2:
0xd1: {  	(tag) =	ssettag $0x2  }
0xd2: {  	s0 =	rddreg [dreg:$0x0];
	s2 =	stileid.u32  }
0xd3: {  	s1 =	rddreg [dreg:$0x1];
	p0 =	sne.s32 s2, $0x0  }
0xd4: {  	s3 =	rddreg [dreg:$0x2];
	[bflag:$0x3] =	sbarrier.arrive $0xFFFF;
	s2 =	simm.s32 @!p0 $0x1C05  }
0xd5: {  	[timem:s3], [sflag:s2] =	dma.local @!p0 [hbm:s0], s1  }
0xd6: {  	s0 =	simm.s32 @!p0 $0x5  }
0xd7: {  	_ =	swait.ge @!p0 [sflag:s0], s1  }
0xd8: {  	s1 =	ssub.s32 @!p0 $0x0, s1;
	[sflag:s0] =	ssyncset.done @!p0 $0x0  }
0xd9: {  	[sflag:s0] =	ssyncadd.s32 @!p0 s1  }
0xda: {  	[bflag:$0x3] =	sbarrier.arrive $0xFFFF  }
0xdb: {  	_ =	shalt  }

// kernel: kernel.17.cloned.1.call-start
scs
__scs_entry_jumppad:
0x0: {  	(pc) =	sbr.rel $0x88, $3  }
0x1: {  	(tag) =	ssettag $0x0;
	lr =	simm.s32 $0x1  }
0x2: {  	[smem:$0x3F8C] =	sst lr;
	_ =	strace $0xD0000000  }
0x3: {  	_ = 	snop  }
0x4: {  	_ = 	snop  }
0x5: {  	_ = 	snop  }
0x6: {  	_ = 	snop  }
0x7: {  	_ = 	snop  }
__scs_overlays_trampoline_lowered:
0x8: {  	[smem:$0x3F9B] =	sst s0  }
0x9: {  	[smem:$0x3F9C] =	sst s1  }
0xa: {  	[smem:$0x3F9D] =	sst s2  }
0xb: {  	[smem:$0x3F9E] =	sst s3  }
0xc: {  	[smem:$0x3F9F] =	sst s4  }
0xd: {  	[smem:$0x3FA0] =	sst s5  }
0xe: {  	[smem:$0x3FA1] =	sst s6  }
0xf: {  	[smem:$0x3FA2] =	sst s7  }
0x10: {  	[smem:$0x3FA3] =	sst s8  }
0x11: {  	[smem:$0x3FA4] =	sst s9;
	s0 =	simm.s32 @!p0 $0x0  }
0x12: {  	s1 =	sld [smem:$0x3F8A];
	s0 =	simm.s32 @p0 $0x1  }
0x13: {  	[smem:$0x3FA5] =	sst s0;
	s0 =	simm.s32 @!p1 $0x0  }
0x14: {  	s2 =	sld [smem:$0x3F89];
	s0 =	simm.s32 @p1 $0x1  }
0x15: {  	[smem:$0x3FA6] =	sst s0;
	s0 =	simm.s32 @!p2 $0x0  }
0x16: {  	s3 =	sld [smem:$0x3FDB];
	s0 =	simm.s32 @p2 $0x1  }
0x17: {  	s4 =	simm.s32 $0x1BF5;
	[smem:$0x3FA8] =	sst s0  }
0x18: {  	s0 =	sld [smem:$0x3F8B];
	_ =	swait.ge [sflag:s4], $0x0  }
0x19: {  	s7 =	sld [smem:$0x3F8C]  }
0x1a: {  	s8 =	sadd.s32 $0xFFFFE003, lr  }
0x1b: {  	s9 =	sadd.s32 $0xFFFFFEF7, lr;
	s5 =	simm.s32 $0xFFFFFFFF;
	p2 =	slt.u32 s8, $0xFFFFF086  }
0x1c: {  	p1 =	slt.u32 s9, $0xF7A;
	s5 =	simm.s32 @!p2 $0x0  }
0x1d: {  	s5 =	simm.s32 @p1 $0x1;
	p0 =	seq.s32 s7, s2  }
0x1e: {  	s7 =	smul.u32 @!p0 $0xF7A, s2;
	p2 =	seq.s32 @!p0 s5, $0x0  }
0x1f: {  	s9 =	smul.u32 $0xF7A, s1;
	s8 =	simm.s32 @!p0 $0x1BF5;
	p2 =	por !p2, p0  }
0x20: {  	[sflag:s8] =	ssyncset.s32 @!p0 $0xFFFFF086;
	s6 =	sadd.s32 @!p0 s3, s7;
	s7 =	simm.s32 @!p0 $0x108  }
0x21: {  	s3 =	sadd.s32 s3, s9;
	s6 =	sadd.s32 @!p0 $0x88, s6;
	s7 =	simm.s32 @p2 $0x1082  }
0x22: {  	[simem:s7], [sflag:s8] =	dma.local @!p0 [hbm:s6], $0xF7A  }
0x23: {  	s9 =	sor.u32 $0xD0000000, s2;
	s6 =	simm.s32 $0x108;
	_ =	swait.ge @!p0 [sflag:s8], $0x0  }
0x24: {  	s3 =	sadd.s32 $0x88, s3;
	s6 =	simm.s32 @!p1 $0x1082;
	[sflag:s4] =	ssyncset.s32 $0xFFFFF086  }
0x25: {  	[simem:s6], [sflag:s4] =	dma.local [hbm:s3], $0xF7A  }
0x26: {  	[smem:$0x3F8C] =	sst s1;
	(tag) =	ssettag s2;
	_ =	strace s9  }
0x27: {  	s1 =	sld [smem:$0x3F9C]  }
0x28: {  	s2 =	sld [smem:$0x3F9D]  }
0x29: {  	s4 =	sld [smem:$0x3F9F]  }
0x2a: {  	p0 =	seq.s32 s5, $0x0;
	s5 =	sld [smem:$0x3FA0]  }
0x2b: {  	s6 =	sld [smem:$0x3FA1]  }
0x2c: {  	s7 =	sld [smem:$0x3FA2]  }
0x2d: {  	s3 =	simm.s32 $0x108;
	s8 =	sld [smem:$0x3FA3]  }
0x2e: {  	s3 =	simm.s32 @!p0 $0x1082;
	s9 =	sld [smem:$0x3FA4]  }
0x2f: {  	lr =	sadd.s32 s0, s3;
	s0 =	sld [smem:$0x3F9B]  }
0x30: {  	s3 =	sld [smem:$0x3F9E]  }
0x31: {  	[smem:$0x3FA7] =	sst s10  }
0x32: {  	s10 =	sld [smem:$0x3FA5];
	_ =	sdelay $0x3  }
0x33: {  	p0 =	seq.s32 s10, $0x1;
	s10 =	sld [smem:$0x3FA7];
	_ =	sdelay $0x3  }
0x34: {  	[smem:$0x3FA7] =	sst s10  }
0x35: {  	s10 =	sld [smem:$0x3FA6];
	_ =	sdelay $0x3  }
0x36: {  	p1 =	seq.s32 s10, $0x1;
	s10 =	sld [smem:$0x3FA7];
	_ =	sdelay $0x3  }
0x37: {  	[smem:$0x3FA7] =	sst s10  }
0x38: {  	s10 =	sld [smem:$0x3FA8]  }
0x39: {  	_ = 	snop;
	(pc) =	sbr.ind lr, $3  }
0x3a: {  	_ = 	snop  }
0x3b: {  	_ = 	snop  }
0x3c: {  	p2 =	seq.s32 s10, $0x1;
	s10 =	sld [smem:$0x3FA7]  }
0x3d: {  	_ =	shalt  }
0x3e: {  	_ =	shalt  }
0x3f: {  	_ =	shalt  }
0x40: {  	_ =	shalt  }
0x41: {  	_ =	shalt  }
0x42: {  	_ =	shalt  }
0x43: {  	_ =	shalt  }
0x44: {  	_ =	shalt  }
0x45: {  	_ =	shalt  }
0x46: {  	_ =	shalt  }
0x47: {  	_ =	shalt  }
0x48: {  	_ =	shalt  }
0x49: {  	_ =	shalt  }
0x4a: {  	_ =	shalt  }
0x4b: {  	_ =	shalt  }
0x4c: {  	_ =	shalt  }
0x4d: {  	_ =	shalt  }
0x4e: {  	_ =	shalt  }
0x4f: {  	_ =	shalt  }
0x50: {  	_ =	shalt  }
0x51: {  	_ =	shalt  }
0x52: {  	_ =	shalt  }
0x53: {  	_ =	shalt  }
0x54: {  	_ =	shalt  }
0x55: {  	_ =	shalt  }
0x56: {  	_ =	shalt  }
0x57: {  	_ =	shalt  }
0x58: {  	_ =	shalt  }
0x59: {  	_ =	shalt  }
0x5a: {  	_ =	shalt  }
0x5b: {  	_ =	shalt  }
0x5c: {  	_ =	shalt  }
0x5d: {  	_ =	shalt  }
0x5e: {  	_ =	shalt  }
0x5f: {  	_ =	shalt  }
0x60: {  	_ =	shalt  }
0x61: {  	_ =	shalt  }
0x62: {  	_ =	shalt  }
0x63: {  	_ =	shalt  }
0x64: {  	_ =	shalt  }
0x65: {  	_ =	shalt  }
0x66: {  	_ =	shalt  }
0x67: {  	_ =	shalt  }
0x68: {  	_ =	shalt  }
0x69: {  	_ =	shalt  }
0x6a: {  	_ =	shalt  }
0x6b: {  	_ =	shalt  }
0x6c: {  	_ =	shalt  }
0x6d: {  	_ =	shalt  }
0x6e: {  	_ =	shalt  }
0x6f: {  	_ =	shalt  }
0x70: {  	_ =	shalt  }
0x71: {  	_ =	shalt  }
0x72: {  	_ =	shalt  }
0x73: {  	_ =	shalt  }
0x74: {  	_ =	shalt  }
0x75: {  	_ =	shalt  }
0x76: {  	_ =	shalt  }
0x77: {  	_ =	shalt  }
0x78: {  	_ =	shalt  }
0x79: {  	_ =	shalt  }
0x7a: {  	_ =	shalt  }
0x7b: {  	_ =	shalt  }
0x7c: {  	_ =	shalt  }
0x7d: {  	_ =	shalt  }
0x7e: {  	_ =	shalt  }
0x7f: {  	_ =	shalt  }
0x80: {  	_ =	shalt  }
0x81: {  	_ =	shalt  }
0x82: {  	_ =	shalt  }
0x83: {  	_ =	shalt  }
0x84: {  	_ =	shalt  }
0x85: {  	_ =	shalt  }
0x86: {  	_ =	shalt  }
0x87: {  	_ =	shalt  }
.Lfunc_end0:
.L_simem_size_0:
called_computation.2_lowered:
.L_overlay_start_0:
0x88: {  	s2 =	sld [smem:$0x3FD9]  }
0x89: {  	s3 =	sld [smem:$0x3FFE];
	_ =	sdelay $0x1  }
0x8a: {  	s1 =	srdreg.scid  }
0x8b: {  	s0 =	sand.u32 $0x1, s1  }
0x8c: {  	s16 =	sshll.u32 s0, $0xA;
	s2 =	sadd.s32 s3, s2  }
0x8d: {  	s2 =	sadd.s32 s2, s16  }
0x8e: {  	[smem:$0x3FB3] =	sst s2  }
0x8f: {  	_ = 	snop  }
0x90: {  	(tm) =	ssettm $0x1  }
0x91: {  	s17 =	sld [smem:$0x3FFB];
	_ =	sdelay $0x3  }
0x92: {  	_ =	strace s17  }
0x93: {  	s2 =	sld [smem:$0x3FFC];
	_ =	sdelay $0x3  }
0x94: {  	_ =	strace s2  }
0x95: {  	s2 =	sld [smem:$0x3FFD];
	_ =	sdelay $0x3  }
0x96: {  	_ =	strace s2  }
0x97: {  	_ =	strace $0x8FFFFFFF  }
0x98: {  	s18 =	sld [smem:$0x3FDB];
	_ =	sdelay $0x1  }
0x99: {  	s19 =	simm.s32 $_scs_section_size  }
0x9a: {  	s4 =	simm.s32 $_size__tile_overlayer_lowered;
	s5 =	simm.s32 $_tile_overlayer_lowered  }
0x9b: {  	s22 =	simm.s32 $0x1BFF;
	s21 =	sshll.u32 s5, $0x1;
	s2 =	sadd.s32 s19, s18  }
0x9c: {  	s6 =	simm.s32 $0x0;
	s20 =	sshll.u32 s4, $0x1;
	s4 =	sadd.s32 s21, s2  }
0x9d: {  	[timem:s6], [sflag:s22] =	dma.local [hbm:s4], s20  }
0x9e: {  	_ =	swait.ge [sflag:s22], s20  }
0x9f: {  	s3 =	ssub.s32 $0x0, s20;
	[sflag:s22] =	ssyncset.done $0x0  }
0xa0: {  	[sflag:s22] =	ssyncadd.s32 s3;
	_ =	sdelay $0x1  }
0xa1: {  	s23 =	simm.s32 $0x1B8B  }
0xa2: {  	_ =	swait.ge [sflag:s23], $0x1  }
0xa3: {  	[sflag:s23] =	ssyncset.done $0x0  }
0xa4: {  	s25 =	simm.s32 $0x1B8E;
	s24 =	sld [smem:$0x3FFE];
	[sflag:s23] =	ssyncadd.s32 $0xFFFFFFFF  }
0xa5: {  	s26 =	simm.s32 $execute0_lowered;
	[smem:$0x3FD2] =	sst s25  }
0xa6: {  	s4 =	sshll.u32 s26, $0x1;
	_ =	strace $0x8000004C;
	[dreg:$0x1] =	wrdreg $0xFFFFFFFF  }
0xa7: {  	s28 =	simm.s32 $_size_execute0_lowered;
	s2 =	sadd.s32 s2, s4;
	[dreg:$0x0] =	wrdreg $0x0  }
0xa8: {  	s4 =	sshll.u32 s28, $0x1;
	[dreg:$0x2] =	wrdreg s2  }
0xa9: {  	[dreg:$0x3] =	wrdreg s4  }
0xaa: {  	[dreg:$0x4] =	wrdreg $0xC0  }
0xab: {  	_ =	task [dreg:s6], $0x5FFFF  }
0xac: {  	[dreg:$0x1] =	wrdreg $0xFFFFFFFF  }
0xad: {  	[dreg:$0x0] =	wrdreg $0x60  }
0xae: {  	[dreg:$0x2] =	wrdreg s24  }
0xaf: {  	[dreg:$0x3] =	wrdreg $0xA8000  }
0xb0: {  	[dreg:$0x4] =	wrdreg $0x9  }
0xb1: {  	_ =	task.clear_ibuf [dreg:s6], $0x5FFFF;
	_ =	strace $0x9000004C  }
0xb2: {  	s29 =	simm.s32 $0x9;
	_ =	strace $0x8000004E  }
0xb3: {  	_ =	swait.ge [sflag:s29], $0x1  }
0xb4: {  	[sflag:s29] =	ssyncadd.s32 $0xFFFFFFFF  }
0xb5: {  	_ =	strace $0x9000004E  }
0xb6: {  	_ =	sfence  }
0xb7: {  	s30 =	sld [smem:$0x0];
	_ =	sdelay $0x2  }
0xb8: {  	s31 =	sshll.u32 s1, $0xD;
	s1 =	sshrl.u32 s1, $0x2  }
0xb9: {  	s3 =	sand.u32 $0x4000, s31;
	s1 =	sadd.s32 s1, s30  }
0xba: {  	s0 =	sor.u32 s3, s0;
	s1 =	sshll.u32 s1, $0x11  }
0xbb: {  	s0 =	sor.u32 s1, s0  }
0xbc: {  	s0 =	sadd.s32 $0x8F2B, s0  }
0xbd: {  	[sflag:s0] =	ssyncadd.remote.s32 $0x1  }
0xbe: {  	_ =	sfence.sel $0xFFFF  }
0xbf: {  	[dreg:$0x0] =	wrdreg $0xFFFFFFFF;
	(pc) =	sbr.abs _section_cstart, $3  }
0xc0: {  	[dreg:$0x1] =	wrdreg $0xFFFFFFFF  }
0xc1: {  	_ =	task.clear_ibuf [dreg:s6], $0x2FFFF;
	_ =	strace $0x9FFFFFFF  }
0xc2: {  	(tm) =	ssettm $0x7FFFFFFF  }
0xc3: {  	_ =	shalt  }
tec
execute0_lowered:
.L_overlay_start_1:
0x0: {  	(tag) =	ssettag $0x1  }
0x1: {  	s8 =	rddreg [dreg:$0x0]  }
0x2: {  	s1 =	rddreg [dreg:$0x1];
	s3 =	simm.s32 $0x0;
	s2 =	stileid.u32  }
0x3: {  	s7 =	srdreg.scid;
	s19 =	simm.s32 $0x80;
	s20 =	simm.s32 $0x2800  }
0x4: {  	s21 =	simm.s32 $0x1;
	s22 =	simm.s32 $0x6800;
	s23 =	simm.s32 $0x2  }
0x5: {  	s24 =	simm.s32 $0x1480;
	s25 =	simm.s32 $0x3;
	s26 =	simm.s32 $0x100  }
0x6: {  	s28 =	simm.s32 $0x4;
	s29 =	simm.s32 $0x0;
	[smem:$0x7FF] =	sst s3  }
0x7: {  	s4 =	sadd.s32 $0x88600, s8;
	s5 =	sadd.s32 $0x8A00, s8;
	s6 =	smul.u32 $0x2780, s2  }
0x8: {  	s13 =	sadd.s32 $0x5BE00, s8;
	s14 =	sadd.s32 $0x56E00, s8;
	s10 =	smul.u32 $0x4F000, s2  }
0x9: {  	s16 =	sand.u32 $0x1, s7;
	s7 =	sadd.s32 $0xD7000, s8;
	s15 =	smul.u32 $0x2800, s2  }
0xa: {  	s30 =	smul.u32 $0x500, s2;
	s31 =	sshll.u32 s2, $0x6;
	_ =	strace $0x8000004D  }
0xb: {  	s11 =	ssub.s32 $0x2, s16;
	p0 =	sne.s32 s16, $0x0;
	s9 =	sadd.s32 s6, s8  }
0xc: {  	s8 =	sadd.s32 $0xFE800, s8;
	s12 =	sshrl.u32 s11, $0x1;
	s10 =	sshrl.u32 s10, $0x2  }
.Ltmp0:
0xd: {  	s15 =	sshrl.u32 s15, $0x3;
	s17 =	ssub.s32 s11, s12;
	(pc) =	sbr.rel .LBB2_1-.Ltmp0, $4  }
0xe: {  	s18 =	sadd.s32 s10, s1;
	s9 =	sadd.s32 $0x60E00, s9;
	s10 =	sor.u32 $0x1C05, s31  }
0xf: {  	s11 =	sadd.s32 s13, s30;
	s15 =	sadd.s32 $0x280, s15;
	s12 =	sadd.s32 s14, s30  }
0x10: {  	s13 =	sadd.s32 s13, s15;
	s14 =	sadd.s32 s14, s15;
	s15 =	smax.u32 s17, $0x1  }
0x11: {  	s16 =	sshrl.u32 s18, $0x3;
	s17 =	simm.s32 $0x5;
	s18 =	simm.s32 $0x1400  }
.LBB2_14:
0x12: {  	s30 =	smov.u32 s8  }
.LBB2_15:
0x13: {  	_ =	swait.ge [sflag:s28], $0x4000  }
0x14: {  	s29 =	sadd.s32 $0x1, s29;
	[sflag:s28] =	ssyncset.done $0x0  }
0x15: {  	p1 =	sne.s32 s29, s15;
	[sflag:s28] =	ssyncadd.s32 $0xFFFFC000  }
.Ltmp1:
0x16: {  	s0 =	sadd.s32 s30, s6;
	[bflag:$0x0] =	sbarrier.arrive $0xFFFF;
	(pc) =	sbr.rel @!p1 .LBB2_16-.Ltmp1, $4  }
0x17: {  	[hbm:s0], [sflag:s10] =	dma.local [spmem:s16], $0x2780  }
0x18: {  	_ =	swait.ge [sflag:s17], $0x2780  }
0x19: {  	[sflag:s17] =	ssyncset.done $0x0  }
0x1a: {  	[sflag:s17] =	ssyncadd.s32 $0xFFFFD880  }
.LBB2_1:
0x1b: {  	[spmem:s16], [sflag:s10] =	dma.local [hbm:s9], $0x2780  }
0x1c: {  	_ =	swait.ge [sflag:s17], $0x2780  }
0x1d: {  	[sflag:s17] =	ssyncset.done $0x0  }
0x1e: {  	[sflag:s17] =	ssyncadd.s32 $0xFFFFD880  }
0x1f: {  	[bflag:$0x0] =	sbarrier.arrive $0xFFFF  }
0x20: {  	[tilespmem:s3], [sflag:$0x5] =	stream.linear.gather [hbm4b:s11+s3], $0x1400, $0x38;
	[tilespmem:$0x1E400] =	vst v63  }
0x21: {  	_ =	swait.ge [sflag:s17], $0x1400  }
0x22: {  	[sflag:s17] =	ssyncset.done $0x0  }
.Ltmp2:
0x23: {  	[sflag:s17] =	ssyncadd.s32 $0xFFFFEC00;
	(pc) =	sbr.rel @p0 .LBB2_9-.Ltmp2, $4  }
0x24: {  	[tilespmem:s18], [sflag:$0x5] =	stream.linear.gather [hbm4b:s12+s3], $0x1400, $0x38;
	[tilespmem:$0x1E400] =	vst v63  }
0x25: {  	_ =	swait.ge [sflag:s17], $0x1400  }
0x26: {  	[sflag:s17] =	ssyncset.done $0x0  }
0x27: {  	[sflag:s17] =	ssyncadd.s32 $0xFFFFEC00  }
0x28: {  	[tilespmem:s20], [sflag:$0x1] =	stream.indirect.gather [hbm4b:s4+s19], $0x80, s3, s19, $0xb8;
	[tilespmem:$0x1E400] =	vst v63  }
0x29: {  	_ =	swait.ge [sflag:s21], $0x4000  }
0x2a: {  	[sflag:s21] =	ssyncset.done $0x0  }
0x2b: {  	[sflag:s21] =	ssyncadd.s32 $0xFFFFC000  }
0x2c: {  	[spmem:s1] =	stream.indirect.scatter.add.f32 [tilespmem:s20], [sflag:$0x3], $0x80, s18, s19, $0xb8;
	[tilespmem:$0x1E400] =	vst v63  }
0x2d: {  	_ = 	snop  }
0x2e: {  	[tilespmem:s22], [sflag:$0x2] =	stream.indirect.gather [hbm4b:s4+s19], $0x80, s19, s19, $0xb8;
	[tilespmem:$0x1E400] =	vst v63  }
0x2f: {  	_ =	swait.ge [sflag:s23], $0x4000  }
0x30: {  	[sflag:s23] =	ssyncset.done $0x0  }
0x31: {  	[sflag:s23] =	ssyncadd.s32 $0xFFFFC000  }
0x32: {  	[spmem:s1] =	stream.indirect.scatter.add.f32 [tilespmem:s22], [sflag:$0x4], $0x80, s24, s19, $0xb8;
	[tilespmem:$0x1E400] =	vst v63  }
0x33: {  	_ =	swait.ge [sflag:s25], $0x4000  }
0x34: {  	[sflag:s25] =	ssyncset.done $0x0  }
0x35: {  	s30 =	simm.s32 $0xFFFFB800;
	[sflag:s25] =	ssyncadd.s32 $0xFFFFC000  }
0x36: {  	[tilespmem:s20], [sflag:$0x1] =	stream.indirect.gather [hbm4b:s4+s19], $0x80, s26, s19, $0xb8;
	[tilespmem:$0x1E400] =	vst v63  }
.LBB2_3:
0x37: {  	_ =	swait.ge [sflag:s21], $0x4000  }
0x38: {  	s31 =	sshra.s32 s30, $0x2;
	[sflag:s21] =	ssyncset.done $0x0  }
0x39: {  	s0 =	sadd.s32 $0x2700, s31;
	[sflag:s21] =	ssyncadd.s32 $0xFFFFC000  }
0x3a: {  	[spmem:s1] =	stream.indirect.scatter.add.f32 [tilespmem:s20], [sflag:$0x3], $0x80, s0, s19, $0xb8;
	[tilespmem:$0x1E400] =	vst v63  }
0x3b: {  	_ =	swait.ge [sflag:s28], $0x4000  }
0x3c: {  	[sflag:s28] =	ssyncset.done $0x0  }
0x3d: {  	s0 =	sadd.s32 $0x1380, s31;
	[sflag:s28] =	ssyncadd.s32 $0xFFFFC000  }
0x3e: {  	[tilespmem:s22], [sflag:$0x2] =	stream.indirect.gather [hbm4b:s4+s19], $0x80, s0, s19, $0xb8;
	[tilespmem:$0x1E400] =	vst v63  }
0x3f: {  	_ =	swait.ge [sflag:s23], $0x4000  }
0x40: {  	p1 =	seq.s32 s30, $0x0;
	[sflag:s23] =	ssyncset.done $0x0  }
.Ltmp3:
0x41: {  	s0 =	sadd.s32 $0x2780, s31;
	[sflag:s23] =	ssyncadd.s32 $0xFFFFC000;
	(pc) =	sbr.rel @p1 .LBB2_5-.Ltmp3, $4  }
0x42: {  	[spmem:s1] =	stream.indirect.scatter.add.f32 [tilespmem:s22], [sflag:$0x4], $0x80, s0, s19, $0xb8;
	[tilespmem:$0x1E400] =	vst v63  }
0x43: {  	_ =	swait.ge [sflag:s25], $0x4000  }
0x44: {  	[sflag:s25] =	ssyncset.done $0x0  }
0x45: {  	[sflag:s25] =	ssyncadd.s32 $0xFFFFC000  }
.Ltmp4:
0x46: {  	(pc) =	sbr.rel .LBB2_3-.Ltmp4, $3  }
0x47: {  	_ =	sdelay $0x1  }
0x48: {  	s0 =	sadd.s32 $0x1400, s31;
	s30 =	sadd.s32 $0x400, s30  }
0x49: {  	[tilespmem:s20], [sflag:$0x1] =	stream.indirect.gather [hbm4b:s4+s19], $0x80, s0, s19, $0xb8;
	[tilespmem:$0x1E400] =	vst v63  }
.LBB2_9:
0x4a: {  	[tilespmem:s20], [sflag:$0x1] =	stream.indirect.gather [hbm4b:s5+s19], $0x80, s3, s19, $0xb8;
	[tilespmem:$0x1E400] =	vst v63  }
0x4b: {  	_ =	swait.ge [sflag:s21], $0x4000  }
0x4c: {  	[sflag:s21] =	ssyncset.done $0x0  }
0x4d: {  	[sflag:s21] =	ssyncadd.s32 $0xFFFFC000  }
0x4e: {  	[spmem:s1] =	stream.indirect.scatter.add.f32 [tilespmem:s20], [sflag:$0x3], $0x80, s18, s19, $0xb8;
	[tilespmem:$0x1E400] =	vst v63  }
0x4f: {  	_ = 	snop  }
0x50: {  	[tilespmem:s22], [sflag:$0x2] =	stream.indirect.gather [hbm4b:s5+s19], $0x80, s19, s19, $0xb8;
	[tilespmem:$0x1E400] =	vst v63  }
0x51: {  	_ =	swait.ge [sflag:s23], $0x4000  }
0x52: {  	[sflag:s23] =	ssyncset.done $0x0  }
0x53: {  	[sflag:s23] =	ssyncadd.s32 $0xFFFFC000  }
0x54: {  	[spmem:s1] =	stream.indirect.scatter.add.f32 [tilespmem:s22], [sflag:$0x4], $0x80, s24, s19, $0xb8;
	[tilespmem:$0x1E400] =	vst v63  }
0x55: {  	_ =	swait.ge [sflag:s25], $0x4000  }
0x56: {  	[sflag:s25] =	ssyncset.done $0x0  }
0x57: {  	s30 =	simm.s32 $0xFFFFB800;
	[sflag:s25] =	ssyncadd.s32 $0xFFFFC000  }
0x58: {  	[tilespmem:s20], [sflag:$0x1] =	stream.indirect.gather [hbm4b:s5+s19], $0x80, s26, s19, $0xb8;
	[tilespmem:$0x1E400] =	vst v63  }
.LBB2_10:
0x59: {  	_ =	swait.ge [sflag:s21], $0x4000  }
0x5a: {  	s31 =	sshra.s32 s30, $0x2;
	[sflag:s21] =	ssyncset.done $0x0  }
0x5b: {  	s0 =	sadd.s32 $0x2700, s31;
	[sflag:s21] =	ssyncadd.s32 $0xFFFFC000  }
0x5c: {  	[spmem:s1] =	stream.indirect.scatter.add.f32 [tilespmem:s20], [sflag:$0x3], $0x80, s0, s19, $0xb8;
	[tilespmem:$0x1E400] =	vst v63  }
0x5d: {  	_ =	swait.ge [sflag:s28], $0x4000  }
0x5e: {  	[sflag:s28] =	ssyncset.done $0x0  }
0x5f: {  	s0 =	sadd.s32 $0x1380, s31;
	[sflag:s28] =	ssyncadd.s32 $0xFFFFC000  }
0x60: {  	[tilespmem:s22], [sflag:$0x2] =	stream.indirect.gather [hbm4b:s5+s19], $0x80, s0, s19, $0xb8;
	[tilespmem:$0x1E400] =	vst v63  }
0x61: {  	_ =	swait.ge [sflag:s23], $0x4000  }
0x62: {  	p1 =	seq.s32 s30, $0x0;
	[sflag:s23] =	ssyncset.done $0x0  }
.Ltmp5:
0x63: {  	s0 =	sadd.s32 $0x2780, s31;
	[sflag:s23] =	ssyncadd.s32 $0xFFFFC000;
	(pc) =	sbr.rel @p1 .LBB2_12-.Ltmp5, $4  }
0x64: {  	[spmem:s1] =	stream.indirect.scatter.add.f32 [tilespmem:s22], [sflag:$0x4], $0x80, s0, s19, $0xb8;
	[tilespmem:$0x1E400] =	vst v63  }
0x65: {  	_ =	swait.ge [sflag:s25], $0x4000  }
0x66: {  	[sflag:s25] =	ssyncset.done $0x0  }
0x67: {  	[sflag:s25] =	ssyncadd.s32 $0xFFFFC000  }
.Ltmp6:
0x68: {  	(pc) =	sbr.rel .LBB2_10-.Ltmp6, $3  }
0x69: {  	_ =	sdelay $0x1  }
0x6a: {  	s0 =	sadd.s32 $0x1400, s31;
	s30 =	sadd.s32 $0x400, s30  }
0x6b: {  	[tilespmem:s20], [sflag:$0x1] =	stream.indirect.gather [hbm4b:s5+s19], $0x80, s0, s19, $0xb8;
	[tilespmem:$0x1E400] =	vst v63  }
.LBB2_5:
0x6c: {  	_ =	swait.ge [sflag:s28], $0x4000  }
0x6d: {  	[sflag:s28] =	ssyncset.done $0x0  }
0x6e: {  	[sflag:s28] =	ssyncadd.s32 $0xFFFFC000  }
0x6f: {  	[tilespmem:s3], [sflag:$0x5] =	stream.linear.gather [hbm4b:s13+s3], $0x1400, $0x38;
	[tilespmem:$0x1E400] =	vst v63  }
0x70: {  	_ =	swait.ge [sflag:s17], $0x1400  }
0x71: {  	[sflag:s17] =	ssyncset.done $0x0  }
0x72: {  	[sflag:s17] =	ssyncadd.s32 $0xFFFFEC00  }
0x73: {  	[tilespmem:s18], [sflag:$0x5] =	stream.linear.gather [hbm4b:s14+s3], $0x1400, $0x38;
	[tilespmem:$0x1E400] =	vst v63  }
0x74: {  	_ =	swait.ge [sflag:s17], $0x1400  }
0x75: {  	[sflag:s17] =	ssyncset.done $0x0  }
0x76: {  	[sflag:s17] =	ssyncadd.s32 $0xFFFFEC00  }
0x77: {  	[tilespmem:s20], [sflag:$0x1] =	stream.indirect.gather [hbm4b:s4+s19], $0x80, s3, s19, $0xb8;
	[tilespmem:$0x1E400] =	vst v63  }
0x78: {  	_ =	swait.ge [sflag:s21], $0x4000  }
0x79: {  	[sflag:s21] =	ssyncset.done $0x0  }
0x7a: {  	[sflag:s21] =	ssyncadd.s32 $0xFFFFC000  }
0x7b: {  	[spmem:s1] =	stream.indirect.scatter.add.f32 [tilespmem:s20], [sflag:$0x3], $0x80, s18, s19, $0xb8;
	[tilespmem:$0x1E400] =	vst v63  }
0x7c: {  	_ = 	snop  }
0x7d: {  	[tilespmem:s22], [sflag:$0x2] =	stream.indirect.gather [hbm4b:s4+s19], $0x80, s19, s19, $0xb8;
	[tilespmem:$0x1E400] =	vst v63  }
0x7e: {  	_ =	swait.ge [sflag:s23], $0x4000  }
0x7f: {  	[sflag:s23] =	ssyncset.done $0x0  }
0x80: {  	[sflag:s23] =	ssyncadd.s32 $0xFFFFC000  }
0x81: {  	[spmem:s1] =	stream.indirect.scatter.add.f32 [tilespmem:s22], [sflag:$0x4], $0x80, s24, s19, $0xb8;
	[tilespmem:$0x1E400] =	vst v63  }
0x82: {  	_ =	swait.ge [sflag:s25], $0x4000  }
0x83: {  	[sflag:s25] =	ssyncset.done $0x0  }
0x84: {  	s30 =	simm.s32 $0xFFFFB800;
	[sflag:s25] =	ssyncadd.s32 $0xFFFFC000  }
0x85: {  	[tilespmem:s20], [sflag:$0x1] =	stream.indirect.gather [hbm4b:s4+s19], $0x80, s26, s19, $0xb8;
	[tilespmem:$0x1E400] =	vst v63  }
.LBB2_6:
0x86: {  	_ =	swait.ge [sflag:s21], $0x4000  }
0x87: {  	s31 =	sshra.s32 s30, $0x2;
	[sflag:s21] =	ssyncset.done $0x0  }
0x88: {  	s0 =	sadd.s32 $0x2700, s31;
	[sflag:s21] =	ssyncadd.s32 $0xFFFFC000  }
0x89: {  	[spmem:s1] =	stream.indirect.scatter.add.f32 [tilespmem:s20], [sflag:$0x3], $0x80, s0, s19, $0xb8;
	[tilespmem:$0x1E400] =	vst v63  }
0x8a: {  	_ =	swait.ge [sflag:s28], $0x4000  }
0x8b: {  	[sflag:s28] =	ssyncset.done $0x0  }
0x8c: {  	s0 =	sadd.s32 $0x1380, s31;
	[sflag:s28] =	ssyncadd.s32 $0xFFFFC000  }
0x8d: {  	[tilespmem:s22], [sflag:$0x2] =	stream.indirect.gather [hbm4b:s4+s19], $0x80, s0, s19, $0xb8;
	[tilespmem:$0x1E400] =	vst v63  }
0x8e: {  	_ =	swait.ge [sflag:s23], $0x4000  }
0x8f: {  	p1 =	seq.s32 s30, $0x0;
	[sflag:s23] =	ssyncset.done $0x0  }
.Ltmp7:
0x90: {  	s0 =	sadd.s32 $0x2780, s31;
	[sflag:s23] =	ssyncadd.s32 $0xFFFFC000;
	(pc) =	sbr.rel @p1 .LBB2_7-.Ltmp7, $4  }
0x91: {  	[spmem:s1] =	stream.indirect.scatter.add.f32 [tilespmem:s22], [sflag:$0x4], $0x80, s0, s19, $0xb8;
	[tilespmem:$0x1E400] =	vst v63  }
0x92: {  	_ =	swait.ge [sflag:s25], $0x4000  }
0x93: {  	[sflag:s25] =	ssyncset.done $0x0  }
0x94: {  	[sflag:s25] =	ssyncadd.s32 $0xFFFFC000  }
.Ltmp8:
0x95: {  	(pc) =	sbr.rel .LBB2_6-.Ltmp8, $3  }
0x96: {  	_ =	sdelay $0x1  }
0x97: {  	s0 =	sadd.s32 $0x1400, s31;
	s30 =	sadd.s32 $0x400, s30  }
0x98: {  	[tilespmem:s20], [sflag:$0x1] =	stream.indirect.gather [hbm4b:s4+s19], $0x80, s0, s19, $0xb8;
	[tilespmem:$0x1E400] =	vst v63  }
.LBB2_12:
0x99: {  	_ =	swait.ge [sflag:s28], $0x4000  }
0x9a: {  	[sflag:s28] =	ssyncset.done $0x0  }
0x9b: {  	[sflag:s28] =	ssyncadd.s32 $0xFFFFC000  }
0x9c: {  	[tilespmem:s3], [sflag:$0x5] =	stream.linear.gather [hbm4b:s13+s3], $0x1400, $0x38;
	[tilespmem:$0x1E400] =	vst v63  }
0x9d: {  	_ =	swait.ge [sflag:s17], $0x1400  }
0x9e: {  	[sflag:s17] =	ssyncset.done $0x0  }
0x9f: {  	[sflag:s17] =	ssyncadd.s32 $0xFFFFEC00  }
0xa0: {  	[tilespmem:s18], [sflag:$0x5] =	stream.linear.gather [hbm4b:s14+s3], $0x1400, $0x38;
	[tilespmem:$0x1E400] =	vst v63  }
0xa1: {  	_ =	swait.ge [sflag:s17], $0x1400  }
0xa2: {  	[sflag:s17] =	ssyncset.done $0x0  }
0xa3: {  	[sflag:s17] =	ssyncadd.s32 $0xFFFFEC00  }
0xa4: {  	[tilespmem:s20], [sflag:$0x1] =	stream.indirect.gather [hbm4b:s5+s19], $0x80, s3, s19, $0xb8;
	[tilespmem:$0x1E400] =	vst v63  }
0xa5: {  	_ =	swait.ge [sflag:s21], $0x4000  }
0xa6: {  	[sflag:s21] =	ssyncset.done $0x0  }
0xa7: {  	[sflag:s21] =	ssyncadd.s32 $0xFFFFC000  }
0xa8: {  	[spmem:s1] =	stream.indirect.scatter.add.f32 [tilespmem:s20], [sflag:$0x3], $0x80, s18, s19, $0xb8;
	[tilespmem:$0x1E400] =	vst v63  }
0xa9: {  	_ = 	snop  }
0xaa: {  	[tilespmem:s22], [sflag:$0x2] =	stream.indirect.gather [hbm4b:s5+s19], $0x80, s19, s19, $0xb8;
	[tilespmem:$0x1E400] =	vst v63  }
0xab: {  	_ =	swait.ge [sflag:s23], $0x4000  }
0xac: {  	[sflag:s23] =	ssyncset.done $0x0  }
0xad: {  	[sflag:s23] =	ssyncadd.s32 $0xFFFFC000  }
0xae: {  	[spmem:s1] =	stream.indirect.scatter.add.f32 [tilespmem:s22], [sflag:$0x4], $0x80, s24, s19, $0xb8;
	[tilespmem:$0x1E400] =	vst v63  }
0xaf: {  	_ =	swait.ge [sflag:s25], $0x4000  }
0xb0: {  	[sflag:s25] =	ssyncset.done $0x0  }
0xb1: {  	s30 =	simm.s32 $0xFFFFB800;
	[sflag:s25] =	ssyncadd.s32 $0xFFFFC000  }
0xb2: {  	[tilespmem:s20], [sflag:$0x1] =	stream.indirect.gather [hbm4b:s5+s19], $0x80, s26, s19, $0xb8;
	[tilespmem:$0x1E400] =	vst v63  }
.LBB2_13:
0xb3: {  	_ =	swait.ge [sflag:s21], $0x4000  }
0xb4: {  	s31 =	sshra.s32 s30, $0x2;
	[sflag:s21] =	ssyncset.done $0x0  }
0xb5: {  	s0 =	sadd.s32 $0x2700, s31;
	[sflag:s21] =	ssyncadd.s32 $0xFFFFC000  }
0xb6: {  	[spmem:s1] =	stream.indirect.scatter.add.f32 [tilespmem:s20], [sflag:$0x3], $0x80, s0, s19, $0xb8;
	[tilespmem:$0x1E400] =	vst v63  }
0xb7: {  	_ =	swait.ge [sflag:s28], $0x4000  }
0xb8: {  	[sflag:s28] =	ssyncset.done $0x0  }
0xb9: {  	s0 =	sadd.s32 $0x1380, s31;
	[sflag:s28] =	ssyncadd.s32 $0xFFFFC000  }
0xba: {  	[tilespmem:s22], [sflag:$0x2] =	stream.indirect.gather [hbm4b:s5+s19], $0x80, s0, s19, $0xb8;
	[tilespmem:$0x1E400] =	vst v63  }
0xbb: {  	_ =	swait.ge [sflag:s23], $0x4000  }
0xbc: {  	p1 =	seq.s32 s30, $0x0;
	[sflag:s23] =	ssyncset.done $0x0  }
.Ltmp9:
0xbd: {  	s0 =	sadd.s32 $0x2780, s31;
	[sflag:s23] =	ssyncadd.s32 $0xFFFFC000;
	(pc) =	sbr.rel @p1 .LBB2_14-.Ltmp9, $4  }
0xbe: {  	[spmem:s1] =	stream.indirect.scatter.add.f32 [tilespmem:s22], [sflag:$0x4], $0x80, s0, s19, $0xb8;
	[tilespmem:$0x1E400] =	vst v63  }
0xbf: {  	_ =	swait.ge [sflag:s25], $0x4000  }
0xc0: {  	[sflag:s25] =	ssyncset.done $0x0  }
0xc1: {  	[sflag:s25] =	ssyncadd.s32 $0xFFFFC000  }
.Ltmp10:
0xc2: {  	(pc) =	sbr.rel .LBB2_13-.Ltmp10, $3  }
0xc3: {  	_ =	sdelay $0x1  }
0xc4: {  	s0 =	sadd.s32 $0x1400, s31;
	s30 =	sadd.s32 $0x400, s30  }
0xc5: {  	[tilespmem:s20], [sflag:$0x1] =	stream.indirect.gather [hbm4b:s5+s19], $0x80, s0, s19, $0xb8;
	[tilespmem:$0x1E400] =	vst v63  }
.LBB2_7:
.Ltmp11:
0xc6: {  	(pc) =	sbr.rel .LBB2_15-.Ltmp11, $2  }
0xc7: {  	_ =	sdelay $0x2  }
0xc8: {  	s30 =	smov.u32 s7  }
.LBB2_16:
0xc9: {  	_ =	sfence.sel $0x180000  }
0xca: {  	[bflag:$0x0] =	sbarrier.arrive $0xFFFF  }
0xcb: {  	_ =	strace $0x9000004D  }
0xcc: {  	[bflag:$0x2] =	sbarrier.arrive $0xFFFF  }
0xcd: {  	p0 =	sne.s32 s2, $0x0;
	s0 =	rddreg [dreg:$0x2]  }
0xce: {  	s0 =	sadd.s32 @!p0 $0x100000, s0  }
0xcf: {  	[sflag:s0] =	ssyncadd.tile.s32 @!p0 $0x1;
	_ =	shalt  }
.Lfunc_end2:
_tile_overlayer_lowered:
.L_overlay_start_2:
0xd0: {  	(tag) =	ssettag $0x2  }
0xd1: {  	s0 =	rddreg [dreg:$0x0];
	s2 =	stileid.u32  }
0xd2: {  	s1 =	rddreg [dreg:$0x1];
	p0 =	sne.s32 s2, $0x0  }
0xd3: {  	s3 =	rddreg [dreg:$0x2];
	[bflag:$0x3] =	sbarrier.arrive $0xFFFF;
	s2 =	simm.s32 @!p0 $0x1C05  }
0xd4: {  	[timem:s3], [sflag:s2] =	dma.local @!p0 [hbm:s0], s1  }
0xd5: {  	s0 =	simm.s32 @!p0 $0x5  }
0xd6: {  	_ =	swait.ge @!p0 [sflag:s0], s1  }
0xd7: {  	s1 =	ssub.s32 @!p0 $0x0, s1;
	[sflag:s0] =	ssyncset.done @!p0 $0x0  }
0xd8: {  	[sflag:s0] =	ssyncadd.s32 @!p0 s1  }
0xd9: {  	[bflag:$0x3] =	sbarrier.arrive $0xFFFF  }
0xda: {  	_ =	shalt  }

</sc_bundles>
